<compile_context>
chip_gen: v7x
topology: tpu7x:2x2x1
jax: 0.10.2.dev20260603
libtpu: 0.0.44.dev20260713+nightly
codegen_flags: <defaults>
</compile_context>

<pallas_src>
import functools

import jax
import jax.numpy as jnp
from jax import lax
from jax.experimental import pallas as pl
from jax.experimental.pallas import tpu as pltpu
from jax.experimental.pallas import tpu_sc as plsc

_NC = 2
_NS = 16
_NW = _NC * _NS
_LANES = 16
_K = 64


def _mesh():
    return plsc.VectorSubcoreMesh(
        core_axis_name="c", subcore_axis_name="s",
        num_cores=_NC, num_subcores=_NS)


@functools.lru_cache(maxsize=None)
def _make_seg_sum(n_edges, n_dst):
    per_tile = n_edges // _NS
    n_chunks = per_tile // _K
    rows_per_tile = n_dst // _NS
    zch = min(64, rows_per_tile)
    n_zsteps = rows_per_tile // zch

    def body(table_hbm, src_hbm, dst_hbm, zrow_hbm,
             agg_hbm,
             acc_sh, srcs_v, dsts_v, idx_a, idx_b, dst_a, dst_b,
             io_idx_v, rows_a, rows_b, io_rows_v, sem_a, sem_b):
        c = lax.axis_index("c")
        s = lax.axis_index("s")
        r0 = s * rows_per_tile
        lanes = lax.iota(jnp.int32, _LANES)

        def fill_io_idx(first_row):
            for i in range(zch // _LANES):
                io_idx_v[pl.ds(i * _LANES, _LANES)] = (
                    lanes + (first_row + i * _LANES))

        base = s * per_tile
        pltpu.sync_copy(src_hbm.at[pl.ds(base, per_tile)], srcs_v)
        pltpu.sync_copy(dst_hbm.at[pl.ds(base, per_tile)], dsts_v)
        pltpu.sync_copy(zrow_hbm, io_rows_v)

        def izero(z, carry):
            fill_io_idx(r0 + z * zch)
            pltpu.sync_copy(io_rows_v, acc_sh.at[io_idx_v])
            return carry

        lax.fori_loop(0, n_zsteps, izero, 0)
        plsc.subcore_barrier()

        def prep(goff, idx_ref, dst_ref):
            for i in range(_K // _LANES):
                sl = pl.ds(i * _LANES, _LANES)
                ssl = pl.ds(goff + i * _LANES, _LANES)
                idx_ref[sl] = srcs_v[ssl] * 2 + c
                dst_ref[sl] = dsts_v[ssl]

        def gather(idx_ref, rows_ref, sem):
            pltpu.async_copy(table_hbm.at[idx_ref], rows_ref, sem)

        def gwait(idx_ref, rows_ref, sem):
            pltpu.make_async_copy(table_hbm.at[idx_ref], rows_ref, sem).wait()

        prep(0, idx_a, dst_a)
        gather(idx_a, rows_a, sem_a)

        def pair(k, carry):
            g = k * 2
            prep((g + 1) * _K, idx_b, dst_b)
            gather(idx_b, rows_b, sem_b)
            gwait(idx_a, rows_a, sem_a)
            pltpu.sync_copy(rows_a, acc_sh.at[dst_a], add=True)
            prep((g + 2) * _K, idx_a, dst_a)
            gather(idx_a, rows_a, sem_a)
            gwait(idx_b, rows_b, sem_b)
            pltpu.sync_copy(rows_b, acc_sh.at[dst_b], add=True)
            return carry

        lax.fori_loop(0, n_chunks // 2 - 1, pair, 0)
        prep((n_chunks - 1) * _K, idx_b, dst_b)
        gather(idx_b, rows_b, sem_b)
        gwait(idx_a, rows_a, sem_a)
        pltpu.sync_copy(rows_a, acc_sh.at[dst_a], add=True)
        gwait(idx_b, rows_b, sem_b)
        pltpu.sync_copy(rows_b, acc_sh.at[dst_b], add=True)
        plsc.subcore_barrier()

        def owrite(z, carry):
            fill_io_idx(r0 + z * zch)
            pltpu.async_copy(acc_sh.at[io_idx_v], io_rows_v, sem_a).wait()
            pltpu.sync_copy(io_rows_v,
                            agg_hbm.at[pl.ds(c * n_dst + r0 + z * zch,
                                             zch)])
            return carry

        lax.fori_loop(0, n_zsteps, owrite, 0)

    return pl.kernel(
        body,
        out_type=jax.ShapeDtypeStruct((2 * n_dst, 128), jnp.float32),
        mesh=_mesh(),
        scratch_types=(
            pltpu.VMEM_SHARED((n_dst, 128), jnp.float32),
            pltpu.VMEM((per_tile,), jnp.int32),
            pltpu.VMEM((per_tile,), jnp.int32),
            pltpu.VMEM((_K,), jnp.int32),
            pltpu.VMEM((_K,), jnp.int32),
            pltpu.VMEM((_K,), jnp.int32),
            pltpu.VMEM((_K,), jnp.int32),
            pltpu.VMEM((zch,), jnp.int32),
            pltpu.VMEM((_K, 128), jnp.float32),
            pltpu.VMEM((_K, 128), jnp.float32),
            pltpu.VMEM((zch, 128), jnp.float32),
            pltpu.SemaphoreType.DMA,
            pltpu.SemaphoreType.DMA,
        ),
        name=f"sc_seg_sum_{n_edges}_{n_dst}",
    )


@functools.lru_cache(maxsize=None)
def _make_seg_cnt(n_edges, n_dst):
    per_w = n_edges // _NW
    n_chunks = per_w // _K
    rows_per_tile = n_dst // _NS
    zch = min(64, rows_per_tile)
    n_zsteps = rows_per_tile // zch

    def body(dst_hbm, zrow_hbm, ones_hbm,
             cnt_hbm,
             cnt_sh, dsts_v, dst_a, dst_b, io_idx_v, ones_v, io_rows_v,
             sem_a, sem_b):
        c = lax.axis_index("c")
        s = lax.axis_index("s")
        r0 = s * rows_per_tile
        lanes = lax.iota(jnp.int32, _LANES)

        def fill_io_idx(first_row):
            for i in range(zch // _LANES):
                io_idx_v[pl.ds(i * _LANES, _LANES)] = (
                    lanes + (first_row + i * _LANES))

        base = (c * _NS + s) * per_w
        pltpu.sync_copy(dst_hbm.at[pl.ds(base, per_w)], dsts_v)
        pltpu.sync_copy(zrow_hbm, io_rows_v)
        pltpu.sync_copy(ones_hbm, ones_v)

        def izero(z, carry):
            fill_io_idx(r0 + z * zch)
            pltpu.sync_copy(io_rows_v, cnt_sh.at[io_idx_v])
            return carry

        lax.fori_loop(0, n_zsteps, izero, 0)
        plsc.subcore_barrier()

        def prep(goff, dst_ref):
            for i in range(_K // _LANES):
                dst_ref[pl.ds(i * _LANES, _LANES)] = (
                    dsts_v[pl.ds(goff + i * _LANES, _LANES)])

        def cadd(dst_ref, sem):
            pltpu.async_copy(ones_v, cnt_sh.at[dst_ref], sem, add=True)

        def cwait(dst_ref, sem):
            pltpu.make_async_copy(ones_v, cnt_sh.at[dst_ref], sem).wait()

        prep(0, dst_a)
        cadd(dst_a, sem_a)

        def pair(k, carry):
            g = k * 2
            prep((g + 1) * _K, dst_b)
            cadd(dst_b, sem_b)
            cwait(dst_a, sem_a)
            prep((g + 2) * _K, dst_a)
            cadd(dst_a, sem_a)
            cwait(dst_b, sem_b)
            return carry

        lax.fori_loop(0, n_chunks // 2 - 1, pair, 0)
        prep((n_chunks - 1) * _K, dst_b)
        cadd(dst_b, sem_b)
        cwait(dst_a, sem_a)
        cwait(dst_b, sem_b)
        plsc.subcore_barrier()

        def owrite(z, carry):
            fill_io_idx(r0 + z * zch)
            pltpu.async_copy(cnt_sh.at[io_idx_v], io_rows_v, sem_a).wait()
            pltpu.sync_copy(io_rows_v,
                            cnt_hbm.at[pl.ds(c * n_dst + r0 + z * zch,
                                             zch)])
            return carry

        lax.fori_loop(0, n_zsteps, owrite, 0)

    return pl.kernel(
        body,
        out_type=jax.ShapeDtypeStruct((2 * n_dst, 128), jnp.float32),
        mesh=_mesh(),
        scratch_types=(
            pltpu.VMEM_SHARED((n_dst, 128), jnp.float32),
            pltpu.VMEM((per_w,), jnp.int32),
            pltpu.VMEM((_K,), jnp.int32),
            pltpu.VMEM((_K,), jnp.int32),
            pltpu.VMEM((zch,), jnp.int32),
            pltpu.VMEM((_K, 128), jnp.float32),
            pltpu.VMEM((zch, 128), jnp.float32),
            pltpu.SemaphoreType.DMA,
            pltpu.SemaphoreType.DMA,
        ),
        name=f"sc_seg_cnt_{n_edges}_{n_dst}",
    )


def _tc_body(alo_ref, ahi_ref, cl_ref, ch_ref, x_ref, wl_ref, b_ref,
             wr_ref, out_ref, *, act):
    cnt = cl_ref[:, 0:1] + ch_ref[:, 0:1]
    inv = 1.0 / jnp.maximum(cnt, 1.0)
    agg = jnp.concatenate([alo_ref[...], ahi_ref[...]], axis=1)
    z = jnp.dot(agg, wl_ref[...], preferred_element_type=jnp.float32) * inv
    z = z + jnp.dot(x_ref[...], wr_ref[...], preferred_element_type=jnp.float32)
    z = z + b_ref[...]
    if act == "relu":
        out_ref[...] = jnp.maximum(z, 0.0)
    else:
        m = jnp.max(z, axis=-1, keepdims=True)
        e = jnp.exp(z - m)
        lse = jnp.log(jnp.sum(e, axis=-1, keepdims=True)) + m
        out_ref[...] = z - lse


@functools.lru_cache(maxsize=None)
def _make_tc_layer(n_dst, act):
    bm = 256
    nblk = n_dst // bm
    return pl.pallas_call(
        functools.partial(_tc_body, act=act),
        grid=(nblk,),
        in_specs=[
            pl.BlockSpec((bm, 128), lambda i: (i, 0)),
            pl.BlockSpec((bm, 128), lambda i, n=nblk: (i + n, 0)),
            pl.BlockSpec((bm, 128), lambda i: (i, 0)),
            pl.BlockSpec((bm, 128), lambda i, n=nblk: (i + n, 0)),
            pl.BlockSpec((bm, 256), lambda i: (i, 0)),
            pl.BlockSpec((256, 256), lambda i: (0, 0)),
            pl.BlockSpec((1, 256), lambda i: (0, 0)),
            pl.BlockSpec((256, 256), lambda i: (0, 0)),
        ],
        out_specs=pl.BlockSpec((bm, 256), lambda i: (i, 0)),
        out_shape=jax.ShapeDtypeStruct((n_dst, 256), jnp.float32),
    )


_SIZE1 = 10240
_SIZE2 = 1024
_E1 = 163840
_E2 = 16384


def kernel(x, edge_index1, edge_index2, size1_dst, size2_dst,
           W_l1, b_l1, W_r1, W_l2, b_l2, W_r2):
    zrow = jnp.zeros((64, 128), jnp.float32)
    ones = jnp.ones((_K, 128), jnp.float32)

    agg1 = _make_seg_sum(_E1, _SIZE1)(
        x.reshape(-1, 128), edge_index1[0], edge_index1[1], zrow)
    cnt1 = _make_seg_cnt(_E1, _SIZE1)(edge_index1[1], zrow, ones)
    h = _make_tc_layer(_SIZE1, "relu")(
        agg1, agg1, cnt1, cnt1, x, W_l1, b_l1.reshape(1, -1), W_r1)

    agg2 = _make_seg_sum(_E2, _SIZE2)(
        h.reshape(-1, 128), edge_index2[0], edge_index2[1], zrow)
    cnt2 = _make_seg_cnt(_E2, _SIZE2)(edge_index2[1], zrow, ones)
    out = _make_tc_layer(_SIZE2, "logsm")(
        agg2, agg2, cnt2, cnt2, h, W_l2, b_l2.reshape(1, -1), W_r2)
    return out

# --- scband reference (transcript-rebuilt; emitter-appended) ---
"""Pipeline reference for scband-sage-85023172592272 (READ-ONLY COPY).

The authoritative reference and input builder live on the scoring server;
editing this copy changes nothing except your own understanding.
"""

import jax, jax.numpy as jnp
import numpy as np

IN_CH = 256
HID_CH = 256
OUT_CH = 256
N_SRC0 = 50000
E0 = 163840
E1 = 16384
SIZE1 = 10240
SIZE2 = 1024


def setup_inputs(seed: int = 0) -> dict:
    key = jax.random.key(seed)
    ks = jax.random.split(key, 10)
    x = jax.random.normal(ks[0], (N_SRC0, IN_CH), dtype=jnp.float32)
    # edge_index row 0 = src idx, row 1 = dst idx; keep both within dst range for safety
    edge_index1 = jax.random.randint(ks[1], (2, E0), 0, SIZE1, dtype=jnp.int32)
    edge_index2 = jax.random.randint(ks[2], (2, E1), 0, SIZE2, dtype=jnp.int32)
    s_l1 = 1.0 / np.sqrt(IN_CH)
    s_l2 = 1.0 / np.sqrt(HID_CH)
    W_l1 = jax.random.uniform(ks[3], (IN_CH, HID_CH), dtype=jnp.float32, minval=-s_l1, maxval=s_l1)
    b_l1 = jnp.zeros((HID_CH,), dtype=jnp.float32)
    W_r1 = jax.random.uniform(ks[4], (IN_CH, HID_CH), dtype=jnp.float32, minval=-s_l1, maxval=s_l1)
    W_l2 = jax.random.uniform(ks[5], (HID_CH, OUT_CH), dtype=jnp.float32, minval=-s_l2, maxval=s_l2)
    b_l2 = jnp.zeros((OUT_CH,), dtype=jnp.float32)
    W_r2 = jax.random.uniform(ks[6], (HID_CH, OUT_CH), dtype=jnp.float32, minval=-s_l2, maxval=s_l2)
    return {
        "x": x,
        "edge_index1": edge_index1,
        "edge_index2": edge_index2,
        "size1_dst": SIZE1,
        "size2_dst": SIZE2,
        "W_l1": W_l1, "b_l1": b_l1, "W_r1": W_r1,
        "W_l2": W_l2, "b_l2": b_l2, "W_r2": W_r2,
    }


def _sage_conv(x_src, x_dst, edge_index, num_dst, W_l, b_l, W_r):
    # PyG SAGEConv with mean aggregation on bipartite (x_src, x_dst)
    src = edge_index[0]
    dst = edge_index[1]
    msgs = jnp.take(x_src, src, axis=0)
    agg = jax.ops.segment_sum(msgs, dst, num_segments=num_dst)
    cnt = jax.ops.segment_sum(jnp.ones((src.shape[0], 1), dtype=x_src.dtype), dst, num_segments=num_dst)
    agg = agg / jnp.maximum(cnt, 1.0)
    return agg @ W_l + b_l + x_dst @ W_r


def reference(x, edge_index1, edge_index2, size1_dst, size2_dst,
              W_l1, b_l1, W_r1, W_l2, b_l2, W_r2):
    zero1 = size1_dst - size1_dst
    zero2 = size2_dst - size2_dst
    # layer 1
    x_target = x[:SIZE1]
    h = _sage_conv(x, x_target, edge_index1 + zero1, SIZE1, W_l1, b_l1, W_r1)
    h = jax.nn.relu(h)
    # layer 2
    h_target = h[:SIZE2]
    out = _sage_conv(h, h_target, edge_index2 + zero2, SIZE2, W_l2, b_l2, W_r2)
    return jax.nn.log_softmax(out, axis=-1)

if __name__ == "__main__":
    import jax
    _d = setup_inputs()
    print(jax.jit(kernel)(*tuple(_d.values())))

</pallas_src>

<mosaic_0001>
#map = affine_map<(d0, d1) -> (0)>
#map1 = affine_map<(d0, d1) -> (0, 0)>
module attributes {stable_mosaic.version = 14 : i64} {
  func.func @sc_seg_cnt_16384_1024(%arg0: i32, %arg1: i32, %arg2: memref<16384xi32, #tpu.memory_space<hbm>>, %arg3: memref<64x128xf32, #tpu.memory_space<hbm>>, %arg4: memref<64x128xf32, #tpu.memory_space<hbm>>, %arg5: memref<2048x128xf32, #tpu.memory_space<hbm>>, %arg6: memref<1024x128xf32, #tpu.memory_space<vmem_shared>>, %arg7: memref<512xi32, #tpu.memory_space<vmem>>, %arg8: memref<64xi32, #tpu.memory_space<vmem>>, %arg9: memref<64xi32, #tpu.memory_space<vmem>>, %arg10: memref<64xi32, #tpu.memory_space<vmem>>, %arg11: memref<64x128xf32, #tpu.memory_space<vmem>>, %arg12: memref<64x128xf32, #tpu.memory_space<vmem>>, %arg13: memref<!tpu.dma_semaphore, #tpu.memory_space<semaphore_mem>>, %arg14: memref<!tpu.dma_semaphore, #tpu.memory_space<semaphore_mem>>) attributes {dimension_semantics = [#tpu.dimension_semantics<core_parallel>, #tpu.dimension_semantics<subcore_parallel>], iteration_bounds = array<i64: 2, 16>, scalar_prefetch = 0 : i64, scratch_operands = 9 : i64, tpu.core_type = #tpu.core_type<sc_vector_subcore>, window_params = [{transform_indices = #map}, {transform_indices = #map1}, {transform_indices = #map1}, {transform_indices = #map1}]} {
    %mul3A = arith.constant 64 : i32
    %mul3A_0 = arith.muli %arg1, %mul3A : i32
    %iota3A = tpu.iota {dimensions = array<i32: 0>} : vector<16xi32>
    %mul3A_1 = arith.constant 16 : i32
    %mul3A_2 = arith.muli %arg0, %mul3A_1 : i32
    %add3A = arith.addi %mul3A_2, %arg1 : i32
    %mul3A_3 = arith.constant 512 : i32
    %mul3A_4 = arith.muli %add3A, %mul3A_3 : i32
    "tpu.region"() ({
      %run_scoped3A = tpu.sem_alloc : memref<!tpu.dma_semaphore, #tpu.memory_space<semaphore_mem>>
      %dma_start3A_163 = tpu.memref_slice %arg2[%mul3A_4] : memref<16384xi32, #tpu.memory_space<hbm>> -> memref<512xi32, #tpu.memory_space<hbm>>
      %dma_start3A_164 = tpu.memref_slice %arg2[%mul3A_4] : memref<16384xi32, #tpu.memory_space<hbm>> -> memref<512xi32, #tpu.memory_space<hbm>>
      tpu.enqueue_dma source(%dma_start3A_164 : memref<512xi32, #tpu.memory_space<hbm>>) target(%arg7 : memref<512xi32, #tpu.memory_space<vmem>>) target_semaphore(%run_scoped3A : memref<!tpu.dma_semaphore, #tpu.memory_space<semaphore_mem>>)
      %dma_wait3A_165 = tpu.memref_slice %arg2[%mul3A_4] : memref<16384xi32, #tpu.memory_space<hbm>> -> memref<512xi32, #tpu.memory_space<hbm>>
      %dma_wait3A_166 = tpu.memref_slice %arg2[%mul3A_4] : memref<16384xi32, #tpu.memory_space<hbm>> -> memref<512xi32, #tpu.memory_space<hbm>>
      tpu.wait_dma2 semaphore(%run_scoped3A : memref<!tpu.dma_semaphore, #tpu.memory_space<semaphore_mem>>) src(%dma_wait3A_166 : memref<512xi32, #tpu.memory_space<hbm>>) dst(%arg7 : memref<512xi32, #tpu.memory_space<vmem>>)
      tpu.yield
    }) : () -> ()
    "tpu.region"() ({
      %run_scoped3A = tpu.sem_alloc : memref<!tpu.dma_semaphore, #tpu.memory_space<semaphore_mem>>
      tpu.enqueue_dma source(%arg3 : memref<64x128xf32, #tpu.memory_space<hbm>>) target(%arg12 : memref<64x128xf32, #tpu.memory_space<vmem>>) target_semaphore(%run_scoped3A : memref<!tpu.dma_semaphore, #tpu.memory_space<semaphore_mem>>)
      tpu.wait_dma2 semaphore(%run_scoped3A : memref<!tpu.dma_semaphore, #tpu.memory_space<semaphore_mem>>) src(%arg3 : memref<64x128xf32, #tpu.memory_space<hbm>>) dst(%arg12 : memref<64x128xf32, #tpu.memory_space<vmem>>)
      tpu.yield
    }) : () -> ()
    "tpu.region"() ({
      %run_scoped3A = tpu.sem_alloc : memref<!tpu.dma_semaphore, #tpu.memory_space<semaphore_mem>>
      tpu.enqueue_dma source(%arg4 : memref<64x128xf32, #tpu.memory_space<hbm>>) target(%arg11 : memref<64x128xf32, #tpu.memory_space<vmem>>) target_semaphore(%run_scoped3A : memref<!tpu.dma_semaphore, #tpu.memory_space<semaphore_mem>>)
      tpu.wait_dma2 semaphore(%run_scoped3A : memref<!tpu.dma_semaphore, #tpu.memory_space<semaphore_mem>>) src(%arg4 : memref<64x128xf32, #tpu.memory_space<hbm>>) dst(%arg11 : memref<64x128xf32, #tpu.memory_space<vmem>>)
      tpu.yield
    }) : () -> ()
    %scan3A = arith.constant 0 : i32
    %scan3A_5 = arith.constant 0 : i32
    %mul3A_6 = arith.constant 64 : i32
    %mul3A_7 = arith.muli %scan3A_5, %mul3A_6 : i32
    %add3A_8 = arith.addi %mul3A_0, %mul3A_7 : i32
    %add3A_9 = arith.constant 0 : i32
    %add3A_10 = arith.addi %add3A_8, %add3A_9 : i32
    %add3A_11 = vector.broadcast %add3A_10 : i32 to vector<16xi32>
    %add3A_12 = arith.addi %iota3A, %add3A_11 : vector<16xi32>
    %swap3A = arith.constant 0 : index
    %swap3A_13 = tpu.vector_load %arg10[%swap3A] {strides = array<i32>} : memref<64xi32, #tpu.memory_space<vmem>>, vector<16xi32>,
    %swap3A_14 = vector.shape_cast %swap3A_13 : vector<16xi32> to vector<16xi32>
    %swap3A_15 = vector.shape_cast %add3A_12 : vector<16xi32> to vector<16xi32>
    tpu.vector_store %arg10[%swap3A], %swap3A_15 {strides = array<i32>} : memref<64xi32, #tpu.memory_space<vmem>>, vector<16xi32>,
    %add3A_16 = arith.constant 16 : i32
    %add3A_17 = arith.addi %add3A_8, %add3A_16 : i32
    %add3A_18 = vector.broadcast %add3A_17 : i32 to vector<16xi32>
    %add3A_19 = arith.addi %iota3A, %add3A_18 : vector<16xi32>
    %swap3A_20 = arith.constant 16 : index
    %swap3A_21 = tpu.vector_load %arg10[%swap3A_20] {strides = array<i32>} : memref<64xi32, #tpu.memory_space<vmem>>, vector<16xi32>,
    %swap3A_22 = vector.shape_cast %swap3A_21 : vector<16xi32> to vector<16xi32>
    %swap3A_23 = vector.shape_cast %add3A_19 : vector<16xi32> to vector<16xi32>
    tpu.vector_store %arg10[%swap3A_20], %swap3A_23 {strides = array<i32>} : memref<64xi32, #tpu.memory_space<vmem>>, vector<16xi32>,
    %add3A_24 = arith.constant 32 : i32
    %add3A_25 = arith.addi %add3A_8, %add3A_24 : i32
    %add3A_26 = vector.broadcast %add3A_25 : i32 to vector<16xi32>
    %add3A_27 = arith.addi %iota3A, %add3A_26 : vector<16xi32>
    %swap3A_28 = arith.constant 32 : index
    %swap3A_29 = tpu.vector_load %arg10[%swap3A_28] {strides = array<i32>} : memref<64xi32, #tpu.memory_space<vmem>>, vector<16xi32>,
    %swap3A_30 = vector.shape_cast %swap3A_29 : vector<16xi32> to vector<16xi32>
    %swap3A_31 = vector.shape_cast %add3A_27 : vector<16xi32> to vector<16xi32>
    tpu.vector_store %arg10[%swap3A_28], %swap3A_31 {strides = array<i32>} : memref<64xi32, #tpu.memory_space<vmem>>, vector<16xi32>,
    %add3A_32 = arith.constant 48 : i32
    %add3A_33 = arith.addi %add3A_8, %add3A_32 : i32
    %add3A_34 = vector.broadcast %add3A_33 : i32 to vector<16xi32>
    %add3A_35 = arith.addi %iota3A, %add3A_34 : vector<16xi32>
    %swap3A_36 = arith.constant 48 : index
    %swap3A_37 = tpu.vector_load %arg10[%swap3A_36] {strides = array<i32>} : memref<64xi32, #tpu.memory_space<vmem>>, vector<16xi32>,
    %swap3A_38 = vector.shape_cast %swap3A_37 : vector<16xi32> to vector<16xi32>
    %swap3A_39 = vector.shape_cast %add3A_35 : vector<16xi32> to vector<16xi32>
    tpu.vector_store %arg10[%swap3A_36], %swap3A_39 {strides = array<i32>} : memref<64xi32, #tpu.memory_space<vmem>>, vector<16xi32>,
    "tpu.region"() ({
      %run_scoped3A = tpu.sem_alloc : memref<!tpu.dma_semaphore, #tpu.memory_space<semaphore_mem>>
      %dma_start3A_163 = arith.constant 0 : i32
      %dma_start3A_164 = arith.constant 0 : i32
      %dma_start3A_165 = tpu.memref_slice %arg6[%dma_start3A_163, %dma_start3A_164] : memref<1024x128xf32, #tpu.memory_space<vmem_shared>> -> memref<1024x128xf32, #tpu.memory_space<vmem_shared>>
      tpu.enqueue_indirect_dma source(%arg12 : memref<64x128xf32, #tpu.memory_space<vmem>>) target(%dma_start3A_165 : memref<1024x128xf32, #tpu.memory_space<vmem_shared>>) offsets(%arg10 : memref<64xi32, #tpu.memory_space<vmem>>) semaphore(%run_scoped3A : memref<!tpu.dma_semaphore, #tpu.memory_space<semaphore_mem>>)
      %dma_wait3A_166 = arith.constant 0 : i32
      %dma_wait3A_167 = arith.constant 0 : i32
      %dma_wait3A_168 = tpu.memref_slice %arg6[%dma_wait3A_166, %dma_wait3A_167] : memref<1024x128xf32, #tpu.memory_space<vmem_shared>> -> memref<1024x128xf32, #tpu.memory_space<vmem_shared>>
      tpu.wait_indirect_dma semaphore(%run_scoped3A : memref<!tpu.dma_semaphore, #tpu.memory_space<semaphore_mem>>) src(%arg12 : memref<64x128xf32, #tpu.memory_space<vmem>>) dst(%dma_wait3A_168 : memref<1024x128xf32, #tpu.memory_space<vmem_shared>>)
      tpu.yield
    }) : () -> ()
    %scan3A_40 = arith.constant 1 : i32
    %barrier3A = arith.constant 0 : index
    tpu.barrier barrier_id(%barrier3A)
    %get3A = arith.constant 0 : index
    %get3A_41 = tpu.vector_load %arg7[%get3A] {strides = array<i32>} : memref<512xi32, #tpu.memory_space<vmem>>, vector<16xi32>,
    %get3A_42 = vector.shape_cast %get3A_41 : vector<16xi32> to vector<16xi32>
    %swap3A_43 = arith.constant 0 : index
    %swap3A_44 = tpu.vector_load %arg8[%swap3A_43] {strides = array<i32>} : memref<64xi32, #tpu.memory_space<vmem>>, vector<16xi32>,
    %swap3A_45 = vector.shape_cast %swap3A_44 : vector<16xi32> to vector<16xi32>
    %swap3A_46 = vector.shape_cast %get3A_42 : vector<16xi32> to vector<16xi32>
    tpu.vector_store %arg8[%swap3A_43], %swap3A_46 {strides = array<i32>} : memref<64xi32, #tpu.memory_space<vmem>>, vector<16xi32>,
    %get3A_47 = arith.constant 16 : index
    %get3A_48 = tpu.vector_load %arg7[%get3A_47] {strides = array<i32>} : memref<512xi32, #tpu.memory_space<vmem>>, vector<16xi32>,
    %get3A_49 = vector.shape_cast %get3A_48 : vector<16xi32> to vector<16xi32>
    %swap3A_50 = arith.constant 16 : index
    %swap3A_51 = tpu.vector_load %arg8[%swap3A_50] {strides = array<i32>} : memref<64xi32, #tpu.memory_space<vmem>>, vector<16xi32>,
    %swap3A_52 = vector.shape_cast %swap3A_51 : vector<16xi32> to vector<16xi32>
    %swap3A_53 = vector.shape_cast %get3A_49 : vector<16xi32> to vector<16xi32>
    tpu.vector_store %arg8[%swap3A_50], %swap3A_53 {strides = array<i32>} : memref<64xi32, #tpu.memory_space<vmem>>, vector<16xi32>,
    %get3A_54 = arith.constant 32 : index
    %get3A_55 = tpu.vector_load %arg7[%get3A_54] {strides = array<i32>} : memref<512xi32, #tpu.memory_space<vmem>>, vector<16xi32>,
    %get3A_56 = vector.shape_cast %get3A_55 : vector<16xi32> to vector<16xi32>
    %swap3A_57 = arith.constant 32 : index
    %swap3A_58 = tpu.vector_load %arg8[%swap3A_57] {strides = array<i32>} : memref<64xi32, #tpu.memory_space<vmem>>, vector<16xi32>,
    %swap3A_59 = vector.shape_cast %swap3A_58 : vector<16xi32> to vector<16xi32>
    %swap3A_60 = vector.shape_cast %get3A_56 : vector<16xi32> to vector<16xi32>
    tpu.vector_store %arg8[%swap3A_57], %swap3A_60 {strides = array<i32>} : memref<64xi32, #tpu.memory_space<vmem>>, vector<16xi32>,
    %get3A_61 = arith.constant 48 : index
    %get3A_62 = tpu.vector_load %arg7[%get3A_61] {strides = array<i32>} : memref<512xi32, #tpu.memory_space<vmem>>, vector<16xi32>,
    %get3A_63 = vector.shape_cast %get3A_62 : vector<16xi32> to vector<16xi32>
    %swap3A_64 = arith.constant 48 : index
    %swap3A_65 = tpu.vector_load %arg8[%swap3A_64] {strides = array<i32>} : memref<64xi32, #tpu.memory_space<vmem>>, vector<16xi32>,
    %swap3A_66 = vector.shape_cast %swap3A_65 : vector<16xi32> to vector<16xi32>
    %swap3A_67 = vector.shape_cast %get3A_63 : vector<16xi32> to vector<16xi32>
    tpu.vector_store %arg8[%swap3A_64], %swap3A_67 {strides = array<i32>} : memref<64xi32, #tpu.memory_space<vmem>>, vector<16xi32>,
    %dma_start3A = arith.constant 0 : i32
    %dma_start3A_68 = arith.constant 0 : i32
    %dma_start3A_69 = tpu.memref_slice %arg6[%dma_start3A, %dma_start3A_68] : memref<1024x128xf32, #tpu.memory_space<vmem_shared>> -> memref<1024x128xf32, #tpu.memory_space<vmem_shared>>
    tpu.enqueue_indirect_dma source(%arg11 : memref<64x128xf32, #tpu.memory_space<vmem>>) target(%dma_start3A_69 : memref<1024x128xf32, #tpu.memory_space<vmem_shared>>) offsets(%arg8 : memref<64xi32, #tpu.memory_space<vmem>>) semaphore(%arg13 : memref<!tpu.dma_semaphore, #tpu.memory_space<semaphore_mem>>) {add = true}
    %scan3A_70 = arith.constant 0 : i32
    %scan3A_71 = arith.constant 0 : i32
    %scan3A_72 = arith.constant 3 : i32
    %scan3A_73 = arith.addi %scan3A_71, %scan3A_72 : i32
    %scan3A_74 = arith.constant 1 : i32
    scf.for %scan3A_163 = %scan3A_71 to %scan3A_73 step %scan3A_74  : i32 {
      %mul3A_164 = arith.constant 2 : i32
      %mul3A_165 = arith.muli %scan3A_163, %mul3A_164 : i32
      %add3A_166 = arith.constant 1 : i32
      %add3A_167 = arith.addi %mul3A_165, %add3A_166 : i32
      %mul3A_168 = arith.constant 64 : i32
      %mul3A_169 = arith.muli %add3A_167, %mul3A_168 : i32
      %add3A_170 = arith.constant 0 : i32
      %add3A_171 = arith.addi %mul3A_169, %add3A_170 : i32
      %get3A_172 = arith.index_cast %add3A_171 : i32 to index
      %get3A_173 = tpu.vector_load %arg7[%get3A_172] {strides = array<i32>} : memref<512xi32, #tpu.memory_space<vmem>>, vector<16xi32>,
      %get3A_174 = vector.shape_cast %get3A_173 : vector<16xi32> to vector<16xi32>
      %swap3A_175 = arith.constant 0 : index
      %swap3A_176 = tpu.vector_load %arg9[%swap3A_175] {strides = array<i32>} : memref<64xi32, #tpu.memory_space<vmem>>, vector<16xi32>,
      %swap3A_177 = vector.shape_cast %swap3A_176 : vector<16xi32> to vector<16xi32>
      %swap3A_178 = vector.shape_cast %get3A_174 : vector<16xi32> to vector<16xi32>
      tpu.vector_store %arg9[%swap3A_175], %swap3A_178 {strides = array<i32>} : memref<64xi32, #tpu.memory_space<vmem>>, vector<16xi32>,
      %add3A_179 = arith.constant 16 : i32
      %add3A_180 = arith.addi %mul3A_169, %add3A_179 : i32
      %get3A_181 = arith.index_cast %add3A_180 : i32 to index
      %get3A_182 = tpu.vector_load %arg7[%get3A_181] {strides = array<i32>} : memref<512xi32, #tpu.memory_space<vmem>>, vector<16xi32>,
      %get3A_183 = vector.shape_cast %get3A_182 : vector<16xi32> to vector<16xi32>
      %swap3A_184 = arith.constant 16 : index
      %swap3A_185 = tpu.vector_load %arg9[%swap3A_184] {strides = array<i32>} : memref<64xi32, #tpu.memory_space<vmem>>, vector<16xi32>,
      %swap3A_186 = vector.shape_cast %swap3A_185 : vector<16xi32> to vector<16xi32>
      %swap3A_187 = vector.shape_cast %get3A_183 : vector<16xi32> to vector<16xi32>
      tpu.vector_store %arg9[%swap3A_184], %swap3A_187 {strides = array<i32>} : memref<64xi32, #tpu.memory_space<vmem>>, vector<16xi32>,
      %add3A_188 = arith.constant 32 : i32
      %add3A_189 = arith.addi %mul3A_169, %add3A_188 : i32
      %get3A_190 = arith.index_cast %add3A_189 : i32 to index
      %get3A_191 = tpu.vector_load %arg7[%get3A_190] {strides = array<i32>} : memref<512xi32, #tpu.memory_space<vmem>>, vector<16xi32>,
      %get3A_192 = vector.shape_cast %get3A_191 : vector<16xi32> to vector<16xi32>
      %swap3A_193 = arith.constant 32 : index
      %swap3A_194 = tpu.vector_load %arg9[%swap3A_193] {strides = array<i32>} : memref<64xi32, #tpu.memory_space<vmem>>, vector<16xi32>,
      %swap3A_195 = vector.shape_cast %swap3A_194 : vector<16xi32> to vector<16xi32>
      %swap3A_196 = vector.shape_cast %get3A_192 : vector<16xi32> to vector<16xi32>
      tpu.vector_store %arg9[%swap3A_193], %swap3A_196 {strides = array<i32>} : memref<64xi32, #tpu.memory_space<vmem>>, vector<16xi32>,
      %add3A_197 = arith.constant 48 : i32
      %add3A_198 = arith.addi %mul3A_169, %add3A_197 : i32
      %get3A_199 = arith.index_cast %add3A_198 : i32 to index
      %get3A_200 = tpu.vector_load %arg7[%get3A_199] {strides = array<i32>} : memref<512xi32, #tpu.memory_space<vmem>>, vector<16xi32>,
      %get3A_201 = vector.shape_cast %get3A_200 : vector<16xi32> to vector<16xi32>
      %swap3A_202 = arith.constant 48 : index
      %swap3A_203 = tpu.vector_load %arg9[%swap3A_202] {strides = array<i32>} : memref<64xi32, #tpu.memory_space<vmem>>, vector<16xi32>,
      %swap3A_204 = vector.shape_cast %swap3A_203 : vector<16xi32> to vector<16xi32>
      %swap3A_205 = vector.shape_cast %get3A_201 : vector<16xi32> to vector<16xi32>
      tpu.vector_store %arg9[%swap3A_202], %swap3A_205 {strides = array<i32>} : memref<64xi32, #tpu.memory_space<vmem>>, vector<16xi32>,
      %dma_start3A_206 = arith.constant 0 : i32
      %dma_start3A_207 = arith.constant 0 : i32
      %dma_start3A_208 = tpu.memref_slice %arg6[%dma_start3A_206, %dma_start3A_207] : memref<1024x128xf32, #tpu.memory_space<vmem_shared>> -> memref<1024x128xf32, #tpu.memory_space<vmem_shared>>
      tpu.enqueue_indirect_dma source(%arg11 : memref<64x128xf32, #tpu.memory_space<vmem>>) target(%dma_start3A_208 : memref<1024x128xf32, #tpu.memory_space<vmem_shared>>) offsets(%arg9 : memref<64xi32, #tpu.memory_space<vmem>>) semaphore(%arg14 : memref<!tpu.dma_semaphore, #tpu.memory_space<semaphore_mem>>) {add = true}
      %dma_wait3A_209 = arith.constant 0 : i32
      %dma_wait3A_210 = arith.constant 0 : i32
      %dma_wait3A_211 = tpu.memref_slice %arg6[%dma_wait3A_209, %dma_wait3A_210] : memref<1024x128xf32, #tpu.memory_space<vmem_shared>> -> memref<1024x128xf32, #tpu.memory_space<vmem_shared>>
      tpu.wait_indirect_dma semaphore(%arg13 : memref<!tpu.dma_semaphore, #tpu.memory_space<semaphore_mem>>) src(%arg11 : memref<64x128xf32, #tpu.memory_space<vmem>>) dst(%dma_wait3A_211 : memref<1024x128xf32, #tpu.memory_space<vmem_shared>>)
      %add3A_212 = arith.constant 2 : i32
      %add3A_213 = arith.addi %mul3A_165, %add3A_212 : i32
      %mul3A_214 = arith.constant 64 : i32
      %mul3A_215 = arith.muli %add3A_213, %mul3A_214 : i32
      %add3A_216 = arith.constant 0 : i32
      %add3A_217 = arith.addi %mul3A_215, %add3A_216 : i32
      %get3A_218 = arith.index_cast %add3A_217 : i32 to index
      %get3A_219 = tpu.vector_load %arg7[%get3A_218] {strides = array<i32>} : memref<512xi32, #tpu.memory_space<vmem>>, vector<16xi32>,
      %get3A_220 = vector.shape_cast %get3A_219 : vector<16xi32> to vector<16xi32>
      %swap3A_221 = arith.constant 0 : index
      %swap3A_222 = tpu.vector_load %arg8[%swap3A_221] {strides = array<i32>} : memref<64xi32, #tpu.memory_space<vmem>>, vector<16xi32>,
      %swap3A_223 = vector.shape_cast %swap3A_222 : vector<16xi32> to vector<16xi32>
      %swap3A_224 = vector.shape_cast %get3A_220 : vector<16xi32> to vector<16xi32>
      tpu.vector_store %arg8[%swap3A_221], %swap3A_224 {strides = array<i32>} : memref<64xi32, #tpu.memory_space<vmem>>, vector<16xi32>,
      %add3A_225 = arith.constant 16 : i32
      %add3A_226 = arith.addi %mul3A_215, %add3A_225 : i32
      %get3A_227 = arith.index_cast %add3A_226 : i32 to index
      %get3A_228 = tpu.vector_load %arg7[%get3A_227] {strides = array<i32>} : memref<512xi32, #tpu.memory_space<vmem>>, vector<16xi32>,
      %get3A_229 = vector.shape_cast %get3A_228 : vector<16xi32> to vector<16xi32>
      %swap3A_230 = arith.constant 16 : index
      %swap3A_231 = tpu.vector_load %arg8[%swap3A_230] {strides = array<i32>} : memref<64xi32, #tpu.memory_space<vmem>>, vector<16xi32>,
      %swap3A_232 = vector.shape_cast %swap3A_231 : vector<16xi32> to vector<16xi32>
      %swap3A_233 = vector.shape_cast %get3A_229 : vector<16xi32> to vector<16xi32>
      tpu.vector_store %arg8[%swap3A_230], %swap3A_233 {strides = array<i32>} : memref<64xi32, #tpu.memory_space<vmem>>, vector<16xi32>,
      %add3A_234 = arith.constant 32 : i32
      %add3A_235 = arith.addi %mul3A_215, %add3A_234 : i32
      %get3A_236 = arith.index_cast %add3A_235 : i32 to index
      %get3A_237 = tpu.vector_load %arg7[%get3A_236] {strides = array<i32>} : memref<512xi32, #tpu.memory_space<vmem>>, vector<16xi32>,
      %get3A_238 = vector.shape_cast %get3A_237 : vector<16xi32> to vector<16xi32>
      %swap3A_239 = arith.constant 32 : index
      %swap3A_240 = tpu.vector_load %arg8[%swap3A_239] {strides = array<i32>} : memref<64xi32, #tpu.memory_space<vmem>>, vector<16xi32>,
      %swap3A_241 = vector.shape_cast %swap3A_240 : vector<16xi32> to vector<16xi32>
      %swap3A_242 = vector.shape_cast %get3A_238 : vector<16xi32> to vector<16xi32>
      tpu.vector_store %arg8[%swap3A_239], %swap3A_242 {strides = array<i32>} : memref<64xi32, #tpu.memory_space<vmem>>, vector<16xi32>,
      %add3A_243 = arith.constant 48 : i32
      %add3A_244 = arith.addi %mul3A_215, %add3A_243 : i32
      %get3A_245 = arith.index_cast %add3A_244 : i32 to index
      %get3A_246 = tpu.vector_load %arg7[%get3A_245] {strides = array<i32>} : memref<512xi32, #tpu.memory_space<vmem>>, vector<16xi32>,
      %get3A_247 = vector.shape_cast %get3A_246 : vector<16xi32> to vector<16xi32>
      %swap3A_248 = arith.constant 48 : index
      %swap3A_249 = tpu.vector_load %arg8[%swap3A_248] {strides = array<i32>} : memref<64xi32, #tpu.memory_space<vmem>>, vector<16xi32>,
      %swap3A_250 = vector.shape_cast %swap3A_249 : vector<16xi32> to vector<16xi32>
      %swap3A_251 = vector.shape_cast %get3A_247 : vector<16xi32> to vector<16xi32>
      tpu.vector_store %arg8[%swap3A_248], %swap3A_251 {strides = array<i32>} : memref<64xi32, #tpu.memory_space<vmem>>, vector<16xi32>,
      %dma_start3A_252 = arith.constant 0 : i32
      %dma_start3A_253 = arith.constant 0 : i32
      %dma_start3A_254 = tpu.memref_slice %arg6[%dma_start3A_252, %dma_start3A_253] : memref<1024x128xf32, #tpu.memory_space<vmem_shared>> -> memref<1024x128xf32, #tpu.memory_space<vmem_shared>>
      tpu.enqueue_indirect_dma source(%arg11 : memref<64x128xf32, #tpu.memory_space<vmem>>) target(%dma_start3A_254 : memref<1024x128xf32, #tpu.memory_space<vmem_shared>>) offsets(%arg8 : memref<64xi32, #tpu.memory_space<vmem>>) semaphore(%arg13 : memref<!tpu.dma_semaphore, #tpu.memory_space<semaphore_mem>>) {add = true}
      %dma_wait3A_255 = arith.constant 0 : i32
      %dma_wait3A_256 = arith.constant 0 : i32
      %dma_wait3A_257 = tpu.memref_slice %arg6[%dma_wait3A_255, %dma_wait3A_256] : memref<1024x128xf32, #tpu.memory_space<vmem_shared>> -> memref<1024x128xf32, #tpu.memory_space<vmem_shared>>
      tpu.wait_indirect_dma semaphore(%arg14 : memref<!tpu.dma_semaphore, #tpu.memory_space<semaphore_mem>>) src(%arg11 : memref<64x128xf32, #tpu.memory_space<vmem>>) dst(%dma_wait3A_257 : memref<1024x128xf32, #tpu.memory_space<vmem_shared>>)
    }
    %scan3A_75 = arith.constant 3 : i32
    %get3A_76 = arith.constant 448 : index
    %get3A_77 = tpu.vector_load %arg7[%get3A_76] {strides = array<i32>} : memref<512xi32, #tpu.memory_space<vmem>>, vector<16xi32>,
    %get3A_78 = vector.shape_cast %get3A_77 : vector<16xi32> to vector<16xi32>
    %swap3A_79 = arith.constant 0 : index
    %swap3A_80 = tpu.vector_load %arg9[%swap3A_79] {strides = array<i32>} : memref<64xi32, #tpu.memory_space<vmem>>, vector<16xi32>,
    %swap3A_81 = vector.shape_cast %swap3A_80 : vector<16xi32> to vector<16xi32>
    %swap3A_82 = vector.shape_cast %get3A_78 : vector<16xi32> to vector<16xi32>
    tpu.vector_store %arg9[%swap3A_79], %swap3A_82 {strides = array<i32>} : memref<64xi32, #tpu.memory_space<vmem>>, vector<16xi32>,
    %get3A_83 = arith.constant 464 : index
    %get3A_84 = tpu.vector_load %arg7[%get3A_83] {strides = array<i32>} : memref<512xi32, #tpu.memory_space<vmem>>, vector<16xi32>,
    %get3A_85 = vector.shape_cast %get3A_84 : vector<16xi32> to vector<16xi32>
    %swap3A_86 = arith.constant 16 : index
    %swap3A_87 = tpu.vector_load %arg9[%swap3A_86] {strides = array<i32>} : memref<64xi32, #tpu.memory_space<vmem>>, vector<16xi32>,
    %swap3A_88 = vector.shape_cast %swap3A_87 : vector<16xi32> to vector<16xi32>
    %swap3A_89 = vector.shape_cast %get3A_85 : vector<16xi32> to vector<16xi32>
    tpu.vector_store %arg9[%swap3A_86], %swap3A_89 {strides = array<i32>} : memref<64xi32, #tpu.memory_space<vmem>>, vector<16xi32>,
    %get3A_90 = arith.constant 480 : index
    %get3A_91 = tpu.vector_load %arg7[%get3A_90] {strides = array<i32>} : memref<512xi32, #tpu.memory_space<vmem>>, vector<16xi32>,
    %get3A_92 = vector.shape_cast %get3A_91 : vector<16xi32> to vector<16xi32>
    %swap3A_93 = arith.constant 32 : index
    %swap3A_94 = tpu.vector_load %arg9[%swap3A_93] {strides = array<i32>} : memref<64xi32, #tpu.memory_space<vmem>>, vector<16xi32>,
    %swap3A_95 = vector.shape_cast %swap3A_94 : vector<16xi32> to vector<16xi32>
    %swap3A_96 = vector.shape_cast %get3A_92 : vector<16xi32> to vector<16xi32>
    tpu.vector_store %arg9[%swap3A_93], %swap3A_96 {strides = array<i32>} : memref<64xi32, #tpu.memory_space<vmem>>, vector<16xi32>,
    %get3A_97 = arith.constant 496 : index
    %get3A_98 = tpu.vector_load %arg7[%get3A_97] {strides = array<i32>} : memref<512xi32, #tpu.memory_space<vmem>>, vector<16xi32>,
    %get3A_99 = vector.shape_cast %get3A_98 : vector<16xi32> to vector<16xi32>
    %swap3A_100 = arith.constant 48 : index
    %swap3A_101 = tpu.vector_load %arg9[%swap3A_100] {strides = array<i32>} : memref<64xi32, #tpu.memory_space<vmem>>, vector<16xi32>,
    %swap3A_102 = vector.shape_cast %swap3A_101 : vector<16xi32> to vector<16xi32>
    %swap3A_103 = vector.shape_cast %get3A_99 : vector<16xi32> to vector<16xi32>
    tpu.vector_store %arg9[%swap3A_100], %swap3A_103 {strides = array<i32>} : memref<64xi32, #tpu.memory_space<vmem>>, vector<16xi32>,
    %dma_start3A_104 = arith.constant 0 : i32
    %dma_start3A_105 = arith.constant 0 : i32
    %dma_start3A_106 = tpu.memref_slice %arg6[%dma_start3A_104, %dma_start3A_105] : memref<1024x128xf32, #tpu.memory_space<vmem_shared>> -> memref<1024x128xf32, #tpu.memory_space<vmem_shared>>
    tpu.enqueue_indirect_dma source(%arg11 : memref<64x128xf32, #tpu.memory_space<vmem>>) target(%dma_start3A_106 : memref<1024x128xf32, #tpu.memory_space<vmem_shared>>) offsets(%arg9 : memref<64xi32, #tpu.memory_space<vmem>>) semaphore(%arg14 : memref<!tpu.dma_semaphore, #tpu.memory_space<semaphore_mem>>) {add = true}
    %dma_wait3A = arith.constant 0 : i32
    %dma_wait3A_107 = arith.constant 0 : i32
    %dma_wait3A_108 = tpu.memref_slice %arg6[%dma_wait3A, %dma_wait3A_107] : memref<1024x128xf32, #tpu.memory_space<vmem_shared>> -> memref<1024x128xf32, #tpu.memory_space<vmem_shared>>
    tpu.wait_indirect_dma semaphore(%arg13 : memref<!tpu.dma_semaphore, #tpu.memory_space<semaphore_mem>>) src(%arg11 : memref<64x128xf32, #tpu.memory_space<vmem>>) dst(%dma_wait3A_108 : memref<1024x128xf32, #tpu.memory_space<vmem_shared>>)
    %dma_wait3A_109 = arith.constant 0 : i32
    %dma_wait3A_110 = arith.constant 0 : i32
    %dma_wait3A_111 = tpu.memref_slice %arg6[%dma_wait3A_109, %dma_wait3A_110] : memref<1024x128xf32, #tpu.memory_space<vmem_shared>> -> memref<1024x128xf32, #tpu.memory_space<vmem_shared>>
    tpu.wait_indirect_dma semaphore(%arg14 : memref<!tpu.dma_semaphore, #tpu.memory_space<semaphore_mem>>) src(%arg11 : memref<64x128xf32, #tpu.memory_space<vmem>>) dst(%dma_wait3A_111 : memref<1024x128xf32, #tpu.memory_space<vmem_shared>>)
    %barrier3A_112 = arith.constant 0 : index
    tpu.barrier barrier_id(%barrier3A_112)
    %scan3A_113 = arith.constant 0 : i32
    %scan3A_114 = arith.constant 0 : i32
    %mul3A_115 = arith.constant 64 : i32
    %mul3A_116 = arith.muli %scan3A_114, %mul3A_115 : i32
    %add3A_117 = arith.addi %mul3A_0, %mul3A_116 : i32
    %add3A_118 = arith.constant 0 : i32
    %add3A_119 = arith.addi %add3A_117, %add3A_118 : i32
    %add3A_120 = vector.broadcast %add3A_119 : i32 to vector<16xi32>
    %add3A_121 = arith.addi %iota3A, %add3A_120 : vector<16xi32>
    %swap3A_122 = arith.constant 0 : index
    %swap3A_123 = tpu.vector_load %arg10[%swap3A_122] {strides = array<i32>} : memref<64xi32, #tpu.memory_space<vmem>>, vector<16xi32>,
    %swap3A_124 = vector.shape_cast %swap3A_123 : vector<16xi32> to vector<16xi32>
    %swap3A_125 = vector.shape_cast %add3A_121 : vector<16xi32> to vector<16xi32>
    tpu.vector_store %arg10[%swap3A_122], %swap3A_125 {strides = array<i32>} : memref<64xi32, #tpu.memory_space<vmem>>, vector<16xi32>,
    %add3A_126 = arith.constant 16 : i32
    %add3A_127 = arith.addi %add3A_117, %add3A_126 : i32
    %add3A_128 = vector.broadcast %add3A_127 : i32 to vector<16xi32>
    %add3A_129 = arith.addi %iota3A, %add3A_128 : vector<16xi32>
    %swap3A_130 = arith.constant 16 : index
    %swap3A_131 = tpu.vector_load %arg10[%swap3A_130] {strides = array<i32>} : memref<64xi32, #tpu.memory_space<vmem>>, vector<16xi32>,
    %swap3A_132 = vector.shape_cast %swap3A_131 : vector<16xi32> to vector<16xi32>
    %swap3A_133 = vector.shape_cast %add3A_129 : vector<16xi32> to vector<16xi32>
    tpu.vector_store %arg10[%swap3A_130], %swap3A_133 {strides = array<i32>} : memref<64xi32, #tpu.memory_space<vmem>>, vector<16xi32>,
    %add3A_134 = arith.constant 32 : i32
    %add3A_135 = arith.addi %add3A_117, %add3A_134 : i32
    %add3A_136 = vector.broadcast %add3A_135 : i32 to vector<16xi32>
    %add3A_137 = arith.addi %iota3A, %add3A_136 : vector<16xi32>
    %swap3A_138 = arith.constant 32 : index
    %swap3A_139 = tpu.vector_load %arg10[%swap3A_138] {strides = array<i32>} : memref<64xi32, #tpu.memory_space<vmem>>, vector<16xi32>,
    %swap3A_140 = vector.shape_cast %swap3A_139 : vector<16xi32> to vector<16xi32>
    %swap3A_141 = vector.shape_cast %add3A_137 : vector<16xi32> to vector<16xi32>
    tpu.vector_store %arg10[%swap3A_138], %swap3A_141 {strides = array<i32>} : memref<64xi32, #tpu.memory_space<vmem>>, vector<16xi32>,
    %add3A_142 = arith.constant 48 : i32
    %add3A_143 = arith.addi %add3A_117, %add3A_142 : i32
    %add3A_144 = vector.broadcast %add3A_143 : i32 to vector<16xi32>
    %add3A_145 = arith.addi %iota3A, %add3A_144 : vector<16xi32>
    %swap3A_146 = arith.constant 48 : index
    %swap3A_147 = tpu.vector_load %arg10[%swap3A_146] {strides = array<i32>} : memref<64xi32, #tpu.memory_space<vmem>>, vector<16xi32>,
    %swap3A_148 = vector.shape_cast %swap3A_147 : vector<16xi32> to vector<16xi32>
    %swap3A_149 = vector.shape_cast %add3A_145 : vector<16xi32> to vector<16xi32>
    tpu.vector_store %arg10[%swap3A_146], %swap3A_149 {strides = array<i32>} : memref<64xi32, #tpu.memory_space<vmem>>, vector<16xi32>,
    %dma_start3A_150 = arith.constant 0 : i32
    %dma_start3A_151 = arith.constant 0 : i32
    %dma_start3A_152 = tpu.memref_slice %arg6[%dma_start3A_150, %dma_start3A_151] : memref<1024x128xf32, #tpu.memory_space<vmem_shared>> -> memref<1024x128xf32, #tpu.memory_space<vmem_shared>>
    tpu.enqueue_indirect_dma source(%dma_start3A_152 : memref<1024x128xf32, #tpu.memory_space<vmem_shared>>) target(%arg12 : memref<64x128xf32, #tpu.memory_space<vmem>>) offsets(%arg10 : memref<64xi32, #tpu.memory_space<vmem>>) semaphore(%arg13 : memref<!tpu.dma_semaphore, #tpu.memory_space<semaphore_mem>>)
    %dma_wait3A_153 = arith.constant 0 : i32
    %dma_wait3A_154 = arith.constant 0 : i32
    %dma_wait3A_155 = tpu.memref_slice %arg6[%dma_wait3A_153, %dma_wait3A_154] : memref<1024x128xf32, #tpu.memory_space<vmem_shared>> -> memref<1024x128xf32, #tpu.memory_space<vmem_shared>>
    tpu.wait_indirect_dma semaphore(%arg13 : memref<!tpu.dma_semaphore, #tpu.memory_space<semaphore_mem>>) src(%dma_wait3A_155 : memref<1024x128xf32, #tpu.memory_space<vmem_shared>>) dst(%arg12 : memref<64x128xf32, #tpu.memory_space<vmem>>)
    %mul3A_156 = arith.constant 1024 : i32
    %mul3A_157 = arith.muli %arg0, %mul3A_156 : i32
    %add3A_158 = arith.addi %mul3A_157, %mul3A_0 : i32
    %mul3A_159 = arith.constant 64 : i32
    %mul3A_160 = arith.muli %scan3A_114, %mul3A_159 : i32
    %add3A_161 = arith.addi %add3A_158, %mul3A_160 : i32
    "tpu.region"() ({
      %run_scoped3A = tpu.sem_alloc : memref<!tpu.dma_semaphore, #tpu.memory_space<semaphore_mem>>
      %dma_start3A_163 = arith.constant 0 : i32
      %dma_start3A_164 = tpu.memref_slice %arg5[%add3A_161, %dma_start3A_163] : memref<2048x128xf32, #tpu.memory_space<hbm>> -> memref<64x128xf32, #tpu.memory_space<hbm>>
      %dma_start3A_165 = arith.constant 0 : i32
      %dma_start3A_166 = tpu.memref_slice %arg5[%add3A_161, %dma_start3A_165] : memref<2048x128xf32, #tpu.memory_space<hbm>> -> memref<64x128xf32, #tpu.memory_space<hbm>>
      tpu.enqueue_dma source(%arg12 : memref<64x128xf32, #tpu.memory_space<vmem>>) target(%dma_start3A_166 : memref<64x128xf32, #tpu.memory_space<hbm>>) target_semaphore(%run_scoped3A : memref<!tpu.dma_semaphore, #tpu.memory_space<semaphore_mem>>)
      %dma_wait3A_167 = arith.constant 0 : i32
      %dma_wait3A_168 = tpu.memref_slice %arg5[%add3A_161, %dma_wait3A_167] : memref<2048x128xf32, #tpu.memory_space<hbm>> -> memref<64x128xf32, #tpu.memory_space<hbm>>
      %dma_wait3A_169 = arith.constant 0 : i32
      %dma_wait3A_170 = tpu.memref_slice %arg5[%add3A_161, %dma_wait3A_169] : memref<2048x128xf32, #tpu.memory_space<hbm>> -> memref<64x128xf32, #tpu.memory_space<hbm>>
      tpu.wait_dma2 semaphore(%run_scoped3A : memref<!tpu.dma_semaphore, #tpu.memory_space<semaphore_mem>>) src(%arg12 : memref<64x128xf32, #tpu.memory_space<vmem>>) dst(%dma_wait3A_170 : memref<64x128xf32, #tpu.memory_space<hbm>>)
      tpu.yield
    }) : () -> ()
    %scan3A_162 = arith.constant 1 : i32
    return
  }
}

#map = affine_map<(d0, d1) -> (0)>
#map1 = affine_map<(d0, d1) -> (0, 0)>
module attributes {stable_mosaic.version = 14 : i64} {
  func.func @sc_seg_cnt_163840_10240(%arg0: i32, %arg1: i32, %arg2: memref<163840xi32, #tpu.memory_space<hbm>>, %arg3: memref<64x128xf32, #tpu.memory_space<hbm>>, %arg4: memref<64x128xf32, #tpu.memory_space<hbm>>, %arg5: memref<20480x128xf32, #tpu.memory_space<hbm>>, %arg6: memref<10240x128xf32, #tpu.memory_space<vmem_shared>>, %arg7: memref<5120xi32, #tpu.memory_space<vmem>>, %arg8: memref<64xi32, #tpu.memory_space<vmem>>, %arg9: memref<64xi32, #tpu.memory_space<vmem>>, %arg10: memref<64xi32, #tpu.memory_space<vmem>>, %arg11: memref<64x128xf32, #tpu.memory_space<vmem>>, %arg12: memref<64x128xf32, #tpu.memory_space<vmem>>, %arg13: memref<!tpu.dma_semaphore, #tpu.memory_space<semaphore_mem>>, %arg14: memref<!tpu.dma_semaphore, #tpu.memory_space<semaphore_mem>>) attributes {dimension_semantics = [#tpu.dimension_semantics<core_parallel>, #tpu.dimension_semantics<subcore_parallel>], iteration_bounds = array<i64: 2, 16>, scalar_prefetch = 0 : i64, scratch_operands = 9 : i64, tpu.core_type = #tpu.core_type<sc_vector_subcore>, window_params = [{transform_indices = #map}, {transform_indices = #map1}, {transform_indices = #map1}, {transform_indices = #map1}]} {
    %mul3A = arith.constant 640 : i32
    %mul3A_0 = arith.muli %arg1, %mul3A : i32
    %iota3A = tpu.iota {dimensions = array<i32: 0>} : vector<16xi32>
    %mul3A_1 = arith.constant 16 : i32
    %mul3A_2 = arith.muli %arg0, %mul3A_1 : i32
    %add3A = arith.addi %mul3A_2, %arg1 : i32
    %mul3A_3 = arith.constant 5120 : i32
    %mul3A_4 = arith.muli %add3A, %mul3A_3 : i32
    "tpu.region"() ({
      %run_scoped3A = tpu.sem_alloc : memref<!tpu.dma_semaphore, #tpu.memory_space<semaphore_mem>>
      %dma_start3A_87 = tpu.memref_slice %arg2[%mul3A_4] : memref<163840xi32, #tpu.memory_space<hbm>> -> memref<5120xi32, #tpu.memory_space<hbm>>
      %dma_start3A_88 = tpu.memref_slice %arg2[%mul3A_4] : memref<163840xi32, #tpu.memory_space<hbm>> -> memref<5120xi32, #tpu.memory_space<hbm>>
      tpu.enqueue_dma source(%dma_start3A_88 : memref<5120xi32, #tpu.memory_space<hbm>>) target(%arg7 : memref<5120xi32, #tpu.memory_space<vmem>>) target_semaphore(%run_scoped3A : memref<!tpu.dma_semaphore, #tpu.memory_space<semaphore_mem>>)
      %dma_wait3A_89 = tpu.memref_slice %arg2[%mul3A_4] : memref<163840xi32, #tpu.memory_space<hbm>> -> memref<5120xi32, #tpu.memory_space<hbm>>
      %dma_wait3A_90 = tpu.memref_slice %arg2[%mul3A_4] : memref<163840xi32, #tpu.memory_space<hbm>> -> memref<5120xi32, #tpu.memory_space<hbm>>
      tpu.wait_dma2 semaphore(%run_scoped3A : memref<!tpu.dma_semaphore, #tpu.memory_space<semaphore_mem>>) src(%dma_wait3A_90 : memref<5120xi32, #tpu.memory_space<hbm>>) dst(%arg7 : memref<5120xi32, #tpu.memory_space<vmem>>)
      tpu.yield
    }) : () -> ()
    "tpu.region"() ({
      %run_scoped3A = tpu.sem_alloc : memref<!tpu.dma_semaphore, #tpu.memory_space<semaphore_mem>>
      tpu.enqueue_dma source(%arg3 : memref<64x128xf32, #tpu.memory_space<hbm>>) target(%arg12 : memref<64x128xf32, #tpu.memory_space<vmem>>) target_semaphore(%run_scoped3A : memref<!tpu.dma_semaphore, #tpu.memory_space<semaphore_mem>>)
      tpu.wait_dma2 semaphore(%run_scoped3A : memref<!tpu.dma_semaphore, #tpu.memory_space<semaphore_mem>>) src(%arg3 : memref<64x128xf32, #tpu.memory_space<hbm>>) dst(%arg12 : memref<64x128xf32, #tpu.memory_space<vmem>>)
      tpu.yield
    }) : () -> ()
    "tpu.region"() ({
      %run_scoped3A = tpu.sem_alloc : memref<!tpu.dma_semaphore, #tpu.memory_space<semaphore_mem>>
      tpu.enqueue_dma source(%arg4 : memref<64x128xf32, #tpu.memory_space<hbm>>) target(%arg11 : memref<64x128xf32, #tpu.memory_space<vmem>>) target_semaphore(%run_scoped3A : memref<!tpu.dma_semaphore, #tpu.memory_space<semaphore_mem>>)
      tpu.wait_dma2 semaphore(%run_scoped3A : memref<!tpu.dma_semaphore, #tpu.memory_space<semaphore_mem>>) src(%arg4 : memref<64x128xf32, #tpu.memory_space<hbm>>) dst(%arg11 : memref<64x128xf32, #tpu.memory_space<vmem>>)
      tpu.yield
    }) : () -> ()
    %scan3A = arith.constant 0 : i32
    %scan3A_5 = arith.constant 0 : i32
    %scan3A_6 = arith.constant 10 : i32
    %scan3A_7 = arith.addi %scan3A_5, %scan3A_6 : i32
    %scan3A_8 = arith.constant 1 : i32
    scf.for %scan3A_87 = %scan3A_5 to %scan3A_7 step %scan3A_8  : i32 {
      %mul3A_88 = arith.constant 64 : i32
      %mul3A_89 = arith.muli %scan3A_87, %mul3A_88 : i32
      %add3A_90 = arith.addi %mul3A_0, %mul3A_89 : i32
      %add3A_91 = arith.constant 0 : i32
      %add3A_92 = arith.addi %add3A_90, %add3A_91 : i32
      %add3A_93 = vector.broadcast %add3A_92 : i32 to vector<16xi32>
      %add3A_94 = arith.addi %iota3A, %add3A_93 : vector<16xi32>
      %swap3A_95 = arith.constant 0 : index
      %swap3A_96 = tpu.vector_load %arg10[%swap3A_95] {strides = array<i32>} : memref<64xi32, #tpu.memory_space<vmem>>, vector<16xi32>,
      %swap3A_97 = vector.shape_cast %swap3A_96 : vector<16xi32> to vector<16xi32>
      %swap3A_98 = vector.shape_cast %add3A_94 : vector<16xi32> to vector<16xi32>
      tpu.vector_store %arg10[%swap3A_95], %swap3A_98 {strides = array<i32>} : memref<64xi32, #tpu.memory_space<vmem>>, vector<16xi32>,
      %add3A_99 = arith.constant 16 : i32
      %add3A_100 = arith.addi %add3A_90, %add3A_99 : i32
      %add3A_101 = vector.broadcast %add3A_100 : i32 to vector<16xi32>
      %add3A_102 = arith.addi %iota3A, %add3A_101 : vector<16xi32>
      %swap3A_103 = arith.constant 16 : index
      %swap3A_104 = tpu.vector_load %arg10[%swap3A_103] {strides = array<i32>} : memref<64xi32, #tpu.memory_space<vmem>>, vector<16xi32>,
      %swap3A_105 = vector.shape_cast %swap3A_104 : vector<16xi32> to vector<16xi32>
      %swap3A_106 = vector.shape_cast %add3A_102 : vector<16xi32> to vector<16xi32>
      tpu.vector_store %arg10[%swap3A_103], %swap3A_106 {strides = array<i32>} : memref<64xi32, #tpu.memory_space<vmem>>, vector<16xi32>,
      %add3A_107 = arith.constant 32 : i32
      %add3A_108 = arith.addi %add3A_90, %add3A_107 : i32
      %add3A_109 = vector.broadcast %add3A_108 : i32 to vector<16xi32>
      %add3A_110 = arith.addi %iota3A, %add3A_109 : vector<16xi32>
      %swap3A_111 = arith.constant 32 : index
      %swap3A_112 = tpu.vector_load %arg10[%swap3A_111] {strides = array<i32>} : memref<64xi32, #tpu.memory_space<vmem>>, vector<16xi32>,
      %swap3A_113 = vector.shape_cast %swap3A_112 : vector<16xi32> to vector<16xi32>
      %swap3A_114 = vector.shape_cast %add3A_110 : vector<16xi32> to vector<16xi32>
      tpu.vector_store %arg10[%swap3A_111], %swap3A_114 {strides = array<i32>} : memref<64xi32, #tpu.memory_space<vmem>>, vector<16xi32>,
      %add3A_115 = arith.constant 48 : i32
      %add3A_116 = arith.addi %add3A_90, %add3A_115 : i32
      %add3A_117 = vector.broadcast %add3A_116 : i32 to vector<16xi32>
      %add3A_118 = arith.addi %iota3A, %add3A_117 : vector<16xi32>
      %swap3A_119 = arith.constant 48 : index
      %swap3A_120 = tpu.vector_load %arg10[%swap3A_119] {strides = array<i32>} : memref<64xi32, #tpu.memory_space<vmem>>, vector<16xi32>,
      %swap3A_121 = vector.shape_cast %swap3A_120 : vector<16xi32> to vector<16xi32>
      %swap3A_122 = vector.shape_cast %add3A_118 : vector<16xi32> to vector<16xi32>
      tpu.vector_store %arg10[%swap3A_119], %swap3A_122 {strides = array<i32>} : memref<64xi32, #tpu.memory_space<vmem>>, vector<16xi32>,
      "tpu.region"() ({
        %run_scoped3A = tpu.sem_alloc : memref<!tpu.dma_semaphore, #tpu.memory_space<semaphore_mem>>
        %dma_start3A_123 = arith.constant 0 : i32
        %dma_start3A_124 = arith.constant 0 : i32
        %dma_start3A_125 = tpu.memref_slice %arg6[%dma_start3A_123, %dma_start3A_124] : memref<10240x128xf32, #tpu.memory_space<vmem_shared>> -> memref<10240x128xf32, #tpu.memory_space<vmem_shared>>
        tpu.enqueue_indirect_dma source(%arg12 : memref<64x128xf32, #tpu.memory_space<vmem>>) target(%dma_start3A_125 : memref<10240x128xf32, #tpu.memory_space<vmem_shared>>) offsets(%arg10 : memref<64xi32, #tpu.memory_space<vmem>>) semaphore(%run_scoped3A : memref<!tpu.dma_semaphore, #tpu.memory_space<semaphore_mem>>)
        %dma_wait3A_126 = arith.constant 0 : i32
        %dma_wait3A_127 = arith.constant 0 : i32
        %dma_wait3A_128 = tpu.memref_slice %arg6[%dma_wait3A_126, %dma_wait3A_127] : memref<10240x128xf32, #tpu.memory_space<vmem_shared>> -> memref<10240x128xf32, #tpu.memory_space<vmem_shared>>
        tpu.wait_indirect_dma semaphore(%run_scoped3A : memref<!tpu.dma_semaphore, #tpu.memory_space<semaphore_mem>>) src(%arg12 : memref<64x128xf32, #tpu.memory_space<vmem>>) dst(%dma_wait3A_128 : memref<10240x128xf32, #tpu.memory_space<vmem_shared>>)
        tpu.yield
      }) : () -> ()
    }
    %scan3A_9 = arith.constant 10 : i32
    %barrier3A = arith.constant 0 : index
    tpu.barrier barrier_id(%barrier3A)
    %get3A = arith.constant 0 : index
    %get3A_10 = tpu.vector_load %arg7[%get3A] {strides = array<i32>} : memref<5120xi32, #tpu.memory_space<vmem>>, vector<16xi32>,
    %get3A_11 = vector.shape_cast %get3A_10 : vector<16xi32> to vector<16xi32>
    %swap3A = arith.constant 0 : index
    %swap3A_12 = tpu.vector_load %arg8[%swap3A] {strides = array<i32>} : memref<64xi32, #tpu.memory_space<vmem>>, vector<16xi32>,
    %swap3A_13 = vector.shape_cast %swap3A_12 : vector<16xi32> to vector<16xi32>
    %swap3A_14 = vector.shape_cast %get3A_11 : vector<16xi32> to vector<16xi32>
    tpu.vector_store %arg8[%swap3A], %swap3A_14 {strides = array<i32>} : memref<64xi32, #tpu.memory_space<vmem>>, vector<16xi32>,
    %get3A_15 = arith.constant 16 : index
    %get3A_16 = tpu.vector_load %arg7[%get3A_15] {strides = array<i32>} : memref<5120xi32, #tpu.memory_space<vmem>>, vector<16xi32>,
    %get3A_17 = vector.shape_cast %get3A_16 : vector<16xi32> to vector<16xi32>
    %swap3A_18 = arith.constant 16 : index
    %swap3A_19 = tpu.vector_load %arg8[%swap3A_18] {strides = array<i32>} : memref<64xi32, #tpu.memory_space<vmem>>, vector<16xi32>,
    %swap3A_20 = vector.shape_cast %swap3A_19 : vector<16xi32> to vector<16xi32>
    %swap3A_21 = vector.shape_cast %get3A_17 : vector<16xi32> to vector<16xi32>
    tpu.vector_store %arg8[%swap3A_18], %swap3A_21 {strides = array<i32>} : memref<64xi32, #tpu.memory_space<vmem>>, vector<16xi32>,
    %get3A_22 = arith.constant 32 : index
    %get3A_23 = tpu.vector_load %arg7[%get3A_22] {strides = array<i32>} : memref<5120xi32, #tpu.memory_space<vmem>>, vector<16xi32>,
    %get3A_24 = vector.shape_cast %get3A_23 : vector<16xi32> to vector<16xi32>
    %swap3A_25 = arith.constant 32 : index
    %swap3A_26 = tpu.vector_load %arg8[%swap3A_25] {strides = array<i32>} : memref<64xi32, #tpu.memory_space<vmem>>, vector<16xi32>,
    %swap3A_27 = vector.shape_cast %swap3A_26 : vector<16xi32> to vector<16xi32>
    %swap3A_28 = vector.shape_cast %get3A_24 : vector<16xi32> to vector<16xi32>
    tpu.vector_store %arg8[%swap3A_25], %swap3A_28 {strides = array<i32>} : memref<64xi32, #tpu.memory_space<vmem>>, vector<16xi32>,
    %get3A_29 = arith.constant 48 : index
    %get3A_30 = tpu.vector_load %arg7[%get3A_29] {strides = array<i32>} : memref<5120xi32, #tpu.memory_space<vmem>>, vector<16xi32>,
    %get3A_31 = vector.shape_cast %get3A_30 : vector<16xi32> to vector<16xi32>
    %swap3A_32 = arith.constant 48 : index
    %swap3A_33 = tpu.vector_load %arg8[%swap3A_32] {strides = array<i32>} : memref<64xi32, #tpu.memory_space<vmem>>, vector<16xi32>,
    %swap3A_34 = vector.shape_cast %swap3A_33 : vector<16xi32> to vector<16xi32>
    %swap3A_35 = vector.shape_cast %get3A_31 : vector<16xi32> to vector<16xi32>
    tpu.vector_store %arg8[%swap3A_32], %swap3A_35 {strides = array<i32>} : memref<64xi32, #tpu.memory_space<vmem>>, vector<16xi32>,
    %dma_start3A = arith.constant 0 : i32
    %dma_start3A_36 = arith.constant 0 : i32
    %dma_start3A_37 = tpu.memref_slice %arg6[%dma_start3A, %dma_start3A_36] : memref<10240x128xf32, #tpu.memory_space<vmem_shared>> -> memref<10240x128xf32, #tpu.memory_space<vmem_shared>>
    tpu.enqueue_indirect_dma source(%arg11 : memref<64x128xf32, #tpu.memory_space<vmem>>) target(%dma_start3A_37 : memref<10240x128xf32, #tpu.memory_space<vmem_shared>>) offsets(%arg8 : memref<64xi32, #tpu.memory_space<vmem>>) semaphore(%arg13 : memref<!tpu.dma_semaphore, #tpu.memory_space<semaphore_mem>>) {add = true}
    %scan3A_38 = arith.constant 0 : i32
    %scan3A_39 = arith.constant 0 : i32
    %scan3A_40 = arith.constant 39 : i32
    %scan3A_41 = arith.addi %scan3A_39, %scan3A_40 : i32
    %scan3A_42 = arith.constant 1 : i32
    scf.for %scan3A_87 = %scan3A_39 to %scan3A_41 step %scan3A_42  : i32 {
      %mul3A_88 = arith.constant 2 : i32
      %mul3A_89 = arith.muli %scan3A_87, %mul3A_88 : i32
      %add3A_90 = arith.constant 1 : i32
      %add3A_91 = arith.addi %mul3A_89, %add3A_90 : i32
      %mul3A_92 = arith.constant 64 : i32
      %mul3A_93 = arith.muli %add3A_91, %mul3A_92 : i32
      %add3A_94 = arith.constant 0 : i32
      %add3A_95 = arith.addi %mul3A_93, %add3A_94 : i32
      %get3A_96 = arith.index_cast %add3A_95 : i32 to index
      %get3A_97 = tpu.vector_load %arg7[%get3A_96] {strides = array<i32>} : memref<5120xi32, #tpu.memory_space<vmem>>, vector<16xi32>,
      %get3A_98 = vector.shape_cast %get3A_97 : vector<16xi32> to vector<16xi32>
      %swap3A_99 = arith.constant 0 : index
      %swap3A_100 = tpu.vector_load %arg9[%swap3A_99] {strides = array<i32>} : memref<64xi32, #tpu.memory_space<vmem>>, vector<16xi32>,
      %swap3A_101 = vector.shape_cast %swap3A_100 : vector<16xi32> to vector<16xi32>
      %swap3A_102 = vector.shape_cast %get3A_98 : vector<16xi32> to vector<16xi32>
      tpu.vector_store %arg9[%swap3A_99], %swap3A_102 {strides = array<i32>} : memref<64xi32, #tpu.memory_space<vmem>>, vector<16xi32>,
      %add3A_103 = arith.constant 16 : i32
      %add3A_104 = arith.addi %mul3A_93, %add3A_103 : i32
      %get3A_105 = arith.index_cast %add3A_104 : i32 to index
      %get3A_106 = tpu.vector_load %arg7[%get3A_105] {strides = array<i32>} : memref<5120xi32, #tpu.memory_space<vmem>>, vector<16xi32>,
      %get3A_107 = vector.shape_cast %get3A_106 : vector<16xi32> to vector<16xi32>
      %swap3A_108 = arith.constant 16 : index
      %swap3A_109 = tpu.vector_load %arg9[%swap3A_108] {strides = array<i32>} : memref<64xi32, #tpu.memory_space<vmem>>, vector<16xi32>,
      %swap3A_110 = vector.shape_cast %swap3A_109 : vector<16xi32> to vector<16xi32>
      %swap3A_111 = vector.shape_cast %get3A_107 : vector<16xi32> to vector<16xi32>
      tpu.vector_store %arg9[%swap3A_108], %swap3A_111 {strides = array<i32>} : memref<64xi32, #tpu.memory_space<vmem>>, vector<16xi32>,
      %add3A_112 = arith.constant 32 : i32
      %add3A_113 = arith.addi %mul3A_93, %add3A_112 : i32
      %get3A_114 = arith.index_cast %add3A_113 : i32 to index
      %get3A_115 = tpu.vector_load %arg7[%get3A_114] {strides = array<i32>} : memref<5120xi32, #tpu.memory_space<vmem>>, vector<16xi32>,
      %get3A_116 = vector.shape_cast %get3A_115 : vector<16xi32> to vector<16xi32>
      %swap3A_117 = arith.constant 32 : index
      %swap3A_118 = tpu.vector_load %arg9[%swap3A_117] {strides = array<i32>} : memref<64xi32, #tpu.memory_space<vmem>>, vector<16xi32>,
      %swap3A_119 = vector.shape_cast %swap3A_118 : vector<16xi32> to vector<16xi32>
      %swap3A_120 = vector.shape_cast %get3A_116 : vector<16xi32> to vector<16xi32>
      tpu.vector_store %arg9[%swap3A_117], %swap3A_120 {strides = array<i32>} : memref<64xi32, #tpu.memory_space<vmem>>, vector<16xi32>,
      %add3A_121 = arith.constant 48 : i32
      %add3A_122 = arith.addi %mul3A_93, %add3A_121 : i32
      %get3A_123 = arith.index_cast %add3A_122 : i32 to index
      %get3A_124 = tpu.vector_load %arg7[%get3A_123] {strides = array<i32>} : memref<5120xi32, #tpu.memory_space<vmem>>, vector<16xi32>,
      %get3A_125 = vector.shape_cast %get3A_124 : vector<16xi32> to vector<16xi32>
      %swap3A_126 = arith.constant 48 : index
      %swap3A_127 = tpu.vector_load %arg9[%swap3A_126] {strides = array<i32>} : memref<64xi32, #tpu.memory_space<vmem>>, vector<16xi32>,
      %swap3A_128 = vector.shape_cast %swap3A_127 : vector<16xi32> to vector<16xi32>
      %swap3A_129 = vector.shape_cast %get3A_125 : vector<16xi32> to vector<16xi32>
      tpu.vector_store %arg9[%swap3A_126], %swap3A_129 {strides = array<i32>} : memref<64xi32, #tpu.memory_space<vmem>>, vector<16xi32>,
      %dma_start3A_130 = arith.constant 0 : i32
      %dma_start3A_131 = arith.constant 0 : i32
      %dma_start3A_132 = tpu.memref_slice %arg6[%dma_start3A_130, %dma_start3A_131] : memref<10240x128xf32, #tpu.memory_space<vmem_shared>> -> memref<10240x128xf32, #tpu.memory_space<vmem_shared>>
      tpu.enqueue_indirect_dma source(%arg11 : memref<64x128xf32, #tpu.memory_space<vmem>>) target(%dma_start3A_132 : memref<10240x128xf32, #tpu.memory_space<vmem_shared>>) offsets(%arg9 : memref<64xi32, #tpu.memory_space<vmem>>) semaphore(%arg14 : memref<!tpu.dma_semaphore, #tpu.memory_space<semaphore_mem>>) {add = true}
      %dma_wait3A_133 = arith.constant 0 : i32
      %dma_wait3A_134 = arith.constant 0 : i32
      %dma_wait3A_135 = tpu.memref_slice %arg6[%dma_wait3A_133, %dma_wait3A_134] : memref<10240x128xf32, #tpu.memory_space<vmem_shared>> -> memref<10240x128xf32, #tpu.memory_space<vmem_shared>>
      tpu.wait_indirect_dma semaphore(%arg13 : memref<!tpu.dma_semaphore, #tpu.memory_space<semaphore_mem>>) src(%arg11 : memref<64x128xf32, #tpu.memory_space<vmem>>) dst(%dma_wait3A_135 : memref<10240x128xf32, #tpu.memory_space<vmem_shared>>)
      %add3A_136 = arith.constant 2 : i32
      %add3A_137 = arith.addi %mul3A_89, %add3A_136 : i32
      %mul3A_138 = arith.constant 64 : i32
      %mul3A_139 = arith.muli %add3A_137, %mul3A_138 : i32
      %add3A_140 = arith.constant 0 : i32
      %add3A_141 = arith.addi %mul3A_139, %add3A_140 : i32
      %get3A_142 = arith.index_cast %add3A_141 : i32 to index
      %get3A_143 = tpu.vector_load %arg7[%get3A_142] {strides = array<i32>} : memref<5120xi32, #tpu.memory_space<vmem>>, vector<16xi32>,
      %get3A_144 = vector.shape_cast %get3A_143 : vector<16xi32> to vector<16xi32>
      %swap3A_145 = arith.constant 0 : index
      %swap3A_146 = tpu.vector_load %arg8[%swap3A_145] {strides = array<i32>} : memref<64xi32, #tpu.memory_space<vmem>>, vector<16xi32>,
      %swap3A_147 = vector.shape_cast %swap3A_146 : vector<16xi32> to vector<16xi32>
      %swap3A_148 = vector.shape_cast %get3A_144 : vector<16xi32> to vector<16xi32>
      tpu.vector_store %arg8[%swap3A_145], %swap3A_148 {strides = array<i32>} : memref<64xi32, #tpu.memory_space<vmem>>, vector<16xi32>,
      %add3A_149 = arith.constant 16 : i32
      %add3A_150 = arith.addi %mul3A_139, %add3A_149 : i32
      %get3A_151 = arith.index_cast %add3A_150 : i32 to index
      %get3A_152 = tpu.vector_load %arg7[%get3A_151] {strides = array<i32>} : memref<5120xi32, #tpu.memory_space<vmem>>, vector<16xi32>,
      %get3A_153 = vector.shape_cast %get3A_152 : vector<16xi32> to vector<16xi32>
      %swap3A_154 = arith.constant 16 : index
      %swap3A_155 = tpu.vector_load %arg8[%swap3A_154] {strides = array<i32>} : memref<64xi32, #tpu.memory_space<vmem>>, vector<16xi32>,
      %swap3A_156 = vector.shape_cast %swap3A_155 : vector<16xi32> to vector<16xi32>
      %swap3A_157 = vector.shape_cast %get3A_153 : vector<16xi32> to vector<16xi32>
      tpu.vector_store %arg8[%swap3A_154], %swap3A_157 {strides = array<i32>} : memref<64xi32, #tpu.memory_space<vmem>>, vector<16xi32>,
      %add3A_158 = arith.constant 32 : i32
      %add3A_159 = arith.addi %mul3A_139, %add3A_158 : i32
      %get3A_160 = arith.index_cast %add3A_159 : i32 to index
      %get3A_161 = tpu.vector_load %arg7[%get3A_160] {strides = array<i32>} : memref<5120xi32, #tpu.memory_space<vmem>>, vector<16xi32>,
      %get3A_162 = vector.shape_cast %get3A_161 : vector<16xi32> to vector<16xi32>
      %swap3A_163 = arith.constant 32 : index
      %swap3A_164 = tpu.vector_load %arg8[%swap3A_163] {strides = array<i32>} : memref<64xi32, #tpu.memory_space<vmem>>, vector<16xi32>,
      %swap3A_165 = vector.shape_cast %swap3A_164 : vector<16xi32> to vector<16xi32>
      %swap3A_166 = vector.shape_cast %get3A_162 : vector<16xi32> to vector<16xi32>
      tpu.vector_store %arg8[%swap3A_163], %swap3A_166 {strides = array<i32>} : memref<64xi32, #tpu.memory_space<vmem>>, vector<16xi32>,
      %add3A_167 = arith.constant 48 : i32
      %add3A_168 = arith.addi %mul3A_139, %add3A_167 : i32
      %get3A_169 = arith.index_cast %add3A_168 : i32 to index
      %get3A_170 = tpu.vector_load %arg7[%get3A_169] {strides = array<i32>} : memref<5120xi32, #tpu.memory_space<vmem>>, vector<16xi32>,
      %get3A_171 = vector.shape_cast %get3A_170 : vector<16xi32> to vector<16xi32>
      %swap3A_172 = arith.constant 48 : index
      %swap3A_173 = tpu.vector_load %arg8[%swap3A_172] {strides = array<i32>} : memref<64xi32, #tpu.memory_space<vmem>>, vector<16xi32>,
      %swap3A_174 = vector.shape_cast %swap3A_173 : vector<16xi32> to vector<16xi32>
      %swap3A_175 = vector.shape_cast %get3A_171 : vector<16xi32> to vector<16xi32>
      tpu.vector_store %arg8[%swap3A_172], %swap3A_175 {strides = array<i32>} : memref<64xi32, #tpu.memory_space<vmem>>, vector<16xi32>,
      %dma_start3A_176 = arith.constant 0 : i32
      %dma_start3A_177 = arith.constant 0 : i32
      %dma_start3A_178 = tpu.memref_slice %arg6[%dma_start3A_176, %dma_start3A_177] : memref<10240x128xf32, #tpu.memory_space<vmem_shared>> -> memref<10240x128xf32, #tpu.memory_space<vmem_shared>>
      tpu.enqueue_indirect_dma source(%arg11 : memref<64x128xf32, #tpu.memory_space<vmem>>) target(%dma_start3A_178 : memref<10240x128xf32, #tpu.memory_space<vmem_shared>>) offsets(%arg8 : memref<64xi32, #tpu.memory_space<vmem>>) semaphore(%arg13 : memref<!tpu.dma_semaphore, #tpu.memory_space<semaphore_mem>>) {add = true}
      %dma_wait3A_179 = arith.constant 0 : i32
      %dma_wait3A_180 = arith.constant 0 : i32
      %dma_wait3A_181 = tpu.memref_slice %arg6[%dma_wait3A_179, %dma_wait3A_180] : memref<10240x128xf32, #tpu.memory_space<vmem_shared>> -> memref<10240x128xf32, #tpu.memory_space<vmem_shared>>
      tpu.wait_indirect_dma semaphore(%arg14 : memref<!tpu.dma_semaphore, #tpu.memory_space<semaphore_mem>>) src(%arg11 : memref<64x128xf32, #tpu.memory_space<vmem>>) dst(%dma_wait3A_181 : memref<10240x128xf32, #tpu.memory_space<vmem_shared>>)
    }
    %scan3A_43 = arith.constant 39 : i32
    %get3A_44 = arith.constant 5056 : index
    %get3A_45 = tpu.vector_load %arg7[%get3A_44] {strides = array<i32>} : memref<5120xi32, #tpu.memory_space<vmem>>, vector<16xi32>,
    %get3A_46 = vector.shape_cast %get3A_45 : vector<16xi32> to vector<16xi32>
    %swap3A_47 = arith.constant 0 : index
    %swap3A_48 = tpu.vector_load %arg9[%swap3A_47] {strides = array<i32>} : memref<64xi32, #tpu.memory_space<vmem>>, vector<16xi32>,
    %swap3A_49 = vector.shape_cast %swap3A_48 : vector<16xi32> to vector<16xi32>
    %swap3A_50 = vector.shape_cast %get3A_46 : vector<16xi32> to vector<16xi32>
    tpu.vector_store %arg9[%swap3A_47], %swap3A_50 {strides = array<i32>} : memref<64xi32, #tpu.memory_space<vmem>>, vector<16xi32>,
    %get3A_51 = arith.constant 5072 : index
    %get3A_52 = tpu.vector_load %arg7[%get3A_51] {strides = array<i32>} : memref<5120xi32, #tpu.memory_space<vmem>>, vector<16xi32>,
    %get3A_53 = vector.shape_cast %get3A_52 : vector<16xi32> to vector<16xi32>
    %swap3A_54 = arith.constant 16 : index
    %swap3A_55 = tpu.vector_load %arg9[%swap3A_54] {strides = array<i32>} : memref<64xi32, #tpu.memory_space<vmem>>, vector<16xi32>,
    %swap3A_56 = vector.shape_cast %swap3A_55 : vector<16xi32> to vector<16xi32>
    %swap3A_57 = vector.shape_cast %get3A_53 : vector<16xi32> to vector<16xi32>
    tpu.vector_store %arg9[%swap3A_54], %swap3A_57 {strides = array<i32>} : memref<64xi32, #tpu.memory_space<vmem>>, vector<16xi32>,
    %get3A_58 = arith.constant 5088 : index
    %get3A_59 = tpu.vector_load %arg7[%get3A_58] {strides = array<i32>} : memref<5120xi32, #tpu.memory_space<vmem>>, vector<16xi32>,
    %get3A_60 = vector.shape_cast %get3A_59 : vector<16xi32> to vector<16xi32>
    %swap3A_61 = arith.constant 32 : index
    %swap3A_62 = tpu.vector_load %arg9[%swap3A_61] {strides = array<i32>} : memref<64xi32, #tpu.memory_space<vmem>>, vector<16xi32>,
    %swap3A_63 = vector.shape_cast %swap3A_62 : vector<16xi32> to vector<16xi32>
    %swap3A_64 = vector.shape_cast %get3A_60 : vector<16xi32> to vector<16xi32>
    tpu.vector_store %arg9[%swap3A_61], %swap3A_64 {strides = array<i32>} : memref<64xi32, #tpu.memory_space<vmem>>, vector<16xi32>,
    %get3A_65 = arith.constant 5104 : index
    %get3A_66 = tpu.vector_load %arg7[%get3A_65] {strides = array<i32>} : memref<5120xi32, #tpu.memory_space<vmem>>, vector<16xi32>,
    %get3A_67 = vector.shape_cast %get3A_66 : vector<16xi32> to vector<16xi32>
    %swap3A_68 = arith.constant 48 : index
    %swap3A_69 = tpu.vector_load %arg9[%swap3A_68] {strides = array<i32>} : memref<64xi32, #tpu.memory_space<vmem>>, vector<16xi32>,
    %swap3A_70 = vector.shape_cast %swap3A_69 : vector<16xi32> to vector<16xi32>
    %swap3A_71 = vector.shape_cast %get3A_67 : vector<16xi32> to vector<16xi32>
    tpu.vector_store %arg9[%swap3A_68], %swap3A_71 {strides = array<i32>} : memref<64xi32, #tpu.memory_space<vmem>>, vector<16xi32>,
    %dma_start3A_72 = arith.constant 0 : i32
    %dma_start3A_73 = arith.constant 0 : i32
    %dma_start3A_74 = tpu.memref_slice %arg6[%dma_start3A_72, %dma_start3A_73] : memref<10240x128xf32, #tpu.memory_space<vmem_shared>> -> memref<10240x128xf32, #tpu.memory_space<vmem_shared>>
    tpu.enqueue_indirect_dma source(%arg11 : memref<64x128xf32, #tpu.memory_space<vmem>>) target(%dma_start3A_74 : memref<10240x128xf32, #tpu.memory_space<vmem_shared>>) offsets(%arg9 : memref<64xi32, #tpu.memory_space<vmem>>) semaphore(%arg14 : memref<!tpu.dma_semaphore, #tpu.memory_space<semaphore_mem>>) {add = true}
    %dma_wait3A = arith.constant 0 : i32
    %dma_wait3A_75 = arith.constant 0 : i32
    %dma_wait3A_76 = tpu.memref_slice %arg6[%dma_wait3A, %dma_wait3A_75] : memref<10240x128xf32, #tpu.memory_space<vmem_shared>> -> memref<10240x128xf32, #tpu.memory_space<vmem_shared>>
    tpu.wait_indirect_dma semaphore(%arg13 : memref<!tpu.dma_semaphore, #tpu.memory_space<semaphore_mem>>) src(%arg11 : memref<64x128xf32, #tpu.memory_space<vmem>>) dst(%dma_wait3A_76 : memref<10240x128xf32, #tpu.memory_space<vmem_shared>>)
    %dma_wait3A_77 = arith.constant 0 : i32
    %dma_wait3A_78 = arith.constant 0 : i32
    %dma_wait3A_79 = tpu.memref_slice %arg6[%dma_wait3A_77, %dma_wait3A_78] : memref<10240x128xf32, #tpu.memory_space<vmem_shared>> -> memref<10240x128xf32, #tpu.memory_space<vmem_shared>>
    tpu.wait_indirect_dma semaphore(%arg14 : memref<!tpu.dma_semaphore, #tpu.memory_space<semaphore_mem>>) src(%arg11 : memref<64x128xf32, #tpu.memory_space<vmem>>) dst(%dma_wait3A_79 : memref<10240x128xf32, #tpu.memory_space<vmem_shared>>)
    %barrier3A_80 = arith.constant 0 : index
    tpu.barrier barrier_id(%barrier3A_80)
    %scan3A_81 = arith.constant 0 : i32
    %scan3A_82 = arith.constant 0 : i32
    %scan3A_83 = arith.constant 10 : i32
    %scan3A_84 = arith.addi %scan3A_82, %scan3A_83 : i32
    %scan3A_85 = arith.constant 1 : i32
    scf.for %scan3A_87 = %scan3A_82 to %scan3A_84 step %scan3A_85  : i32 {
      %mul3A_88 = arith.constant 64 : i32
      %mul3A_89 = arith.muli %scan3A_87, %mul3A_88 : i32
      %add3A_90 = arith.addi %mul3A_0, %mul3A_89 : i32
      %add3A_91 = arith.constant 0 : i32
      %add3A_92 = arith.addi %add3A_90, %add3A_91 : i32
      %add3A_93 = vector.broadcast %add3A_92 : i32 to vector<16xi32>
      %add3A_94 = arith.addi %iota3A, %add3A_93 : vector<16xi32>
      %swap3A_95 = arith.constant 0 : index
      %swap3A_96 = tpu.vector_load %arg10[%swap3A_95] {strides = array<i32>} : memref<64xi32, #tpu.memory_space<vmem>>, vector<16xi32>,
      %swap3A_97 = vector.shape_cast %swap3A_96 : vector<16xi32> to vector<16xi32>
      %swap3A_98 = vector.shape_cast %add3A_94 : vector<16xi32> to vector<16xi32>
      tpu.vector_store %arg10[%swap3A_95], %swap3A_98 {strides = array<i32>} : memref<64xi32, #tpu.memory_space<vmem>>, vector<16xi32>,
      %add3A_99 = arith.constant 16 : i32
      %add3A_100 = arith.addi %add3A_90, %add3A_99 : i32
      %add3A_101 = vector.broadcast %add3A_100 : i32 to vector<16xi32>
      %add3A_102 = arith.addi %iota3A, %add3A_101 : vector<16xi32>
      %swap3A_103 = arith.constant 16 : index
      %swap3A_104 = tpu.vector_load %arg10[%swap3A_103] {strides = array<i32>} : memref<64xi32, #tpu.memory_space<vmem>>, vector<16xi32>,
      %swap3A_105 = vector.shape_cast %swap3A_104 : vector<16xi32> to vector<16xi32>
      %swap3A_106 = vector.shape_cast %add3A_102 : vector<16xi32> to vector<16xi32>
      tpu.vector_store %arg10[%swap3A_103], %swap3A_106 {strides = array<i32>} : memref<64xi32, #tpu.memory_space<vmem>>, vector<16xi32>,
      %add3A_107 = arith.constant 32 : i32
      %add3A_108 = arith.addi %add3A_90, %add3A_107 : i32
      %add3A_109 = vector.broadcast %add3A_108 : i32 to vector<16xi32>
      %add3A_110 = arith.addi %iota3A, %add3A_109 : vector<16xi32>
      %swap3A_111 = arith.constant 32 : index
      %swap3A_112 = tpu.vector_load %arg10[%swap3A_111] {strides = array<i32>} : memref<64xi32, #tpu.memory_space<vmem>>, vector<16xi32>,
      %swap3A_113 = vector.shape_cast %swap3A_112 : vector<16xi32> to vector<16xi32>
      %swap3A_114 = vector.shape_cast %add3A_110 : vector<16xi32> to vector<16xi32>
      tpu.vector_store %arg10[%swap3A_111], %swap3A_114 {strides = array<i32>} : memref<64xi32, #tpu.memory_space<vmem>>, vector<16xi32>,
      %add3A_115 = arith.constant 48 : i32
      %add3A_116 = arith.addi %add3A_90, %add3A_115 : i32
      %add3A_117 = vector.broadcast %add3A_116 : i32 to vector<16xi32>
      %add3A_118 = arith.addi %iota3A, %add3A_117 : vector<16xi32>
      %swap3A_119 = arith.constant 48 : index
      %swap3A_120 = tpu.vector_load %arg10[%swap3A_119] {strides = array<i32>} : memref<64xi32, #tpu.memory_space<vmem>>, vector<16xi32>,
      %swap3A_121 = vector.shape_cast %swap3A_120 : vector<16xi32> to vector<16xi32>
      %swap3A_122 = vector.shape_cast %add3A_118 : vector<16xi32> to vector<16xi32>
      tpu.vector_store %arg10[%swap3A_119], %swap3A_122 {strides = array<i32>} : memref<64xi32, #tpu.memory_space<vmem>>, vector<16xi32>,
      %dma_start3A_123 = arith.constant 0 : i32
      %dma_start3A_124 = arith.constant 0 : i32
      %dma_start3A_125 = tpu.memref_slice %arg6[%dma_start3A_123, %dma_start3A_124] : memref<10240x128xf32, #tpu.memory_space<vmem_shared>> -> memref<10240x128xf32, #tpu.memory_space<vmem_shared>>
      tpu.enqueue_indirect_dma source(%dma_start3A_125 : memref<10240x128xf32, #tpu.memory_space<vmem_shared>>) target(%arg12 : memref<64x128xf32, #tpu.memory_space<vmem>>) offsets(%arg10 : memref<64xi32, #tpu.memory_space<vmem>>) semaphore(%arg13 : memref<!tpu.dma_semaphore, #tpu.memory_space<semaphore_mem>>)
      %dma_wait3A_126 = arith.constant 0 : i32
      %dma_wait3A_127 = arith.constant 0 : i32
      %dma_wait3A_128 = tpu.memref_slice %arg6[%dma_wait3A_126, %dma_wait3A_127] : memref<10240x128xf32, #tpu.memory_space<vmem_shared>> -> memref<10240x128xf32, #tpu.memory_space<vmem_shared>>
      tpu.wait_indirect_dma semaphore(%arg13 : memref<!tpu.dma_semaphore, #tpu.memory_space<semaphore_mem>>) src(%dma_wait3A_128 : memref<10240x128xf32, #tpu.memory_space<vmem_shared>>) dst(%arg12 : memref<64x128xf32, #tpu.memory_space<vmem>>)
      %mul3A_129 = arith.constant 10240 : i32
      %mul3A_130 = arith.muli %arg0, %mul3A_129 : i32
      %add3A_131 = arith.addi %mul3A_130, %mul3A_0 : i32
      %mul3A_132 = arith.constant 64 : i32
      %mul3A_133 = arith.muli %scan3A_87, %mul3A_132 : i32
      %add3A_134 = arith.addi %add3A_131, %mul3A_133 : i32
      "tpu.region"() ({
        %run_scoped3A = tpu.sem_alloc : memref<!tpu.dma_semaphore, #tpu.memory_space<semaphore_mem>>
        %dma_start3A_135 = arith.constant 0 : i32
        %dma_start3A_136 = tpu.memref_slice %arg5[%add3A_134, %dma_start3A_135] : memref<20480x128xf32, #tpu.memory_space<hbm>> -> memref<64x128xf32, #tpu.memory_space<hbm>>
        %dma_start3A_137 = arith.constant 0 : i32
        %dma_start3A_138 = tpu.memref_slice %arg5[%add3A_134, %dma_start3A_137] : memref<20480x128xf32, #tpu.memory_space<hbm>> -> memref<64x128xf32, #tpu.memory_space<hbm>>
        tpu.enqueue_dma source(%arg12 : memref<64x128xf32, #tpu.memory_space<vmem>>) target(%dma_start3A_138 : memref<64x128xf32, #tpu.memory_space<hbm>>) target_semaphore(%run_scoped3A : memref<!tpu.dma_semaphore, #tpu.memory_space<semaphore_mem>>)
        %dma_wait3A_139 = arith.constant 0 : i32
        %dma_wait3A_140 = tpu.memref_slice %arg5[%add3A_134, %dma_wait3A_139] : memref<20480x128xf32, #tpu.memory_space<hbm>> -> memref<64x128xf32, #tpu.memory_space<hbm>>
        %dma_wait3A_141 = arith.constant 0 : i32
        %dma_wait3A_142 = tpu.memref_slice %arg5[%add3A_134, %dma_wait3A_141] : memref<20480x128xf32, #tpu.memory_space<hbm>> -> memref<64x128xf32, #tpu.memory_space<hbm>>
        tpu.wait_dma2 semaphore(%run_scoped3A : memref<!tpu.dma_semaphore, #tpu.memory_space<semaphore_mem>>) src(%arg12 : memref<64x128xf32, #tpu.memory_space<vmem>>) dst(%dma_wait3A_142 : memref<64x128xf32, #tpu.memory_space<hbm>>)
        tpu.yield
      }) : () -> ()
    }
    %scan3A_86 = arith.constant 10 : i32
    return
  }
}

#map = affine_map<(d0, d1) -> (0, 0)>
#map1 = affine_map<(d0, d1) -> (0)>
module attributes {stable_mosaic.version = 14 : i64} {
  func.func @sc_seg_sum_16384_1024(%arg0: i32, %arg1: i32, %arg2: memref<20480x128xf32, #tpu.memory_space<hbm>>, %arg3: memref<16384xi32, #tpu.memory_space<hbm>>, %arg4: memref<16384xi32, #tpu.memory_space<hbm>>, %arg5: memref<64x128xf32, #tpu.memory_space<hbm>>, %arg6: memref<2048x128xf32, #tpu.memory_space<hbm>>, %arg7: memref<1024x128xf32, #tpu.memory_space<vmem_shared>>, %arg8: memref<1024xi32, #tpu.memory_space<vmem>>, %arg9: memref<1024xi32, #tpu.memory_space<vmem>>, %arg10: memref<64xi32, #tpu.memory_space<vmem>>, %arg11: memref<64xi32, #tpu.memory_space<vmem>>, %arg12: memref<64xi32, #tpu.memory_space<vmem>>, %arg13: memref<64xi32, #tpu.memory_space<vmem>>, %arg14: memref<64xi32, #tpu.memory_space<vmem>>, %arg15: memref<64x128xf32, #tpu.memory_space<vmem>>, %arg16: memref<64x128xf32, #tpu.memory_space<vmem>>, %arg17: memref<64x128xf32, #tpu.memory_space<vmem>>, %arg18: memref<!tpu.dma_semaphore, #tpu.memory_space<semaphore_mem>>, %arg19: memref<!tpu.dma_semaphore, #tpu.memory_space<semaphore_mem>>) attributes {dimension_semantics = [#tpu.dimension_semantics<core_parallel>, #tpu.dimension_semantics<subcore_parallel>], iteration_bounds = array<i64: 2, 16>, scalar_prefetch = 0 : i64, scratch_operands = 13 : i64, tpu.core_type = #tpu.core_type<sc_vector_subcore>, window_params = [{transform_indices = #map}, {transform_indices = #map1}, {transform_indices = #map1}, {transform_indices = #map}, {transform_indices = #map}]} {
    %mul3A = arith.constant 64 : i32
    %mul3A_0 = arith.muli %arg1, %mul3A : i32
    %iota3A = tpu.iota {dimensions = array<i32: 0>} : vector<16xi32>
    %mul3A_1 = arith.constant 1024 : i32
    %mul3A_2 = arith.muli %arg1, %mul3A_1 : i32
    "tpu.region"() ({
      %run_scoped3A = tpu.sem_alloc : memref<!tpu.dma_semaphore, #tpu.memory_space<semaphore_mem>>
      %dma_start3A_256 = tpu.memref_slice %arg3[%mul3A_2] : memref<16384xi32, #tpu.memory_space<hbm>> -> memref<1024xi32, #tpu.memory_space<hbm>>
      %dma_start3A_257 = tpu.memref_slice %arg3[%mul3A_2] : memref<16384xi32, #tpu.memory_space<hbm>> -> memref<1024xi32, #tpu.memory_space<hbm>>
      tpu.enqueue_dma source(%dma_start3A_257 : memref<1024xi32, #tpu.memory_space<hbm>>) target(%arg8 : memref<1024xi32, #tpu.memory_space<vmem>>) target_semaphore(%run_scoped3A : memref<!tpu.dma_semaphore, #tpu.memory_space<semaphore_mem>>)
      %dma_wait3A_258 = tpu.memref_slice %arg3[%mul3A_2] : memref<16384xi32, #tpu.memory_space<hbm>> -> memref<1024xi32, #tpu.memory_space<hbm>>
      %dma_wait3A_259 = tpu.memref_slice %arg3[%mul3A_2] : memref<16384xi32, #tpu.memory_space<hbm>> -> memref<1024xi32, #tpu.memory_space<hbm>>
      tpu.wait_dma2 semaphore(%run_scoped3A : memref<!tpu.dma_semaphore, #tpu.memory_space<semaphore_mem>>) src(%dma_wait3A_259 : memref<1024xi32, #tpu.memory_space<hbm>>) dst(%arg8 : memref<1024xi32, #tpu.memory_space<vmem>>)
      tpu.yield
    }) : () -> ()
    "tpu.region"() ({
      %run_scoped3A = tpu.sem_alloc : memref<!tpu.dma_semaphore, #tpu.memory_space<semaphore_mem>>
      %dma_start3A_256 = tpu.memref_slice %arg4[%mul3A_2] : memref<16384xi32, #tpu.memory_space<hbm>> -> memref<1024xi32, #tpu.memory_space<hbm>>
      %dma_start3A_257 = tpu.memref_slice %arg4[%mul3A_2] : memref<16384xi32, #tpu.memory_space<hbm>> -> memref<1024xi32, #tpu.memory_space<hbm>>
      tpu.enqueue_dma source(%dma_start3A_257 : memref<1024xi32, #tpu.memory_space<hbm>>) target(%arg9 : memref<1024xi32, #tpu.memory_space<vmem>>) target_semaphore(%run_scoped3A : memref<!tpu.dma_semaphore, #tpu.memory_space<semaphore_mem>>)
      %dma_wait3A_258 = tpu.memref_slice %arg4[%mul3A_2] : memref<16384xi32, #tpu.memory_space<hbm>> -> memref<1024xi32, #tpu.memory_space<hbm>>
      %dma_wait3A_259 = tpu.memref_slice %arg4[%mul3A_2] : memref<16384xi32, #tpu.memory_space<hbm>> -> memref<1024xi32, #tpu.memory_space<hbm>>
      tpu.wait_dma2 semaphore(%run_scoped3A : memref<!tpu.dma_semaphore, #tpu.memory_space<semaphore_mem>>) src(%dma_wait3A_259 : memref<1024xi32, #tpu.memory_space<hbm>>) dst(%arg9 : memref<1024xi32, #tpu.memory_space<vmem>>)
      tpu.yield
    }) : () -> ()
    "tpu.region"() ({
      %run_scoped3A = tpu.sem_alloc : memref<!tpu.dma_semaphore, #tpu.memory_space<semaphore_mem>>
      tpu.enqueue_dma source(%arg5 : memref<64x128xf32, #tpu.memory_space<hbm>>) target(%arg17 : memref<64x128xf32, #tpu.memory_space<vmem>>) target_semaphore(%run_scoped3A : memref<!tpu.dma_semaphore, #tpu.memory_space<semaphore_mem>>)
      tpu.wait_dma2 semaphore(%run_scoped3A : memref<!tpu.dma_semaphore, #tpu.memory_space<semaphore_mem>>) src(%arg5 : memref<64x128xf32, #tpu.memory_space<hbm>>) dst(%arg17 : memref<64x128xf32, #tpu.memory_space<vmem>>)
      tpu.yield
    }) : () -> ()
    %scan3A = arith.constant 0 : i32
    %scan3A_3 = arith.constant 0 : i32
    %mul3A_4 = arith.constant 64 : i32
    %mul3A_5 = arith.muli %scan3A_3, %mul3A_4 : i32
    %add3A = arith.addi %mul3A_0, %mul3A_5 : i32
    %add3A_6 = arith.constant 0 : i32
    %add3A_7 = arith.addi %add3A, %add3A_6 : i32
    %add3A_8 = vector.broadcast %add3A_7 : i32 to vector<16xi32>
    %add3A_9 = arith.addi %iota3A, %add3A_8 : vector<16xi32>
    %swap3A = arith.constant 0 : index
    %swap3A_10 = tpu.vector_load %arg14[%swap3A] {strides = array<i32>} : memref<64xi32, #tpu.memory_space<vmem>>, vector<16xi32>,
    %swap3A_11 = vector.shape_cast %swap3A_10 : vector<16xi32> to vector<16xi32>
    %swap3A_12 = vector.shape_cast %add3A_9 : vector<16xi32> to vector<16xi32>
    tpu.vector_store %arg14[%swap3A], %swap3A_12 {strides = array<i32>} : memref<64xi32, #tpu.memory_space<vmem>>, vector<16xi32>,
    %add3A_13 = arith.constant 16 : i32
    %add3A_14 = arith.addi %add3A, %add3A_13 : i32
    %add3A_15 = vector.broadcast %add3A_14 : i32 to vector<16xi32>
    %add3A_16 = arith.addi %iota3A, %add3A_15 : vector<16xi32>
    %swap3A_17 = arith.constant 16 : index
    %swap3A_18 = tpu.vector_load %arg14[%swap3A_17] {strides = array<i32>} : memref<64xi32, #tpu.memory_space<vmem>>, vector<16xi32>,
    %swap3A_19 = vector.shape_cast %swap3A_18 : vector<16xi32> to vector<16xi32>
    %swap3A_20 = vector.shape_cast %add3A_16 : vector<16xi32> to vector<16xi32>
    tpu.vector_store %arg14[%swap3A_17], %swap3A_20 {strides = array<i32>} : memref<64xi32, #tpu.memory_space<vmem>>, vector<16xi32>,
    %add3A_21 = arith.constant 32 : i32
    %add3A_22 = arith.addi %add3A, %add3A_21 : i32
    %add3A_23 = vector.broadcast %add3A_22 : i32 to vector<16xi32>
    %add3A_24 = arith.addi %iota3A, %add3A_23 : vector<16xi32>
    %swap3A_25 = arith.constant 32 : index
    %swap3A_26 = tpu.vector_load %arg14[%swap3A_25] {strides = array<i32>} : memref<64xi32, #tpu.memory_space<vmem>>, vector<16xi32>,
    %swap3A_27 = vector.shape_cast %swap3A_26 : vector<16xi32> to vector<16xi32>
    %swap3A_28 = vector.shape_cast %add3A_24 : vector<16xi32> to vector<16xi32>
    tpu.vector_store %arg14[%swap3A_25], %swap3A_28 {strides = array<i32>} : memref<64xi32, #tpu.memory_space<vmem>>, vector<16xi32>,
    %add3A_29 = arith.constant 48 : i32
    %add3A_30 = arith.addi %add3A, %add3A_29 : i32
    %add3A_31 = vector.broadcast %add3A_30 : i32 to vector<16xi32>
    %add3A_32 = arith.addi %iota3A, %add3A_31 : vector<16xi32>
    %swap3A_33 = arith.constant 48 : index
    %swap3A_34 = tpu.vector_load %arg14[%swap3A_33] {strides = array<i32>} : memref<64xi32, #tpu.memory_space<vmem>>, vector<16xi32>,
    %swap3A_35 = vector.shape_cast %swap3A_34 : vector<16xi32> to vector<16xi32>
    %swap3A_36 = vector.shape_cast %add3A_32 : vector<16xi32> to vector<16xi32>
    tpu.vector_store %arg14[%swap3A_33], %swap3A_36 {strides = array<i32>} : memref<64xi32, #tpu.memory_space<vmem>>, vector<16xi32>,
    "tpu.region"() ({
      %run_scoped3A = tpu.sem_alloc : memref<!tpu.dma_semaphore, #tpu.memory_space<semaphore_mem>>
      %dma_start3A_256 = arith.constant 0 : i32
      %dma_start3A_257 = arith.constant 0 : i32
      %dma_start3A_258 = tpu.memref_slice %arg7[%dma_start3A_256, %dma_start3A_257] : memref<1024x128xf32, #tpu.memory_space<vmem_shared>> -> memref<1024x128xf32, #tpu.memory_space<vmem_shared>>
      tpu.enqueue_indirect_dma source(%arg17 : memref<64x128xf32, #tpu.memory_space<vmem>>) target(%dma_start3A_258 : memref<1024x128xf32, #tpu.memory_space<vmem_shared>>) offsets(%arg14 : memref<64xi32, #tpu.memory_space<vmem>>) semaphore(%run_scoped3A : memref<!tpu.dma_semaphore, #tpu.memory_space<semaphore_mem>>)
      %dma_wait3A_259 = arith.constant 0 : i32
      %dma_wait3A_260 = arith.constant 0 : i32
      %dma_wait3A_261 = tpu.memref_slice %arg7[%dma_wait3A_259, %dma_wait3A_260] : memref<1024x128xf32, #tpu.memory_space<vmem_shared>> -> memref<1024x128xf32, #tpu.memory_space<vmem_shared>>
      tpu.wait_indirect_dma semaphore(%run_scoped3A : memref<!tpu.dma_semaphore, #tpu.memory_space<semaphore_mem>>) src(%arg17 : memref<64x128xf32, #tpu.memory_space<vmem>>) dst(%dma_wait3A_261 : memref<1024x128xf32, #tpu.memory_space<vmem_shared>>)
      tpu.yield
    }) : () -> ()
    %scan3A_37 = arith.constant 1 : i32
    %barrier3A = arith.constant 0 : index
    tpu.barrier barrier_id(%barrier3A)
    %get3A = arith.constant 0 : index
    %get3A_38 = tpu.vector_load %arg8[%get3A] {strides = array<i32>} : memref<1024xi32, #tpu.memory_space<vmem>>, vector<16xi32>,
    %get3A_39 = vector.shape_cast %get3A_38 : vector<16xi32> to vector<16xi32>
    %mul3A_40 = arith.constant 2 : i32
    %mul3A_41 = vector.broadcast %mul3A_40 : i32 to vector<16xi32>
    %mul3A_42 = arith.muli %get3A_39, %mul3A_41 : vector<16xi32>
    %add3A_43 = vector.broadcast %arg0 : i32 to vector<16xi32>
    %add3A_44 = arith.addi %mul3A_42, %add3A_43 : vector<16xi32>
    %swap3A_45 = arith.constant 0 : index
    %swap3A_46 = tpu.vector_load %arg10[%swap3A_45] {strides = array<i32>} : memref<64xi32, #tpu.memory_space<vmem>>, vector<16xi32>,
    %swap3A_47 = vector.shape_cast %swap3A_46 : vector<16xi32> to vector<16xi32>
    %swap3A_48 = vector.shape_cast %add3A_44 : vector<16xi32> to vector<16xi32>
    tpu.vector_store %arg10[%swap3A_45], %swap3A_48 {strides = array<i32>} : memref<64xi32, #tpu.memory_space<vmem>>, vector<16xi32>,
    %get3A_49 = arith.constant 0 : index
    %get3A_50 = tpu.vector_load %arg9[%get3A_49] {strides = array<i32>} : memref<1024xi32, #tpu.memory_space<vmem>>, vector<16xi32>,
    %get3A_51 = vector.shape_cast %get3A_50 : vector<16xi32> to vector<16xi32>
    %swap3A_52 = arith.constant 0 : index
    %swap3A_53 = tpu.vector_load %arg12[%swap3A_52] {strides = array<i32>} : memref<64xi32, #tpu.memory_space<vmem>>, vector<16xi32>,
    %swap3A_54 = vector.shape_cast %swap3A_53 : vector<16xi32> to vector<16xi32>
    %swap3A_55 = vector.shape_cast %get3A_51 : vector<16xi32> to vector<16xi32>
    tpu.vector_store %arg12[%swap3A_52], %swap3A_55 {strides = array<i32>} : memref<64xi32, #tpu.memory_space<vmem>>, vector<16xi32>,
    %get3A_56 = arith.constant 16 : index
    %get3A_57 = tpu.vector_load %arg8[%get3A_56] {strides = array<i32>} : memref<1024xi32, #tpu.memory_space<vmem>>, vector<16xi32>,
    %get3A_58 = vector.shape_cast %get3A_57 : vector<16xi32> to vector<16xi32>
    %mul3A_59 = arith.constant 2 : i32
    %mul3A_60 = vector.broadcast %mul3A_59 : i32 to vector<16xi32>
    %mul3A_61 = arith.muli %get3A_58, %mul3A_60 : vector<16xi32>
    %add3A_62 = vector.broadcast %arg0 : i32 to vector<16xi32>
    %add3A_63 = arith.addi %mul3A_61, %add3A_62 : vector<16xi32>
    %swap3A_64 = arith.constant 16 : index
    %swap3A_65 = tpu.vector_load %arg10[%swap3A_64] {strides = array<i32>} : memref<64xi32, #tpu.memory_space<vmem>>, vector<16xi32>,
    %swap3A_66 = vector.shape_cast %swap3A_65 : vector<16xi32> to vector<16xi32>
    %swap3A_67 = vector.shape_cast %add3A_63 : vector<16xi32> to vector<16xi32>
    tpu.vector_store %arg10[%swap3A_64], %swap3A_67 {strides = array<i32>} : memref<64xi32, #tpu.memory_space<vmem>>, vector<16xi32>,
    %get3A_68 = arith.constant 16 : index
    %get3A_69 = tpu.vector_load %arg9[%get3A_68] {strides = array<i32>} : memref<1024xi32, #tpu.memory_space<vmem>>, vector<16xi32>,
    %get3A_70 = vector.shape_cast %get3A_69 : vector<16xi32> to vector<16xi32>
    %swap3A_71 = arith.constant 16 : index
    %swap3A_72 = tpu.vector_load %arg12[%swap3A_71] {strides = array<i32>} : memref<64xi32, #tpu.memory_space<vmem>>, vector<16xi32>,
    %swap3A_73 = vector.shape_cast %swap3A_72 : vector<16xi32> to vector<16xi32>
    %swap3A_74 = vector.shape_cast %get3A_70 : vector<16xi32> to vector<16xi32>
    tpu.vector_store %arg12[%swap3A_71], %swap3A_74 {strides = array<i32>} : memref<64xi32, #tpu.memory_space<vmem>>, vector<16xi32>,
    %get3A_75 = arith.constant 32 : index
    %get3A_76 = tpu.vector_load %arg8[%get3A_75] {strides = array<i32>} : memref<1024xi32, #tpu.memory_space<vmem>>, vector<16xi32>,
    %get3A_77 = vector.shape_cast %get3A_76 : vector<16xi32> to vector<16xi32>
    %mul3A_78 = arith.constant 2 : i32
    %mul3A_79 = vector.broadcast %mul3A_78 : i32 to vector<16xi32>
    %mul3A_80 = arith.muli %get3A_77, %mul3A_79 : vector<16xi32>
    %add3A_81 = vector.broadcast %arg0 : i32 to vector<16xi32>
    %add3A_82 = arith.addi %mul3A_80, %add3A_81 : vector<16xi32>
    %swap3A_83 = arith.constant 32 : index
    %swap3A_84 = tpu.vector_load %arg10[%swap3A_83] {strides = array<i32>} : memref<64xi32, #tpu.memory_space<vmem>>, vector<16xi32>,
    %swap3A_85 = vector.shape_cast %swap3A_84 : vector<16xi32> to vector<16xi32>
    %swap3A_86 = vector.shape_cast %add3A_82 : vector<16xi32> to vector<16xi32>
    tpu.vector_store %arg10[%swap3A_83], %swap3A_86 {strides = array<i32>} : memref<64xi32, #tpu.memory_space<vmem>>, vector<16xi32>,
    %get3A_87 = arith.constant 32 : index
    %get3A_88 = tpu.vector_load %arg9[%get3A_87] {strides = array<i32>} : memref<1024xi32, #tpu.memory_space<vmem>>, vector<16xi32>,
    %get3A_89 = vector.shape_cast %get3A_88 : vector<16xi32> to vector<16xi32>
    %swap3A_90 = arith.constant 32 : index
    %swap3A_91 = tpu.vector_load %arg12[%swap3A_90] {strides = array<i32>} : memref<64xi32, #tpu.memory_space<vmem>>, vector<16xi32>,
    %swap3A_92 = vector.shape_cast %swap3A_91 : vector<16xi32> to vector<16xi32>
    %swap3A_93 = vector.shape_cast %get3A_89 : vector<16xi32> to vector<16xi32>
    tpu.vector_store %arg12[%swap3A_90], %swap3A_93 {strides = array<i32>} : memref<64xi32, #tpu.memory_space<vmem>>, vector<16xi32>,
    %get3A_94 = arith.constant 48 : index
    %get3A_95 = tpu.vector_load %arg8[%get3A_94] {strides = array<i32>} : memref<1024xi32, #tpu.memory_space<vmem>>, vector<16xi32>,
    %get3A_96 = vector.shape_cast %get3A_95 : vector<16xi32> to vector<16xi32>
    %mul3A_97 = arith.constant 2 : i32
    %mul3A_98 = vector.broadcast %mul3A_97 : i32 to vector<16xi32>
    %mul3A_99 = arith.muli %get3A_96, %mul3A_98 : vector<16xi32>
    %add3A_100 = vector.broadcast %arg0 : i32 to vector<16xi32>
    %add3A_101 = arith.addi %mul3A_99, %add3A_100 : vector<16xi32>
    %swap3A_102 = arith.constant 48 : index
    %swap3A_103 = tpu.vector_load %arg10[%swap3A_102] {strides = array<i32>} : memref<64xi32, #tpu.memory_space<vmem>>, vector<16xi32>,
    %swap3A_104 = vector.shape_cast %swap3A_103 : vector<16xi32> to vector<16xi32>
    %swap3A_105 = vector.shape_cast %add3A_101 : vector<16xi32> to vector<16xi32>
    tpu.vector_store %arg10[%swap3A_102], %swap3A_105 {strides = array<i32>} : memref<64xi32, #tpu.memory_space<vmem>>, vector<16xi32>,
    %get3A_106 = arith.constant 48 : index
    %get3A_107 = tpu.vector_load %arg9[%get3A_106] {strides = array<i32>} : memref<1024xi32, #tpu.memory_space<vmem>>, vector<16xi32>,
    %get3A_108 = vector.shape_cast %get3A_107 : vector<16xi32> to vector<16xi32>
    %swap3A_109 = arith.constant 48 : index
    %swap3A_110 = tpu.vector_load %arg12[%swap3A_109] {strides = array<i32>} : memref<64xi32, #tpu.memory_space<vmem>>, vector<16xi32>,
    %swap3A_111 = vector.shape_cast %swap3A_110 : vector<16xi32> to vector<16xi32>
    %swap3A_112 = vector.shape_cast %get3A_108 : vector<16xi32> to vector<16xi32>
    tpu.vector_store %arg12[%swap3A_109], %swap3A_112 {strides = array<i32>} : memref<64xi32, #tpu.memory_space<vmem>>, vector<16xi32>,
    %dma_start3A = arith.constant 0 : i32
    %dma_start3A_113 = arith.constant 0 : i32
    %dma_start3A_114 = tpu.memref_slice %arg2[%dma_start3A, %dma_start3A_113] : memref<20480x128xf32, #tpu.memory_space<hbm>> -> memref<20480x128xf32, #tpu.memory_space<hbm>>
    tpu.enqueue_indirect_dma source(%dma_start3A_114 : memref<20480x128xf32, #tpu.memory_space<hbm>>) target(%arg15 : memref<64x128xf32, #tpu.memory_space<vmem>>) offsets(%arg10 : memref<64xi32, #tpu.memory_space<vmem>>) semaphore(%arg18 : memref<!tpu.dma_semaphore, #tpu.memory_space<semaphore_mem>>)
    %scan3A_115 = arith.constant 0 : i32
    %scan3A_116 = arith.constant 0 : i32
    %scan3A_117 = arith.constant 7 : i32
    %scan3A_118 = arith.addi %scan3A_116, %scan3A_117 : i32
    %scan3A_119 = arith.constant 1 : i32
    scf.for %scan3A_256 = %scan3A_116 to %scan3A_118 step %scan3A_119  : i32 {
      %mul3A_257 = arith.constant 2 : i32
      %mul3A_258 = arith.muli %scan3A_256, %mul3A_257 : i32
      %add3A_259 = arith.constant 1 : i32
      %add3A_260 = arith.addi %mul3A_258, %add3A_259 : i32
      %mul3A_261 = arith.constant 64 : i32
      %mul3A_262 = arith.muli %add3A_260, %mul3A_261 : i32
      %add3A_263 = arith.constant 0 : i32
      %add3A_264 = arith.addi %mul3A_262, %add3A_263 : i32
      %get3A_265 = arith.index_cast %add3A_264 : i32 to index
      %get3A_266 = tpu.vector_load %arg8[%get3A_265] {strides = array<i32>} : memref<1024xi32, #tpu.memory_space<vmem>>, vector<16xi32>,
      %get3A_267 = vector.shape_cast %get3A_266 : vector<16xi32> to vector<16xi32>
      %mul3A_268 = arith.constant 2 : i32
      %mul3A_269 = vector.broadcast %mul3A_268 : i32 to vector<16xi32>
      %mul3A_270 = arith.muli %get3A_267, %mul3A_269 : vector<16xi32>
      %add3A_271 = vector.broadcast %arg0 : i32 to vector<16xi32>
      %add3A_272 = arith.addi %mul3A_270, %add3A_271 : vector<16xi32>
      %swap3A_273 = arith.constant 0 : index
      %swap3A_274 = tpu.vector_load %arg11[%swap3A_273] {strides = array<i32>} : memref<64xi32, #tpu.memory_space<vmem>>, vector<16xi32>,
      %swap3A_275 = vector.shape_cast %swap3A_274 : vector<16xi32> to vector<16xi32>
      %swap3A_276 = vector.shape_cast %add3A_272 : vector<16xi32> to vector<16xi32>
      tpu.vector_store %arg11[%swap3A_273], %swap3A_276 {strides = array<i32>} : memref<64xi32, #tpu.memory_space<vmem>>, vector<16xi32>,
      %get3A_277 = arith.index_cast %add3A_264 : i32 to index
      %get3A_278 = tpu.vector_load %arg9[%get3A_277] {strides = array<i32>} : memref<1024xi32, #tpu.memory_space<vmem>>, vector<16xi32>,
      %get3A_279 = vector.shape_cast %get3A_278 : vector<16xi32> to vector<16xi32>
      %swap3A_280 = arith.constant 0 : index
      %swap3A_281 = tpu.vector_load %arg13[%swap3A_280] {strides = array<i32>} : memref<64xi32, #tpu.memory_space<vmem>>, vector<16xi32>,
      %swap3A_282 = vector.shape_cast %swap3A_281 : vector<16xi32> to vector<16xi32>
      %swap3A_283 = vector.shape_cast %get3A_279 : vector<16xi32> to vector<16xi32>
      tpu.vector_store %arg13[%swap3A_280], %swap3A_283 {strides = array<i32>} : memref<64xi32, #tpu.memory_space<vmem>>, vector<16xi32>,
      %add3A_284 = arith.constant 16 : i32
      %add3A_285 = arith.addi %mul3A_262, %add3A_284 : i32
      %get3A_286 = arith.index_cast %add3A_285 : i32 to index
      %get3A_287 = tpu.vector_load %arg8[%get3A_286] {strides = array<i32>} : memref<1024xi32, #tpu.memory_space<vmem>>, vector<16xi32>,
      %get3A_288 = vector.shape_cast %get3A_287 : vector<16xi32> to vector<16xi32>
      %mul3A_289 = arith.constant 2 : i32
      %mul3A_290 = vector.broadcast %mul3A_289 : i32 to vector<16xi32>
      %mul3A_291 = arith.muli %get3A_288, %mul3A_290 : vector<16xi32>
      %add3A_292 = vector.broadcast %arg0 : i32 to vector<16xi32>
      %add3A_293 = arith.addi %mul3A_291, %add3A_292 : vector<16xi32>
      %swap3A_294 = arith.constant 16 : index
      %swap3A_295 = tpu.vector_load %arg11[%swap3A_294] {strides = array<i32>} : memref<64xi32, #tpu.memory_space<vmem>>, vector<16xi32>,
      %swap3A_296 = vector.shape_cast %swap3A_295 : vector<16xi32> to vector<16xi32>
      %swap3A_297 = vector.shape_cast %add3A_293 : vector<16xi32> to vector<16xi32>
      tpu.vector_store %arg11[%swap3A_294], %swap3A_297 {strides = array<i32>} : memref<64xi32, #tpu.memory_space<vmem>>, vector<16xi32>,
      %get3A_298 = arith.index_cast %add3A_285 : i32 to index
      %get3A_299 = tpu.vector_load %arg9[%get3A_298] {strides = array<i32>} : memref<1024xi32, #tpu.memory_space<vmem>>, vector<16xi32>,
      %get3A_300 = vector.shape_cast %get3A_299 : vector<16xi32> to vector<16xi32>
      %swap3A_301 = arith.constant 16 : index
      %swap3A_302 = tpu.vector_load %arg13[%swap3A_301] {strides = array<i32>} : memref<64xi32, #tpu.memory_space<vmem>>, vector<16xi32>,
      %swap3A_303 = vector.shape_cast %swap3A_302 : vector<16xi32> to vector<16xi32>
      %swap3A_304 = vector.shape_cast %get3A_300 : vector<16xi32> to vector<16xi32>
      tpu.vector_store %arg13[%swap3A_301], %swap3A_304 {strides = array<i32>} : memref<64xi32, #tpu.memory_space<vmem>>, vector<16xi32>,
      %add3A_305 = arith.constant 32 : i32
      %add3A_306 = arith.addi %mul3A_262, %add3A_305 : i32
      %get3A_307 = arith.index_cast %add3A_306 : i32 to index
      %get3A_308 = tpu.vector_load %arg8[%get3A_307] {strides = array<i32>} : memref<1024xi32, #tpu.memory_space<vmem>>, vector<16xi32>,
      %get3A_309 = vector.shape_cast %get3A_308 : vector<16xi32> to vector<16xi32>
      %mul3A_310 = arith.constant 2 : i32
      %mul3A_311 = vector.broadcast %mul3A_310 : i32 to vector<16xi32>
      %mul3A_312 = arith.muli %get3A_309, %mul3A_311 : vector<16xi32>
      %add3A_313 = vector.broadcast %arg0 : i32 to vector<16xi32>
      %add3A_314 = arith.addi %mul3A_312, %add3A_313 : vector<16xi32>
      %swap3A_315 = arith.constant 32 : index
      %swap3A_316 = tpu.vector_load %arg11[%swap3A_315] {strides = array<i32>} : memref<64xi32, #tpu.memory_space<vmem>>, vector<16xi32>,
      %swap3A_317 = vector.shape_cast %swap3A_316 : vector<16xi32> to vector<16xi32>
      %swap3A_318 = vector.shape_cast %add3A_314 : vector<16xi32> to vector<16xi32>
      tpu.vector_store %arg11[%swap3A_315], %swap3A_318 {strides = array<i32>} : memref<64xi32, #tpu.memory_space<vmem>>, vector<16xi32>,
      %get3A_319 = arith.index_cast %add3A_306 : i32 to index
      %get3A_320 = tpu.vector_load %arg9[%get3A_319] {strides = array<i32>} : memref<1024xi32, #tpu.memory_space<vmem>>, vector<16xi32>,
      %get3A_321 = vector.shape_cast %get3A_320 : vector<16xi32> to vector<16xi32>
      %swap3A_322 = arith.constant 32 : index
      %swap3A_323 = tpu.vector_load %arg13[%swap3A_322] {strides = array<i32>} : memref<64xi32, #tpu.memory_space<vmem>>, vector<16xi32>,
      %swap3A_324 = vector.shape_cast %swap3A_323 : vector<16xi32> to vector<16xi32>
      %swap3A_325 = vector.shape_cast %get3A_321 : vector<16xi32> to vector<16xi32>
      tpu.vector_store %arg13[%swap3A_322], %swap3A_325 {strides = array<i32>} : memref<64xi32, #tpu.memory_space<vmem>>, vector<16xi32>,
      %add3A_326 = arith.constant 48 : i32
      %add3A_327 = arith.addi %mul3A_262, %add3A_326 : i32
      %get3A_328 = arith.index_cast %add3A_327 : i32 to index
      %get3A_329 = tpu.vector_load %arg8[%get3A_328] {strides = array<i32>} : memref<1024xi32, #tpu.memory_space<vmem>>, vector<16xi32>,
      %get3A_330 = vector.shape_cast %get3A_329 : vector<16xi32> to vector<16xi32>
      %mul3A_331 = arith.constant 2 : i32
      %mul3A_332 = vector.broadcast %mul3A_331 : i32 to vector<16xi32>
      %mul3A_333 = arith.muli %get3A_330, %mul3A_332 : vector<16xi32>
      %add3A_334 = vector.broadcast %arg0 : i32 to vector<16xi32>
      %add3A_335 = arith.addi %mul3A_333, %add3A_334 : vector<16xi32>
      %swap3A_336 = arith.constant 48 : index
      %swap3A_337 = tpu.vector_load %arg11[%swap3A_336] {strides = array<i32>} : memref<64xi32, #tpu.memory_space<vmem>>, vector<16xi32>,
      %swap3A_338 = vector.shape_cast %swap3A_337 : vector<16xi32> to vector<16xi32>
      %swap3A_339 = vector.shape_cast %add3A_335 : vector<16xi32> to vector<16xi32>
      tpu.vector_store %arg11[%swap3A_336], %swap3A_339 {strides = array<i32>} : memref<64xi32, #tpu.memory_space<vmem>>, vector<16xi32>,
      %get3A_340 = arith.index_cast %add3A_327 : i32 to index
      %get3A_341 = tpu.vector_load %arg9[%get3A_340] {strides = array<i32>} : memref<1024xi32, #tpu.memory_space<vmem>>, vector<16xi32>,
      %get3A_342 = vector.shape_cast %get3A_341 : vector<16xi32> to vector<16xi32>
      %swap3A_343 = arith.constant 48 : index
      %swap3A_344 = tpu.vector_load %arg13[%swap3A_343] {strides = array<i32>} : memref<64xi32, #tpu.memory_space<vmem>>, vector<16xi32>,
      %swap3A_345 = vector.shape_cast %swap3A_344 : vector<16xi32> to vector<16xi32>
      %swap3A_346 = vector.shape_cast %get3A_342 : vector<16xi32> to vector<16xi32>
      tpu.vector_store %arg13[%swap3A_343], %swap3A_346 {strides = array<i32>} : memref<64xi32, #tpu.memory_space<vmem>>, vector<16xi32>,
      %dma_start3A_347 = arith.constant 0 : i32
      %dma_start3A_348 = arith.constant 0 : i32
      %dma_start3A_349 = tpu.memref_slice %arg2[%dma_start3A_347, %dma_start3A_348] : memref<20480x128xf32, #tpu.memory_space<hbm>> -> memref<20480x128xf32, #tpu.memory_space<hbm>>
      tpu.enqueue_indirect_dma source(%dma_start3A_349 : memref<20480x128xf32, #tpu.memory_space<hbm>>) target(%arg16 : memref<64x128xf32, #tpu.memory_space<vmem>>) offsets(%arg11 : memref<64xi32, #tpu.memory_space<vmem>>) semaphore(%arg19 : memref<!tpu.dma_semaphore, #tpu.memory_space<semaphore_mem>>)
      %dma_wait3A_350 = arith.constant 0 : i32
      %dma_wait3A_351 = arith.constant 0 : i32
      %dma_wait3A_352 = tpu.memref_slice %arg2[%dma_wait3A_350, %dma_wait3A_351] : memref<20480x128xf32, #tpu.memory_space<hbm>> -> memref<20480x128xf32, #tpu.memory_space<hbm>>
      tpu.wait_indirect_dma semaphore(%arg18 : memref<!tpu.dma_semaphore, #tpu.memory_space<semaphore_mem>>) src(%dma_wait3A_352 : memref<20480x128xf32, #tpu.memory_space<hbm>>) dst(%arg15 : memref<64x128xf32, #tpu.memory_space<vmem>>)
      "tpu.region"() ({
        %run_scoped3A = tpu.sem_alloc : memref<!tpu.dma_semaphore, #tpu.memory_space<semaphore_mem>>
        %dma_start3A_447 = arith.constant 0 : i32
        %dma_start3A_448 = arith.constant 0 : i32
        %dma_start3A_449 = tpu.memref_slice %arg7[%dma_start3A_447, %dma_start3A_448] : memref<1024x128xf32, #tpu.memory_space<vmem_shared>> -> memref<1024x128xf32, #tpu.memory_space<vmem_shared>>
        tpu.enqueue_indirect_dma source(%arg15 : memref<64x128xf32, #tpu.memory_space<vmem>>) target(%dma_start3A_449 : memref<1024x128xf32, #tpu.memory_space<vmem_shared>>) offsets(%arg12 : memref<64xi32, #tpu.memory_space<vmem>>) semaphore(%run_scoped3A : memref<!tpu.dma_semaphore, #tpu.memory_space<semaphore_mem>>) {add = true}
        %dma_wait3A_450 = arith.constant 0 : i32
        %dma_wait3A_451 = arith.constant 0 : i32
        %dma_wait3A_452 = tpu.memref_slice %arg7[%dma_wait3A_450, %dma_wait3A_451] : memref<1024x128xf32, #tpu.memory_space<vmem_shared>> -> memref<1024x128xf32, #tpu.memory_space<vmem_shared>>
        tpu.wait_indirect_dma semaphore(%run_scoped3A : memref<!tpu.dma_semaphore, #tpu.memory_space<semaphore_mem>>) src(%arg15 : memref<64x128xf32, #tpu.memory_space<vmem>>) dst(%dma_wait3A_452 : memref<1024x128xf32, #tpu.memory_space<vmem_shared>>)
        tpu.yield
      }) : () -> ()
      %add3A_353 = arith.constant 2 : i32
      %add3A_354 = arith.addi %mul3A_258, %add3A_353 : i32
      %mul3A_355 = arith.constant 64 : i32
      %mul3A_356 = arith.muli %add3A_354, %mul3A_355 : i32
      %add3A_357 = arith.constant 0 : i32
      %add3A_358 = arith.addi %mul3A_356, %add3A_357 : i32
      %get3A_359 = arith.index_cast %add3A_358 : i32 to index
      %get3A_360 = tpu.vector_load %arg8[%get3A_359] {strides = array<i32>} : memref<1024xi32, #tpu.memory_space<vmem>>, vector<16xi32>,
      %get3A_361 = vector.shape_cast %get3A_360 : vector<16xi32> to vector<16xi32>
      %mul3A_362 = arith.constant 2 : i32
      %mul3A_363 = vector.broadcast %mul3A_362 : i32 to vector<16xi32>
      %mul3A_364 = arith.muli %get3A_361, %mul3A_363 : vector<16xi32>
      %add3A_365 = vector.broadcast %arg0 : i32 to vector<16xi32>
      %add3A_366 = arith.addi %mul3A_364, %add3A_365 : vector<16xi32>
      %swap3A_367 = arith.constant 0 : index
      %swap3A_368 = tpu.vector_load %arg10[%swap3A_367] {strides = array<i32>} : memref<64xi32, #tpu.memory_space<vmem>>, vector<16xi32>,
      %swap3A_369 = vector.shape_cast %swap3A_368 : vector<16xi32> to vector<16xi32>
      %swap3A_370 = vector.shape_cast %add3A_366 : vector<16xi32> to vector<16xi32>
      tpu.vector_store %arg10[%swap3A_367], %swap3A_370 {strides = array<i32>} : memref<64xi32, #tpu.memory_space<vmem>>, vector<16xi32>,
      %get3A_371 = arith.index_cast %add3A_358 : i32 to index
      %get3A_372 = tpu.vector_load %arg9[%get3A_371] {strides = array<i32>} : memref<1024xi32, #tpu.memory_space<vmem>>, vector<16xi32>,
      %get3A_373 = vector.shape_cast %get3A_372 : vector<16xi32> to vector<16xi32>
      %swap3A_374 = arith.constant 0 : index
      %swap3A_375 = tpu.vector_load %arg12[%swap3A_374] {strides = array<i32>} : memref<64xi32, #tpu.memory_space<vmem>>, vector<16xi32>,
      %swap3A_376 = vector.shape_cast %swap3A_375 : vector<16xi32> to vector<16xi32>
      %swap3A_377 = vector.shape_cast %get3A_373 : vector<16xi32> to vector<16xi32>
      tpu.vector_store %arg12[%swap3A_374], %swap3A_377 {strides = array<i32>} : memref<64xi32, #tpu.memory_space<vmem>>, vector<16xi32>,
      %add3A_378 = arith.constant 16 : i32
      %add3A_379 = arith.addi %mul3A_356, %add3A_378 : i32
      %get3A_380 = arith.index_cast %add3A_379 : i32 to index
      %get3A_381 = tpu.vector_load %arg8[%get3A_380] {strides = array<i32>} : memref<1024xi32, #tpu.memory_space<vmem>>, vector<16xi32>,
      %get3A_382 = vector.shape_cast %get3A_381 : vector<16xi32> to vector<16xi32>
      %mul3A_383 = arith.constant 2 : i32
      %mul3A_384 = vector.broadcast %mul3A_383 : i32 to vector<16xi32>
      %mul3A_385 = arith.muli %get3A_382, %mul3A_384 : vector<16xi32>
      %add3A_386 = vector.broadcast %arg0 : i32 to vector<16xi32>
      %add3A_387 = arith.addi %mul3A_385, %add3A_386 : vector<16xi32>
      %swap3A_388 = arith.constant 16 : index
      %swap3A_389 = tpu.vector_load %arg10[%swap3A_388] {strides = array<i32>} : memref<64xi32, #tpu.memory_space<vmem>>, vector<16xi32>,
      %swap3A_390 = vector.shape_cast %swap3A_389 : vector<16xi32> to vector<16xi32>
      %swap3A_391 = vector.shape_cast %add3A_387 : vector<16xi32> to vector<16xi32>
      tpu.vector_store %arg10[%swap3A_388], %swap3A_391 {strides = array<i32>} : memref<64xi32, #tpu.memory_space<vmem>>, vector<16xi32>,
      %get3A_392 = arith.index_cast %add3A_379 : i32 to index
      %get3A_393 = tpu.vector_load %arg9[%get3A_392] {strides = array<i32>} : memref<1024xi32, #tpu.memory_space<vmem>>, vector<16xi32>,
      %get3A_394 = vector.shape_cast %get3A_393 : vector<16xi32> to vector<16xi32>
      %swap3A_395 = arith.constant 16 : index
      %swap3A_396 = tpu.vector_load %arg12[%swap3A_395] {strides = array<i32>} : memref<64xi32, #tpu.memory_space<vmem>>, vector<16xi32>,
      %swap3A_397 = vector.shape_cast %swap3A_396 : vector<16xi32> to vector<16xi32>
      %swap3A_398 = vector.shape_cast %get3A_394 : vector<16xi32> to vector<16xi32>
      tpu.vector_store %arg12[%swap3A_395], %swap3A_398 {strides = array<i32>} : memref<64xi32, #tpu.memory_space<vmem>>, vector<16xi32>,
      %add3A_399 = arith.constant 32 : i32
      %add3A_400 = arith.addi %mul3A_356, %add3A_399 : i32
      %get3A_401 = arith.index_cast %add3A_400 : i32 to index
      %get3A_402 = tpu.vector_load %arg8[%get3A_401] {strides = array<i32>} : memref<1024xi32, #tpu.memory_space<vmem>>, vector<16xi32>,
      %get3A_403 = vector.shape_cast %get3A_402 : vector<16xi32> to vector<16xi32>
      %mul3A_404 = arith.constant 2 : i32
      %mul3A_405 = vector.broadcast %mul3A_404 : i32 to vector<16xi32>
      %mul3A_406 = arith.muli %get3A_403, %mul3A_405 : vector<16xi32>
      %add3A_407 = vector.broadcast %arg0 : i32 to vector<16xi32>
      %add3A_408 = arith.addi %mul3A_406, %add3A_407 : vector<16xi32>
      %swap3A_409 = arith.constant 32 : index
      %swap3A_410 = tpu.vector_load %arg10[%swap3A_409] {strides = array<i32>} : memref<64xi32, #tpu.memory_space<vmem>>, vector<16xi32>,
      %swap3A_411 = vector.shape_cast %swap3A_410 : vector<16xi32> to vector<16xi32>
      %swap3A_412 = vector.shape_cast %add3A_408 : vector<16xi32> to vector<16xi32>
      tpu.vector_store %arg10[%swap3A_409], %swap3A_412 {strides = array<i32>} : memref<64xi32, #tpu.memory_space<vmem>>, vector<16xi32>,
      %get3A_413 = arith.index_cast %add3A_400 : i32 to index
      %get3A_414 = tpu.vector_load %arg9[%get3A_413] {strides = array<i32>} : memref<1024xi32, #tpu.memory_space<vmem>>, vector<16xi32>,
      %get3A_415 = vector.shape_cast %get3A_414 : vector<16xi32> to vector<16xi32>
      %swap3A_416 = arith.constant 32 : index
      %swap3A_417 = tpu.vector_load %arg12[%swap3A_416] {strides = array<i32>} : memref<64xi32, #tpu.memory_space<vmem>>, vector<16xi32>,
      %swap3A_418 = vector.shape_cast %swap3A_417 : vector<16xi32> to vector<16xi32>
      %swap3A_419 = vector.shape_cast %get3A_415 : vector<16xi32> to vector<16xi32>
      tpu.vector_store %arg12[%swap3A_416], %swap3A_419 {strides = array<i32>} : memref<64xi32, #tpu.memory_space<vmem>>, vector<16xi32>,
      %add3A_420 = arith.constant 48 : i32
      %add3A_421 = arith.addi %mul3A_356, %add3A_420 : i32
      %get3A_422 = arith.index_cast %add3A_421 : i32 to index
      %get3A_423 = tpu.vector_load %arg8[%get3A_422] {strides = array<i32>} : memref<1024xi32, #tpu.memory_space<vmem>>, vector<16xi32>,
      %get3A_424 = vector.shape_cast %get3A_423 : vector<16xi32> to vector<16xi32>
      %mul3A_425 = arith.constant 2 : i32
      %mul3A_426 = vector.broadcast %mul3A_425 : i32 to vector<16xi32>
      %mul3A_427 = arith.muli %get3A_424, %mul3A_426 : vector<16xi32>
      %add3A_428 = vector.broadcast %arg0 : i32 to vector<16xi32>
      %add3A_429 = arith.addi %mul3A_427, %add3A_428 : vector<16xi32>
      %swap3A_430 = arith.constant 48 : index
      %swap3A_431 = tpu.vector_load %arg10[%swap3A_430] {strides = array<i32>} : memref<64xi32, #tpu.memory_space<vmem>>, vector<16xi32>,
      %swap3A_432 = vector.shape_cast %swap3A_431 : vector<16xi32> to vector<16xi32>
      %swap3A_433 = vector.shape_cast %add3A_429 : vector<16xi32> to vector<16xi32>
      tpu.vector_store %arg10[%swap3A_430], %swap3A_433 {strides = array<i32>} : memref<64xi32, #tpu.memory_space<vmem>>, vector<16xi32>,
      %get3A_434 = arith.index_cast %add3A_421 : i32 to index
      %get3A_435 = tpu.vector_load %arg9[%get3A_434] {strides = array<i32>} : memref<1024xi32, #tpu.memory_space<vmem>>, vector<16xi32>,
      %get3A_436 = vector.shape_cast %get3A_435 : vector<16xi32> to vector<16xi32>
      %swap3A_437 = arith.constant 48 : index
      %swap3A_438 = tpu.vector_load %arg12[%swap3A_437] {strides = array<i32>} : memref<64xi32, #tpu.memory_space<vmem>>, vector<16xi32>,
      %swap3A_439 = vector.shape_cast %swap3A_438 : vector<16xi32> to vector<16xi32>
      %swap3A_440 = vector.shape_cast %get3A_436 : vector<16xi32> to vector<16xi32>
      tpu.vector_store %arg12[%swap3A_437], %swap3A_440 {strides = array<i32>} : memref<64xi32, #tpu.memory_space<vmem>>, vector<16xi32>,
      %dma_start3A_441 = arith.constant 0 : i32
      %dma_start3A_442 = arith.constant 0 : i32
      %dma_start3A_443 = tpu.memref_slice %arg2[%dma_start3A_441, %dma_start3A_442] : memref<20480x128xf32, #tpu.memory_space<hbm>> -> memref<20480x128xf32, #tpu.memory_space<hbm>>
      tpu.enqueue_indirect_dma source(%dma_start3A_443 : memref<20480x128xf32, #tpu.memory_space<hbm>>) target(%arg15 : memref<64x128xf32, #tpu.memory_space<vmem>>) offsets(%arg10 : memref<64xi32, #tpu.memory_space<vmem>>) semaphore(%arg18 : memref<!tpu.dma_semaphore, #tpu.memory_space<semaphore_mem>>)
      %dma_wait3A_444 = arith.constant 0 : i32
      %dma_wait3A_445 = arith.constant 0 : i32
      %dma_wait3A_446 = tpu.memref_slice %arg2[%dma_wait3A_444, %dma_wait3A_445] : memref<20480x128xf32, #tpu.memory_space<hbm>> -> memref<20480x128xf32, #tpu.memory_space<hbm>>
      tpu.wait_indirect_dma semaphore(%arg19 : memref<!tpu.dma_semaphore, #tpu.memory_space<semaphore_mem>>) src(%dma_wait3A_446 : memref<20480x128xf32, #tpu.memory_space<hbm>>) dst(%arg16 : memref<64x128xf32, #tpu.memory_space<vmem>>)
      "tpu.region"() ({
        %run_scoped3A = tpu.sem_alloc : memref<!tpu.dma_semaphore, #tpu.memory_space<semaphore_mem>>
        %dma_start3A_447 = arith.constant 0 : i32
        %dma_start3A_448 = arith.constant 0 : i32
        %dma_start3A_449 = tpu.memref_slice %arg7[%dma_start3A_447, %dma_start3A_448] : memref<1024x128xf32, #tpu.memory_space<vmem_shared>> -> memref<1024x128xf32, #tpu.memory_space<vmem_shared>>
        tpu.enqueue_indirect_dma source(%arg16 : memref<64x128xf32, #tpu.memory_space<vmem>>) target(%dma_start3A_449 : memref<1024x128xf32, #tpu.memory_space<vmem_shared>>) offsets(%arg13 : memref<64xi32, #tpu.memory_space<vmem>>) semaphore(%run_scoped3A : memref<!tpu.dma_semaphore, #tpu.memory_space<semaphore_mem>>) {add = true}
        %dma_wait3A_450 = arith.constant 0 : i32
        %dma_wait3A_451 = arith.constant 0 : i32
        %dma_wait3A_452 = tpu.memref_slice %arg7[%dma_wait3A_450, %dma_wait3A_451] : memref<1024x128xf32, #tpu.memory_space<vmem_shared>> -> memref<1024x128xf32, #tpu.memory_space<vmem_shared>>
        tpu.wait_indirect_dma semaphore(%run_scoped3A : memref<!tpu.dma_semaphore, #tpu.memory_space<semaphore_mem>>) src(%arg16 : memref<64x128xf32, #tpu.memory_space<vmem>>) dst(%dma_wait3A_452 : memref<1024x128xf32, #tpu.memory_space<vmem_shared>>)
        tpu.yield
      }) : () -> ()
    }
    %scan3A_120 = arith.constant 7 : i32
    %get3A_121 = arith.constant 960 : index
    %get3A_122 = tpu.vector_load %arg8[%get3A_121] {strides = array<i32>} : memref<1024xi32, #tpu.memory_space<vmem>>, vector<16xi32>,
    %get3A_123 = vector.shape_cast %get3A_122 : vector<16xi32> to vector<16xi32>
    %mul3A_124 = arith.constant 2 : i32
    %mul3A_125 = vector.broadcast %mul3A_124 : i32 to vector<16xi32>
    %mul3A_126 = arith.muli %get3A_123, %mul3A_125 : vector<16xi32>
    %add3A_127 = vector.broadcast %arg0 : i32 to vector<16xi32>
    %add3A_128 = arith.addi %mul3A_126, %add3A_127 : vector<16xi32>
    %swap3A_129 = arith.constant 0 : index
    %swap3A_130 = tpu.vector_load %arg11[%swap3A_129] {strides = array<i32>} : memref<64xi32, #tpu.memory_space<vmem>>, vector<16xi32>,
    %swap3A_131 = vector.shape_cast %swap3A_130 : vector<16xi32> to vector<16xi32>
    %swap3A_132 = vector.shape_cast %add3A_128 : vector<16xi32> to vector<16xi32>
    tpu.vector_store %arg11[%swap3A_129], %swap3A_132 {strides = array<i32>} : memref<64xi32, #tpu.memory_space<vmem>>, vector<16xi32>,
    %get3A_133 = arith.constant 960 : index
    %get3A_134 = tpu.vector_load %arg9[%get3A_133] {strides = array<i32>} : memref<1024xi32, #tpu.memory_space<vmem>>, vector<16xi32>,
    %get3A_135 = vector.shape_cast %get3A_134 : vector<16xi32> to vector<16xi32>
    %swap3A_136 = arith.constant 0 : index
    %swap3A_137 = tpu.vector_load %arg13[%swap3A_136] {strides = array<i32>} : memref<64xi32, #tpu.memory_space<vmem>>, vector<16xi32>,
    %swap3A_138 = vector.shape_cast %swap3A_137 : vector<16xi32> to vector<16xi32>
    %swap3A_139 = vector.shape_cast %get3A_135 : vector<16xi32> to vector<16xi32>
    tpu.vector_store %arg13[%swap3A_136], %swap3A_139 {strides = array<i32>} : memref<64xi32, #tpu.memory_space<vmem>>, vector<16xi32>,
    %get3A_140 = arith.constant 976 : index
    %get3A_141 = tpu.vector_load %arg8[%get3A_140] {strides = array<i32>} : memref<1024xi32, #tpu.memory_space<vmem>>, vector<16xi32>,
    %get3A_142 = vector.shape_cast %get3A_141 : vector<16xi32> to vector<16xi32>
    %mul3A_143 = arith.constant 2 : i32
    %mul3A_144 = vector.broadcast %mul3A_143 : i32 to vector<16xi32>
    %mul3A_145 = arith.muli %get3A_142, %mul3A_144 : vector<16xi32>
    %add3A_146 = vector.broadcast %arg0 : i32 to vector<16xi32>
    %add3A_147 = arith.addi %mul3A_145, %add3A_146 : vector<16xi32>
    %swap3A_148 = arith.constant 16 : index
    %swap3A_149 = tpu.vector_load %arg11[%swap3A_148] {strides = array<i32>} : memref<64xi32, #tpu.memory_space<vmem>>, vector<16xi32>,
    %swap3A_150 = vector.shape_cast %swap3A_149 : vector<16xi32> to vector<16xi32>
    %swap3A_151 = vector.shape_cast %add3A_147 : vector<16xi32> to vector<16xi32>
    tpu.vector_store %arg11[%swap3A_148], %swap3A_151 {strides = array<i32>} : memref<64xi32, #tpu.memory_space<vmem>>, vector<16xi32>,
    %get3A_152 = arith.constant 976 : index
    %get3A_153 = tpu.vector_load %arg9[%get3A_152] {strides = array<i32>} : memref<1024xi32, #tpu.memory_space<vmem>>, vector<16xi32>,
    %get3A_154 = vector.shape_cast %get3A_153 : vector<16xi32> to vector<16xi32>
    %swap3A_155 = arith.constant 16 : index
    %swap3A_156 = tpu.vector_load %arg13[%swap3A_155] {strides = array<i32>} : memref<64xi32, #tpu.memory_space<vmem>>, vector<16xi32>,
    %swap3A_157 = vector.shape_cast %swap3A_156 : vector<16xi32> to vector<16xi32>
    %swap3A_158 = vector.shape_cast %get3A_154 : vector<16xi32> to vector<16xi32>
    tpu.vector_store %arg13[%swap3A_155], %swap3A_158 {strides = array<i32>} : memref<64xi32, #tpu.memory_space<vmem>>, vector<16xi32>,
    %get3A_159 = arith.constant 992 : index
    %get3A_160 = tpu.vector_load %arg8[%get3A_159] {strides = array<i32>} : memref<1024xi32, #tpu.memory_space<vmem>>, vector<16xi32>,
    %get3A_161 = vector.shape_cast %get3A_160 : vector<16xi32> to vector<16xi32>
    %mul3A_162 = arith.constant 2 : i32
    %mul3A_163 = vector.broadcast %mul3A_162 : i32 to vector<16xi32>
    %mul3A_164 = arith.muli %get3A_161, %mul3A_163 : vector<16xi32>
    %add3A_165 = vector.broadcast %arg0 : i32 to vector<16xi32>
    %add3A_166 = arith.addi %mul3A_164, %add3A_165 : vector<16xi32>
    %swap3A_167 = arith.constant 32 : index
    %swap3A_168 = tpu.vector_load %arg11[%swap3A_167] {strides = array<i32>} : memref<64xi32, #tpu.memory_space<vmem>>, vector<16xi32>,
    %swap3A_169 = vector.shape_cast %swap3A_168 : vector<16xi32> to vector<16xi32>
    %swap3A_170 = vector.shape_cast %add3A_166 : vector<16xi32> to vector<16xi32>
    tpu.vector_store %arg11[%swap3A_167], %swap3A_170 {strides = array<i32>} : memref<64xi32, #tpu.memory_space<vmem>>, vector<16xi32>,
    %get3A_171 = arith.constant 992 : index
    %get3A_172 = tpu.vector_load %arg9[%get3A_171] {strides = array<i32>} : memref<1024xi32, #tpu.memory_space<vmem>>, vector<16xi32>,
    %get3A_173 = vector.shape_cast %get3A_172 : vector<16xi32> to vector<16xi32>
    %swap3A_174 = arith.constant 32 : index
    %swap3A_175 = tpu.vector_load %arg13[%swap3A_174] {strides = array<i32>} : memref<64xi32, #tpu.memory_space<vmem>>, vector<16xi32>,
    %swap3A_176 = vector.shape_cast %swap3A_175 : vector<16xi32> to vector<16xi32>
    %swap3A_177 = vector.shape_cast %get3A_173 : vector<16xi32> to vector<16xi32>
    tpu.vector_store %arg13[%swap3A_174], %swap3A_177 {strides = array<i32>} : memref<64xi32, #tpu.memory_space<vmem>>, vector<16xi32>,
    %get3A_178 = arith.constant 1008 : index
    %get3A_179 = tpu.vector_load %arg8[%get3A_178] {strides = array<i32>} : memref<1024xi32, #tpu.memory_space<vmem>>, vector<16xi32>,
    %get3A_180 = vector.shape_cast %get3A_179 : vector<16xi32> to vector<16xi32>
    %mul3A_181 = arith.constant 2 : i32
    %mul3A_182 = vector.broadcast %mul3A_181 : i32 to vector<16xi32>
    %mul3A_183 = arith.muli %get3A_180, %mul3A_182 : vector<16xi32>
    %add3A_184 = vector.broadcast %arg0 : i32 to vector<16xi32>
    %add3A_185 = arith.addi %mul3A_183, %add3A_184 : vector<16xi32>
    %swap3A_186 = arith.constant 48 : index
    %swap3A_187 = tpu.vector_load %arg11[%swap3A_186] {strides = array<i32>} : memref<64xi32, #tpu.memory_space<vmem>>, vector<16xi32>,
    %swap3A_188 = vector.shape_cast %swap3A_187 : vector<16xi32> to vector<16xi32>
    %swap3A_189 = vector.shape_cast %add3A_185 : vector<16xi32> to vector<16xi32>
    tpu.vector_store %arg11[%swap3A_186], %swap3A_189 {strides = array<i32>} : memref<64xi32, #tpu.memory_space<vmem>>, vector<16xi32>,
    %get3A_190 = arith.constant 1008 : index
    %get3A_191 = tpu.vector_load %arg9[%get3A_190] {strides = array<i32>} : memref<1024xi32, #tpu.memory_space<vmem>>, vector<16xi32>,
    %get3A_192 = vector.shape_cast %get3A_191 : vector<16xi32> to vector<16xi32>
    %swap3A_193 = arith.constant 48 : index
    %swap3A_194 = tpu.vector_load %arg13[%swap3A_193] {strides = array<i32>} : memref<64xi32, #tpu.memory_space<vmem>>, vector<16xi32>,
    %swap3A_195 = vector.shape_cast %swap3A_194 : vector<16xi32> to vector<16xi32>
    %swap3A_196 = vector.shape_cast %get3A_192 : vector<16xi32> to vector<16xi32>
    tpu.vector_store %arg13[%swap3A_193], %swap3A_196 {strides = array<i32>} : memref<64xi32, #tpu.memory_space<vmem>>, vector<16xi32>,
    %dma_start3A_197 = arith.constant 0 : i32
    %dma_start3A_198 = arith.constant 0 : i32
    %dma_start3A_199 = tpu.memref_slice %arg2[%dma_start3A_197, %dma_start3A_198] : memref<20480x128xf32, #tpu.memory_space<hbm>> -> memref<20480x128xf32, #tpu.memory_space<hbm>>
    tpu.enqueue_indirect_dma source(%dma_start3A_199 : memref<20480x128xf32, #tpu.memory_space<hbm>>) target(%arg16 : memref<64x128xf32, #tpu.memory_space<vmem>>) offsets(%arg11 : memref<64xi32, #tpu.memory_space<vmem>>) semaphore(%arg19 : memref<!tpu.dma_semaphore, #tpu.memory_space<semaphore_mem>>)
    %dma_wait3A = arith.constant 0 : i32
    %dma_wait3A_200 = arith.constant 0 : i32
    %dma_wait3A_201 = tpu.memref_slice %arg2[%dma_wait3A, %dma_wait3A_200] : memref<20480x128xf32, #tpu.memory_space<hbm>> -> memref<20480x128xf32, #tpu.memory_space<hbm>>
    tpu.wait_indirect_dma semaphore(%arg18 : memref<!tpu.dma_semaphore, #tpu.memory_space<semaphore_mem>>) src(%dma_wait3A_201 : memref<20480x128xf32, #tpu.memory_space<hbm>>) dst(%arg15 : memref<64x128xf32, #tpu.memory_space<vmem>>)
    "tpu.region"() ({
      %run_scoped3A = tpu.sem_alloc : memref<!tpu.dma_semaphore, #tpu.memory_space<semaphore_mem>>
      %dma_start3A_256 = arith.constant 0 : i32
      %dma_start3A_257 = arith.constant 0 : i32
      %dma_start3A_258 = tpu.memref_slice %arg7[%dma_start3A_256, %dma_start3A_257] : memref<1024x128xf32, #tpu.memory_space<vmem_shared>> -> memref<1024x128xf32, #tpu.memory_space<vmem_shared>>
      tpu.enqueue_indirect_dma source(%arg15 : memref<64x128xf32, #tpu.memory_space<vmem>>) target(%dma_start3A_258 : memref<1024x128xf32, #tpu.memory_space<vmem_shared>>) offsets(%arg12 : memref<64xi32, #tpu.memory_space<vmem>>) semaphore(%run_scoped3A : memref<!tpu.dma_semaphore, #tpu.memory_space<semaphore_mem>>) {add = true}
      %dma_wait3A_259 = arith.constant 0 : i32
      %dma_wait3A_260 = arith.constant 0 : i32
      %dma_wait3A_261 = tpu.memref_slice %arg7[%dma_wait3A_259, %dma_wait3A_260] : memref<1024x128xf32, #tpu.memory_space<vmem_shared>> -> memref<1024x128xf32, #tpu.memory_space<vmem_shared>>
      tpu.wait_indirect_dma semaphore(%run_scoped3A : memref<!tpu.dma_semaphore, #tpu.memory_space<semaphore_mem>>) src(%arg15 : memref<64x128xf32, #tpu.memory_space<vmem>>) dst(%dma_wait3A_261 : memref<1024x128xf32, #tpu.memory_space<vmem_shared>>)
      tpu.yield
    }) : () -> ()
    %dma_wait3A_202 = arith.constant 0 : i32
    %dma_wait3A_203 = arith.constant 0 : i32
    %dma_wait3A_204 = tpu.memref_slice %arg2[%dma_wait3A_202, %dma_wait3A_203] : memref<20480x128xf32, #tpu.memory_space<hbm>> -> memref<20480x128xf32, #tpu.memory_space<hbm>>
    tpu.wait_indirect_dma semaphore(%arg19 : memref<!tpu.dma_semaphore, #tpu.memory_space<semaphore_mem>>) src(%dma_wait3A_204 : memref<20480x128xf32, #tpu.memory_space<hbm>>) dst(%arg16 : memref<64x128xf32, #tpu.memory_space<vmem>>)
    "tpu.region"() ({
      %run_scoped3A = tpu.sem_alloc : memref<!tpu.dma_semaphore, #tpu.memory_space<semaphore_mem>>
      %dma_start3A_256 = arith.constant 0 : i32
      %dma_start3A_257 = arith.constant 0 : i32
      %dma_start3A_258 = tpu.memref_slice %arg7[%dma_start3A_256, %dma_start3A_257] : memref<1024x128xf32, #tpu.memory_space<vmem_shared>> -> memref<1024x128xf32, #tpu.memory_space<vmem_shared>>
      tpu.enqueue_indirect_dma source(%arg16 : memref<64x128xf32, #tpu.memory_space<vmem>>) target(%dma_start3A_258 : memref<1024x128xf32, #tpu.memory_space<vmem_shared>>) offsets(%arg13 : memref<64xi32, #tpu.memory_space<vmem>>) semaphore(%run_scoped3A : memref<!tpu.dma_semaphore, #tpu.memory_space<semaphore_mem>>) {add = true}
      %dma_wait3A_259 = arith.constant 0 : i32
      %dma_wait3A_260 = arith.constant 0 : i32
      %dma_wait3A_261 = tpu.memref_slice %arg7[%dma_wait3A_259, %dma_wait3A_260] : memref<1024x128xf32, #tpu.memory_space<vmem_shared>> -> memref<1024x128xf32, #tpu.memory_space<vmem_shared>>
      tpu.wait_indirect_dma semaphore(%run_scoped3A : memref<!tpu.dma_semaphore, #tpu.memory_space<semaphore_mem>>) src(%arg16 : memref<64x128xf32, #tpu.memory_space<vmem>>) dst(%dma_wait3A_261 : memref<1024x128xf32, #tpu.memory_space<vmem_shared>>)
      tpu.yield
    }) : () -> ()
    %barrier3A_205 = arith.constant 0 : index
    tpu.barrier barrier_id(%barrier3A_205)
    %scan3A_206 = arith.constant 0 : i32
    %scan3A_207 = arith.constant 0 : i32
    %mul3A_208 = arith.constant 64 : i32
    %mul3A_209 = arith.muli %scan3A_207, %mul3A_208 : i32
    %add3A_210 = arith.addi %mul3A_0, %mul3A_209 : i32
    %add3A_211 = arith.constant 0 : i32
    %add3A_212 = arith.addi %add3A_210, %add3A_211 : i32
    %add3A_213 = vector.broadcast %add3A_212 : i32 to vector<16xi32>
    %add3A_214 = arith.addi %iota3A, %add3A_213 : vector<16xi32>
    %swap3A_215 = arith.constant 0 : index
    %swap3A_216 = tpu.vector_load %arg14[%swap3A_215] {strides = array<i32>} : memref<64xi32, #tpu.memory_space<vmem>>, vector<16xi32>,
    %swap3A_217 = vector.shape_cast %swap3A_216 : vector<16xi32> to vector<16xi32>
    %swap3A_218 = vector.shape_cast %add3A_214 : vector<16xi32> to vector<16xi32>
    tpu.vector_store %arg14[%swap3A_215], %swap3A_218 {strides = array<i32>} : memref<64xi32, #tpu.memory_space<vmem>>, vector<16xi32>,
    %add3A_219 = arith.constant 16 : i32
    %add3A_220 = arith.addi %add3A_210, %add3A_219 : i32
    %add3A_221 = vector.broadcast %add3A_220 : i32 to vector<16xi32>
    %add3A_222 = arith.addi %iota3A, %add3A_221 : vector<16xi32>
    %swap3A_223 = arith.constant 16 : index
    %swap3A_224 = tpu.vector_load %arg14[%swap3A_223] {strides = array<i32>} : memref<64xi32, #tpu.memory_space<vmem>>, vector<16xi32>,
    %swap3A_225 = vector.shape_cast %swap3A_224 : vector<16xi32> to vector<16xi32>
    %swap3A_226 = vector.shape_cast %add3A_222 : vector<16xi32> to vector<16xi32>
    tpu.vector_store %arg14[%swap3A_223], %swap3A_226 {strides = array<i32>} : memref<64xi32, #tpu.memory_space<vmem>>, vector<16xi32>,
    %add3A_227 = arith.constant 32 : i32
    %add3A_228 = arith.addi %add3A_210, %add3A_227 : i32
    %add3A_229 = vector.broadcast %add3A_228 : i32 to vector<16xi32>
    %add3A_230 = arith.addi %iota3A, %add3A_229 : vector<16xi32>
    %swap3A_231 = arith.constant 32 : index
    %swap3A_232 = tpu.vector_load %arg14[%swap3A_231] {strides = array<i32>} : memref<64xi32, #tpu.memory_space<vmem>>, vector<16xi32>,
    %swap3A_233 = vector.shape_cast %swap3A_232 : vector<16xi32> to vector<16xi32>
    %swap3A_234 = vector.shape_cast %add3A_230 : vector<16xi32> to vector<16xi32>
    tpu.vector_store %arg14[%swap3A_231], %swap3A_234 {strides = array<i32>} : memref<64xi32, #tpu.memory_space<vmem>>, vector<16xi32>,
    %add3A_235 = arith.constant 48 : i32
    %add3A_236 = arith.addi %add3A_210, %add3A_235 : i32
    %add3A_237 = vector.broadcast %add3A_236 : i32 to vector<16xi32>
    %add3A_238 = arith.addi %iota3A, %add3A_237 : vector<16xi32>
    %swap3A_239 = arith.constant 48 : index
    %swap3A_240 = tpu.vector_load %arg14[%swap3A_239] {strides = array<i32>} : memref<64xi32, #tpu.memory_space<vmem>>, vector<16xi32>,
    %swap3A_241 = vector.shape_cast %swap3A_240 : vector<16xi32> to vector<16xi32>
    %swap3A_242 = vector.shape_cast %add3A_238 : vector<16xi32> to vector<16xi32>
    tpu.vector_store %arg14[%swap3A_239], %swap3A_242 {strides = array<i32>} : memref<64xi32, #tpu.memory_space<vmem>>, vector<16xi32>,
    %dma_start3A_243 = arith.constant 0 : i32
    %dma_start3A_244 = arith.constant 0 : i32
    %dma_start3A_245 = tpu.memref_slice %arg7[%dma_start3A_243, %dma_start3A_244] : memref<1024x128xf32, #tpu.memory_space<vmem_shared>> -> memref<1024x128xf32, #tpu.memory_space<vmem_shared>>
    tpu.enqueue_indirect_dma source(%dma_start3A_245 : memref<1024x128xf32, #tpu.memory_space<vmem_shared>>) target(%arg17 : memref<64x128xf32, #tpu.memory_space<vmem>>) offsets(%arg14 : memref<64xi32, #tpu.memory_space<vmem>>) semaphore(%arg18 : memref<!tpu.dma_semaphore, #tpu.memory_space<semaphore_mem>>)
    %dma_wait3A_246 = arith.constant 0 : i32
    %dma_wait3A_247 = arith.constant 0 : i32
    %dma_wait3A_248 = tpu.memref_slice %arg7[%dma_wait3A_246, %dma_wait3A_247] : memref<1024x128xf32, #tpu.memory_space<vmem_shared>> -> memref<1024x128xf32, #tpu.memory_space<vmem_shared>>
    tpu.wait_indirect_dma semaphore(%arg18 : memref<!tpu.dma_semaphore, #tpu.memory_space<semaphore_mem>>) src(%dma_wait3A_248 : memref<1024x128xf32, #tpu.memory_space<vmem_shared>>) dst(%arg17 : memref<64x128xf32, #tpu.memory_space<vmem>>)
    %mul3A_249 = arith.constant 1024 : i32
    %mul3A_250 = arith.muli %arg0, %mul3A_249 : i32
    %add3A_251 = arith.addi %mul3A_250, %mul3A_0 : i32
    %mul3A_252 = arith.constant 64 : i32
    %mul3A_253 = arith.muli %scan3A_207, %mul3A_252 : i32
    %add3A_254 = arith.addi %add3A_251, %mul3A_253 : i32
    "tpu.region"() ({
      %run_scoped3A = tpu.sem_alloc : memref<!tpu.dma_semaphore, #tpu.memory_space<semaphore_mem>>
      %dma_start3A_256 = arith.constant 0 : i32
      %dma_start3A_257 = tpu.memref_slice %arg6[%add3A_254, %dma_start3A_256] : memref<2048x128xf32, #tpu.memory_space<hbm>> -> memref<64x128xf32, #tpu.memory_space<hbm>>
      %dma_start3A_258 = arith.constant 0 : i32
      %dma_start3A_259 = tpu.memref_slice %arg6[%add3A_254, %dma_start3A_258] : memref<2048x128xf32, #tpu.memory_space<hbm>> -> memref<64x128xf32, #tpu.memory_space<hbm>>
      tpu.enqueue_dma source(%arg17 : memref<64x128xf32, #tpu.memory_space<vmem>>) target(%dma_start3A_259 : memref<64x128xf32, #tpu.memory_space<hbm>>) target_semaphore(%run_scoped3A : memref<!tpu.dma_semaphore, #tpu.memory_space<semaphore_mem>>)
      %dma_wait3A_260 = arith.constant 0 : i32
      %dma_wait3A_261 = tpu.memref_slice %arg6[%add3A_254, %dma_wait3A_260] : memref<2048x128xf32, #tpu.memory_space<hbm>> -> memref<64x128xf32, #tpu.memory_space<hbm>>
      %dma_wait3A_262 = arith.constant 0 : i32
      %dma_wait3A_263 = tpu.memref_slice %arg6[%add3A_254, %dma_wait3A_262] : memref<2048x128xf32, #tpu.memory_space<hbm>> -> memref<64x128xf32, #tpu.memory_space<hbm>>
      tpu.wait_dma2 semaphore(%run_scoped3A : memref<!tpu.dma_semaphore, #tpu.memory_space<semaphore_mem>>) src(%arg17 : memref<64x128xf32, #tpu.memory_space<vmem>>) dst(%dma_wait3A_263 : memref<64x128xf32, #tpu.memory_space<hbm>>)
      tpu.yield
    }) : () -> ()
    %scan3A_255 = arith.constant 1 : i32
    return
  }
}

#map = affine_map<(d0, d1) -> (0, 0)>
#map1 = affine_map<(d0, d1) -> (0)>
module attributes {stable_mosaic.version = 14 : i64} {
  func.func @sc_seg_sum_163840_10240(%arg0: i32, %arg1: i32, %arg2: memref<100000x128xf32, #tpu.memory_space<hbm>>, %arg3: memref<163840xi32, #tpu.memory_space<hbm>>, %arg4: memref<163840xi32, #tpu.memory_space<hbm>>, %arg5: memref<64x128xf32, #tpu.memory_space<hbm>>, %arg6: memref<20480x128xf32, #tpu.memory_space<hbm>>, %arg7: memref<10240x128xf32, #tpu.memory_space<vmem_shared>>, %arg8: memref<10240xi32, #tpu.memory_space<vmem>>, %arg9: memref<10240xi32, #tpu.memory_space<vmem>>, %arg10: memref<64xi32, #tpu.memory_space<vmem>>, %arg11: memref<64xi32, #tpu.memory_space<vmem>>, %arg12: memref<64xi32, #tpu.memory_space<vmem>>, %arg13: memref<64xi32, #tpu.memory_space<vmem>>, %arg14: memref<64xi32, #tpu.memory_space<vmem>>, %arg15: memref<64x128xf32, #tpu.memory_space<vmem>>, %arg16: memref<64x128xf32, #tpu.memory_space<vmem>>, %arg17: memref<64x128xf32, #tpu.memory_space<vmem>>, %arg18: memref<!tpu.dma_semaphore, #tpu.memory_space<semaphore_mem>>, %arg19: memref<!tpu.dma_semaphore, #tpu.memory_space<semaphore_mem>>) attributes {dimension_semantics = [#tpu.dimension_semantics<core_parallel>, #tpu.dimension_semantics<subcore_parallel>], iteration_bounds = array<i64: 2, 16>, scalar_prefetch = 0 : i64, scratch_operands = 13 : i64, tpu.core_type = #tpu.core_type<sc_vector_subcore>, window_params = [{transform_indices = #map}, {transform_indices = #map1}, {transform_indices = #map1}, {transform_indices = #map}, {transform_indices = #map}]} {
    %mul3A = arith.constant 640 : i32
    %mul3A_0 = arith.muli %arg1, %mul3A : i32
    %iota3A = tpu.iota {dimensions = array<i32: 0>} : vector<16xi32>
    %mul3A_1 = arith.constant 10240 : i32
    %mul3A_2 = arith.muli %arg1, %mul3A_1 : i32
    "tpu.region"() ({
      %run_scoped3A = tpu.sem_alloc : memref<!tpu.dma_semaphore, #tpu.memory_space<semaphore_mem>>
      %dma_start3A_180 = tpu.memref_slice %arg3[%mul3A_2] : memref<163840xi32, #tpu.memory_space<hbm>> -> memref<10240xi32, #tpu.memory_space<hbm>>
      %dma_start3A_181 = tpu.memref_slice %arg3[%mul3A_2] : memref<163840xi32, #tpu.memory_space<hbm>> -> memref<10240xi32, #tpu.memory_space<hbm>>
      tpu.enqueue_dma source(%dma_start3A_181 : memref<10240xi32, #tpu.memory_space<hbm>>) target(%arg8 : memref<10240xi32, #tpu.memory_space<vmem>>) target_semaphore(%run_scoped3A : memref<!tpu.dma_semaphore, #tpu.memory_space<semaphore_mem>>)
      %dma_wait3A_182 = tpu.memref_slice %arg3[%mul3A_2] : memref<163840xi32, #tpu.memory_space<hbm>> -> memref<10240xi32, #tpu.memory_space<hbm>>
      %dma_wait3A_183 = tpu.memref_slice %arg3[%mul3A_2] : memref<163840xi32, #tpu.memory_space<hbm>> -> memref<10240xi32, #tpu.memory_space<hbm>>
      tpu.wait_dma2 semaphore(%run_scoped3A : memref<!tpu.dma_semaphore, #tpu.memory_space<semaphore_mem>>) src(%dma_wait3A_183 : memref<10240xi32, #tpu.memory_space<hbm>>) dst(%arg8 : memref<10240xi32, #tpu.memory_space<vmem>>)
      tpu.yield
    }) : () -> ()
    "tpu.region"() ({
      %run_scoped3A = tpu.sem_alloc : memref<!tpu.dma_semaphore, #tpu.memory_space<semaphore_mem>>
      %dma_start3A_180 = tpu.memref_slice %arg4[%mul3A_2] : memref<163840xi32, #tpu.memory_space<hbm>> -> memref<10240xi32, #tpu.memory_space<hbm>>
      %dma_start3A_181 = tpu.memref_slice %arg4[%mul3A_2] : memref<163840xi32, #tpu.memory_space<hbm>> -> memref<10240xi32, #tpu.memory_space<hbm>>
      tpu.enqueue_dma source(%dma_start3A_181 : memref<10240xi32, #tpu.memory_space<hbm>>) target(%arg9 : memref<10240xi32, #tpu.memory_space<vmem>>) target_semaphore(%run_scoped3A : memref<!tpu.dma_semaphore, #tpu.memory_space<semaphore_mem>>)
      %dma_wait3A_182 = tpu.memref_slice %arg4[%mul3A_2] : memref<163840xi32, #tpu.memory_space<hbm>> -> memref<10240xi32, #tpu.memory_space<hbm>>
      %dma_wait3A_183 = tpu.memref_slice %arg4[%mul3A_2] : memref<163840xi32, #tpu.memory_space<hbm>> -> memref<10240xi32, #tpu.memory_space<hbm>>
      tpu.wait_dma2 semaphore(%run_scoped3A : memref<!tpu.dma_semaphore, #tpu.memory_space<semaphore_mem>>) src(%dma_wait3A_183 : memref<10240xi32, #tpu.memory_space<hbm>>) dst(%arg9 : memref<10240xi32, #tpu.memory_space<vmem>>)
      tpu.yield
    }) : () -> ()
    "tpu.region"() ({
      %run_scoped3A = tpu.sem_alloc : memref<!tpu.dma_semaphore, #tpu.memory_space<semaphore_mem>>
      tpu.enqueue_dma source(%arg5 : memref<64x128xf32, #tpu.memory_space<hbm>>) target(%arg17 : memref<64x128xf32, #tpu.memory_space<vmem>>) target_semaphore(%run_scoped3A : memref<!tpu.dma_semaphore, #tpu.memory_space<semaphore_mem>>)
      tpu.wait_dma2 semaphore(%run_scoped3A : memref<!tpu.dma_semaphore, #tpu.memory_space<semaphore_mem>>) src(%arg5 : memref<64x128xf32, #tpu.memory_space<hbm>>) dst(%arg17 : memref<64x128xf32, #tpu.memory_space<vmem>>)
      tpu.yield
    }) : () -> ()
    %scan3A = arith.constant 0 : i32
    %scan3A_3 = arith.constant 0 : i32
    %scan3A_4 = arith.constant 10 : i32
    %scan3A_5 = arith.addi %scan3A_3, %scan3A_4 : i32
    %scan3A_6 = arith.constant 1 : i32
    scf.for %scan3A_180 = %scan3A_3 to %scan3A_5 step %scan3A_6  : i32 {
      %mul3A_181 = arith.constant 64 : i32
      %mul3A_182 = arith.muli %scan3A_180, %mul3A_181 : i32
      %add3A_183 = arith.addi %mul3A_0, %mul3A_182 : i32
      %add3A_184 = arith.constant 0 : i32
      %add3A_185 = arith.addi %add3A_183, %add3A_184 : i32
      %add3A_186 = vector.broadcast %add3A_185 : i32 to vector<16xi32>
      %add3A_187 = arith.addi %iota3A, %add3A_186 : vector<16xi32>
      %swap3A_188 = arith.constant 0 : index
      %swap3A_189 = tpu.vector_load %arg14[%swap3A_188] {strides = array<i32>} : memref<64xi32, #tpu.memory_space<vmem>>, vector<16xi32>,
      %swap3A_190 = vector.shape_cast %swap3A_189 : vector<16xi32> to vector<16xi32>
      %swap3A_191 = vector.shape_cast %add3A_187 : vector<16xi32> to vector<16xi32>
      tpu.vector_store %arg14[%swap3A_188], %swap3A_191 {strides = array<i32>} : memref<64xi32, #tpu.memory_space<vmem>>, vector<16xi32>,
      %add3A_192 = arith.constant 16 : i32
      %add3A_193 = arith.addi %add3A_183, %add3A_192 : i32
      %add3A_194 = vector.broadcast %add3A_193 : i32 to vector<16xi32>
      %add3A_195 = arith.addi %iota3A, %add3A_194 : vector<16xi32>
      %swap3A_196 = arith.constant 16 : index
      %swap3A_197 = tpu.vector_load %arg14[%swap3A_196] {strides = array<i32>} : memref<64xi32, #tpu.memory_space<vmem>>, vector<16xi32>,
      %swap3A_198 = vector.shape_cast %swap3A_197 : vector<16xi32> to vector<16xi32>
      %swap3A_199 = vector.shape_cast %add3A_195 : vector<16xi32> to vector<16xi32>
      tpu.vector_store %arg14[%swap3A_196], %swap3A_199 {strides = array<i32>} : memref<64xi32, #tpu.memory_space<vmem>>, vector<16xi32>,
      %add3A_200 = arith.constant 32 : i32
      %add3A_201 = arith.addi %add3A_183, %add3A_200 : i32
      %add3A_202 = vector.broadcast %add3A_201 : i32 to vector<16xi32>
      %add3A_203 = arith.addi %iota3A, %add3A_202 : vector<16xi32>
      %swap3A_204 = arith.constant 32 : index
      %swap3A_205 = tpu.vector_load %arg14[%swap3A_204] {strides = array<i32>} : memref<64xi32, #tpu.memory_space<vmem>>, vector<16xi32>,
      %swap3A_206 = vector.shape_cast %swap3A_205 : vector<16xi32> to vector<16xi32>
      %swap3A_207 = vector.shape_cast %add3A_203 : vector<16xi32> to vector<16xi32>
      tpu.vector_store %arg14[%swap3A_204], %swap3A_207 {strides = array<i32>} : memref<64xi32, #tpu.memory_space<vmem>>, vector<16xi32>,
      %add3A_208 = arith.constant 48 : i32
      %add3A_209 = arith.addi %add3A_183, %add3A_208 : i32
      %add3A_210 = vector.broadcast %add3A_209 : i32 to vector<16xi32>
      %add3A_211 = arith.addi %iota3A, %add3A_210 : vector<16xi32>
      %swap3A_212 = arith.constant 48 : index
      %swap3A_213 = tpu.vector_load %arg14[%swap3A_212] {strides = array<i32>} : memref<64xi32, #tpu.memory_space<vmem>>, vector<16xi32>,
      %swap3A_214 = vector.shape_cast %swap3A_213 : vector<16xi32> to vector<16xi32>
      %swap3A_215 = vector.shape_cast %add3A_211 : vector<16xi32> to vector<16xi32>
      tpu.vector_store %arg14[%swap3A_212], %swap3A_215 {strides = array<i32>} : memref<64xi32, #tpu.memory_space<vmem>>, vector<16xi32>,
      "tpu.region"() ({
        %run_scoped3A = tpu.sem_alloc : memref<!tpu.dma_semaphore, #tpu.memory_space<semaphore_mem>>
        %dma_start3A_216 = arith.constant 0 : i32
        %dma_start3A_217 = arith.constant 0 : i32
        %dma_start3A_218 = tpu.memref_slice %arg7[%dma_start3A_216, %dma_start3A_217] : memref<10240x128xf32, #tpu.memory_space<vmem_shared>> -> memref<10240x128xf32, #tpu.memory_space<vmem_shared>>
        tpu.enqueue_indirect_dma source(%arg17 : memref<64x128xf32, #tpu.memory_space<vmem>>) target(%dma_start3A_218 : memref<10240x128xf32, #tpu.memory_space<vmem_shared>>) offsets(%arg14 : memref<64xi32, #tpu.memory_space<vmem>>) semaphore(%run_scoped3A : memref<!tpu.dma_semaphore, #tpu.memory_space<semaphore_mem>>)
        %dma_wait3A_219 = arith.constant 0 : i32
        %dma_wait3A_220 = arith.constant 0 : i32
        %dma_wait3A_221 = tpu.memref_slice %arg7[%dma_wait3A_219, %dma_wait3A_220] : memref<10240x128xf32, #tpu.memory_space<vmem_shared>> -> memref<10240x128xf32, #tpu.memory_space<vmem_shared>>
        tpu.wait_indirect_dma semaphore(%run_scoped3A : memref<!tpu.dma_semaphore, #tpu.memory_space<semaphore_mem>>) src(%arg17 : memref<64x128xf32, #tpu.memory_space<vmem>>) dst(%dma_wait3A_221 : memref<10240x128xf32, #tpu.memory_space<vmem_shared>>)
        tpu.yield
      }) : () -> ()
    }
    %scan3A_7 = arith.constant 10 : i32
    %barrier3A = arith.constant 0 : index
    tpu.barrier barrier_id(%barrier3A)
    %get3A = arith.constant 0 : index
    %get3A_8 = tpu.vector_load %arg8[%get3A] {strides = array<i32>} : memref<10240xi32, #tpu.memory_space<vmem>>, vector<16xi32>,
    %get3A_9 = vector.shape_cast %get3A_8 : vector<16xi32> to vector<16xi32>
    %mul3A_10 = arith.constant 2 : i32
    %mul3A_11 = vector.broadcast %mul3A_10 : i32 to vector<16xi32>
    %mul3A_12 = arith.muli %get3A_9, %mul3A_11 : vector<16xi32>
    %add3A = vector.broadcast %arg0 : i32 to vector<16xi32>
    %add3A_13 = arith.addi %mul3A_12, %add3A : vector<16xi32>
    %swap3A = arith.constant 0 : index
    %swap3A_14 = tpu.vector_load %arg10[%swap3A] {strides = array<i32>} : memref<64xi32, #tpu.memory_space<vmem>>, vector<16xi32>,
    %swap3A_15 = vector.shape_cast %swap3A_14 : vector<16xi32> to vector<16xi32>
    %swap3A_16 = vector.shape_cast %add3A_13 : vector<16xi32> to vector<16xi32>
    tpu.vector_store %arg10[%swap3A], %swap3A_16 {strides = array<i32>} : memref<64xi32, #tpu.memory_space<vmem>>, vector<16xi32>,
    %get3A_17 = arith.constant 0 : index
    %get3A_18 = tpu.vector_load %arg9[%get3A_17] {strides = array<i32>} : memref<10240xi32, #tpu.memory_space<vmem>>, vector<16xi32>,
    %get3A_19 = vector.shape_cast %get3A_18 : vector<16xi32> to vector<16xi32>
    %swap3A_20 = arith.constant 0 : index
    %swap3A_21 = tpu.vector_load %arg12[%swap3A_20] {strides = array<i32>} : memref<64xi32, #tpu.memory_space<vmem>>, vector<16xi32>,
    %swap3A_22 = vector.shape_cast %swap3A_21 : vector<16xi32> to vector<16xi32>
    %swap3A_23 = vector.shape_cast %get3A_19 : vector<16xi32> to vector<16xi32>
    tpu.vector_store %arg12[%swap3A_20], %swap3A_23 {strides = array<i32>} : memref<64xi32, #tpu.memory_space<vmem>>, vector<16xi32>,
    %get3A_24 = arith.constant 16 : index
    %get3A_25 = tpu.vector_load %arg8[%get3A_24] {strides = array<i32>} : memref<10240xi32, #tpu.memory_space<vmem>>, vector<16xi32>,
    %get3A_26 = vector.shape_cast %get3A_25 : vector<16xi32> to vector<16xi32>
    %mul3A_27 = arith.constant 2 : i32
    %mul3A_28 = vector.broadcast %mul3A_27 : i32 to vector<16xi32>
    %mul3A_29 = arith.muli %get3A_26, %mul3A_28 : vector<16xi32>
    %add3A_30 = vector.broadcast %arg0 : i32 to vector<16xi32>
    %add3A_31 = arith.addi %mul3A_29, %add3A_30 : vector<16xi32>
    %swap3A_32 = arith.constant 16 : index
    %swap3A_33 = tpu.vector_load %arg10[%swap3A_32] {strides = array<i32>} : memref<64xi32, #tpu.memory_space<vmem>>, vector<16xi32>,
    %swap3A_34 = vector.shape_cast %swap3A_33 : vector<16xi32> to vector<16xi32>
    %swap3A_35 = vector.shape_cast %add3A_31 : vector<16xi32> to vector<16xi32>
    tpu.vector_store %arg10[%swap3A_32], %swap3A_35 {strides = array<i32>} : memref<64xi32, #tpu.memory_space<vmem>>, vector<16xi32>,
    %get3A_36 = arith.constant 16 : index
    %get3A_37 = tpu.vector_load %arg9[%get3A_36] {strides = array<i32>} : memref<10240xi32, #tpu.memory_space<vmem>>, vector<16xi32>,
    %get3A_38 = vector.shape_cast %get3A_37 : vector<16xi32> to vector<16xi32>
    %swap3A_39 = arith.constant 16 : index
    %swap3A_40 = tpu.vector_load %arg12[%swap3A_39] {strides = array<i32>} : memref<64xi32, #tpu.memory_space<vmem>>, vector<16xi32>,
    %swap3A_41 = vector.shape_cast %swap3A_40 : vector<16xi32> to vector<16xi32>
    %swap3A_42 = vector.shape_cast %get3A_38 : vector<16xi32> to vector<16xi32>
    tpu.vector_store %arg12[%swap3A_39], %swap3A_42 {strides = array<i32>} : memref<64xi32, #tpu.memory_space<vmem>>, vector<16xi32>,
    %get3A_43 = arith.constant 32 : index
    %get3A_44 = tpu.vector_load %arg8[%get3A_43] {strides = array<i32>} : memref<10240xi32, #tpu.memory_space<vmem>>, vector<16xi32>,
    %get3A_45 = vector.shape_cast %get3A_44 : vector<16xi32> to vector<16xi32>
    %mul3A_46 = arith.constant 2 : i32
    %mul3A_47 = vector.broadcast %mul3A_46 : i32 to vector<16xi32>
    %mul3A_48 = arith.muli %get3A_45, %mul3A_47 : vector<16xi32>
    %add3A_49 = vector.broadcast %arg0 : i32 to vector<16xi32>
    %add3A_50 = arith.addi %mul3A_48, %add3A_49 : vector<16xi32>
    %swap3A_51 = arith.constant 32 : index
    %swap3A_52 = tpu.vector_load %arg10[%swap3A_51] {strides = array<i32>} : memref<64xi32, #tpu.memory_space<vmem>>, vector<16xi32>,
    %swap3A_53 = vector.shape_cast %swap3A_52 : vector<16xi32> to vector<16xi32>
    %swap3A_54 = vector.shape_cast %add3A_50 : vector<16xi32> to vector<16xi32>
    tpu.vector_store %arg10[%swap3A_51], %swap3A_54 {strides = array<i32>} : memref<64xi32, #tpu.memory_space<vmem>>, vector<16xi32>,
    %get3A_55 = arith.constant 32 : index
    %get3A_56 = tpu.vector_load %arg9[%get3A_55] {strides = array<i32>} : memref<10240xi32, #tpu.memory_space<vmem>>, vector<16xi32>,
    %get3A_57 = vector.shape_cast %get3A_56 : vector<16xi32> to vector<16xi32>
    %swap3A_58 = arith.constant 32 : index
    %swap3A_59 = tpu.vector_load %arg12[%swap3A_58] {strides = array<i32>} : memref<64xi32, #tpu.memory_space<vmem>>, vector<16xi32>,
    %swap3A_60 = vector.shape_cast %swap3A_59 : vector<16xi32> to vector<16xi32>
    %swap3A_61 = vector.shape_cast %get3A_57 : vector<16xi32> to vector<16xi32>
    tpu.vector_store %arg12[%swap3A_58], %swap3A_61 {strides = array<i32>} : memref<64xi32, #tpu.memory_space<vmem>>, vector<16xi32>,
    %get3A_62 = arith.constant 48 : index
    %get3A_63 = tpu.vector_load %arg8[%get3A_62] {strides = array<i32>} : memref<10240xi32, #tpu.memory_space<vmem>>, vector<16xi32>,
    %get3A_64 = vector.shape_cast %get3A_63 : vector<16xi32> to vector<16xi32>
    %mul3A_65 = arith.constant 2 : i32
    %mul3A_66 = vector.broadcast %mul3A_65 : i32 to vector<16xi32>
    %mul3A_67 = arith.muli %get3A_64, %mul3A_66 : vector<16xi32>
    %add3A_68 = vector.broadcast %arg0 : i32 to vector<16xi32>
    %add3A_69 = arith.addi %mul3A_67, %add3A_68 : vector<16xi32>
    %swap3A_70 = arith.constant 48 : index
    %swap3A_71 = tpu.vector_load %arg10[%swap3A_70] {strides = array<i32>} : memref<64xi32, #tpu.memory_space<vmem>>, vector<16xi32>,
    %swap3A_72 = vector.shape_cast %swap3A_71 : vector<16xi32> to vector<16xi32>
    %swap3A_73 = vector.shape_cast %add3A_69 : vector<16xi32> to vector<16xi32>
    tpu.vector_store %arg10[%swap3A_70], %swap3A_73 {strides = array<i32>} : memref<64xi32, #tpu.memory_space<vmem>>, vector<16xi32>,
    %get3A_74 = arith.constant 48 : index
    %get3A_75 = tpu.vector_load %arg9[%get3A_74] {strides = array<i32>} : memref<10240xi32, #tpu.memory_space<vmem>>, vector<16xi32>,
    %get3A_76 = vector.shape_cast %get3A_75 : vector<16xi32> to vector<16xi32>
    %swap3A_77 = arith.constant 48 : index
    %swap3A_78 = tpu.vector_load %arg12[%swap3A_77] {strides = array<i32>} : memref<64xi32, #tpu.memory_space<vmem>>, vector<16xi32>,
    %swap3A_79 = vector.shape_cast %swap3A_78 : vector<16xi32> to vector<16xi32>
    %swap3A_80 = vector.shape_cast %get3A_76 : vector<16xi32> to vector<16xi32>
    tpu.vector_store %arg12[%swap3A_77], %swap3A_80 {strides = array<i32>} : memref<64xi32, #tpu.memory_space<vmem>>, vector<16xi32>,
    %dma_start3A = arith.constant 0 : i32
    %dma_start3A_81 = arith.constant 0 : i32
    %dma_start3A_82 = tpu.memref_slice %arg2[%dma_start3A, %dma_start3A_81] : memref<100000x128xf32, #tpu.memory_space<hbm>> -> memref<100000x128xf32, #tpu.memory_space<hbm>>
    tpu.enqueue_indirect_dma source(%dma_start3A_82 : memref<100000x128xf32, #tpu.memory_space<hbm>>) target(%arg15 : memref<64x128xf32, #tpu.memory_space<vmem>>) offsets(%arg10 : memref<64xi32, #tpu.memory_space<vmem>>) semaphore(%arg18 : memref<!tpu.dma_semaphore, #tpu.memory_space<semaphore_mem>>)
    %scan3A_83 = arith.constant 0 : i32
    %scan3A_84 = arith.constant 0 : i32
    %scan3A_85 = arith.constant 79 : i32
    %scan3A_86 = arith.addi %scan3A_84, %scan3A_85 : i32
    %scan3A_87 = arith.constant 1 : i32
    scf.for %scan3A_180 = %scan3A_84 to %scan3A_86 step %scan3A_87  : i32 {
      %mul3A_181 = arith.constant 2 : i32
      %mul3A_182 = arith.muli %scan3A_180, %mul3A_181 : i32
      %add3A_183 = arith.constant 1 : i32
      %add3A_184 = arith.addi %mul3A_182, %add3A_183 : i32
      %mul3A_185 = arith.constant 64 : i32
      %mul3A_186 = arith.muli %add3A_184, %mul3A_185 : i32
      %add3A_187 = arith.constant 0 : i32
      %add3A_188 = arith.addi %mul3A_186, %add3A_187 : i32
      %get3A_189 = arith.index_cast %add3A_188 : i32 to index
      %get3A_190 = tpu.vector_load %arg8[%get3A_189] {strides = array<i32>} : memref<10240xi32, #tpu.memory_space<vmem>>, vector<16xi32>,
      %get3A_191 = vector.shape_cast %get3A_190 : vector<16xi32> to vector<16xi32>
      %mul3A_192 = arith.constant 2 : i32
      %mul3A_193 = vector.broadcast %mul3A_192 : i32 to vector<16xi32>
      %mul3A_194 = arith.muli %get3A_191, %mul3A_193 : vector<16xi32>
      %add3A_195 = vector.broadcast %arg0 : i32 to vector<16xi32>
      %add3A_196 = arith.addi %mul3A_194, %add3A_195 : vector<16xi32>
      %swap3A_197 = arith.constant 0 : index
      %swap3A_198 = tpu.vector_load %arg11[%swap3A_197] {strides = array<i32>} : memref<64xi32, #tpu.memory_space<vmem>>, vector<16xi32>,
      %swap3A_199 = vector.shape_cast %swap3A_198 : vector<16xi32> to vector<16xi32>
      %swap3A_200 = vector.shape_cast %add3A_196 : vector<16xi32> to vector<16xi32>
      tpu.vector_store %arg11[%swap3A_197], %swap3A_200 {strides = array<i32>} : memref<64xi32, #tpu.memory_space<vmem>>, vector<16xi32>,
      %get3A_201 = arith.index_cast %add3A_188 : i32 to index
      %get3A_202 = tpu.vector_load %arg9[%get3A_201] {strides = array<i32>} : memref<10240xi32, #tpu.memory_space<vmem>>, vector<16xi32>,
      %get3A_203 = vector.shape_cast %get3A_202 : vector<16xi32> to vector<16xi32>
      %swap3A_204 = arith.constant 0 : index
      %swap3A_205 = tpu.vector_load %arg13[%swap3A_204] {strides = array<i32>} : memref<64xi32, #tpu.memory_space<vmem>>, vector<16xi32>,
      %swap3A_206 = vector.shape_cast %swap3A_205 : vector<16xi32> to vector<16xi32>
      %swap3A_207 = vector.shape_cast %get3A_203 : vector<16xi32> to vector<16xi32>
      tpu.vector_store %arg13[%swap3A_204], %swap3A_207 {strides = array<i32>} : memref<64xi32, #tpu.memory_space<vmem>>, vector<16xi32>,
      %add3A_208 = arith.constant 16 : i32
      %add3A_209 = arith.addi %mul3A_186, %add3A_208 : i32
      %get3A_210 = arith.index_cast %add3A_209 : i32 to index
      %get3A_211 = tpu.vector_load %arg8[%get3A_210] {strides = array<i32>} : memref<10240xi32, #tpu.memory_space<vmem>>, vector<16xi32>,
      %get3A_212 = vector.shape_cast %get3A_211 : vector<16xi32> to vector<16xi32>
      %mul3A_213 = arith.constant 2 : i32
      %mul3A_214 = vector.broadcast %mul3A_213 : i32 to vector<16xi32>
      %mul3A_215 = arith.muli %get3A_212, %mul3A_214 : vector<16xi32>
      %add3A_216 = vector.broadcast %arg0 : i32 to vector<16xi32>
      %add3A_217 = arith.addi %mul3A_215, %add3A_216 : vector<16xi32>
      %swap3A_218 = arith.constant 16 : index
      %swap3A_219 = tpu.vector_load %arg11[%swap3A_218] {strides = array<i32>} : memref<64xi32, #tpu.memory_space<vmem>>, vector<16xi32>,
      %swap3A_220 = vector.shape_cast %swap3A_219 : vector<16xi32> to vector<16xi32>
      %swap3A_221 = vector.shape_cast %add3A_217 : vector<16xi32> to vector<16xi32>
      tpu.vector_store %arg11[%swap3A_218], %swap3A_221 {strides = array<i32>} : memref<64xi32, #tpu.memory_space<vmem>>, vector<16xi32>,
      %get3A_222 = arith.index_cast %add3A_209 : i32 to index
      %get3A_223 = tpu.vector_load %arg9[%get3A_222] {strides = array<i32>} : memref<10240xi32, #tpu.memory_space<vmem>>, vector<16xi32>,
      %get3A_224 = vector.shape_cast %get3A_223 : vector<16xi32> to vector<16xi32>
      %swap3A_225 = arith.constant 16 : index
      %swap3A_226 = tpu.vector_load %arg13[%swap3A_225] {strides = array<i32>} : memref<64xi32, #tpu.memory_space<vmem>>, vector<16xi32>,
      %swap3A_227 = vector.shape_cast %swap3A_226 : vector<16xi32> to vector<16xi32>
      %swap3A_228 = vector.shape_cast %get3A_224 : vector<16xi32> to vector<16xi32>
      tpu.vector_store %arg13[%swap3A_225], %swap3A_228 {strides = array<i32>} : memref<64xi32, #tpu.memory_space<vmem>>, vector<16xi32>,
      %add3A_229 = arith.constant 32 : i32
      %add3A_230 = arith.addi %mul3A_186, %add3A_229 : i32
      %get3A_231 = arith.index_cast %add3A_230 : i32 to index
      %get3A_232 = tpu.vector_load %arg8[%get3A_231] {strides = array<i32>} : memref<10240xi32, #tpu.memory_space<vmem>>, vector<16xi32>,
      %get3A_233 = vector.shape_cast %get3A_232 : vector<16xi32> to vector<16xi32>
      %mul3A_234 = arith.constant 2 : i32
      %mul3A_235 = vector.broadcast %mul3A_234 : i32 to vector<16xi32>
      %mul3A_236 = arith.muli %get3A_233, %mul3A_235 : vector<16xi32>
      %add3A_237 = vector.broadcast %arg0 : i32 to vector<16xi32>
      %add3A_238 = arith.addi %mul3A_236, %add3A_237 : vector<16xi32>
      %swap3A_239 = arith.constant 32 : index
      %swap3A_240 = tpu.vector_load %arg11[%swap3A_239] {strides = array<i32>} : memref<64xi32, #tpu.memory_space<vmem>>, vector<16xi32>,
      %swap3A_241 = vector.shape_cast %swap3A_240 : vector<16xi32> to vector<16xi32>
      %swap3A_242 = vector.shape_cast %add3A_238 : vector<16xi32> to vector<16xi32>
      tpu.vector_store %arg11[%swap3A_239], %swap3A_242 {strides = array<i32>} : memref<64xi32, #tpu.memory_space<vmem>>, vector<16xi32>,
      %get3A_243 = arith.index_cast %add3A_230 : i32 to index
      %get3A_244 = tpu.vector_load %arg9[%get3A_243] {strides = array<i32>} : memref<10240xi32, #tpu.memory_space<vmem>>, vector<16xi32>,
      %get3A_245 = vector.shape_cast %get3A_244 : vector<16xi32> to vector<16xi32>
      %swap3A_246 = arith.constant 32 : index
      %swap3A_247 = tpu.vector_load %arg13[%swap3A_246] {strides = array<i32>} : memref<64xi32, #tpu.memory_space<vmem>>, vector<16xi32>,
      %swap3A_248 = vector.shape_cast %swap3A_247 : vector<16xi32> to vector<16xi32>
      %swap3A_249 = vector.shape_cast %get3A_245 : vector<16xi32> to vector<16xi32>
      tpu.vector_store %arg13[%swap3A_246], %swap3A_249 {strides = array<i32>} : memref<64xi32, #tpu.memory_space<vmem>>, vector<16xi32>,
      %add3A_250 = arith.constant 48 : i32
      %add3A_251 = arith.addi %mul3A_186, %add3A_250 : i32
      %get3A_252 = arith.index_cast %add3A_251 : i32 to index
      %get3A_253 = tpu.vector_load %arg8[%get3A_252] {strides = array<i32>} : memref<10240xi32, #tpu.memory_space<vmem>>, vector<16xi32>,
      %get3A_254 = vector.shape_cast %get3A_253 : vector<16xi32> to vector<16xi32>
      %mul3A_255 = arith.constant 2 : i32
      %mul3A_256 = vector.broadcast %mul3A_255 : i32 to vector<16xi32>
      %mul3A_257 = arith.muli %get3A_254, %mul3A_256 : vector<16xi32>
      %add3A_258 = vector.broadcast %arg0 : i32 to vector<16xi32>
      %add3A_259 = arith.addi %mul3A_257, %add3A_258 : vector<16xi32>
      %swap3A_260 = arith.constant 48 : index
      %swap3A_261 = tpu.vector_load %arg11[%swap3A_260] {strides = array<i32>} : memref<64xi32, #tpu.memory_space<vmem>>, vector<16xi32>,
      %swap3A_262 = vector.shape_cast %swap3A_261 : vector<16xi32> to vector<16xi32>
      %swap3A_263 = vector.shape_cast %add3A_259 : vector<16xi32> to vector<16xi32>
      tpu.vector_store %arg11[%swap3A_260], %swap3A_263 {strides = array<i32>} : memref<64xi32, #tpu.memory_space<vmem>>, vector<16xi32>,
      %get3A_264 = arith.index_cast %add3A_251 : i32 to index
      %get3A_265 = tpu.vector_load %arg9[%get3A_264] {strides = array<i32>} : memref<10240xi32, #tpu.memory_space<vmem>>, vector<16xi32>,
      %get3A_266 = vector.shape_cast %get3A_265 : vector<16xi32> to vector<16xi32>
      %swap3A_267 = arith.constant 48 : index
      %swap3A_268 = tpu.vector_load %arg13[%swap3A_267] {strides = array<i32>} : memref<64xi32, #tpu.memory_space<vmem>>, vector<16xi32>,
      %swap3A_269 = vector.shape_cast %swap3A_268 : vector<16xi32> to vector<16xi32>
      %swap3A_270 = vector.shape_cast %get3A_266 : vector<16xi32> to vector<16xi32>
      tpu.vector_store %arg13[%swap3A_267], %swap3A_270 {strides = array<i32>} : memref<64xi32, #tpu.memory_space<vmem>>, vector<16xi32>,
      %dma_start3A_271 = arith.constant 0 : i32
      %dma_start3A_272 = arith.constant 0 : i32
      %dma_start3A_273 = tpu.memref_slice %arg2[%dma_start3A_271, %dma_start3A_272] : memref<100000x128xf32, #tpu.memory_space<hbm>> -> memref<100000x128xf32, #tpu.memory_space<hbm>>
      tpu.enqueue_indirect_dma source(%dma_start3A_273 : memref<100000x128xf32, #tpu.memory_space<hbm>>) target(%arg16 : memref<64x128xf32, #tpu.memory_space<vmem>>) offsets(%arg11 : memref<64xi32, #tpu.memory_space<vmem>>) semaphore(%arg19 : memref<!tpu.dma_semaphore, #tpu.memory_space<semaphore_mem>>)
      %dma_wait3A_274 = arith.constant 0 : i32
      %dma_wait3A_275 = arith.constant 0 : i32
      %dma_wait3A_276 = tpu.memref_slice %arg2[%dma_wait3A_274, %dma_wait3A_275] : memref<100000x128xf32, #tpu.memory_space<hbm>> -> memref<100000x128xf32, #tpu.memory_space<hbm>>
      tpu.wait_indirect_dma semaphore(%arg18 : memref<!tpu.dma_semaphore, #tpu.memory_space<semaphore_mem>>) src(%dma_wait3A_276 : memref<100000x128xf32, #tpu.memory_space<hbm>>) dst(%arg15 : memref<64x128xf32, #tpu.memory_space<vmem>>)
      "tpu.region"() ({
        %run_scoped3A = tpu.sem_alloc : memref<!tpu.dma_semaphore, #tpu.memory_space<semaphore_mem>>
        %dma_start3A_371 = arith.constant 0 : i32
        %dma_start3A_372 = arith.constant 0 : i32
        %dma_start3A_373 = tpu.memref_slice %arg7[%dma_start3A_371, %dma_start3A_372] : memref<10240x128xf32, #tpu.memory_space<vmem_shared>> -> memref<10240x128xf32, #tpu.memory_space<vmem_shared>>
        tpu.enqueue_indirect_dma source(%arg15 : memref<64x128xf32, #tpu.memory_space<vmem>>) target(%dma_start3A_373 : memref<10240x128xf32, #tpu.memory_space<vmem_shared>>) offsets(%arg12 : memref<64xi32, #tpu.memory_space<vmem>>) semaphore(%run_scoped3A : memref<!tpu.dma_semaphore, #tpu.memory_space<semaphore_mem>>) {add = true}
        %dma_wait3A_374 = arith.constant 0 : i32
        %dma_wait3A_375 = arith.constant 0 : i32
        %dma_wait3A_376 = tpu.memref_slice %arg7[%dma_wait3A_374, %dma_wait3A_375] : memref<10240x128xf32, #tpu.memory_space<vmem_shared>> -> memref<10240x128xf32, #tpu.memory_space<vmem_shared>>
        tpu.wait_indirect_dma semaphore(%run_scoped3A : memref<!tpu.dma_semaphore, #tpu.memory_space<semaphore_mem>>) src(%arg15 : memref<64x128xf32, #tpu.memory_space<vmem>>) dst(%dma_wait3A_376 : memref<10240x128xf32, #tpu.memory_space<vmem_shared>>)
        tpu.yield
      }) : () -> ()
      %add3A_277 = arith.constant 2 : i32
      %add3A_278 = arith.addi %mul3A_182, %add3A_277 : i32
      %mul3A_279 = arith.constant 64 : i32
      %mul3A_280 = arith.muli %add3A_278, %mul3A_279 : i32
      %add3A_281 = arith.constant 0 : i32
      %add3A_282 = arith.addi %mul3A_280, %add3A_281 : i32
      %get3A_283 = arith.index_cast %add3A_282 : i32 to index
      %get3A_284 = tpu.vector_load %arg8[%get3A_283] {strides = array<i32>} : memref<10240xi32, #tpu.memory_space<vmem>>, vector<16xi32>,
      %get3A_285 = vector.shape_cast %get3A_284 : vector<16xi32> to vector<16xi32>
      %mul3A_286 = arith.constant 2 : i32
      %mul3A_287 = vector.broadcast %mul3A_286 : i32 to vector<16xi32>
      %mul3A_288 = arith.muli %get3A_285, %mul3A_287 : vector<16xi32>
      %add3A_289 = vector.broadcast %arg0 : i32 to vector<16xi32>
      %add3A_290 = arith.addi %mul3A_288, %add3A_289 : vector<16xi32>
      %swap3A_291 = arith.constant 0 : index
      %swap3A_292 = tpu.vector_load %arg10[%swap3A_291] {strides = array<i32>} : memref<64xi32, #tpu.memory_space<vmem>>, vector<16xi32>,
      %swap3A_293 = vector.shape_cast %swap3A_292 : vector<16xi32> to vector<16xi32>
      %swap3A_294 = vector.shape_cast %add3A_290 : vector<16xi32> to vector<16xi32>
      tpu.vector_store %arg10[%swap3A_291], %swap3A_294 {strides = array<i32>} : memref<64xi32, #tpu.memory_space<vmem>>, vector<16xi32>,
      %get3A_295 = arith.index_cast %add3A_282 : i32 to index
      %get3A_296 = tpu.vector_load %arg9[%get3A_295] {strides = array<i32>} : memref<10240xi32, #tpu.memory_space<vmem>>, vector<16xi32>,
      %get3A_297 = vector.shape_cast %get3A_296 : vector<16xi32> to vector<16xi32>
      %swap3A_298 = arith.constant 0 : index
      %swap3A_299 = tpu.vector_load %arg12[%swap3A_298] {strides = array<i32>} : memref<64xi32, #tpu.memory_space<vmem>>, vector<16xi32>,
      %swap3A_300 = vector.shape_cast %swap3A_299 : vector<16xi32> to vector<16xi32>
      %swap3A_301 = vector.shape_cast %get3A_297 : vector<16xi32> to vector<16xi32>
      tpu.vector_store %arg12[%swap3A_298], %swap3A_301 {strides = array<i32>} : memref<64xi32, #tpu.memory_space<vmem>>, vector<16xi32>,
      %add3A_302 = arith.constant 16 : i32
      %add3A_303 = arith.addi %mul3A_280, %add3A_302 : i32
      %get3A_304 = arith.index_cast %add3A_303 : i32 to index
      %get3A_305 = tpu.vector_load %arg8[%get3A_304] {strides = array<i32>} : memref<10240xi32, #tpu.memory_space<vmem>>, vector<16xi32>,
      %get3A_306 = vector.shape_cast %get3A_305 : vector<16xi32> to vector<16xi32>
      %mul3A_307 = arith.constant 2 : i32
      %mul3A_308 = vector.broadcast %mul3A_307 : i32 to vector<16xi32>
      %mul3A_309 = arith.muli %get3A_306, %mul3A_308 : vector<16xi32>
      %add3A_310 = vector.broadcast %arg0 : i32 to vector<16xi32>
      %add3A_311 = arith.addi %mul3A_309, %add3A_310 : vector<16xi32>
      %swap3A_312 = arith.constant 16 : index
      %swap3A_313 = tpu.vector_load %arg10[%swap3A_312] {strides = array<i32>} : memref<64xi32, #tpu.memory_space<vmem>>, vector<16xi32>,
      %swap3A_314 = vector.shape_cast %swap3A_313 : vector<16xi32> to vector<16xi32>
      %swap3A_315 = vector.shape_cast %add3A_311 : vector<16xi32> to vector<16xi32>
      tpu.vector_store %arg10[%swap3A_312], %swap3A_315 {strides = array<i32>} : memref<64xi32, #tpu.memory_space<vmem>>, vector<16xi32>,
      %get3A_316 = arith.index_cast %add3A_303 : i32 to index
      %get3A_317 = tpu.vector_load %arg9[%get3A_316] {strides = array<i32>} : memref<10240xi32, #tpu.memory_space<vmem>>, vector<16xi32>,
      %get3A_318 = vector.shape_cast %get3A_317 : vector<16xi32> to vector<16xi32>
      %swap3A_319 = arith.constant 16 : index
      %swap3A_320 = tpu.vector_load %arg12[%swap3A_319] {strides = array<i32>} : memref<64xi32, #tpu.memory_space<vmem>>, vector<16xi32>,
      %swap3A_321 = vector.shape_cast %swap3A_320 : vector<16xi32> to vector<16xi32>
      %swap3A_322 = vector.shape_cast %get3A_318 : vector<16xi32> to vector<16xi32>
      tpu.vector_store %arg12[%swap3A_319], %swap3A_322 {strides = array<i32>} : memref<64xi32, #tpu.memory_space<vmem>>, vector<16xi32>,
      %add3A_323 = arith.constant 32 : i32
      %add3A_324 = arith.addi %mul3A_280, %add3A_323 : i32
      %get3A_325 = arith.index_cast %add3A_324 : i32 to index
      %get3A_326 = tpu.vector_load %arg8[%get3A_325] {strides = array<i32>} : memref<10240xi32, #tpu.memory_space<vmem>>, vector<16xi32>,
      %get3A_327 = vector.shape_cast %get3A_326 : vector<16xi32> to vector<16xi32>
      %mul3A_328 = arith.constant 2 : i32
      %mul3A_329 = vector.broadcast %mul3A_328 : i32 to vector<16xi32>
      %mul3A_330 = arith.muli %get3A_327, %mul3A_329 : vector<16xi32>
      %add3A_331 = vector.broadcast %arg0 : i32 to vector<16xi32>
      %add3A_332 = arith.addi %mul3A_330, %add3A_331 : vector<16xi32>
      %swap3A_333 = arith.constant 32 : index
      %swap3A_334 = tpu.vector_load %arg10[%swap3A_333] {strides = array<i32>} : memref<64xi32, #tpu.memory_space<vmem>>, vector<16xi32>,
      %swap3A_335 = vector.shape_cast %swap3A_334 : vector<16xi32> to vector<16xi32>
      %swap3A_336 = vector.shape_cast %add3A_332 : vector<16xi32> to vector<16xi32>
      tpu.vector_store %arg10[%swap3A_333], %swap3A_336 {strides = array<i32>} : memref<64xi32, #tpu.memory_space<vmem>>, vector<16xi32>,
      %get3A_337 = arith.index_cast %add3A_324 : i32 to index
      %get3A_338 = tpu.vector_load %arg9[%get3A_337] {strides = array<i32>} : memref<10240xi32, #tpu.memory_space<vmem>>, vector<16xi32>,
      %get3A_339 = vector.shape_cast %get3A_338 : vector<16xi32> to vector<16xi32>
      %swap3A_340 = arith.constant 32 : index
      %swap3A_341 = tpu.vector_load %arg12[%swap3A_340] {strides = array<i32>} : memref<64xi32, #tpu.memory_space<vmem>>, vector<16xi32>,
      %swap3A_342 = vector.shape_cast %swap3A_341 : vector<16xi32> to vector<16xi32>
      %swap3A_343 = vector.shape_cast %get3A_339 : vector<16xi32> to vector<16xi32>
      tpu.vector_store %arg12[%swap3A_340], %swap3A_343 {strides = array<i32>} : memref<64xi32, #tpu.memory_space<vmem>>, vector<16xi32>,
      %add3A_344 = arith.constant 48 : i32
      %add3A_345 = arith.addi %mul3A_280, %add3A_344 : i32
      %get3A_346 = arith.index_cast %add3A_345 : i32 to index
      %get3A_347 = tpu.vector_load %arg8[%get3A_346] {strides = array<i32>} : memref<10240xi32, #tpu.memory_space<vmem>>, vector<16xi32>,
      %get3A_348 = vector.shape_cast %get3A_347 : vector<16xi32> to vector<16xi32>
      %mul3A_349 = arith.constant 2 : i32
      %mul3A_350 = vector.broadcast %mul3A_349 : i32 to vector<16xi32>
      %mul3A_351 = arith.muli %get3A_348, %mul3A_350 : vector<16xi32>
      %add3A_352 = vector.broadcast %arg0 : i32 to vector<16xi32>
      %add3A_353 = arith.addi %mul3A_351, %add3A_352 : vector<16xi32>
      %swap3A_354 = arith.constant 48 : index
      %swap3A_355 = tpu.vector_load %arg10[%swap3A_354] {strides = array<i32>} : memref<64xi32, #tpu.memory_space<vmem>>, vector<16xi32>,
      %swap3A_356 = vector.shape_cast %swap3A_355 : vector<16xi32> to vector<16xi32>
      %swap3A_357 = vector.shape_cast %add3A_353 : vector<16xi32> to vector<16xi32>
      tpu.vector_store %arg10[%swap3A_354], %swap3A_357 {strides = array<i32>} : memref<64xi32, #tpu.memory_space<vmem>>, vector<16xi32>,
      %get3A_358 = arith.index_cast %add3A_345 : i32 to index
      %get3A_359 = tpu.vector_load %arg9[%get3A_358] {strides = array<i32>} : memref<10240xi32, #tpu.memory_space<vmem>>, vector<16xi32>,
      %get3A_360 = vector.shape_cast %get3A_359 : vector<16xi32> to vector<16xi32>
      %swap3A_361 = arith.constant 48 : index
      %swap3A_362 = tpu.vector_load %arg12[%swap3A_361] {strides = array<i32>} : memref<64xi32, #tpu.memory_space<vmem>>, vector<16xi32>,
      %swap3A_363 = vector.shape_cast %swap3A_362 : vector<16xi32> to vector<16xi32>
      %swap3A_364 = vector.shape_cast %get3A_360 : vector<16xi32> to vector<16xi32>
      tpu.vector_store %arg12[%swap3A_361], %swap3A_364 {strides = array<i32>} : memref<64xi32, #tpu.memory_space<vmem>>, vector<16xi32>,
      %dma_start3A_365 = arith.constant 0 : i32
      %dma_start3A_366 = arith.constant 0 : i32
      %dma_start3A_367 = tpu.memref_slice %arg2[%dma_start3A_365, %dma_start3A_366] : memref<100000x128xf32, #tpu.memory_space<hbm>> -> memref<100000x128xf32, #tpu.memory_space<hbm>>
      tpu.enqueue_indirect_dma source(%dma_start3A_367 : memref<100000x128xf32, #tpu.memory_space<hbm>>) target(%arg15 : memref<64x128xf32, #tpu.memory_space<vmem>>) offsets(%arg10 : memref<64xi32, #tpu.memory_space<vmem>>) semaphore(%arg18 : memref<!tpu.dma_semaphore, #tpu.memory_space<semaphore_mem>>)
      %dma_wait3A_368 = arith.constant 0 : i32
      %dma_wait3A_369 = arith.constant 0 : i32
      %dma_wait3A_370 = tpu.memref_slice %arg2[%dma_wait3A_368, %dma_wait3A_369] : memref<100000x128xf32, #tpu.memory_space<hbm>> -> memref<100000x128xf32, #tpu.memory_space<hbm>>
      tpu.wait_indirect_dma semaphore(%arg19 : memref<!tpu.dma_semaphore, #tpu.memory_space<semaphore_mem>>) src(%dma_wait3A_370 : memref<100000x128xf32, #tpu.memory_space<hbm>>) dst(%arg16 : memref<64x128xf32, #tpu.memory_space<vmem>>)
      "tpu.region"() ({
        %run_scoped3A = tpu.sem_alloc : memref<!tpu.dma_semaphore, #tpu.memory_space<semaphore_mem>>
        %dma_start3A_371 = arith.constant 0 : i32
        %dma_start3A_372 = arith.constant 0 : i32
        %dma_start3A_373 = tpu.memref_slice %arg7[%dma_start3A_371, %dma_start3A_372] : memref<10240x128xf32, #tpu.memory_space<vmem_shared>> -> memref<10240x128xf32, #tpu.memory_space<vmem_shared>>
        tpu.enqueue_indirect_dma source(%arg16 : memref<64x128xf32, #tpu.memory_space<vmem>>) target(%dma_start3A_373 : memref<10240x128xf32, #tpu.memory_space<vmem_shared>>) offsets(%arg13 : memref<64xi32, #tpu.memory_space<vmem>>) semaphore(%run_scoped3A : memref<!tpu.dma_semaphore, #tpu.memory_space<semaphore_mem>>) {add = true}
        %dma_wait3A_374 = arith.constant 0 : i32
        %dma_wait3A_375 = arith.constant 0 : i32
        %dma_wait3A_376 = tpu.memref_slice %arg7[%dma_wait3A_374, %dma_wait3A_375] : memref<10240x128xf32, #tpu.memory_space<vmem_shared>> -> memref<10240x128xf32, #tpu.memory_space<vmem_shared>>
        tpu.wait_indirect_dma semaphore(%run_scoped3A : memref<!tpu.dma_semaphore, #tpu.memory_space<semaphore_mem>>) src(%arg16 : memref<64x128xf32, #tpu.memory_space<vmem>>) dst(%dma_wait3A_376 : memref<10240x128xf32, #tpu.memory_space<vmem_shared>>)
        tpu.yield
      }) : () -> ()
    }
    %scan3A_88 = arith.constant 79 : i32
    %get3A_89 = arith.constant 10176 : index
    %get3A_90 = tpu.vector_load %arg8[%get3A_89] {strides = array<i32>} : memref<10240xi32, #tpu.memory_space<vmem>>, vector<16xi32>,
    %get3A_91 = vector.shape_cast %get3A_90 : vector<16xi32> to vector<16xi32>
    %mul3A_92 = arith.constant 2 : i32
    %mul3A_93 = vector.broadcast %mul3A_92 : i32 to vector<16xi32>
    %mul3A_94 = arith.muli %get3A_91, %mul3A_93 : vector<16xi32>
    %add3A_95 = vector.broadcast %arg0 : i32 to vector<16xi32>
    %add3A_96 = arith.addi %mul3A_94, %add3A_95 : vector<16xi32>
    %swap3A_97 = arith.constant 0 : index
    %swap3A_98 = tpu.vector_load %arg11[%swap3A_97] {strides = array<i32>} : memref<64xi32, #tpu.memory_space<vmem>>, vector<16xi32>,
    %swap3A_99 = vector.shape_cast %swap3A_98 : vector<16xi32> to vector<16xi32>
    %swap3A_100 = vector.shape_cast %add3A_96 : vector<16xi32> to vector<16xi32>
    tpu.vector_store %arg11[%swap3A_97], %swap3A_100 {strides = array<i32>} : memref<64xi32, #tpu.memory_space<vmem>>, vector<16xi32>,
    %get3A_101 = arith.constant 10176 : index
    %get3A_102 = tpu.vector_load %arg9[%get3A_101] {strides = array<i32>} : memref<10240xi32, #tpu.memory_space<vmem>>, vector<16xi32>,
    %get3A_103 = vector.shape_cast %get3A_102 : vector<16xi32> to vector<16xi32>
    %swap3A_104 = arith.constant 0 : index
    %swap3A_105 = tpu.vector_load %arg13[%swap3A_104] {strides = array<i32>} : memref<64xi32, #tpu.memory_space<vmem>>, vector<16xi32>,
    %swap3A_106 = vector.shape_cast %swap3A_105 : vector<16xi32> to vector<16xi32>
    %swap3A_107 = vector.shape_cast %get3A_103 : vector<16xi32> to vector<16xi32>
    tpu.vector_store %arg13[%swap3A_104], %swap3A_107 {strides = array<i32>} : memref<64xi32, #tpu.memory_space<vmem>>, vector<16xi32>,
    %get3A_108 = arith.constant 10192 : index
    %get3A_109 = tpu.vector_load %arg8[%get3A_108] {strides = array<i32>} : memref<10240xi32, #tpu.memory_space<vmem>>, vector<16xi32>,
    %get3A_110 = vector.shape_cast %get3A_109 : vector<16xi32> to vector<16xi32>
    %mul3A_111 = arith.constant 2 : i32
    %mul3A_112 = vector.broadcast %mul3A_111 : i32 to vector<16xi32>
    %mul3A_113 = arith.muli %get3A_110, %mul3A_112 : vector<16xi32>
    %add3A_114 = vector.broadcast %arg0 : i32 to vector<16xi32>
    %add3A_115 = arith.addi %mul3A_113, %add3A_114 : vector<16xi32>
    %swap3A_116 = arith.constant 16 : index
    %swap3A_117 = tpu.vector_load %arg11[%swap3A_116] {strides = array<i32>} : memref<64xi32, #tpu.memory_space<vmem>>, vector<16xi32>,
    %swap3A_118 = vector.shape_cast %swap3A_117 : vector<16xi32> to vector<16xi32>
    %swap3A_119 = vector.shape_cast %add3A_115 : vector<16xi32> to vector<16xi32>
    tpu.vector_store %arg11[%swap3A_116], %swap3A_119 {strides = array<i32>} : memref<64xi32, #tpu.memory_space<vmem>>, vector<16xi32>,
    %get3A_120 = arith.constant 10192 : index
    %get3A_121 = tpu.vector_load %arg9[%get3A_120] {strides = array<i32>} : memref<10240xi32, #tpu.memory_space<vmem>>, vector<16xi32>,
    %get3A_122 = vector.shape_cast %get3A_121 : vector<16xi32> to vector<16xi32>
    %swap3A_123 = arith.constant 16 : index
    %swap3A_124 = tpu.vector_load %arg13[%swap3A_123] {strides = array<i32>} : memref<64xi32, #tpu.memory_space<vmem>>, vector<16xi32>,
    %swap3A_125 = vector.shape_cast %swap3A_124 : vector<16xi32> to vector<16xi32>
    %swap3A_126 = vector.shape_cast %get3A_122 : vector<16xi32> to vector<16xi32>
    tpu.vector_store %arg13[%swap3A_123], %swap3A_126 {strides = array<i32>} : memref<64xi32, #tpu.memory_space<vmem>>, vector<16xi32>,
    %get3A_127 = arith.constant 10208 : index
    %get3A_128 = tpu.vector_load %arg8[%get3A_127] {strides = array<i32>} : memref<10240xi32, #tpu.memory_space<vmem>>, vector<16xi32>,
    %get3A_129 = vector.shape_cast %get3A_128 : vector<16xi32> to vector<16xi32>
    %mul3A_130 = arith.constant 2 : i32
    %mul3A_131 = vector.broadcast %mul3A_130 : i32 to vector<16xi32>
    %mul3A_132 = arith.muli %get3A_129, %mul3A_131 : vector<16xi32>
    %add3A_133 = vector.broadcast %arg0 : i32 to vector<16xi32>
    %add3A_134 = arith.addi %mul3A_132, %add3A_133 : vector<16xi32>
    %swap3A_135 = arith.constant 32 : index
    %swap3A_136 = tpu.vector_load %arg11[%swap3A_135] {strides = array<i32>} : memref<64xi32, #tpu.memory_space<vmem>>, vector<16xi32>,
    %swap3A_137 = vector.shape_cast %swap3A_136 : vector<16xi32> to vector<16xi32>
    %swap3A_138 = vector.shape_cast %add3A_134 : vector<16xi32> to vector<16xi32>
    tpu.vector_store %arg11[%swap3A_135], %swap3A_138 {strides = array<i32>} : memref<64xi32, #tpu.memory_space<vmem>>, vector<16xi32>,
    %get3A_139 = arith.constant 10208 : index
    %get3A_140 = tpu.vector_load %arg9[%get3A_139] {strides = array<i32>} : memref<10240xi32, #tpu.memory_space<vmem>>, vector<16xi32>,
    %get3A_141 = vector.shape_cast %get3A_140 : vector<16xi32> to vector<16xi32>
    %swap3A_142 = arith.constant 32 : index
    %swap3A_143 = tpu.vector_load %arg13[%swap3A_142] {strides = array<i32>} : memref<64xi32, #tpu.memory_space<vmem>>, vector<16xi32>,
    %swap3A_144 = vector.shape_cast %swap3A_143 : vector<16xi32> to vector<16xi32>
    %swap3A_145 = vector.shape_cast %get3A_141 : vector<16xi32> to vector<16xi32>
    tpu.vector_store %arg13[%swap3A_142], %swap3A_145 {strides = array<i32>} : memref<64xi32, #tpu.memory_space<vmem>>, vector<16xi32>,
    %get3A_146 = arith.constant 10224 : index
    %get3A_147 = tpu.vector_load %arg8[%get3A_146] {strides = array<i32>} : memref<10240xi32, #tpu.memory_space<vmem>>, vector<16xi32>,
    %get3A_148 = vector.shape_cast %get3A_147 : vector<16xi32> to vector<16xi32>
    %mul3A_149 = arith.constant 2 : i32
    %mul3A_150 = vector.broadcast %mul3A_149 : i32 to vector<16xi32>
    %mul3A_151 = arith.muli %get3A_148, %mul3A_150 : vector<16xi32>
    %add3A_152 = vector.broadcast %arg0 : i32 to vector<16xi32>
    %add3A_153 = arith.addi %mul3A_151, %add3A_152 : vector<16xi32>
    %swap3A_154 = arith.constant 48 : index
    %swap3A_155 = tpu.vector_load %arg11[%swap3A_154] {strides = array<i32>} : memref<64xi32, #tpu.memory_space<vmem>>, vector<16xi32>,
    %swap3A_156 = vector.shape_cast %swap3A_155 : vector<16xi32> to vector<16xi32>
    %swap3A_157 = vector.shape_cast %add3A_153 : vector<16xi32> to vector<16xi32>
    tpu.vector_store %arg11[%swap3A_154], %swap3A_157 {strides = array<i32>} : memref<64xi32, #tpu.memory_space<vmem>>, vector<16xi32>,
    %get3A_158 = arith.constant 10224 : index
    %get3A_159 = tpu.vector_load %arg9[%get3A_158] {strides = array<i32>} : memref<10240xi32, #tpu.memory_space<vmem>>, vector<16xi32>,
    %get3A_160 = vector.shape_cast %get3A_159 : vector<16xi32> to vector<16xi32>
    %swap3A_161 = arith.constant 48 : index
    %swap3A_162 = tpu.vector_load %arg13[%swap3A_161] {strides = array<i32>} : memref<64xi32, #tpu.memory_space<vmem>>, vector<16xi32>,
    %swap3A_163 = vector.shape_cast %swap3A_162 : vector<16xi32> to vector<16xi32>
    %swap3A_164 = vector.shape_cast %get3A_160 : vector<16xi32> to vector<16xi32>
    tpu.vector_store %arg13[%swap3A_161], %swap3A_164 {strides = array<i32>} : memref<64xi32, #tpu.memory_space<vmem>>, vector<16xi32>,
    %dma_start3A_165 = arith.constant 0 : i32
    %dma_start3A_166 = arith.constant 0 : i32
    %dma_start3A_167 = tpu.memref_slice %arg2[%dma_start3A_165, %dma_start3A_166] : memref<100000x128xf32, #tpu.memory_space<hbm>> -> memref<100000x128xf32, #tpu.memory_space<hbm>>
    tpu.enqueue_indirect_dma source(%dma_start3A_167 : memref<100000x128xf32, #tpu.memory_space<hbm>>) target(%arg16 : memref<64x128xf32, #tpu.memory_space<vmem>>) offsets(%arg11 : memref<64xi32, #tpu.memory_space<vmem>>) semaphore(%arg19 : memref<!tpu.dma_semaphore, #tpu.memory_space<semaphore_mem>>)
    %dma_wait3A = arith.constant 0 : i32
    %dma_wait3A_168 = arith.constant 0 : i32
    %dma_wait3A_169 = tpu.memref_slice %arg2[%dma_wait3A, %dma_wait3A_168] : memref<100000x128xf32, #tpu.memory_space<hbm>> -> memref<100000x128xf32, #tpu.memory_space<hbm>>
    tpu.wait_indirect_dma semaphore(%arg18 : memref<!tpu.dma_semaphore, #tpu.memory_space<semaphore_mem>>) src(%dma_wait3A_169 : memref<100000x128xf32, #tpu.memory_space<hbm>>) dst(%arg15 : memref<64x128xf32, #tpu.memory_space<vmem>>)
    "tpu.region"() ({
      %run_scoped3A = tpu.sem_alloc : memref<!tpu.dma_semaphore, #tpu.memory_space<semaphore_mem>>
      %dma_start3A_180 = arith.constant 0 : i32
      %dma_start3A_181 = arith.constant 0 : i32
      %dma_start3A_182 = tpu.memref_slice %arg7[%dma_start3A_180, %dma_start3A_181] : memref<10240x128xf32, #tpu.memory_space<vmem_shared>> -> memref<10240x128xf32, #tpu.memory_space<vmem_shared>>
      tpu.enqueue_indirect_dma source(%arg15 : memref<64x128xf32, #tpu.memory_space<vmem>>) target(%dma_start3A_182 : memref<10240x128xf32, #tpu.memory_space<vmem_shared>>) offsets(%arg12 : memref<64xi32, #tpu.memory_space<vmem>>) semaphore(%run_scoped3A : memref<!tpu.dma_semaphore, #tpu.memory_space<semaphore_mem>>) {add = true}
      %dma_wait3A_183 = arith.constant 0 : i32
      %dma_wait3A_184 = arith.constant 0 : i32
      %dma_wait3A_185 = tpu.memref_slice %arg7[%dma_wait3A_183, %dma_wait3A_184] : memref<10240x128xf32, #tpu.memory_space<vmem_shared>> -> memref<10240x128xf32, #tpu.memory_space<vmem_shared>>
      tpu.wait_indirect_dma semaphore(%run_scoped3A : memref<!tpu.dma_semaphore, #tpu.memory_space<semaphore_mem>>) src(%arg15 : memref<64x128xf32, #tpu.memory_space<vmem>>) dst(%dma_wait3A_185 : memref<10240x128xf32, #tpu.memory_space<vmem_shared>>)
      tpu.yield
    }) : () -> ()
    %dma_wait3A_170 = arith.constant 0 : i32
    %dma_wait3A_171 = arith.constant 0 : i32
    %dma_wait3A_172 = tpu.memref_slice %arg2[%dma_wait3A_170, %dma_wait3A_171] : memref<100000x128xf32, #tpu.memory_space<hbm>> -> memref<100000x128xf32, #tpu.memory_space<hbm>>
    tpu.wait_indirect_dma semaphore(%arg19 : memref<!tpu.dma_semaphore, #tpu.memory_space<semaphore_mem>>) src(%dma_wait3A_172 : memref<100000x128xf32, #tpu.memory_space<hbm>>) dst(%arg16 : memref<64x128xf32, #tpu.memory_space<vmem>>)
    "tpu.region"() ({
      %run_scoped3A = tpu.sem_alloc : memref<!tpu.dma_semaphore, #tpu.memory_space<semaphore_mem>>
      %dma_start3A_180 = arith.constant 0 : i32
      %dma_start3A_181 = arith.constant 0 : i32
      %dma_start3A_182 = tpu.memref_slice %arg7[%dma_start3A_180, %dma_start3A_181] : memref<10240x128xf32, #tpu.memory_space<vmem_shared>> -> memref<10240x128xf32, #tpu.memory_space<vmem_shared>>
      tpu.enqueue_indirect_dma source(%arg16 : memref<64x128xf32, #tpu.memory_space<vmem>>) target(%dma_start3A_182 : memref<10240x128xf32, #tpu.memory_space<vmem_shared>>) offsets(%arg13 : memref<64xi32, #tpu.memory_space<vmem>>) semaphore(%run_scoped3A : memref<!tpu.dma_semaphore, #tpu.memory_space<semaphore_mem>>) {add = true}
      %dma_wait3A_183 = arith.constant 0 : i32
      %dma_wait3A_184 = arith.constant 0 : i32
      %dma_wait3A_185 = tpu.memref_slice %arg7[%dma_wait3A_183, %dma_wait3A_184] : memref<10240x128xf32, #tpu.memory_space<vmem_shared>> -> memref<10240x128xf32, #tpu.memory_space<vmem_shared>>
      tpu.wait_indirect_dma semaphore(%run_scoped3A : memref<!tpu.dma_semaphore, #tpu.memory_space<semaphore_mem>>) src(%arg16 : memref<64x128xf32, #tpu.memory_space<vmem>>) dst(%dma_wait3A_185 : memref<10240x128xf32, #tpu.memory_space<vmem_shared>>)
      tpu.yield
    }) : () -> ()
    %barrier3A_173 = arith.constant 0 : index
    tpu.barrier barrier_id(%barrier3A_173)
    %scan3A_174 = arith.constant 0 : i32
    %scan3A_175 = arith.constant 0 : i32
    %scan3A_176 = arith.constant 10 : i32
    %scan3A_177 = arith.addi %scan3A_175, %scan3A_176 : i32
    %scan3A_178 = arith.constant 1 : i32
    scf.for %scan3A_180 = %scan3A_175 to %scan3A_177 step %scan3A_178  : i32 {
      %mul3A_181 = arith.constant 64 : i32
      %mul3A_182 = arith.muli %scan3A_180, %mul3A_181 : i32
      %add3A_183 = arith.addi %mul3A_0, %mul3A_182 : i32
      %add3A_184 = arith.constant 0 : i32
      %add3A_185 = arith.addi %add3A_183, %add3A_184 : i32
      %add3A_186 = vector.broadcast %add3A_185 : i32 to vector<16xi32>
      %add3A_187 = arith.addi %iota3A, %add3A_186 : vector<16xi32>
      %swap3A_188 = arith.constant 0 : index
      %swap3A_189 = tpu.vector_load %arg14[%swap3A_188] {strides = array<i32>} : memref<64xi32, #tpu.memory_space<vmem>>, vector<16xi32>,
      %swap3A_190 = vector.shape_cast %swap3A_189 : vector<16xi32> to vector<16xi32>
      %swap3A_191 = vector.shape_cast %add3A_187 : vector<16xi32> to vector<16xi32>
      tpu.vector_store %arg14[%swap3A_188], %swap3A_191 {strides = array<i32>} : memref<64xi32, #tpu.memory_space<vmem>>, vector<16xi32>,
      %add3A_192 = arith.constant 16 : i32
      %add3A_193 = arith.addi %add3A_183, %add3A_192 : i32
      %add3A_194 = vector.broadcast %add3A_193 : i32 to vector<16xi32>
      %add3A_195 = arith.addi %iota3A, %add3A_194 : vector<16xi32>
      %swap3A_196 = arith.constant 16 : index
      %swap3A_197 = tpu.vector_load %arg14[%swap3A_196] {strides = array<i32>} : memref<64xi32, #tpu.memory_space<vmem>>, vector<16xi32>,
      %swap3A_198 = vector.shape_cast %swap3A_197 : vector<16xi32> to vector<16xi32>
      %swap3A_199 = vector.shape_cast %add3A_195 : vector<16xi32> to vector<16xi32>
      tpu.vector_store %arg14[%swap3A_196], %swap3A_199 {strides = array<i32>} : memref<64xi32, #tpu.memory_space<vmem>>, vector<16xi32>,
      %add3A_200 = arith.constant 32 : i32
      %add3A_201 = arith.addi %add3A_183, %add3A_200 : i32
      %add3A_202 = vector.broadcast %add3A_201 : i32 to vector<16xi32>
      %add3A_203 = arith.addi %iota3A, %add3A_202 : vector<16xi32>
      %swap3A_204 = arith.constant 32 : index
      %swap3A_205 = tpu.vector_load %arg14[%swap3A_204] {strides = array<i32>} : memref<64xi32, #tpu.memory_space<vmem>>, vector<16xi32>,
      %swap3A_206 = vector.shape_cast %swap3A_205 : vector<16xi32> to vector<16xi32>
      %swap3A_207 = vector.shape_cast %add3A_203 : vector<16xi32> to vector<16xi32>
      tpu.vector_store %arg14[%swap3A_204], %swap3A_207 {strides = array<i32>} : memref<64xi32, #tpu.memory_space<vmem>>, vector<16xi32>,
      %add3A_208 = arith.constant 48 : i32
      %add3A_209 = arith.addi %add3A_183, %add3A_208 : i32
      %add3A_210 = vector.broadcast %add3A_209 : i32 to vector<16xi32>
      %add3A_211 = arith.addi %iota3A, %add3A_210 : vector<16xi32>
      %swap3A_212 = arith.constant 48 : index
      %swap3A_213 = tpu.vector_load %arg14[%swap3A_212] {strides = array<i32>} : memref<64xi32, #tpu.memory_space<vmem>>, vector<16xi32>,
      %swap3A_214 = vector.shape_cast %swap3A_213 : vector<16xi32> to vector<16xi32>
      %swap3A_215 = vector.shape_cast %add3A_211 : vector<16xi32> to vector<16xi32>
      tpu.vector_store %arg14[%swap3A_212], %swap3A_215 {strides = array<i32>} : memref<64xi32, #tpu.memory_space<vmem>>, vector<16xi32>,
      %dma_start3A_216 = arith.constant 0 : i32
      %dma_start3A_217 = arith.constant 0 : i32
      %dma_start3A_218 = tpu.memref_slice %arg7[%dma_start3A_216, %dma_start3A_217] : memref<10240x128xf32, #tpu.memory_space<vmem_shared>> -> memref<10240x128xf32, #tpu.memory_space<vmem_shared>>
      tpu.enqueue_indirect_dma source(%dma_start3A_218 : memref<10240x128xf32, #tpu.memory_space<vmem_shared>>) target(%arg17 : memref<64x128xf32, #tpu.memory_space<vmem>>) offsets(%arg14 : memref<64xi32, #tpu.memory_space<vmem>>) semaphore(%arg18 : memref<!tpu.dma_semaphore, #tpu.memory_space<semaphore_mem>>)
      %dma_wait3A_219 = arith.constant 0 : i32
      %dma_wait3A_220 = arith.constant 0 : i32
      %dma_wait3A_221 = tpu.memref_slice %arg7[%dma_wait3A_219, %dma_wait3A_220] : memref<10240x128xf32, #tpu.memory_space<vmem_shared>> -> memref<10240x128xf32, #tpu.memory_space<vmem_shared>>
      tpu.wait_indirect_dma semaphore(%arg18 : memref<!tpu.dma_semaphore, #tpu.memory_space<semaphore_mem>>) src(%dma_wait3A_221 : memref<10240x128xf32, #tpu.memory_space<vmem_shared>>) dst(%arg17 : memref<64x128xf32, #tpu.memory_space<vmem>>)
      %mul3A_222 = arith.constant 10240 : i32
      %mul3A_223 = arith.muli %arg0, %mul3A_222 : i32
      %add3A_224 = arith.addi %mul3A_223, %mul3A_0 : i32
      %mul3A_225 = arith.constant 64 : i32
      %mul3A_226 = arith.muli %scan3A_180, %mul3A_225 : i32
      %add3A_227 = arith.addi %add3A_224, %mul3A_226 : i32
      "tpu.region"() ({
        %run_scoped3A = tpu.sem_alloc : memref<!tpu.dma_semaphore, #tpu.memory_space<semaphore_mem>>
        %dma_start3A_228 = arith.constant 0 : i32
        %dma_start3A_229 = tpu.memref_slice %arg6[%add3A_227, %dma_start3A_228] : memref<20480x128xf32, #tpu.memory_space<hbm>> -> memref<64x128xf32, #tpu.memory_space<hbm>>
        %dma_start3A_230 = arith.constant 0 : i32
        %dma_start3A_231 = tpu.memref_slice %arg6[%add3A_227, %dma_start3A_230] : memref<20480x128xf32, #tpu.memory_space<hbm>> -> memref<64x128xf32, #tpu.memory_space<hbm>>
        tpu.enqueue_dma source(%arg17 : memref<64x128xf32, #tpu.memory_space<vmem>>) target(%dma_start3A_231 : memref<64x128xf32, #tpu.memory_space<hbm>>) target_semaphore(%run_scoped3A : memref<!tpu.dma_semaphore, #tpu.memory_space<semaphore_mem>>)
        %dma_wait3A_232 = arith.constant 0 : i32
        %dma_wait3A_233 = tpu.memref_slice %arg6[%add3A_227, %dma_wait3A_232] : memref<20480x128xf32, #tpu.memory_space<hbm>> -> memref<64x128xf32, #tpu.memory_space<hbm>>
        %dma_wait3A_234 = arith.constant 0 : i32
        %dma_wait3A_235 = tpu.memref_slice %arg6[%add3A_227, %dma_wait3A_234] : memref<20480x128xf32, #tpu.memory_space<hbm>> -> memref<64x128xf32, #tpu.memory_space<hbm>>
        tpu.wait_dma2 semaphore(%run_scoped3A : memref<!tpu.dma_semaphore, #tpu.memory_space<semaphore_mem>>) src(%arg17 : memref<64x128xf32, #tpu.memory_space<vmem>>) dst(%dma_wait3A_235 : memref<64x128xf32, #tpu.memory_space<hbm>>)
        tpu.yield
      }) : () -> ()
    }
    %scan3A_179 = arith.constant 10 : i32
    return
  }
}

module attributes {stable_mosaic.version = 14 : i64} {
  func.func @_tc_body(%arg0: i32, %arg1: memref<256x128xf32, #tpu.memory_space<vmem>>, %arg2: memref<256x128xf32, #tpu.memory_space<vmem>>, %arg3: memref<256x128xf32, #tpu.memory_space<vmem>>, %arg4: memref<256x128xf32, #tpu.memory_space<vmem>>, %arg5: memref<256x256xf32, #tpu.memory_space<vmem>>, %arg6: memref<256x256xf32, #tpu.memory_space<vmem>>, %arg7: memref<1x256xf32, #tpu.memory_space<vmem>>, %arg8: memref<256x256xf32, #tpu.memory_space<vmem>>, %arg9: memref<256x256xf32, #tpu.memory_space<vmem>>) attributes {dimension_semantics = [#tpu.dimension_semantics<arbitrary>], iteration_bounds = array<i64: 40>, scalar_prefetch = 0 : i64, scratch_operands = 0 : i64, tpu.core_type = #tpu.core_type<tc>, window_params = [{transform_indices = @transform_0, window_bounds = array<i64: 256, 128>}, {transform_indices = @transform_1, window_bounds = array<i64: 256, 128>}, {transform_indices = @transform_2, window_bounds = array<i64: 256, 128>}, {transform_indices = @transform_3, window_bounds = array<i64: 256, 128>}, {transform_indices = @transform_4, window_bounds = array<i64: 256, 256>}, {pipeline_mode = #tpu.pipeline_mode<synchronous>, transform_indices = @transform_5, window_bounds = array<i64: 256, 256>}, {pipeline_mode = #tpu.pipeline_mode<synchronous>, transform_indices = @transform_6, window_bounds = array<i64: 1, 256>}, {pipeline_mode = #tpu.pipeline_mode<synchronous>, transform_indices = @transform_7, window_bounds = array<i64: 256, 256>}, {transform_indices = @transform_8, window_bounds = array<i64: 256, 256>}]} {
    %get3A = arith.constant 0 : index
    %get3A_0 = arith.constant 0 : index
    %get3A_1 = vector.load %arg3[%get3A, %get3A_0] : memref<256x128xf32, #tpu.memory_space<vmem>>, vector<256x1xf32>
    %get3A_2 = arith.constant 0 : index
    %get3A_3 = arith.constant 0 : index
    %get3A_4 = vector.load %arg4[%get3A_2, %get3A_3] : memref<256x128xf32, #tpu.memory_space<vmem>>, vector<256x1xf32>
    %add3A = arith.addf %get3A_1, %get3A_4 : vector<256x1xf32>
    %max3A = arith.constant 1.000000e+00 : f32
    %max3A_5 = vector.broadcast %max3A : f32 to vector<256x1xf32>
    %max3A_6 = arith.maximumf %add3A, %max3A_5 : vector<256x1xf32>
    %div3A = arith.constant 1.000000e+00 : f32
    %div3A_7 = vector.broadcast %div3A : f32 to vector<256x1xf32>
    %div3A_8 = arith.divf %div3A_7, %max3A_6 : vector<256x1xf32>
    %get3A_9 = arith.constant 0 : index
    %get3A_10 = arith.constant 0 : index
    %get3A_11 = vector.load %arg1[%get3A_9, %get3A_10] : memref<256x128xf32, #tpu.memory_space<vmem>>, vector<256x128xf32>
    %get3A_12 = arith.constant 0 : index
    %get3A_13 = arith.constant 0 : index
    %get3A_14 = vector.load %arg2[%get3A_12, %get3A_13] : memref<256x128xf32, #tpu.memory_space<vmem>>, vector<256x128xf32>
    %concatenate3A = tpu.concatenate %get3A_11, %get3A_14 in 1 : vector<256x128xf32>, vector<256x128xf32> -> vector<256x256xf32>
    %get3A_15 = arith.constant 0 : index
    %get3A_16 = arith.constant 0 : index
    %get3A_17 = vector.load %arg6[%get3A_15, %get3A_16] : memref<256x256xf32, #tpu.memory_space<vmem>>, vector<256x256xf32>
    %dot_general3A = arith.constant dense<0.000000e+00> : vector<256x256xf32>
    %dot_general3A_18 = tpu.matmul %concatenate3A, %get3A_17, %dot_general3A {dimension_numbers = #tpu.dot_dimension_numbers<[1], [0], [0], [1], [0, 0, 1, 1], [], []>, transpose_lhs_hint = false} : vector<256x256xf32>, vector<256x256xf32>, vector<256x256xf32> -> vector<256x256xf32>
    %mul3A = vector.broadcast %div3A_8 : vector<256x1xf32> to vector<256x256xf32>
    %mul3A_19 = arith.mulf %dot_general3A_18, %mul3A : vector<256x256xf32>
    %get3A_20 = arith.constant 0 : index
    %get3A_21 = arith.constant 0 : index
    %get3A_22 = vector.load %arg5[%get3A_20, %get3A_21] : memref<256x256xf32, #tpu.memory_space<vmem>>, vector<256x256xf32>
    %get3A_23 = arith.constant 0 : index
    %get3A_24 = arith.constant 0 : index
    %get3A_25 = vector.load %arg8[%get3A_23, %get3A_24] : memref<256x256xf32, #tpu.memory_space<vmem>>, vector<256x256xf32>
    %dot_general3A_26 = arith.constant dense<0.000000e+00> : vector<256x256xf32>
    %dot_general3A_27 = tpu.matmul %get3A_22, %get3A_25, %dot_general3A_26 {dimension_numbers = #tpu.dot_dimension_numbers<[1], [0], [0], [1], [0, 0, 1, 1], [], []>, transpose_lhs_hint = false} : vector<256x256xf32>, vector<256x256xf32>, vector<256x256xf32> -> vector<256x256xf32>
    %add3A_28 = arith.addf %mul3A_19, %dot_general3A_27 : vector<256x256xf32>
    %get3A_29 = arith.constant 0 : index
    %get3A_30 = arith.constant 0 : index
    %get3A_31 = vector.load %arg7[%get3A_29, %get3A_30] : memref<1x256xf32, #tpu.memory_space<vmem>>, vector<1x256xf32>
    %add3A_32 = vector.broadcast %get3A_31 : vector<1x256xf32> to vector<256x256xf32>
    %add3A_33 = arith.addf %add3A_28, %add3A_32 : vector<256x256xf32>
    %max3A_34 = arith.constant 0.000000e+00 : f32
    %max3A_35 = vector.broadcast %max3A_34 : f32 to vector<256x256xf32>
    %max3A_36 = arith.maximumf %add3A_33, %max3A_35 : vector<256x256xf32>
    %swap3A = arith.constant 0 : index
    %swap3A_37 = arith.constant 0 : index
    %swap3A_38 = vector.load %arg9[%swap3A, %swap3A_37] : memref<256x256xf32, #tpu.memory_space<vmem>>, vector<256x256xf32>
    tpu.vector_store %arg9[%swap3A, %swap3A_37], %max3A_36 {strides = array<i32>} : memref<256x256xf32, #tpu.memory_space<vmem>>, vector<256x256xf32>,
    return
  }
  func.func @transform_0(%arg0: i32) -> (i32, i32) {
    %c0_i32 = arith.constant 0 : i32
    %c0_i32_0 = arith.constant 0 : i32
    return %arg0, %c0_i32 : i32, i32
  }
  func.func @transform_1(%arg0: i32) -> (i32, i32) {
    %add3A = arith.constant 40 : i32
    %add3A_0 = arith.addi %arg0, %add3A : i32
    %c0_i32 = arith.constant 0 : i32
    %c0_i32_1 = arith.constant 0 : i32
    return %add3A_0, %c0_i32 : i32, i32
  }
  func.func @transform_2(%arg0: i32) -> (i32, i32) {
    %c0_i32 = arith.constant 0 : i32
    %c0_i32_0 = arith.constant 0 : i32
    return %arg0, %c0_i32 : i32, i32
  }
  func.func @transform_3(%arg0: i32) -> (i32, i32) {
    %add3A = arith.constant 40 : i32
    %add3A_0 = arith.addi %arg0, %add3A : i32
    %c0_i32 = arith.constant 0 : i32
    %c0_i32_1 = arith.constant 0 : i32
    return %add3A_0, %c0_i32 : i32, i32
  }
  func.func @transform_4(%arg0: i32) -> (i32, i32) {
    %c0_i32 = arith.constant 0 : i32
    %c0_i32_0 = arith.constant 0 : i32
    return %arg0, %c0_i32 : i32, i32
  }
  func.func @transform_5(%arg0: i32) -> (i32, i32) {
    %c0_i32 = arith.constant 0 : i32
    %c0_i32_0 = arith.constant 0 : i32
    %c0_i32_1 = arith.constant 0 : i32
    return %c0_i32, %c0_i32_0 : i32, i32
  }
  func.func @transform_6(%arg0: i32) -> (i32, i32) {
    %c0_i32 = arith.constant 0 : i32
    %c0_i32_0 = arith.constant 0 : i32
    %c0_i32_1 = arith.constant 0 : i32
    return %c0_i32, %c0_i32_0 : i32, i32
  }
  func.func @transform_7(%arg0: i32) -> (i32, i32) {
    %c0_i32 = arith.constant 0 : i32
    %c0_i32_0 = arith.constant 0 : i32
    %c0_i32_1 = arith.constant 0 : i32
    return %c0_i32, %c0_i32_0 : i32, i32
  }
  func.func @transform_8(%arg0: i32) -> (i32, i32) {
    %c0_i32 = arith.constant 0 : i32
    %c0_i32_0 = arith.constant 0 : i32
    return %arg0, %c0_i32 : i32, i32
  }
}

module attributes {stable_mosaic.version = 14 : i64} {
  func.func @_tc_body(%arg0: i32, %arg1: memref<256x128xf32, #tpu.memory_space<vmem>>, %arg2: memref<256x128xf32, #tpu.memory_space<vmem>>, %arg3: memref<256x128xf32, #tpu.memory_space<vmem>>, %arg4: memref<256x128xf32, #tpu.memory_space<vmem>>, %arg5: memref<256x256xf32, #tpu.memory_space<vmem>>, %arg6: memref<256x256xf32, #tpu.memory_space<vmem>>, %arg7: memref<1x256xf32, #tpu.memory_space<vmem>>, %arg8: memref<256x256xf32, #tpu.memory_space<vmem>>, %arg9: memref<256x256xf32, #tpu.memory_space<vmem>>) attributes {dimension_semantics = [#tpu.dimension_semantics<arbitrary>], iteration_bounds = array<i64: 4>, scalar_prefetch = 0 : i64, scratch_operands = 0 : i64, tpu.core_type = #tpu.core_type<tc>, window_params = [{transform_indices = @transform_0, window_bounds = array<i64: 256, 128>}, {transform_indices = @transform_1, window_bounds = array<i64: 256, 128>}, {transform_indices = @transform_2, window_bounds = array<i64: 256, 128>}, {transform_indices = @transform_3, window_bounds = array<i64: 256, 128>}, {transform_indices = @transform_4, window_bounds = array<i64: 256, 256>}, {pipeline_mode = #tpu.pipeline_mode<synchronous>, transform_indices = @transform_5, window_bounds = array<i64: 256, 256>}, {pipeline_mode = #tpu.pipeline_mode<synchronous>, transform_indices = @transform_6, window_bounds = array<i64: 1, 256>}, {pipeline_mode = #tpu.pipeline_mode<synchronous>, transform_indices = @transform_7, window_bounds = array<i64: 256, 256>}, {transform_indices = @transform_8, window_bounds = array<i64: 256, 256>}]} {
    %get3A = arith.constant 0 : index
    %get3A_0 = arith.constant 0 : index
    %get3A_1 = vector.load %arg3[%get3A, %get3A_0] : memref<256x128xf32, #tpu.memory_space<vmem>>, vector<256x1xf32>
    %get3A_2 = arith.constant 0 : index
    %get3A_3 = arith.constant 0 : index
    %get3A_4 = vector.load %arg4[%get3A_2, %get3A_3] : memref<256x128xf32, #tpu.memory_space<vmem>>, vector<256x1xf32>
    %add3A = arith.addf %get3A_1, %get3A_4 : vector<256x1xf32>
    %max3A = arith.constant 1.000000e+00 : f32
    %max3A_5 = vector.broadcast %max3A : f32 to vector<256x1xf32>
    %max3A_6 = arith.maximumf %add3A, %max3A_5 : vector<256x1xf32>
    %div3A = arith.constant 1.000000e+00 : f32
    %div3A_7 = vector.broadcast %div3A : f32 to vector<256x1xf32>
    %div3A_8 = arith.divf %div3A_7, %max3A_6 : vector<256x1xf32>
    %get3A_9 = arith.constant 0 : index
    %get3A_10 = arith.constant 0 : index
    %get3A_11 = vector.load %arg1[%get3A_9, %get3A_10] : memref<256x128xf32, #tpu.memory_space<vmem>>, vector<256x128xf32>
    %get3A_12 = arith.constant 0 : index
    %get3A_13 = arith.constant 0 : index
    %get3A_14 = vector.load %arg2[%get3A_12, %get3A_13] : memref<256x128xf32, #tpu.memory_space<vmem>>, vector<256x128xf32>
    %concatenate3A = tpu.concatenate %get3A_11, %get3A_14 in 1 : vector<256x128xf32>, vector<256x128xf32> -> vector<256x256xf32>
    %get3A_15 = arith.constant 0 : index
    %get3A_16 = arith.constant 0 : index
    %get3A_17 = vector.load %arg6[%get3A_15, %get3A_16] : memref<256x256xf32, #tpu.memory_space<vmem>>, vector<256x256xf32>
    %dot_general3A = arith.constant dense<0.000000e+00> : vector<256x256xf32>
    %dot_general3A_18 = tpu.matmul %concatenate3A, %get3A_17, %dot_general3A {dimension_numbers = #tpu.dot_dimension_numbers<[1], [0], [0], [1], [0, 0, 1, 1], [], []>, transpose_lhs_hint = false} : vector<256x256xf32>, vector<256x256xf32>, vector<256x256xf32> -> vector<256x256xf32>
    %mul3A = vector.broadcast %div3A_8 : vector<256x1xf32> to vector<256x256xf32>
    %mul3A_19 = arith.mulf %dot_general3A_18, %mul3A : vector<256x256xf32>
    %get3A_20 = arith.constant 0 : index
    %get3A_21 = arith.constant 0 : index
    %get3A_22 = vector.load %arg5[%get3A_20, %get3A_21] : memref<256x256xf32, #tpu.memory_space<vmem>>, vector<256x256xf32>
    %get3A_23 = arith.constant 0 : index
    %get3A_24 = arith.constant 0 : index
    %get3A_25 = vector.load %arg8[%get3A_23, %get3A_24] : memref<256x256xf32, #tpu.memory_space<vmem>>, vector<256x256xf32>
    %dot_general3A_26 = arith.constant dense<0.000000e+00> : vector<256x256xf32>
    %dot_general3A_27 = tpu.matmul %get3A_22, %get3A_25, %dot_general3A_26 {dimension_numbers = #tpu.dot_dimension_numbers<[1], [0], [0], [1], [0, 0, 1, 1], [], []>, transpose_lhs_hint = false} : vector<256x256xf32>, vector<256x256xf32>, vector<256x256xf32> -> vector<256x256xf32>
    %add3A_28 = arith.addf %mul3A_19, %dot_general3A_27 : vector<256x256xf32>
    %get3A_29 = arith.constant 0 : index
    %get3A_30 = arith.constant 0 : index
    %get3A_31 = vector.load %arg7[%get3A_29, %get3A_30] : memref<1x256xf32, #tpu.memory_space<vmem>>, vector<1x256xf32>
    %add3A_32 = vector.broadcast %get3A_31 : vector<1x256xf32> to vector<256x256xf32>
    %add3A_33 = arith.addf %add3A_28, %add3A_32 : vector<256x256xf32>
    %reduce_max3A = arith.constant dense<0xFF800000> : vector<256xf32>
    %reduce_max3A_34 = vector.multi_reduction <maximumf>, %add3A_33, %reduce_max3A [1] : vector<256x256xf32> to vector<256xf32>
    %broadcast_in_dim3A = vector.shape_cast %reduce_max3A_34 : vector<256xf32> to vector<256x1xf32>
    %sub3A = vector.broadcast %broadcast_in_dim3A : vector<256x1xf32> to vector<256x256xf32>
    %sub3A_35 = arith.subf %add3A_33, %sub3A : vector<256x256xf32>
    %exp3A = math.exp %sub3A_35 : vector<256x256xf32>
    %reduce_sum3A = arith.constant dense<0.000000e+00> : vector<256xf32>
    %reduce_sum3A_36 = vector.multi_reduction <add>, %exp3A, %reduce_sum3A [1] : vector<256x256xf32> to vector<256xf32>
    %broadcast_in_dim3A_37 = vector.shape_cast %reduce_sum3A_36 : vector<256xf32> to vector<256x1xf32>
    %log3A = math.log %broadcast_in_dim3A_37 : vector<256x1xf32>
    %add3A_38 = arith.addf %log3A, %broadcast_in_dim3A : vector<256x1xf32>
    %sub3A_39 = vector.broadcast %add3A_38 : vector<256x1xf32> to vector<256x256xf32>
    %sub3A_40 = arith.subf %add3A_33, %sub3A_39 : vector<256x256xf32>
    %swap3A = arith.constant 0 : index
    %swap3A_41 = arith.constant 0 : index
    %swap3A_42 = vector.load %arg9[%swap3A, %swap3A_41] : memref<256x256xf32, #tpu.memory_space<vmem>>, vector<256x256xf32>
    tpu.vector_store %arg9[%swap3A, %swap3A_41], %sub3A_40 {strides = array<i32>} : memref<256x256xf32, #tpu.memory_space<vmem>>, vector<256x256xf32>,
    return
  }
  func.func @transform_0(%arg0: i32) -> (i32, i32) {
    %c0_i32 = arith.constant 0 : i32
    %c0_i32_0 = arith.constant 0 : i32
    return %arg0, %c0_i32 : i32, i32
  }
  func.func @transform_1(%arg0: i32) -> (i32, i32) {
    %add3A = arith.constant 4 : i32
    %add3A_0 = arith.addi %arg0, %add3A : i32
    %c0_i32 = arith.constant 0 : i32
    %c0_i32_1 = arith.constant 0 : i32
    return %add3A_0, %c0_i32 : i32, i32
  }
  func.func @transform_2(%arg0: i32) -> (i32, i32) {
    %c0_i32 = arith.constant 0 : i32
    %c0_i32_0 = arith.constant 0 : i32
    return %arg0, %c0_i32 : i32, i32
  }
  func.func @transform_3(%arg0: i32) -> (i32, i32) {
    %add3A = arith.constant 4 : i32
    %add3A_0 = arith.addi %arg0, %add3A : i32
    %c0_i32 = arith.constant 0 : i32
    %c0_i32_1 = arith.constant 0 : i32
    return %add3A_0, %c0_i32 : i32, i32
  }
  func.func @transform_4(%arg0: i32) -> (i32, i32) {
    %c0_i32 = arith.constant 0 : i32
    %c0_i32_0 = arith.constant 0 : i32
    return %arg0, %c0_i32 : i32, i32
  }
  func.func @transform_5(%arg0: i32) -> (i32, i32) {
    %c0_i32 = arith.constant 0 : i32
    %c0_i32_0 = arith.constant 0 : i32
    %c0_i32_1 = arith.constant 0 : i32
    return %c0_i32, %c0_i32_0 : i32, i32
  }
  func.func @transform_6(%arg0: i32) -> (i32, i32) {
    %c0_i32 = arith.constant 0 : i32
    %c0_i32_0 = arith.constant 0 : i32
    %c0_i32_1 = arith.constant 0 : i32
    return %c0_i32, %c0_i32_0 : i32, i32
  }
  func.func @transform_7(%arg0: i32) -> (i32, i32) {
    %c0_i32 = arith.constant 0 : i32
    %c0_i32_0 = arith.constant 0 : i32
    %c0_i32_1 = arith.constant 0 : i32
    return %c0_i32, %c0_i32_0 : i32, i32
  }
  func.func @transform_8(%arg0: i32) -> (i32, i32) {
    %c0_i32 = arith.constant 0 : i32
    %c0_i32_0 = arith.constant 0 : i32
    return %arg0, %c0_i32 : i32, i32
  }
}

</mosaic_0001>

<sc_bundles>
// kernel: sc_seg_cnt_163840_10240.3.cloned.1.call-start
scs
__scs_entry_jumppad:
0x0: {  	(pc) =	sbr.rel $0x88, $3  }
0x1: {  	(tag) =	ssettag $0x0;
	lr =	simm.s32 $0x1  }
0x2: {  	[smem:$0x3F98] =	sst lr;
	_ =	strace $0xD0000000  }
0x3: {  	_ = 	snop  }
0x4: {  	_ = 	snop  }
0x5: {  	_ = 	snop  }
0x6: {  	_ = 	snop  }
0x7: {  	_ = 	snop  }
__scs_overlays_trampoline_lowered:
0x8: {  	[smem:$0x3FA7] =	sst s0  }
0x9: {  	[smem:$0x3FA8] =	sst s1  }
0xa: {  	[smem:$0x3FA9] =	sst s2  }
0xb: {  	[smem:$0x3FAA] =	sst s3  }
0xc: {  	[smem:$0x3FAB] =	sst s4  }
0xd: {  	[smem:$0x3FAC] =	sst s5  }
0xe: {  	[smem:$0x3FAD] =	sst s6  }
0xf: {  	[smem:$0x3FAE] =	sst s7  }
0x10: {  	[smem:$0x3FAF] =	sst s8  }
0x11: {  	[smem:$0x3FB0] =	sst s9;
	s0 =	simm.s32 @!p0 $0x0  }
0x12: {  	s1 =	sld [smem:$0x3F96];
	s0 =	simm.s32 @p0 $0x1  }
0x13: {  	[smem:$0x3FB1] =	sst s0;
	s0 =	simm.s32 @!p1 $0x0  }
0x14: {  	s2 =	sld [smem:$0x3F95];
	s0 =	simm.s32 @p1 $0x1  }
0x15: {  	[smem:$0x3FB2] =	sst s0;
	s0 =	simm.s32 @!p2 $0x0  }
0x16: {  	s3 =	sld [smem:$0x3FDB];
	s0 =	simm.s32 @p2 $0x1  }
0x17: {  	s4 =	simm.s32 $0x1BF5;
	[smem:$0x3FB4] =	sst s0  }
0x18: {  	s0 =	sld [smem:$0x3F97];
	_ =	swait.ge [sflag:s4], $0x0  }
0x19: {  	s7 =	sld [smem:$0x3F98]  }
0x1a: {  	s8 =	sadd.s32 $0xFFFFE003, lr  }
0x1b: {  	s9 =	sadd.s32 $0xFFFFFEF7, lr;
	s5 =	simm.s32 $0xFFFFFFFF;
	p2 =	slt.u32 s8, $0xFFFFF086  }
0x1c: {  	p1 =	slt.u32 s9, $0xF7A;
	s5 =	simm.s32 @!p2 $0x0  }
0x1d: {  	s5 =	simm.s32 @p1 $0x1;
	p0 =	seq.s32 s7, s2  }
0x1e: {  	s7 =	smul.u32 @!p0 $0xF7A, s2;
	p2 =	seq.s32 @!p0 s5, $0x0  }
0x1f: {  	s9 =	smul.u32 $0xF7A, s1;
	s8 =	simm.s32 @!p0 $0x1BF5;
	p2 =	por !p2, p0  }
0x20: {  	[sflag:s8] =	ssyncset.s32 @!p0 $0xFFFFF086;
	s6 =	sadd.s32 @!p0 s3, s7;
	s7 =	simm.s32 @!p0 $0x108  }
0x21: {  	s3 =	sadd.s32 s3, s9;
	s6 =	sadd.s32 @!p0 $0x88, s6;
	s7 =	simm.s32 @p2 $0x1082  }
0x22: {  	[simem:s7], [sflag:s8] =	dma.local @!p0 [hbm:s6], $0xF7A  }
0x23: {  	s9 =	sor.u32 $0xD0000000, s2;
	s6 =	simm.s32 $0x108;
	_ =	swait.ge @!p0 [sflag:s8], $0x0  }
0x24: {  	s3 =	sadd.s32 $0x88, s3;
	s6 =	simm.s32 @!p1 $0x1082;
	[sflag:s4] =	ssyncset.s32 $0xFFFFF086  }
0x25: {  	[simem:s6], [sflag:s4] =	dma.local [hbm:s3], $0xF7A  }
0x26: {  	[smem:$0x3F98] =	sst s1;
	(tag) =	ssettag s2;
	_ =	strace s9  }
0x27: {  	s1 =	sld [smem:$0x3FA8]  }
0x28: {  	s2 =	sld [smem:$0x3FA9]  }
0x29: {  	s4 =	sld [smem:$0x3FAB]  }
0x2a: {  	p0 =	seq.s32 s5, $0x0;
	s5 =	sld [smem:$0x3FAC]  }
0x2b: {  	s6 =	sld [smem:$0x3FAD]  }
0x2c: {  	s7 =	sld [smem:$0x3FAE]  }
0x2d: {  	s3 =	simm.s32 $0x108;
	s8 =	sld [smem:$0x3FAF]  }
0x2e: {  	s3 =	simm.s32 @!p0 $0x1082;
	s9 =	sld [smem:$0x3FB0]  }
0x2f: {  	lr =	sadd.s32 s0, s3;
	s0 =	sld [smem:$0x3FA7]  }
0x30: {  	s3 =	sld [smem:$0x3FAA]  }
0x31: {  	[smem:$0x3FB3] =	sst s10  }
0x32: {  	s10 =	sld [smem:$0x3FB1];
	_ =	sdelay $0x3  }
0x33: {  	p0 =	seq.s32 s10, $0x1;
	s10 =	sld [smem:$0x3FB3];
	_ =	sdelay $0x3  }
0x34: {  	[smem:$0x3FB3] =	sst s10  }
0x35: {  	s10 =	sld [smem:$0x3FB2];
	_ =	sdelay $0x3  }
0x36: {  	p1 =	seq.s32 s10, $0x1;
	s10 =	sld [smem:$0x3FB3];
	_ =	sdelay $0x3  }
0x37: {  	[smem:$0x3FB3] =	sst s10  }
0x38: {  	s10 =	sld [smem:$0x3FB4]  }
0x39: {  	_ = 	snop;
	(pc) =	sbr.ind lr, $3  }
0x3a: {  	_ = 	snop  }
0x3b: {  	_ = 	snop  }
0x3c: {  	p2 =	seq.s32 s10, $0x1;
	s10 =	sld [smem:$0x3FB3]  }
0x3d: {  	_ =	shalt  }
0x3e: {  	_ =	shalt  }
0x3f: {  	_ =	shalt  }
0x40: {  	_ =	shalt  }
0x41: {  	_ =	shalt  }
0x42: {  	_ =	shalt  }
0x43: {  	_ =	shalt  }
0x44: {  	_ =	shalt  }
0x45: {  	_ =	shalt  }
0x46: {  	_ =	shalt  }
0x47: {  	_ =	shalt  }
0x48: {  	_ =	shalt  }
0x49: {  	_ =	shalt  }
0x4a: {  	_ =	shalt  }
0x4b: {  	_ =	shalt  }
0x4c: {  	_ =	shalt  }
0x4d: {  	_ =	shalt  }
0x4e: {  	_ =	shalt  }
0x4f: {  	_ =	shalt  }
0x50: {  	_ =	shalt  }
0x51: {  	_ =	shalt  }
0x52: {  	_ =	shalt  }
0x53: {  	_ =	shalt  }
0x54: {  	_ =	shalt  }
0x55: {  	_ =	shalt  }
0x56: {  	_ =	shalt  }
0x57: {  	_ =	shalt  }
0x58: {  	_ =	shalt  }
0x59: {  	_ =	shalt  }
0x5a: {  	_ =	shalt  }
0x5b: {  	_ =	shalt  }
0x5c: {  	_ =	shalt  }
0x5d: {  	_ =	shalt  }
0x5e: {  	_ =	shalt  }
0x5f: {  	_ =	shalt  }
0x60: {  	_ =	shalt  }
0x61: {  	_ =	shalt  }
0x62: {  	_ =	shalt  }
0x63: {  	_ =	shalt  }
0x64: {  	_ =	shalt  }
0x65: {  	_ =	shalt  }
0x66: {  	_ =	shalt  }
0x67: {  	_ =	shalt  }
0x68: {  	_ =	shalt  }
0x69: {  	_ =	shalt  }
0x6a: {  	_ =	shalt  }
0x6b: {  	_ =	shalt  }
0x6c: {  	_ =	shalt  }
0x6d: {  	_ =	shalt  }
0x6e: {  	_ =	shalt  }
0x6f: {  	_ =	shalt  }
0x70: {  	_ =	shalt  }
0x71: {  	_ =	shalt  }
0x72: {  	_ =	shalt  }
0x73: {  	_ =	shalt  }
0x74: {  	_ =	shalt  }
0x75: {  	_ =	shalt  }
0x76: {  	_ =	shalt  }
0x77: {  	_ =	shalt  }
0x78: {  	_ =	shalt  }
0x79: {  	_ =	shalt  }
0x7a: {  	_ =	shalt  }
0x7b: {  	_ =	shalt  }
0x7c: {  	_ =	shalt  }
0x7d: {  	_ =	shalt  }
0x7e: {  	_ =	shalt  }
0x7f: {  	_ =	shalt  }
0x80: {  	_ =	shalt  }
0x81: {  	_ =	shalt  }
0x82: {  	_ =	shalt  }
0x83: {  	_ =	shalt  }
0x84: {  	_ =	shalt  }
0x85: {  	_ =	shalt  }
0x86: {  	_ =	shalt  }
0x87: {  	_ =	shalt  }
.Lfunc_end0:
.L_simem_size_0:
called_computation.1_lowered:
.L_overlay_start_0:
0x88: {  	s2 =	sld [smem:$0x3FD9]  }
0x89: {  	s3 =	sld [smem:$0x3FFE];
	_ =	sdelay $0x1  }
0x8a: {  	s1 =	srdreg.scid  }
0x8b: {  	s0 =	sand.u32 $0x1, s1  }
0x8c: {  	s17 =	sshll.u32 s0, $0xA;
	s2 =	sadd.s32 s3, s2  }
0x8d: {  	s2 =	sadd.s32 s2, s17  }
0x8e: {  	[smem:$0x3FBF] =	sst s2  }
0x8f: {  	_ = 	snop  }
0x90: {  	s18 =	sld [smem:$0x3FD0];
	(tm) =	ssettm $0x1  }
0x91: {  	s19 =	sld [smem:$0x3FFB];
	_ =	sdelay $0x3  }
0x92: {  	_ =	strace s19  }
0x93: {  	s2 =	sld [smem:$0x3FFC];
	_ =	sdelay $0x3  }
0x94: {  	_ =	strace s2  }
0x95: {  	s2 =	sld [smem:$0x3FFD];
	_ =	sdelay $0x3  }
0x96: {  	_ =	strace s2  }
0x97: {  	_ =	strace $0x8FFFFFFF  }
0x98: {  	s20 =	sld [smem:$0x3FDB];
	_ =	sdelay $0x1  }
0x99: {  	s4 =	simm.s32 $_scs_section_size  }
0x9a: {  	s5 =	simm.s32 $_size__tile_overlayer_lowered;
	s6 =	simm.s32 $_tile_overlayer_lowered  }
0x9b: {  	s7 =	simm.s32 $0x1BFF;
	s21 =	sshll.u32 s6, $0x1;
	s4 =	sadd.s32 s4, s20  }
0x9c: {  	s22 =	simm.s32 $0x0;
	s5 =	sshll.u32 s5, $0x1;
	s6 =	sadd.s32 s21, s4  }
0x9d: {  	[timem:s22], [sflag:s7] =	dma.local [hbm:s6], s5  }
0x9e: {  	_ =	swait.ge [sflag:s7], s5  }
0x9f: {  	s5 =	ssub.s32 $0x0, s5;
	[sflag:s7] =	ssyncset.done $0x0  }
0xa0: {  	[sflag:s7] =	ssyncadd.s32 s5;
	_ =	sdelay $0x1  }
0xa1: {  	s23 =	simm.s32 $0x1B8B  }
0xa2: {  	_ =	swait.ge [sflag:s23], $0x1  }
0xa3: {  	[sflag:s23] =	ssyncset.done $0x0  }
0xa4: {  	[sflag:s23] =	ssyncadd.s32 $0xFFFFFFFF  }
0xa5: {  	s5 =	sld [smem:$0x0]  }
0xa6: {  	s6 =	sand.u32 $0xFFFFFFFE, s1  }
0xa7: {  	p0 =	sne.s32 s1, s6  }
0xa8: {  	s6 =	sshll.u32 @p0 s6, $0xE  }
0xa9: {  	s6 =	sadd.s32 @p0 $0x11B8D, s6;
	s7 =	sshll.u32 @p0 s5, $0x11  }
0xaa: {  	s6 =	sor.u32 @p0 s7, s6  }
0xab: {  	[sflag:s6] =	ssyncadd.remote.s32 @p0 $0x1;
	_ =	sdelay $0x1  }
0xac: {  	s6 =	simm.s32 @p0 $0x1B8D  }
0xad: {  	_ =	swait.eq @p0 [sflag:s6], $0x1  }
0xae: {  	[sflag:s6] =	ssyncadd.s32 @p0 $0xFFFFFFFF  }
0xaf: {  	s7 =	sshll.u32 @!p0 s1, $0xE  }
0xb0: {  	s7 =	sor.u32 @!p0 $0x4000, s7;
	s6 =	simm.s32 @!p0 $0x1B8D  }
0xb1: {  	s5 =	sshll.u32 @!p0 s5, $0x11;
	s7 =	sadd.s32 @!p0 $0x11B8D, s7;
	_ =	swait.eq @!p0 [sflag:s6], $0x1  }
0xb2: {  	s5 =	sor.u32 @!p0 s5, s7;
	[sflag:s6] =	ssyncadd.s32 @!p0 $0xFFFFFFFF  }
0xb3: {  	s25 =	simm.s32 $0x1B8E;
	s24 =	sld [smem:$0x3FFE];
	[sflag:s5] =	ssyncadd.remote.s32 @!p0 $0x1  }
0xb4: {  	s26 =	simm.s32 $execute0_lowered;
	[smem:$0x3FD2] =	sst s25  }
0xb5: {  	s6 =	sshll.u32 s26, $0x1;
	_ =	strace $0x80000049;
	[dreg:$0x1] =	wrdreg $0xFFFFFFFF  }
0xb6: {  	s28 =	simm.s32 $_size_execute0_lowered;
	s4 =	sadd.s32 s4, s6;
	[dreg:$0x0] =	wrdreg $0x0  }
0xb7: {  	s6 =	sshll.u32 s28, $0x1;
	[dreg:$0x2] =	wrdreg s4  }
0xb8: {  	[dreg:$0x3] =	wrdreg s6  }
0xb9: {  	[dreg:$0x4] =	wrdreg $0xC0  }
0xba: {  	_ =	task [dreg:s22], $0x5FFFF  }
0xbb: {  	[dreg:$0x1] =	wrdreg $0xFFFFFFFF  }
0xbc: {  	[dreg:$0x0] =	wrdreg $0x60  }
0xbd: {  	[dreg:$0x2] =	wrdreg s18  }
0xbe: {  	[dreg:$0x3] =	wrdreg s24  }
0xbf: {  	[dreg:$0x4] =	wrdreg $0x0  }
0xc0: {  	[dreg:$0x5] =	wrdreg $0xB  }
0xc1: {  	_ =	task.clear_ibuf [dreg:s22], $0x6FFFF;
	_ =	strace $0x90000049  }
0xc2: {  	s29 =	simm.s32 $0xB;
	_ =	strace $0x8000004B  }
0xc3: {  	_ =	swait.ge [sflag:s29], $0x1  }
0xc4: {  	[sflag:s29] =	ssyncadd.s32 $0xFFFFFFFF  }
0xc5: {  	_ =	strace $0x9000004B  }
0xc6: {  	_ =	sfence  }
0xc7: {  	s30 =	sld [smem:$0x0];
	_ =	sdelay $0x2  }
0xc8: {  	s31 =	sshll.u32 s1, $0xD;
	s1 =	sshrl.u32 s1, $0x2  }
0xc9: {  	s4 =	sand.u32 $0x4000, s31;
	s1 =	sadd.s32 s1, s30  }
0xca: {  	s0 =	sor.u32 s4, s0;
	s1 =	sshll.u32 s1, $0x11  }
0xcb: {  	s0 =	sor.u32 s1, s0  }
0xcc: {  	s0 =	sadd.s32 $0x8F2B, s0  }
0xcd: {  	[sflag:s0] =	ssyncadd.remote.s32 $0x1  }
0xce: {  	_ =	sfence.sel $0xFFFF  }
0xcf: {  	[dreg:$0x0] =	wrdreg $0xFFFFFFFF;
	(pc) =	sbr.abs _section_cstart, $3  }
0xd0: {  	[dreg:$0x1] =	wrdreg $0xFFFFFFFF  }
0xd1: {  	_ =	task.clear_ibuf [dreg:s22], $0x2FFFF;
	_ =	strace $0x9FFFFFFF  }
0xd2: {  	(tm) =	ssettm $0x7FFFFFFF  }
0xd3: {  	_ =	shalt  }
tec
execute0_lowered:
.L_overlay_start_1:
0x0: {  	(tag) =	ssettag $0x1  }
0x1: {  	s7 =	rddreg [dreg:$0x0]  }
0x2: {  	s6 =	rddreg [dreg:$0x1]  }
0x3: {  	s1 =	rddreg [dreg:$0x2]  }
0x4: {  	s0 =	rddreg [dreg:$0x3];
	s2 =	simm.s32 $0x0  }
0x5: {  	s3 =	srdreg.scid;
	s12 =	simm.s32 $0x3;
	s13 =	simm.s32 $0x17580  }
0x6: {  	s14 =	simm.s32 $0x15580;
	s15 =	simm.s32 $0x40;
	s16 =	simm.s32 $0x15500  }
0x7: {  	s17 =	simm.s32 $0x15400;
	s18 =	simm.s32 $0x15480;
	s19 =	simm.s32 $0x1  }
0x8: {  	s20 =	simm.s32 $0x2;
	s21 =	simm.s32 $0x0;
	[smem:$0x7FF] =	sst s2  }
0x9: {  	s4 =	sadd.s32 $0x18E200, s6;
	s5 =	sadd.s32 $0x1DE600, s6;
	s8 =	sand.u32 $0x1, s3  }
0xa: {  	s3 =	stileid.u32;
	s9 =	smul.u32 $0x28000, s8;
	s10 =	sshll.u32 s8, $0x4  }
0xb: {  	s8 =	ssub.s32 $0x2, s8;
	s11 =	smul.u32 $0x2800, s3;
	s10 =	sor.u32 s3, s10  }
0xc: {  	_ =	strace $0x8000004A;
	s31 =	sshrl.u32 s8, $0x1;
	s10 =	smul.u32 $0x280, s10  }
0xd: {  	s9 =	sadd.s32 s9, s6;
	s8 =	ssub.s32 s8, s31;
	s6 =	smul.u32 $0x280, s3  }
0xe: {  	s9 =	sadd.s32 s11, s9;
	s8 =	smax.u32 s8, $0x1;
	s11 =	simm.s32 $0x14000  }
0xf: {  	v0 =	vlaneseq.u32;
	s7 =	sadd.s32 s7, s10;
	s9 =	sadd.s32 $0x1DEA00, s9;
	s10 =	sor.u32 $0x30, s6  }
.LBB2_1:
0x10: {  	[tilespmem:s11], [sflag:$0x3] =	stream.linear.gather [hbm4b:s7+s2], $0x1400, $0x38;
	[tilespmem:$0x19580] =	vst v63  }
0x11: {  	_ =	swait.ge [sflag:s12], $0x1400  }
0x12: {  	[sflag:s12] =	ssyncset.done $0x0  }
0x13: {  	[sflag:s12] =	ssyncadd.s32 $0xFFFFEC00  }
0x14: {  	[tilespmem:s13], [sflag:$0x3] =	stream.linear.gather [hbm4b:s4+s2], $0x2000, $0x38;
	[tilespmem:$0x19580] =	vst v63  }
0x15: {  	_ =	swait.ge [sflag:s12], $0x2000  }
0x16: {  	[sflag:s12] =	ssyncset.done $0x0  }
0x17: {  	[sflag:s12] =	ssyncadd.s32 $0xFFFFE000  }
0x18: {  	[tilespmem:s14], [sflag:$0x3] =	stream.linear.gather [hbm4b:s5+s2], $0x2000, $0x38;
	[tilespmem:$0x19580] =	vst v63  }
0x19: {  	_ =	swait.ge [sflag:s12], $0x2000  }
0x1a: {  	s22 =	sadd.s32 $0x0, s6;
	[sflag:s12] =	ssyncset.done $0x0  }
0x1b: {  	v1 =	vor.u32 s22, v0;
	s23 =	sadd.s32 $0x30, s22;
	[sflag:s12] =	ssyncadd.s32 $0xFFFFE000  }
0x1c: {  	s24 =	sadd.s32 $0x20, s22;
	v2 =	vor.u32 s23, v0;
	[tilespmem:$0x15500] =	vst v1  }
0x1d: {  	s23 =	sadd.s32 $0x10, s22;
	s22 =	simm.s32 $0x40;
	v1 =	vor.u32 s24, v0;
	[tilespmem:$0x15530] =	vst v2  }
.LBB2_2:
0x1e: {  	p0 =	sne.s32 s22, $0x240;
	v2 =	vor.u32 s23, v0;
	[tilespmem:$0x15520] =	vst v1  }
0x1f: {  	[tilespmem:$0x15510] =	vst v2;
	[spmem:s1] =	stream.indirect.scatter [tilespmem:s13], [sflag:$0x3], $0x80, s16, s15, $0xb8  }
.Ltmp0:
0x20: {  	_ =	swait.ge [sflag:s12], $0x2000;
	(pc) =	sbr.rel @p0 .LBB2_2-.Ltmp0, $4  }
0x21: {  	s23 =	sadd.s32 s22, s6;
	[sflag:s12] =	ssyncset.done $0x0  }
0x22: {  	v1 =	vor.u32 s23, v0;
	s24 =	sadd.s32 $0x30, s23;
	[sflag:s12] =	ssyncadd.s32 $0xFFFFE000  }
0x23: {  	s25 =	sadd.s32 $0x20, s23;
	v2 =	vor.u32 s24, v0;
	[tilespmem:$0x15500] =	vst v1  }
0x24: {  	s22 =	sadd.s32 $0x40, s22;
	s23 =	sadd.s32 $0x10, s23;
	v1 =	vor.u32 s25, v0;
	[tilespmem:$0x15530] =	vst v2  }
0x25: {  	v2 =	vor.u32 s23, v0;
	[tilespmem:$0x15520] =	vst v1  }
0x26: {  	[tilespmem:$0x15510] =	vst v2  }
0x27: {  	[spmem:s1] =	stream.indirect.scatter [tilespmem:s13], [sflag:$0x3], $0x80, s16, s15, $0xb8;
	[tilespmem:$0x19580] =	vst v63  }
0x28: {  	_ =	swait.ge [sflag:s12], $0x2000  }
0x29: {  	[sflag:s12] =	ssyncset.done $0x0  }
0x2a: {  	[sflag:s12] =	ssyncadd.s32 $0xFFFFE000  }
0x2b: {  	[bflag:$0x0] =	sbarrier.arrive $0xFFFF  }
0x2c: {  	v1 =	vld [tilespmem:$0x14000]  }
0x2d: {  	v2 =	vld [tilespmem:$0x14010]  }
0x2e: {  	v3 =	vld [tilespmem:$0x14020]  }
0x2f: {  	v4 =	vld [tilespmem:$0x14030];
	_ =	sdelay $0x1  }
0x30: {  	[tilespmem:$0x15400] =	vst v1  }
0x31: {  	[tilespmem:$0x15410] =	vst v2  }
0x32: {  	[tilespmem:$0x15420] =	vst v3  }
0x33: {  	s22 =	simm.s32 $0x0;
	[tilespmem:$0x15430] =	vst v4  }
0x34: {  	[spmem:s1] =	stream.indirect.scatter.add.f32 [tilespmem:s14], [sflag:$0x1], $0x80, s17, s15, $0xb8;
	[tilespmem:$0x19580] =	vst v63  }
0x35: {  	v1 =	vld [tilespmem:s22+$0x14040];
	_ =	sdelay $0x4  }
0x36: {  	[tilespmem:$0x15480] =	vst v1  }
0x37: {  	v1 =	vld [tilespmem:s22+$0x14050];
	_ =	sdelay $0x4  }
0x38: {  	[tilespmem:$0x15490] =	vst v1  }
0x39: {  	v1 =	vld [tilespmem:s22+$0x14060];
	_ =	sdelay $0x4  }
0x3a: {  	[tilespmem:$0x154A0] =	vst v1  }
0x3b: {  	v1 =	vld [tilespmem:s22+$0x14070];
	_ =	sdelay $0x4  }
0x3c: {  	[tilespmem:$0x154B0] =	vst v1  }
0x3d: {  	[spmem:s1] =	stream.indirect.scatter.add.f32 [tilespmem:s14], [sflag:$0x2], $0x80, s18, s15, $0xb8;
	[tilespmem:$0x19580] =	vst v63  }
0x3e: {  	_ =	swait.ge [sflag:s19], $0x2000  }
0x3f: {  	[sflag:s19] =	ssyncset.done $0x0  }
0x40: {  	[sflag:s19] =	ssyncadd.s32 $0xFFFFE000  }
0x41: {  	v1 =	vld [tilespmem:s22+$0x14080];
	_ =	sdelay $0x4  }
0x42: {  	[tilespmem:$0x15400] =	vst v1  }
0x43: {  	v1 =	vld [tilespmem:s22+$0x14090];
	_ =	sdelay $0x4  }
0x44: {  	[tilespmem:$0x15410] =	vst v1  }
0x45: {  	v1 =	vld [tilespmem:s22+$0x140A0];
	_ =	sdelay $0x4  }
0x46: {  	[tilespmem:$0x15420] =	vst v1  }
0x47: {  	v1 =	vld [tilespmem:s22+$0x140B0];
	_ =	sdelay $0x4  }
0x48: {  	[tilespmem:$0x15430] =	vst v1  }
0x49: {  	[spmem:s1] =	stream.indirect.scatter.add.f32 [tilespmem:s14], [sflag:$0x1], $0x80, s17, s15, $0xb8;
	[tilespmem:$0x19580] =	vst v63  }
0x4a: {  	_ =	swait.ge [sflag:s20], $0x2000  }
0x4b: {  	s25 =	simm.s32 $0x400;
	s22 =	simm.s32 $0x200;
	[sflag:s20] =	ssyncset.done $0x0  }
.LBB2_4:
0x4c: {  	s24 =	sshra.s32 s22, $0x2  }
0x4d: {  	[sflag:s20] =	ssyncadd.s32 $0xFFFFE000;
	s22 =	smov.u32 s25;
	s23 =	sadd.s32 $0x200, s25  }
0x4e: {  	p0 =	sne.s32 s25, $0x4C00;
	v1 =	vld [tilespmem:s24+$0x14040];
	_ =	sdelay $0x4  }
0x4f: {  	[tilespmem:$0x15480] =	vst v1  }
0x50: {  	v1 =	vld [tilespmem:s24+$0x14050];
	_ =	sdelay $0x4  }
0x51: {  	[tilespmem:$0x15490] =	vst v1  }
0x52: {  	v1 =	vld [tilespmem:s24+$0x14060];
	_ =	sdelay $0x4  }
0x53: {  	[tilespmem:$0x154A0] =	vst v1  }
0x54: {  	v1 =	vld [tilespmem:s24+$0x14070];
	_ =	sdelay $0x4  }
0x55: {  	[tilespmem:$0x154B0] =	vst v1  }
0x56: {  	[spmem:s1] =	stream.indirect.scatter.add.f32 [tilespmem:s14], [sflag:$0x2], $0x80, s18, s15, $0xb8;
	[tilespmem:$0x19580] =	vst v63  }
0x57: {  	_ =	swait.ge [sflag:s19], $0x2000  }
0x58: {  	[sflag:s19] =	ssyncset.done $0x0  }
0x59: {  	[sflag:s19] =	ssyncadd.s32 $0xFFFFE000  }
0x5a: {  	v1 =	vld [tilespmem:s24+$0x14080];
	_ =	sdelay $0x4  }
0x5b: {  	[tilespmem:$0x15400] =	vst v1  }
0x5c: {  	v1 =	vld [tilespmem:s24+$0x14090];
	_ =	sdelay $0x4  }
0x5d: {  	[tilespmem:$0x15410] =	vst v1  }
0x5e: {  	v1 =	vld [tilespmem:s24+$0x140A0];
	_ =	sdelay $0x4  }
0x5f: {  	[tilespmem:$0x15420] =	vst v1  }
0x60: {  	v1 =	vld [tilespmem:s24+$0x140B0];
	_ =	sdelay $0x3  }
.Ltmp1:
0x61: {  	(pc) =	sbr.rel @p0 .LBB2_4-.Ltmp1, $4  }
0x62: {  	[tilespmem:$0x15430] =	vst v1  }
0x63: {  	[spmem:s1] =	stream.indirect.scatter.add.f32 [tilespmem:s14], [sflag:$0x1], $0x80, s17, s15, $0xb8;
	[tilespmem:$0x19580] =	vst v63  }
0x64: {  	_ =	swait.ge [sflag:s20], $0x2000  }
0x65: {  	s25 =	smov.u32 s23;
	[sflag:s20] =	ssyncset.done $0x0  }
0x66: {  	s22 =	sshra.s32 s22, $0x2;
	[sflag:s20] =	ssyncadd.s32 $0xFFFFE000  }
0x67: {  	v1 =	vld [tilespmem:s22+$0x14040];
	_ =	sdelay $0x4  }
0x68: {  	[tilespmem:$0x15480] =	vst v1  }
0x69: {  	v1 =	vld [tilespmem:s22+$0x14050];
	_ =	sdelay $0x4  }
0x6a: {  	[tilespmem:$0x15490] =	vst v1  }
0x6b: {  	v1 =	vld [tilespmem:s22+$0x14060];
	_ =	sdelay $0x4  }
0x6c: {  	[tilespmem:$0x154A0] =	vst v1  }
0x6d: {  	v1 =	vld [tilespmem:s22+$0x14070];
	_ =	sdelay $0x4  }
0x6e: {  	[tilespmem:$0x154B0] =	vst v1  }
0x6f: {  	[spmem:s1] =	stream.indirect.scatter.add.f32 [tilespmem:s14], [sflag:$0x2], $0x80, s18, s15, $0xb8;
	[tilespmem:$0x19580] =	vst v63  }
0x70: {  	_ =	swait.ge [sflag:s19], $0x2000  }
0x71: {  	[sflag:s19] =	ssyncset.done $0x0  }
0x72: {  	[sflag:s19] =	ssyncadd.s32 $0xFFFFE000  }
0x73: {  	v1 =	vld [tilespmem:s22+$0x14080];
	_ =	sdelay $0x4  }
0x74: {  	[tilespmem:$0x15400] =	vst v1  }
0x75: {  	v1 =	vld [tilespmem:s22+$0x14090];
	_ =	sdelay $0x4  }
0x76: {  	[tilespmem:$0x15410] =	vst v1  }
0x77: {  	v1 =	vld [tilespmem:s22+$0x140A0];
	_ =	sdelay $0x4  }
0x78: {  	[tilespmem:$0x15420] =	vst v1  }
0x79: {  	v1 =	vld [tilespmem:s22+$0x140B0];
	_ =	sdelay $0x4  }
0x7a: {  	[tilespmem:$0x15430] =	vst v1  }
0x7b: {  	[spmem:s1] =	stream.indirect.scatter.add.f32 [tilespmem:s14], [sflag:$0x1], $0x80, s17, s15, $0xb8;
	[tilespmem:$0x19580] =	vst v63  }
0x7c: {  	_ =	swait.ge [sflag:s20], $0x2000  }
0x7d: {  	[sflag:s20] =	ssyncset.done $0x0  }
0x7e: {  	[sflag:s20] =	ssyncadd.s32 $0xFFFFE000  }
0x7f: {  	v1 =	vld [tilespmem:$0x153C0]  }
0x80: {  	v2 =	vld [tilespmem:$0x153D0]  }
0x81: {  	v3 =	vld [tilespmem:$0x153E0]  }
0x82: {  	v4 =	vld [tilespmem:$0x153F0];
	_ =	sdelay $0x1  }
0x83: {  	[tilespmem:$0x15480] =	vst v1  }
0x84: {  	[tilespmem:$0x15490] =	vst v2  }
0x85: {  	[tilespmem:$0x154A0] =	vst v3  }
0x86: {  	[tilespmem:$0x154B0] =	vst v4  }
0x87: {  	[spmem:s1] =	stream.indirect.scatter.add.f32 [tilespmem:s14], [sflag:$0x2], $0x80, s18, s15, $0xb8;
	[tilespmem:$0x19580] =	vst v63  }
0x88: {  	_ =	swait.ge [sflag:s19], $0x2000  }
0x89: {  	[sflag:s19] =	ssyncset.done $0x0  }
0x8a: {  	[sflag:s19] =	ssyncadd.s32 $0xFFFFE000  }
0x8b: {  	_ =	swait.ge [sflag:s20], $0x2000  }
0x8c: {  	[sflag:s20] =	ssyncset.done $0x0  }
0x8d: {  	[sflag:s20] =	ssyncadd.s32 $0xFFFFE000  }
0x8e: {  	s29 =	sadd.s32 $0xFFFFFFF0, s10;
	v1 =	vor.u32 s10, v0;
	[bflag:$0x0] =	sbarrier.arrive $0xFFFF  }
0x8f: {  	s23 =	sadd.s32 $0xFFFFFFE0, s10;
	v2 =	vor.u32 s29, v0;
	[tilespmem:$0x15530] =	vst v1  }
0x90: {  	s30 =	sadd.s32 $0xFFFFFFD0, s10;
	v1 =	vor.u32 s23, v0;
	[tilespmem:$0x15520] =	vst v2  }
0x91: {  	v2 =	vor.u32 s30, v0;
	[tilespmem:$0x15510] =	vst v1  }
0x92: {  	[tilespmem:$0x15500] =	vst v2  }
0x93: {  	[tilespmem:s13], [sflag:$0x1] =	stream.indirect.gather [spmem:s1], $0x80, s16, s15, $0xb8;
	[tilespmem:$0x19580] =	vst v63  }
0x94: {  	_ =	swait.ge [sflag:s19], $0x2000  }
0x95: {  	s31 =	sadd.s32 $0x0, s9;
	[sflag:s19] =	ssyncset.done $0x0  }
0x96: {  	s22 =	simm.s32 $0x400;
	s23 =	smov.u32 s10;
	[sflag:s19] =	ssyncadd.s32 $0xFFFFE000  }
0x97: {  	[hbm4b:s31+s2] =	stream.linear.scatter [tilespmem:s13], [sflag:$0x3], $0x2000, $0x38;
	[tilespmem:$0x19580] =	vst v63  }
.LBB2_6:
0x98: {  	p0 =	sne.s32 s22, $0x2400  }
0x99: {  	_ =	swait.ge [sflag:s12], $0x2000;
	s23 =	sadd.s32 $0x40, s23;
	s24 =	smov.u32 s22  }
0x9a: {  	s22 =	sadd.s32 $0x400, s22;
	s25 =	sadd.s32 $0xFFFFFFD0, s23;
	[sflag:s12] =	ssyncset.done $0x0  }
0x9b: {  	s26 =	sadd.s32 $0xFFFFFFE0, s23;
	s28 =	sadd.s32 $0xFFFFFFF0, s23;
	v1 =	vor.u32 s23, v0;
	[sflag:s12] =	ssyncadd.s32 $0xFFFFE000  }
0x9c: {  	v2 =	vor.u32 s25, v0;
	v3 =	vor.u32 s26, v0;
	v4 =	vor.u32 s28, v0;
	[tilespmem:$0x15530] =	vst v1  }
0x9d: {  	[tilespmem:$0x15520] =	vst v4  }
0x9e: {  	[tilespmem:$0x15510] =	vst v3  }
0x9f: {  	[tilespmem:$0x15500] =	vst v2  }
0xa0: {  	[tilespmem:s13], [sflag:$0x1] =	stream.indirect.gather [spmem:s1], $0x80, s16, s15, $0xb8;
	[tilespmem:$0x19580] =	vst v63  }
.Ltmp2:
0xa1: {  	_ = 	snop;
	(pc) =	sbr.rel @p0 .LBB2_6-.Ltmp2, $4  }
0xa2: {  	_ =	swait.ge [sflag:s19], $0x2000  }
0xa3: {  	s24 =	sadd.s32 s24, s9;
	[sflag:s19] =	ssyncset.done $0x0  }
0xa4: {  	[sflag:s19] =	ssyncadd.s32 $0xFFFFE000  }
0xa5: {  	[hbm4b:s24+s2] =	stream.linear.scatter [tilespmem:s13], [sflag:$0x3], $0x2000, $0x38;
	[tilespmem:$0x19580] =	vst v63  }
0xa6: {  	s21 =	sadd.s32 $0x1, s21  }
0xa7: {  	p0 =	sne.s32 s21, s8  }
.Ltmp3:
0xa8: {  	_ = 	snop;
	(pc) =	sbr.rel @p0 .LBB2_1-.Ltmp3, $4  }
0xa9: {  	_ = 	snop  }
0xaa: {  	_ =	swait.ge [sflag:s12], $0x2000  }
0xab: {  	[sflag:s12] =	ssyncset.done $0x0  }
0xac: {  	[sflag:s12] =	ssyncadd.s32 $0xFFFFE000  }
0xad: {  	_ =	sfence.sel $0x180000  }
0xae: {  	[bflag:$0x0] =	sbarrier.arrive $0xFFFF  }
0xaf: {  	p0 =	sne.s32 s3, $0x0;
	_ =	strace $0x9000004A  }
0xb0: {  	s0 =	sadd.s32 @!p0 $0x100000, s0;
	[bflag:$0x2] =	sbarrier.arrive $0xFFFF  }
0xb1: {  	[sflag:s0] =	ssyncadd.tile.s32 @!p0 $0x1;
	_ =	shalt  }
.Lfunc_end2:
_tile_overlayer_lowered:
.L_overlay_start_2:
0xb2: {  	(tag) =	ssettag $0x2  }
0xb3: {  	s0 =	rddreg [dreg:$0x0];
	s2 =	stileid.u32  }
0xb4: {  	s1 =	rddreg [dreg:$0x1];
	p0 =	sne.s32 s2, $0x0  }
0xb5: {  	s3 =	rddreg [dreg:$0x2];
	[bflag:$0x3] =	sbarrier.arrive $0xFFFF;
	s2 =	simm.s32 @!p0 $0x1C03  }
0xb6: {  	[timem:s3], [sflag:s2] =	dma.local @!p0 [hbm:s0], s1  }
0xb7: {  	s0 =	simm.s32 @!p0 $0x3  }
0xb8: {  	_ =	swait.ge @!p0 [sflag:s0], s1  }
0xb9: {  	s1 =	ssub.s32 @!p0 $0x0, s1;
	[sflag:s0] =	ssyncset.done @!p0 $0x0  }
0xba: {  	[sflag:s0] =	ssyncadd.s32 @!p0 s1  }
0xbb: {  	[bflag:$0x3] =	sbarrier.arrive $0xFFFF  }
0xbc: {  	_ =	shalt  }

// kernel: sc_seg_cnt_16384_1024.3.cloned.1.call-start
scs
__scs_entry_jumppad:
0x0: {  	(pc) =	sbr.rel $0x88, $3  }
0x1: {  	(tag) =	ssettag $0x0;
	lr =	simm.s32 $0x1  }
0x2: {  	[smem:$0x3F98] =	sst lr;
	_ =	strace $0xD0000000  }
0x3: {  	_ = 	snop  }
0x4: {  	_ = 	snop  }
0x5: {  	_ = 	snop  }
0x6: {  	_ = 	snop  }
0x7: {  	_ = 	snop  }
__scs_overlays_trampoline_lowered:
0x8: {  	[smem:$0x3FA7] =	sst s0  }
0x9: {  	[smem:$0x3FA8] =	sst s1  }
0xa: {  	[smem:$0x3FA9] =	sst s2  }
0xb: {  	[smem:$0x3FAA] =	sst s3  }
0xc: {  	[smem:$0x3FAB] =	sst s4  }
0xd: {  	[smem:$0x3FAC] =	sst s5  }
0xe: {  	[smem:$0x3FAD] =	sst s6  }
0xf: {  	[smem:$0x3FAE] =	sst s7  }
0x10: {  	[smem:$0x3FAF] =	sst s8  }
0x11: {  	[smem:$0x3FB0] =	sst s9;
	s0 =	simm.s32 @!p0 $0x0  }
0x12: {  	s1 =	sld [smem:$0x3F96];
	s0 =	simm.s32 @p0 $0x1  }
0x13: {  	[smem:$0x3FB1] =	sst s0;
	s0 =	simm.s32 @!p1 $0x0  }
0x14: {  	s2 =	sld [smem:$0x3F95];
	s0 =	simm.s32 @p1 $0x1  }
0x15: {  	[smem:$0x3FB2] =	sst s0;
	s0 =	simm.s32 @!p2 $0x0  }
0x16: {  	s3 =	sld [smem:$0x3FDB];
	s0 =	simm.s32 @p2 $0x1  }
0x17: {  	s4 =	simm.s32 $0x1BF5;
	[smem:$0x3FB4] =	sst s0  }
0x18: {  	s0 =	sld [smem:$0x3F97];
	_ =	swait.ge [sflag:s4], $0x0  }
0x19: {  	s7 =	sld [smem:$0x3F98]  }
0x1a: {  	s8 =	sadd.s32 $0xFFFFE003, lr  }
0x1b: {  	s9 =	sadd.s32 $0xFFFFFEF7, lr;
	s5 =	simm.s32 $0xFFFFFFFF;
	p2 =	slt.u32 s8, $0xFFFFF086  }
0x1c: {  	p1 =	slt.u32 s9, $0xF7A;
	s5 =	simm.s32 @!p2 $0x0  }
0x1d: {  	s5 =	simm.s32 @p1 $0x1;
	p0 =	seq.s32 s7, s2  }
0x1e: {  	s7 =	smul.u32 @!p0 $0xF7A, s2;
	p2 =	seq.s32 @!p0 s5, $0x0  }
0x1f: {  	s9 =	smul.u32 $0xF7A, s1;
	s8 =	simm.s32 @!p0 $0x1BF5;
	p2 =	por !p2, p0  }
0x20: {  	[sflag:s8] =	ssyncset.s32 @!p0 $0xFFFFF086;
	s6 =	sadd.s32 @!p0 s3, s7;
	s7 =	simm.s32 @!p0 $0x108  }
0x21: {  	s3 =	sadd.s32 s3, s9;
	s6 =	sadd.s32 @!p0 $0x88, s6;
	s7 =	simm.s32 @p2 $0x1082  }
0x22: {  	[simem:s7], [sflag:s8] =	dma.local @!p0 [hbm:s6], $0xF7A  }
0x23: {  	s9 =	sor.u32 $0xD0000000, s2;
	s6 =	simm.s32 $0x108;
	_ =	swait.ge @!p0 [sflag:s8], $0x0  }
0x24: {  	s3 =	sadd.s32 $0x88, s3;
	s6 =	simm.s32 @!p1 $0x1082;
	[sflag:s4] =	ssyncset.s32 $0xFFFFF086  }
0x25: {  	[simem:s6], [sflag:s4] =	dma.local [hbm:s3], $0xF7A  }
0x26: {  	[smem:$0x3F98] =	sst s1;
	(tag) =	ssettag s2;
	_ =	strace s9  }
0x27: {  	s1 =	sld [smem:$0x3FA8]  }
0x28: {  	s2 =	sld [smem:$0x3FA9]  }
0x29: {  	s4 =	sld [smem:$0x3FAB]  }
0x2a: {  	p0 =	seq.s32 s5, $0x0;
	s5 =	sld [smem:$0x3FAC]  }
0x2b: {  	s6 =	sld [smem:$0x3FAD]  }
0x2c: {  	s7 =	sld [smem:$0x3FAE]  }
0x2d: {  	s3 =	simm.s32 $0x108;
	s8 =	sld [smem:$0x3FAF]  }
0x2e: {  	s3 =	simm.s32 @!p0 $0x1082;
	s9 =	sld [smem:$0x3FB0]  }
0x2f: {  	lr =	sadd.s32 s0, s3;
	s0 =	sld [smem:$0x3FA7]  }
0x30: {  	s3 =	sld [smem:$0x3FAA]  }
0x31: {  	[smem:$0x3FB3] =	sst s10  }
0x32: {  	s10 =	sld [smem:$0x3FB1];
	_ =	sdelay $0x3  }
0x33: {  	p0 =	seq.s32 s10, $0x1;
	s10 =	sld [smem:$0x3FB3];
	_ =	sdelay $0x3  }
0x34: {  	[smem:$0x3FB3] =	sst s10  }
0x35: {  	s10 =	sld [smem:$0x3FB2];
	_ =	sdelay $0x3  }
0x36: {  	p1 =	seq.s32 s10, $0x1;
	s10 =	sld [smem:$0x3FB3];
	_ =	sdelay $0x3  }
0x37: {  	[smem:$0x3FB3] =	sst s10  }
0x38: {  	s10 =	sld [smem:$0x3FB4]  }
0x39: {  	_ = 	snop;
	(pc) =	sbr.ind lr, $3  }
0x3a: {  	_ = 	snop  }
0x3b: {  	_ = 	snop  }
0x3c: {  	p2 =	seq.s32 s10, $0x1;
	s10 =	sld [smem:$0x3FB3]  }
0x3d: {  	_ =	shalt  }
0x3e: {  	_ =	shalt  }
0x3f: {  	_ =	shalt  }
0x40: {  	_ =	shalt  }
0x41: {  	_ =	shalt  }
0x42: {  	_ =	shalt  }
0x43: {  	_ =	shalt  }
0x44: {  	_ =	shalt  }
0x45: {  	_ =	shalt  }
0x46: {  	_ =	shalt  }
0x47: {  	_ =	shalt  }
0x48: {  	_ =	shalt  }
0x49: {  	_ =	shalt  }
0x4a: {  	_ =	shalt  }
0x4b: {  	_ =	shalt  }
0x4c: {  	_ =	shalt  }
0x4d: {  	_ =	shalt  }
0x4e: {  	_ =	shalt  }
0x4f: {  	_ =	shalt  }
0x50: {  	_ =	shalt  }
0x51: {  	_ =	shalt  }
0x52: {  	_ =	shalt  }
0x53: {  	_ =	shalt  }
0x54: {  	_ =	shalt  }
0x55: {  	_ =	shalt  }
0x56: {  	_ =	shalt  }
0x57: {  	_ =	shalt  }
0x58: {  	_ =	shalt  }
0x59: {  	_ =	shalt  }
0x5a: {  	_ =	shalt  }
0x5b: {  	_ =	shalt  }
0x5c: {  	_ =	shalt  }
0x5d: {  	_ =	shalt  }
0x5e: {  	_ =	shalt  }
0x5f: {  	_ =	shalt  }
0x60: {  	_ =	shalt  }
0x61: {  	_ =	shalt  }
0x62: {  	_ =	shalt  }
0x63: {  	_ =	shalt  }
0x64: {  	_ =	shalt  }
0x65: {  	_ =	shalt  }
0x66: {  	_ =	shalt  }
0x67: {  	_ =	shalt  }
0x68: {  	_ =	shalt  }
0x69: {  	_ =	shalt  }
0x6a: {  	_ =	shalt  }
0x6b: {  	_ =	shalt  }
0x6c: {  	_ =	shalt  }
0x6d: {  	_ =	shalt  }
0x6e: {  	_ =	shalt  }
0x6f: {  	_ =	shalt  }
0x70: {  	_ =	shalt  }
0x71: {  	_ =	shalt  }
0x72: {  	_ =	shalt  }
0x73: {  	_ =	shalt  }
0x74: {  	_ =	shalt  }
0x75: {  	_ =	shalt  }
0x76: {  	_ =	shalt  }
0x77: {  	_ =	shalt  }
0x78: {  	_ =	shalt  }
0x79: {  	_ =	shalt  }
0x7a: {  	_ =	shalt  }
0x7b: {  	_ =	shalt  }
0x7c: {  	_ =	shalt  }
0x7d: {  	_ =	shalt  }
0x7e: {  	_ =	shalt  }
0x7f: {  	_ =	shalt  }
0x80: {  	_ =	shalt  }
0x81: {  	_ =	shalt  }
0x82: {  	_ =	shalt  }
0x83: {  	_ =	shalt  }
0x84: {  	_ =	shalt  }
0x85: {  	_ =	shalt  }
0x86: {  	_ =	shalt  }
0x87: {  	_ =	shalt  }
.Lfunc_end0:
.L_simem_size_0:
called_computation.3_lowered:
.L_overlay_start_0:
0x88: {  	s2 =	sld [smem:$0x3FD9]  }
0x89: {  	s3 =	sld [smem:$0x3FFE];
	_ =	sdelay $0x1  }
0x8a: {  	s1 =	srdreg.scid  }
0x8b: {  	s0 =	sand.u32 $0x1, s1  }
0x8c: {  	s17 =	sshll.u32 s0, $0xA;
	s2 =	sadd.s32 s3, s2  }
0x8d: {  	s2 =	sadd.s32 s2, s17  }
0x8e: {  	[smem:$0x3FBF] =	sst s2  }
0x8f: {  	_ = 	snop  }
0x90: {  	(tm) =	ssettm $0x1  }
0x91: {  	s18 =	sld [smem:$0x3FFB];
	_ =	sdelay $0x3  }
0x92: {  	_ =	strace s18  }
0x93: {  	s2 =	sld [smem:$0x3FFC];
	_ =	sdelay $0x3  }
0x94: {  	_ =	strace s2  }
0x95: {  	s2 =	sld [smem:$0x3FFD];
	_ =	sdelay $0x3  }
0x96: {  	_ =	strace s2  }
0x97: {  	_ =	strace $0x8FFFFFFF  }
0x98: {  	s19 =	sld [smem:$0x3FDB];
	_ =	sdelay $0x1  }
0x99: {  	s20 =	simm.s32 $_scs_section_size  }
0x9a: {  	s4 =	simm.s32 $_size__tile_overlayer_lowered;
	s5 =	simm.s32 $_tile_overlayer_lowered  }
0x9b: {  	s6 =	simm.s32 $0x1BFF;
	s21 =	sshll.u32 s5, $0x1;
	s3 =	sadd.s32 s20, s19  }
0x9c: {  	s22 =	simm.s32 $0x0;
	s4 =	sshll.u32 s4, $0x1;
	s5 =	sadd.s32 s21, s3  }
0x9d: {  	[timem:s22], [sflag:s6] =	dma.local [hbm:s5], s4  }
0x9e: {  	_ =	swait.ge [sflag:s6], s4  }
0x9f: {  	s4 =	ssub.s32 $0x0, s4;
	[sflag:s6] =	ssyncset.done $0x0  }
0xa0: {  	[sflag:s6] =	ssyncadd.s32 s4;
	_ =	sdelay $0x1  }
0xa1: {  	s23 =	simm.s32 $0x1B8B  }
0xa2: {  	_ =	swait.ge [sflag:s23], $0x1  }
0xa3: {  	[sflag:s23] =	ssyncset.done $0x0  }
0xa4: {  	[sflag:s23] =	ssyncadd.s32 $0xFFFFFFFF  }
0xa5: {  	s4 =	sld [smem:$0x0]  }
0xa6: {  	s5 =	sand.u32 $0xFFFFFFFE, s1  }
0xa7: {  	p0 =	sne.s32 s1, s5  }
0xa8: {  	s5 =	sshll.u32 @p0 s5, $0xE  }
0xa9: {  	s5 =	sadd.s32 @p0 $0x11B8D, s5;
	s6 =	sshll.u32 @p0 s4, $0x11  }
0xaa: {  	s5 =	sor.u32 @p0 s6, s5  }
0xab: {  	[sflag:s5] =	ssyncadd.remote.s32 @p0 $0x1;
	_ =	sdelay $0x1  }
0xac: {  	s5 =	simm.s32 @p0 $0x1B8D  }
0xad: {  	_ =	swait.eq @p0 [sflag:s5], $0x1  }
0xae: {  	[sflag:s5] =	ssyncadd.s32 @p0 $0xFFFFFFFF  }
0xaf: {  	s6 =	sshll.u32 @!p0 s1, $0xE  }
0xb0: {  	s6 =	sor.u32 @!p0 $0x4000, s6;
	s5 =	simm.s32 @!p0 $0x1B8D  }
0xb1: {  	s4 =	sshll.u32 @!p0 s4, $0x11;
	s6 =	sadd.s32 @!p0 $0x11B8D, s6;
	_ =	swait.eq @!p0 [sflag:s5], $0x1  }
0xb2: {  	s4 =	sor.u32 @!p0 s4, s6;
	[sflag:s5] =	ssyncadd.s32 @!p0 $0xFFFFFFFF  }
0xb3: {  	s25 =	simm.s32 $0x1B8E;
	s24 =	sld [smem:$0x3FFE];
	[sflag:s4] =	ssyncadd.remote.s32 @!p0 $0x1  }
0xb4: {  	s26 =	simm.s32 $execute0_lowered;
	[smem:$0x3FD2] =	sst s25  }
0xb5: {  	s5 =	sshll.u32 s26, $0x1;
	_ =	strace $0x8000004C;
	[dreg:$0x1] =	wrdreg $0xFFFFFFFF  }
0xb6: {  	s28 =	simm.s32 $_size_execute0_lowered;
	s3 =	sadd.s32 s3, s5;
	[dreg:$0x0] =	wrdreg $0x0  }
0xb7: {  	s5 =	sshll.u32 s28, $0x1;
	[dreg:$0x2] =	wrdreg s3  }
0xb8: {  	[dreg:$0x3] =	wrdreg s5  }
0xb9: {  	[dreg:$0x4] =	wrdreg $0xC0  }
0xba: {  	_ =	task [dreg:s22], $0x5FFFF  }
0xbb: {  	[dreg:$0x1] =	wrdreg $0xFFFFFFFF  }
0xbc: {  	[dreg:$0x0] =	wrdreg $0x60  }
0xbd: {  	[dreg:$0x2] =	wrdreg s24  }
0xbe: {  	[dreg:$0x3] =	wrdreg $0x0  }
0xbf: {  	[dreg:$0x4] =	wrdreg $0x9  }
0xc0: {  	_ =	task.clear_ibuf [dreg:s22], $0x5FFFF;
	_ =	strace $0x9000004C  }
0xc1: {  	s29 =	simm.s32 $0x9;
	_ =	strace $0x8000004E  }
0xc2: {  	_ =	swait.ge [sflag:s29], $0x1  }
0xc3: {  	[sflag:s29] =	ssyncadd.s32 $0xFFFFFFFF  }
0xc4: {  	_ =	strace $0x9000004E  }
0xc5: {  	_ =	sfence  }
0xc6: {  	s30 =	sld [smem:$0x0];
	_ =	sdelay $0x2  }
0xc7: {  	s31 =	sshll.u32 s1, $0xD;
	s1 =	sshrl.u32 s1, $0x2  }
0xc8: {  	s4 =	sand.u32 $0x4000, s31;
	s1 =	sadd.s32 s1, s30  }
0xc9: {  	s0 =	sor.u32 s4, s0;
	s1 =	sshll.u32 s1, $0x11  }
0xca: {  	s0 =	sor.u32 s1, s0  }
0xcb: {  	s0 =	sadd.s32 $0x8F2B, s0  }
0xcc: {  	[sflag:s0] =	ssyncadd.remote.s32 $0x1  }
0xcd: {  	_ =	sfence.sel $0xFFFF  }
0xce: {  	[dreg:$0x0] =	wrdreg $0xFFFFFFFF;
	(pc) =	sbr.abs _section_cstart, $3  }
0xcf: {  	[dreg:$0x1] =	wrdreg $0xFFFFFFFF  }
0xd0: {  	_ =	task.clear_ibuf [dreg:s22], $0x2FFFF;
	_ =	strace $0x9FFFFFFF  }
0xd1: {  	(tm) =	ssettm $0x7FFFFFFF  }
tec
execute0_lowered:
.L_overlay_start_1:
0x0: {  	(tag) =	ssettag $0x1  }
0x1: {  	s17 =	rddreg [dreg:$0x0]  }
0x2: {  	s2 =	rddreg [dreg:$0x1]  }
0x3: {  	s1 =	stileid.u32;
	s4 =	srdreg.scid  }
0x4: {  	s0 =	rddreg [dreg:$0x2];
	s10 =	sshll.u32 s1, $0x6;
	s18 =	sand.u32 $0x1, s4  }
0x5: {  	s3 =	simm.s32 $0x0;
	s30 =	sadd.s32 s10, s17;
	s5 =	sshll.u32 s18, $0xA  }
0x6: {  	s7 =	simm.s32 $0x2000;
	[smem:$0x7FF] =	sst s3;
	s4 =	sadd.s32 s5, s30  }
0x7: {  	_ =	strace $0x8000004D;
	s6 =	sadd.s32 $0x22EA00, s4;
	s4 =	simm.s32 $0x3  }
0x8: {  	[tilespmem:s7], [sflag:$0x3] =	stream.linear.gather [hbm4b:s6+s3], $0x200, $0x38;
	[tilespmem:$0x6380] =	vst v63  }
0x9: {  	_ =	swait.ge [sflag:s4], $0x200  }
0xa: {  	[sflag:s4] =	ssyncset.done $0x0  }
0xb: {  	s9 =	sadd.s32 $0x18E200, s17;
	s5 =	simm.s32 $0x4380;
	[sflag:s4] =	ssyncadd.s32 $0xFFFFFE00  }
0xc: {  	[tilespmem:s5], [sflag:$0x3] =	stream.linear.gather [hbm4b:s9+s3], $0x2000, $0x38;
	[tilespmem:$0x6380] =	vst v63  }
0xd: {  	_ =	swait.ge [sflag:s4], $0x2000  }
0xe: {  	[sflag:s4] =	ssyncset.done $0x0  }
0xf: {  	s8 =	simm.s32 $0x2380;
	s12 =	sadd.s32 $0x1DE600, s17;
	[sflag:s4] =	ssyncadd.s32 $0xFFFFE000  }
0x10: {  	[tilespmem:s8], [sflag:$0x3] =	stream.linear.gather [hbm4b:s12+s3], $0x2000, $0x38;
	[tilespmem:$0x6380] =	vst v63  }
0x11: {  	_ =	swait.ge [sflag:s4], $0x2000  }
0x12: {  	v3 =	vlaneseq.u32;
	s11 =	sor.u32 $0x30, s10;
	[sflag:s4] =	ssyncset.done $0x0  }
0x13: {  	s13 =	sor.u32 $0x20, s10;
	v0 =	vor.u32 s11, v3;
	[sflag:s4] =	ssyncadd.s32 $0xFFFFE000  }
0x14: {  	v1 =	vor.u32 s13, v3;
	[tilespmem:$0x2330] =	vst v0  }
0x15: {  	v2 =	vor.u32 s10, v3;
	s10 =	sor.u32 $0x10, s10;
	[tilespmem:$0x2320] =	vst v1  }
0x16: {  	v3 =	vor.u32 s10, v3;
	[tilespmem:$0x2300] =	vst v2  }
0x17: {  	s10 =	simm.s32 $0x40;
	s11 =	simm.s32 $0x2300;
	[tilespmem:$0x2310] =	vst v3  }
0x18: {  	[spmem:s2] =	stream.indirect.scatter [tilespmem:s5], [sflag:$0x3], $0x80, s11, s10, $0xb8;
	[tilespmem:$0x6380] =	vst v63  }
0x19: {  	_ =	swait.ge [sflag:s4], $0x2000  }
0x1a: {  	[sflag:s4] =	ssyncset.done $0x0  }
0x1b: {  	[sflag:s4] =	ssyncadd.s32 $0xFFFFE000  }
0x1c: {  	[bflag:$0x0] =	sbarrier.arrive $0xFFFF  }
0x1d: {  	v4 =	vld [tilespmem:$0x2020]  }
0x1e: {  	v5 =	vld [tilespmem:$0x2000]  }
0x1f: {  	v6 =	vld [tilespmem:$0x2030]  }
0x20: {  	v7 =	vld [tilespmem:$0x2010];
	_ =	sdelay $0x1  }
0x21: {  	[tilespmem:$0x2220] =	vst v4  }
0x22: {  	[tilespmem:$0x2200] =	vst v5  }
0x23: {  	[tilespmem:$0x2230] =	vst v6  }
0x24: {  	s15 =	simm.s32 $0x2200;
	[tilespmem:$0x2210] =	vst v7  }
0x25: {  	[spmem:s2] =	stream.indirect.scatter.add.f32 [tilespmem:s8], [sflag:$0x1], $0x80, s15, s10, $0xb8;
	[tilespmem:$0x6380] =	vst v63  }
0x26: {  	v4 =	vld [tilespmem:$0x2060]  }
0x27: {  	v5 =	vld [tilespmem:$0x2040]  }
0x28: {  	v52 =	vld [tilespmem:$0x2070]  }
0x29: {  	v53 =	vld [tilespmem:$0x2050];
	_ =	sdelay $0x1  }
0x2a: {  	[tilespmem:$0x22A0] =	vst v4  }
0x2b: {  	[tilespmem:$0x2280] =	vst v5  }
0x2c: {  	[tilespmem:$0x22B0] =	vst v52  }
0x2d: {  	s14 =	simm.s32 $0x2280;
	s13 =	simm.s32 $0x1;
	[tilespmem:$0x2290] =	vst v53  }
0x2e: {  	[spmem:s2] =	stream.indirect.scatter.add.f32 [tilespmem:s8], [sflag:$0x2], $0x80, s14, s10, $0xb8;
	[tilespmem:$0x6380] =	vst v63  }
0x2f: {  	_ =	swait.ge [sflag:s13], $0x2000  }
0x30: {  	[sflag:s13] =	ssyncset.done $0x0  }
0x31: {  	[sflag:s13] =	ssyncadd.s32 $0xFFFFE000  }
0x32: {  	v4 =	vld [tilespmem:$0x20B0]  }
0x33: {  	v5 =	vld [tilespmem:$0x2090]  }
0x34: {  	v54 =	vld [tilespmem:$0x2080]  }
0x35: {  	v55 =	vld [tilespmem:$0x20A0];
	_ =	sdelay $0x1  }
0x36: {  	[tilespmem:$0x2230] =	vst v4  }
0x37: {  	[tilespmem:$0x2210] =	vst v5  }
0x38: {  	[tilespmem:$0x2200] =	vst v54  }
0x39: {  	s16 =	simm.s32 $0x2;
	[tilespmem:$0x2220] =	vst v55  }
0x3a: {  	[spmem:s2] =	stream.indirect.scatter.add.f32 [tilespmem:s8], [sflag:$0x1], $0x80, s15, s10, $0xb8;
	[tilespmem:$0x6380] =	vst v63  }
0x3b: {  	_ =	swait.ge [sflag:s16], $0x2000  }
0x3c: {  	[sflag:s16] =	ssyncset.done $0x0  }
0x3d: {  	[sflag:s16] =	ssyncadd.s32 $0xFFFFE000  }
0x3e: {  	v4 =	vld [tilespmem:$0x20C0]  }
0x3f: {  	v5 =	vld [tilespmem:$0x20D0]  }
0x40: {  	v56 =	vld [tilespmem:$0x20E0]  }
0x41: {  	v57 =	vld [tilespmem:$0x20F0];
	_ =	sdelay $0x1  }
0x42: {  	[tilespmem:$0x2280] =	vst v4  }
0x43: {  	[tilespmem:$0x2290] =	vst v5  }
0x44: {  	[tilespmem:$0x22A0] =	vst v56  }
0x45: {  	[tilespmem:$0x22B0] =	vst v57  }
0x46: {  	[spmem:s2] =	stream.indirect.scatter.add.f32 [tilespmem:s8], [sflag:$0x2], $0x80, s14, s10, $0xb8;
	[tilespmem:$0x6380] =	vst v63  }
0x47: {  	_ =	swait.ge [sflag:s13], $0x2000  }
0x48: {  	[sflag:s13] =	ssyncset.done $0x0  }
0x49: {  	[sflag:s13] =	ssyncadd.s32 $0xFFFFE000  }
0x4a: {  	v4 =	vld [tilespmem:$0x2130]  }
0x4b: {  	v5 =	vld [tilespmem:$0x2110]  }
0x4c: {  	v58 =	vld [tilespmem:$0x2120]  }
0x4d: {  	v59 =	vld [tilespmem:$0x2100];
	_ =	sdelay $0x1  }
0x4e: {  	[tilespmem:$0x2230] =	vst v4  }
0x4f: {  	[tilespmem:$0x2210] =	vst v5  }
0x50: {  	[tilespmem:$0x2220] =	vst v58  }
0x51: {  	[tilespmem:$0x2200] =	vst v59  }
0x52: {  	[spmem:s2] =	stream.indirect.scatter.add.f32 [tilespmem:s8], [sflag:$0x1], $0x80, s15, s10, $0xb8;
	[tilespmem:$0x6380] =	vst v63  }
0x53: {  	_ =	swait.ge [sflag:s16], $0x2000  }
0x54: {  	[sflag:s16] =	ssyncset.done $0x0  }
0x55: {  	[sflag:s16] =	ssyncadd.s32 $0xFFFFE000  }
0x56: {  	v4 =	vld [tilespmem:$0x2160]  }
0x57: {  	v5 =	vld [tilespmem:$0x2150]  }
0x58: {  	v60 =	vld [tilespmem:$0x2140]  }
0x59: {  	v61 =	vld [tilespmem:$0x2170];
	_ =	sdelay $0x1  }
0x5a: {  	[tilespmem:$0x22A0] =	vst v4  }
0x5b: {  	[tilespmem:$0x2290] =	vst v5  }
0x5c: {  	[tilespmem:$0x2280] =	vst v60  }
0x5d: {  	[tilespmem:$0x22B0] =	vst v61  }
0x5e: {  	[spmem:s2] =	stream.indirect.scatter.add.f32 [tilespmem:s8], [sflag:$0x2], $0x80, s14, s10, $0xb8;
	[tilespmem:$0x6380] =	vst v63  }
0x5f: {  	_ =	swait.ge [sflag:s13], $0x2000  }
0x60: {  	[sflag:s13] =	ssyncset.done $0x0  }
0x61: {  	[sflag:s13] =	ssyncadd.s32 $0xFFFFE000  }
0x62: {  	v4 =	vld [tilespmem:$0x2180]  }
0x63: {  	s19 =	ssub.s32 $0x2, s18;
	v5 =	vld [tilespmem:$0x21A0]  }
0x64: {  	s20 =	sshrl.u32 s19, $0x1;
	v62 =	vld [tilespmem:$0x2190]  }
0x65: {  	s19 =	ssub.s32 s19, s20;
	v63 =	vld [tilespmem:$0x21B0]  }
0x66: {  	s19 =	smax.u32 s19, $0x1  }
0x67: {  	p0 =	sne.s32 s19, $0x1;
	[tilespmem:$0x2200] =	vst v4  }
.Ltmp0:
0x68: {  	s31 =	sshll.u32 s1, $0xA;
	[tilespmem:$0x2220] =	vst v5;
	(pc) =	sbr.rel @!p0 .LBB2_2-.Ltmp0, $4  }
0x69: {  	s17 =	sadd.s32 s31, s17;
	s18 =	sshll.u32 s18, $0xE;
	[tilespmem:$0x2210] =	vst v62  }
0x6a: {  	s17 =	sadd.s32 s18, s17;
	[tilespmem:$0x2230] =	vst v63  }
0x6b: {  	[spmem:s2] =	stream.indirect.scatter.add.f32 [tilespmem:s8], [sflag:$0x1], $0x80, s15, s10, $0xb8;
	[tilespmem:$0x6380] =	vst v63  }
0x6c: {  	s17 =	sadd.s32 $0x22FA00, s17;
	s18 =	sadd.s32 $0xFFFFFFFF, s19;
	_ =	swait.ge [sflag:s16], $0x2000  }
.LBB2_1:
0x6d: {  	p0 =	sne.s32 s18, $0x1;
	s18 =	sadd.s32 $0xFFFFFFFF, s18;
	_ =	sdelay $0x2  }
0x6e: {  	[sflag:s16] =	ssyncset.done $0x0  }
0x6f: {  	[sflag:s16] =	ssyncadd.s32 $0xFFFFE000  }
0x70: {  	v4 =	vld [tilespmem:$0x21F0]  }
0x71: {  	v5 =	vld [tilespmem:$0x21C0]  }
0x72: {  	v6 =	vld [tilespmem:$0x21E0]  }
0x73: {  	v7 =	vld [tilespmem:$0x21D0];
	_ =	sdelay $0x1  }
0x74: {  	[tilespmem:$0x22B0] =	vst v4  }
0x75: {  	[tilespmem:$0x2280] =	vst v5  }
0x76: {  	[tilespmem:$0x22A0] =	vst v6  }
0x77: {  	[tilespmem:$0x2290] =	vst v7  }
0x78: {  	[spmem:s2] =	stream.indirect.scatter.add.f32 [tilespmem:s8], [sflag:$0x2], $0x80, s14, s10, $0xb8;
	[tilespmem:$0x6380] =	vst v63  }
0x79: {  	_ =	swait.ge [sflag:s13], $0x2000  }
0x7a: {  	[sflag:s13] =	ssyncset.done $0x0  }
0x7b: {  	[sflag:s13] =	ssyncadd.s32 $0xFFFFE000  }
0x7c: {  	_ =	swait.ge [sflag:s16], $0x2000  }
0x7d: {  	[sflag:s16] =	ssyncset.done $0x0  }
0x7e: {  	[sflag:s16] =	ssyncadd.s32 $0xFFFFE000  }
0x7f: {  	[bflag:$0x0] =	sbarrier.arrive $0xFFFF  }
0x80: {  	[tilespmem:$0x2300] =	vst v2  }
0x81: {  	[tilespmem:$0x2330] =	vst v0  }
0x82: {  	[tilespmem:$0x2320] =	vst v1  }
0x83: {  	[tilespmem:$0x2310] =	vst v3  }
0x84: {  	[tilespmem:s5], [sflag:$0x1] =	stream.indirect.gather [spmem:s2], $0x80, s11, s10, $0xb8;
	[tilespmem:$0x6380] =	vst v63  }
0x85: {  	_ =	swait.ge [sflag:s13], $0x2000  }
0x86: {  	[sflag:s13] =	ssyncset.done $0x0  }
0x87: {  	[sflag:s13] =	ssyncadd.s32 $0xFFFFE000  }
0x88: {  	[hbm4b:s17+s3] =	stream.linear.scatter [tilespmem:s5], [sflag:$0x3], $0x2000, $0x38;
	[tilespmem:$0x6380] =	vst v63  }
0x89: {  	_ =	swait.ge [sflag:s4], $0x2000  }
0x8a: {  	[sflag:s4] =	ssyncset.done $0x0  }
0x8b: {  	[sflag:s4] =	ssyncadd.s32 $0xFFFFE000  }
0x8c: {  	[tilespmem:s7], [sflag:$0x3] =	stream.linear.gather [hbm4b:s6+s3], $0x200, $0x38;
	[tilespmem:$0x6380] =	vst v63  }
0x8d: {  	_ =	swait.ge [sflag:s4], $0x200  }
0x8e: {  	[sflag:s4] =	ssyncset.done $0x0  }
0x8f: {  	[sflag:s4] =	ssyncadd.s32 $0xFFFFFE00  }
0x90: {  	[tilespmem:s5], [sflag:$0x3] =	stream.linear.gather [hbm4b:s9+s3], $0x2000, $0x38;
	[tilespmem:$0x6380] =	vst v63  }
0x91: {  	_ =	swait.ge [sflag:s4], $0x2000  }
0x92: {  	[sflag:s4] =	ssyncset.done $0x0  }
0x93: {  	[sflag:s4] =	ssyncadd.s32 $0xFFFFE000  }
0x94: {  	[tilespmem:s8], [sflag:$0x3] =	stream.linear.gather [hbm4b:s12+s3], $0x2000, $0x38;
	[tilespmem:$0x6380] =	vst v63  }
0x95: {  	_ =	swait.ge [sflag:s4], $0x2000  }
0x96: {  	[sflag:s4] =	ssyncset.done $0x0  }
0x97: {  	[sflag:s4] =	ssyncadd.s32 $0xFFFFE000  }
0x98: {  	[tilespmem:$0x2330] =	vst v0  }
0x99: {  	[tilespmem:$0x2320] =	vst v1  }
0x9a: {  	[tilespmem:$0x2300] =	vst v2  }
0x9b: {  	[tilespmem:$0x2310] =	vst v3  }
0x9c: {  	[spmem:s2] =	stream.indirect.scatter [tilespmem:s5], [sflag:$0x3], $0x80, s11, s10, $0xb8;
	[tilespmem:$0x6380] =	vst v63  }
0x9d: {  	_ =	swait.ge [sflag:s4], $0x2000  }
0x9e: {  	[sflag:s4] =	ssyncset.done $0x0  }
0x9f: {  	[sflag:s4] =	ssyncadd.s32 $0xFFFFE000  }
0xa0: {  	[bflag:$0x0] =	sbarrier.arrive $0xFFFF  }
0xa1: {  	v4 =	vld [tilespmem:$0x2020]  }
0xa2: {  	v5 =	vld [tilespmem:$0x2000]  }
0xa3: {  	v6 =	vld [tilespmem:$0x2030]  }
0xa4: {  	v7 =	vld [tilespmem:$0x2010];
	_ =	sdelay $0x1  }
0xa5: {  	[tilespmem:$0x2220] =	vst v4  }
0xa6: {  	[tilespmem:$0x2200] =	vst v5  }
0xa7: {  	[tilespmem:$0x2230] =	vst v6  }
0xa8: {  	[tilespmem:$0x2210] =	vst v7  }
0xa9: {  	[spmem:s2] =	stream.indirect.scatter.add.f32 [tilespmem:s8], [sflag:$0x1], $0x80, s15, s10, $0xb8;
	[tilespmem:$0x6380] =	vst v63  }
0xaa: {  	v4 =	vld [tilespmem:$0x2060]  }
0xab: {  	v5 =	vld [tilespmem:$0x2040]  }
0xac: {  	v6 =	vld [tilespmem:$0x2070]  }
0xad: {  	v7 =	vld [tilespmem:$0x2050];
	_ =	sdelay $0x1  }
0xae: {  	[tilespmem:$0x22A0] =	vst v4  }
0xaf: {  	[tilespmem:$0x2280] =	vst v5  }
0xb0: {  	[tilespmem:$0x22B0] =	vst v6  }
0xb1: {  	[tilespmem:$0x2290] =	vst v7  }
0xb2: {  	[spmem:s2] =	stream.indirect.scatter.add.f32 [tilespmem:s8], [sflag:$0x2], $0x80, s14, s10, $0xb8;
	[tilespmem:$0x6380] =	vst v63  }
0xb3: {  	_ =	swait.ge [sflag:s13], $0x2000  }
0xb4: {  	[sflag:s13] =	ssyncset.done $0x0  }
0xb5: {  	[sflag:s13] =	ssyncadd.s32 $0xFFFFE000  }
0xb6: {  	v4 =	vld [tilespmem:$0x20B0]  }
0xb7: {  	v5 =	vld [tilespmem:$0x2090]  }
0xb8: {  	v6 =	vld [tilespmem:$0x2080]  }
0xb9: {  	v7 =	vld [tilespmem:$0x20A0];
	_ =	sdelay $0x1  }
0xba: {  	[tilespmem:$0x2230] =	vst v4  }
0xbb: {  	[tilespmem:$0x2210] =	vst v5  }
0xbc: {  	[tilespmem:$0x2200] =	vst v6  }
0xbd: {  	[tilespmem:$0x2220] =	vst v7  }
0xbe: {  	[spmem:s2] =	stream.indirect.scatter.add.f32 [tilespmem:s8], [sflag:$0x1], $0x80, s15, s10, $0xb8;
	[tilespmem:$0x6380] =	vst v63  }
0xbf: {  	_ =	swait.ge [sflag:s16], $0x2000  }
0xc0: {  	[sflag:s16] =	ssyncset.done $0x0  }
0xc1: {  	[sflag:s16] =	ssyncadd.s32 $0xFFFFE000  }
0xc2: {  	v4 =	vld [tilespmem:$0x20C0]  }
0xc3: {  	v5 =	vld [tilespmem:$0x20D0]  }
0xc4: {  	v6 =	vld [tilespmem:$0x20E0]  }
0xc5: {  	v7 =	vld [tilespmem:$0x20F0];
	_ =	sdelay $0x1  }
0xc6: {  	[tilespmem:$0x2280] =	vst v4  }
0xc7: {  	[tilespmem:$0x2290] =	vst v5  }
0xc8: {  	[tilespmem:$0x22A0] =	vst v6  }
0xc9: {  	[tilespmem:$0x22B0] =	vst v7  }
0xca: {  	[spmem:s2] =	stream.indirect.scatter.add.f32 [tilespmem:s8], [sflag:$0x2], $0x80, s14, s10, $0xb8;
	[tilespmem:$0x6380] =	vst v63  }
0xcb: {  	_ =	swait.ge [sflag:s13], $0x2000  }
0xcc: {  	[sflag:s13] =	ssyncset.done $0x0  }
0xcd: {  	[sflag:s13] =	ssyncadd.s32 $0xFFFFE000  }
0xce: {  	v4 =	vld [tilespmem:$0x2130]  }
0xcf: {  	v5 =	vld [tilespmem:$0x2110]  }
0xd0: {  	v6 =	vld [tilespmem:$0x2120]  }
0xd1: {  	v7 =	vld [tilespmem:$0x2100];
	_ =	sdelay $0x1  }
0xd2: {  	[tilespmem:$0x2230] =	vst v4  }
0xd3: {  	[tilespmem:$0x2210] =	vst v5  }
0xd4: {  	[tilespmem:$0x2220] =	vst v6  }
0xd5: {  	[tilespmem:$0x2200] =	vst v7  }
0xd6: {  	[spmem:s2] =	stream.indirect.scatter.add.f32 [tilespmem:s8], [sflag:$0x1], $0x80, s15, s10, $0xb8;
	[tilespmem:$0x6380] =	vst v63  }
0xd7: {  	_ =	swait.ge [sflag:s16], $0x2000  }
0xd8: {  	[sflag:s16] =	ssyncset.done $0x0  }
0xd9: {  	[sflag:s16] =	ssyncadd.s32 $0xFFFFE000  }
0xda: {  	v4 =	vld [tilespmem:$0x2160]  }
0xdb: {  	v5 =	vld [tilespmem:$0x2150]  }
0xdc: {  	v6 =	vld [tilespmem:$0x2140]  }
0xdd: {  	v7 =	vld [tilespmem:$0x2170];
	_ =	sdelay $0x1  }
0xde: {  	[tilespmem:$0x22A0] =	vst v4  }
0xdf: {  	[tilespmem:$0x2290] =	vst v5  }
0xe0: {  	[tilespmem:$0x2280] =	vst v6  }
0xe1: {  	[tilespmem:$0x22B0] =	vst v7  }
0xe2: {  	[spmem:s2] =	stream.indirect.scatter.add.f32 [tilespmem:s8], [sflag:$0x2], $0x80, s14, s10, $0xb8;
	[tilespmem:$0x6380] =	vst v63  }
0xe3: {  	_ =	swait.ge [sflag:s13], $0x2000  }
0xe4: {  	[sflag:s13] =	ssyncset.done $0x0  }
0xe5: {  	[sflag:s13] =	ssyncadd.s32 $0xFFFFE000  }
0xe6: {  	v4 =	vld [tilespmem:$0x2180]  }
0xe7: {  	v5 =	vld [tilespmem:$0x21A0]  }
0xe8: {  	v6 =	vld [tilespmem:$0x2190]  }
0xe9: {  	v7 =	vld [tilespmem:$0x21B0];
	_ =	sdelay $0x1  }
0xea: {  	[tilespmem:$0x2200] =	vst v4  }
.Ltmp1:
0xeb: {  	[tilespmem:$0x2220] =	vst v5;
	(pc) =	sbr.rel @p0 .LBB2_1-.Ltmp1, $4  }
0xec: {  	[tilespmem:$0x2210] =	vst v6  }
0xed: {  	[tilespmem:$0x2230] =	vst v7  }
0xee: {  	[spmem:s2] =	stream.indirect.scatter.add.f32 [tilespmem:s8], [sflag:$0x1], $0x80, s15, s10, $0xb8;
	[tilespmem:$0x6380] =	vst v63  }
0xef: {  	_ =	swait.ge [sflag:s16], $0x2000  }
.LBB2_2:
0xf0: {  	[sflag:s16] =	ssyncset.done $0x0  }
0xf1: {  	[sflag:s16] =	ssyncadd.s32 $0xFFFFE000  }
0xf2: {  	v4 =	vld [tilespmem:$0x21F0]  }
0xf3: {  	v5 =	vld [tilespmem:$0x21C0]  }
0xf4: {  	v6 =	vld [tilespmem:$0x21E0]  }
0xf5: {  	v7 =	vld [tilespmem:$0x21D0];
	_ =	sdelay $0x1  }
0xf6: {  	[tilespmem:$0x22B0] =	vst v4  }
0xf7: {  	[tilespmem:$0x2280] =	vst v5  }
0xf8: {  	[tilespmem:$0x22A0] =	vst v6  }
0xf9: {  	[tilespmem:$0x2290] =	vst v7  }
0xfa: {  	[spmem:s2] =	stream.indirect.scatter.add.f32 [tilespmem:s8], [sflag:$0x2], $0x80, s14, s10, $0xb8;
	[tilespmem:$0x6380] =	vst v63  }
0xfb: {  	_ =	swait.ge [sflag:s13], $0x2000  }
0xfc: {  	[sflag:s13] =	ssyncset.done $0x0  }
0xfd: {  	[sflag:s13] =	ssyncadd.s32 $0xFFFFE000  }
0xfe: {  	_ =	swait.ge [sflag:s16], $0x2000  }
0xff: {  	[sflag:s16] =	ssyncset.done $0x0  }
0x100: {  	[sflag:s16] =	ssyncadd.s32 $0xFFFFE000  }
0x101: {  	[bflag:$0x0] =	sbarrier.arrive $0xFFFF  }
0x102: {  	[tilespmem:$0x2300] =	vst v2  }
0x103: {  	[tilespmem:$0x2330] =	vst v0  }
0x104: {  	[tilespmem:$0x2320] =	vst v1  }
0x105: {  	[tilespmem:$0x2310] =	vst v3  }
0x106: {  	[tilespmem:s5], [sflag:$0x1] =	stream.indirect.gather [spmem:s2], $0x80, s11, s10, $0xb8;
	[tilespmem:$0x6380] =	vst v63  }
0x107: {  	_ =	swait.ge [sflag:s13], $0x2000  }
0x108: {  	[sflag:s13] =	ssyncset.done $0x0  }
0x109: {  	[sflag:s13] =	ssyncadd.s32 $0xFFFFE000  }
0x10a: {  	[hbm4b:s17+s3] =	stream.linear.scatter [tilespmem:s5], [sflag:$0x3], $0x2000, $0x38;
	[tilespmem:$0x6380] =	vst v63  }
0x10b: {  	_ =	swait.ge [sflag:s4], $0x2000  }
0x10c: {  	[sflag:s4] =	ssyncset.done $0x0  }
0x10d: {  	[sflag:s4] =	ssyncadd.s32 $0xFFFFE000  }
0x10e: {  	_ =	sfence.sel $0x180000  }
0x10f: {  	[bflag:$0x0] =	sbarrier.arrive $0xFFFF  }
0x110: {  	p0 =	sne.s32 s1, $0x0;
	_ =	strace $0x9000004D  }
0x111: {  	s0 =	sadd.s32 @!p0 $0x100000, s0;
	[bflag:$0x2] =	sbarrier.arrive $0xFFFF  }
0x112: {  	[sflag:s0] =	ssyncadd.tile.s32 @!p0 $0x1;
	_ =	shalt  }
.Lfunc_end2:
_tile_overlayer_lowered:
.L_overlay_start_2:
0x113: {  	(tag) =	ssettag $0x2  }
0x114: {  	s0 =	rddreg [dreg:$0x0];
	s2 =	stileid.u32  }
0x115: {  	s1 =	rddreg [dreg:$0x1];
	p0 =	sne.s32 s2, $0x0  }
0x116: {  	s3 =	rddreg [dreg:$0x2];
	[bflag:$0x3] =	sbarrier.arrive $0xFFFF;
	s2 =	simm.s32 @!p0 $0x1C03  }
0x117: {  	[timem:s3], [sflag:s2] =	dma.local @!p0 [hbm:s0], s1  }
0x118: {  	s0 =	simm.s32 @!p0 $0x3  }
0x119: {  	_ =	swait.ge @!p0 [sflag:s0], s1  }
0x11a: {  	s1 =	ssub.s32 @!p0 $0x0, s1;
	[sflag:s0] =	ssyncset.done @!p0 $0x0  }
0x11b: {  	[sflag:s0] =	ssyncadd.s32 @!p0 s1  }
0x11c: {  	[bflag:$0x3] =	sbarrier.arrive $0xFFFF  }
0x11d: {  	_ =	shalt  }

// kernel: sc_seg_sum_163840_10240.3.cloned.1.call-start
scs
__scs_entry_jumppad:
0x0: {  	(pc) =	sbr.rel $0x88, $3  }
0x1: {  	(tag) =	ssettag $0x0;
	lr =	simm.s32 $0x1  }
0x2: {  	[smem:$0x3F98] =	sst lr;
	_ =	strace $0xD0000000  }
0x3: {  	_ = 	snop  }
0x4: {  	_ = 	snop  }
0x5: {  	_ = 	snop  }
0x6: {  	_ = 	snop  }
0x7: {  	_ = 	snop  }
__scs_overlays_trampoline_lowered:
0x8: {  	[smem:$0x3FA7] =	sst s0  }
0x9: {  	[smem:$0x3FA8] =	sst s1  }
0xa: {  	[smem:$0x3FA9] =	sst s2  }
0xb: {  	[smem:$0x3FAA] =	sst s3  }
0xc: {  	[smem:$0x3FAB] =	sst s4  }
0xd: {  	[smem:$0x3FAC] =	sst s5  }
0xe: {  	[smem:$0x3FAD] =	sst s6  }
0xf: {  	[smem:$0x3FAE] =	sst s7  }
0x10: {  	[smem:$0x3FAF] =	sst s8  }
0x11: {  	[smem:$0x3FB0] =	sst s9;
	s0 =	simm.s32 @!p0 $0x0  }
0x12: {  	s1 =	sld [smem:$0x3F96];
	s0 =	simm.s32 @p0 $0x1  }
0x13: {  	[smem:$0x3FB1] =	sst s0;
	s0 =	simm.s32 @!p1 $0x0  }
0x14: {  	s2 =	sld [smem:$0x3F95];
	s0 =	simm.s32 @p1 $0x1  }
0x15: {  	[smem:$0x3FB2] =	sst s0;
	s0 =	simm.s32 @!p2 $0x0  }
0x16: {  	s3 =	sld [smem:$0x3FDB];
	s0 =	simm.s32 @p2 $0x1  }
0x17: {  	s4 =	simm.s32 $0x1BF5;
	[smem:$0x3FB4] =	sst s0  }
0x18: {  	s0 =	sld [smem:$0x3F97];
	_ =	swait.ge [sflag:s4], $0x0  }
0x19: {  	s7 =	sld [smem:$0x3F98]  }
0x1a: {  	s8 =	sadd.s32 $0xFFFFE003, lr  }
0x1b: {  	s9 =	sadd.s32 $0xFFFFFEF7, lr;
	s5 =	simm.s32 $0xFFFFFFFF;
	p2 =	slt.u32 s8, $0xFFFFF086  }
0x1c: {  	p1 =	slt.u32 s9, $0xF7A;
	s5 =	simm.s32 @!p2 $0x0  }
0x1d: {  	s5 =	simm.s32 @p1 $0x1;
	p0 =	seq.s32 s7, s2  }
0x1e: {  	s7 =	smul.u32 @!p0 $0xF7A, s2;
	p2 =	seq.s32 @!p0 s5, $0x0  }
0x1f: {  	s9 =	smul.u32 $0xF7A, s1;
	s8 =	simm.s32 @!p0 $0x1BF5;
	p2 =	por !p2, p0  }
0x20: {  	[sflag:s8] =	ssyncset.s32 @!p0 $0xFFFFF086;
	s6 =	sadd.s32 @!p0 s3, s7;
	s7 =	simm.s32 @!p0 $0x108  }
0x21: {  	s3 =	sadd.s32 s3, s9;
	s6 =	sadd.s32 @!p0 $0x88, s6;
	s7 =	simm.s32 @p2 $0x1082  }
0x22: {  	[simem:s7], [sflag:s8] =	dma.local @!p0 [hbm:s6], $0xF7A  }
0x23: {  	s9 =	sor.u32 $0xD0000000, s2;
	s6 =	simm.s32 $0x108;
	_ =	swait.ge @!p0 [sflag:s8], $0x0  }
0x24: {  	s3 =	sadd.s32 $0x88, s3;
	s6 =	simm.s32 @!p1 $0x1082;
	[sflag:s4] =	ssyncset.s32 $0xFFFFF086  }
0x25: {  	[simem:s6], [sflag:s4] =	dma.local [hbm:s3], $0xF7A  }
0x26: {  	[smem:$0x3F98] =	sst s1;
	(tag) =	ssettag s2;
	_ =	strace s9  }
0x27: {  	s1 =	sld [smem:$0x3FA8]  }
0x28: {  	s2 =	sld [smem:$0x3FA9]  }
0x29: {  	s4 =	sld [smem:$0x3FAB]  }
0x2a: {  	p0 =	seq.s32 s5, $0x0;
	s5 =	sld [smem:$0x3FAC]  }
0x2b: {  	s6 =	sld [smem:$0x3FAD]  }
0x2c: {  	s7 =	sld [smem:$0x3FAE]  }
0x2d: {  	s3 =	simm.s32 $0x108;
	s8 =	sld [smem:$0x3FAF]  }
0x2e: {  	s3 =	simm.s32 @!p0 $0x1082;
	s9 =	sld [smem:$0x3FB0]  }
0x2f: {  	lr =	sadd.s32 s0, s3;
	s0 =	sld [smem:$0x3FA7]  }
0x30: {  	s3 =	sld [smem:$0x3FAA]  }
0x31: {  	[smem:$0x3FB3] =	sst s10  }
0x32: {  	s10 =	sld [smem:$0x3FB1];
	_ =	sdelay $0x3  }
0x33: {  	p0 =	seq.s32 s10, $0x1;
	s10 =	sld [smem:$0x3FB3];
	_ =	sdelay $0x3  }
0x34: {  	[smem:$0x3FB3] =	sst s10  }
0x35: {  	s10 =	sld [smem:$0x3FB2];
	_ =	sdelay $0x3  }
0x36: {  	p1 =	seq.s32 s10, $0x1;
	s10 =	sld [smem:$0x3FB3];
	_ =	sdelay $0x3  }
0x37: {  	[smem:$0x3FB3] =	sst s10  }
0x38: {  	s10 =	sld [smem:$0x3FB4]  }
0x39: {  	_ = 	snop;
	(pc) =	sbr.ind lr, $3  }
0x3a: {  	_ = 	snop  }
0x3b: {  	_ = 	snop  }
0x3c: {  	p2 =	seq.s32 s10, $0x1;
	s10 =	sld [smem:$0x3FB3]  }
0x3d: {  	_ =	shalt  }
0x3e: {  	_ =	shalt  }
0x3f: {  	_ =	shalt  }
0x40: {  	_ =	shalt  }
0x41: {  	_ =	shalt  }
0x42: {  	_ =	shalt  }
0x43: {  	_ =	shalt  }
0x44: {  	_ =	shalt  }
0x45: {  	_ =	shalt  }
0x46: {  	_ =	shalt  }
0x47: {  	_ =	shalt  }
0x48: {  	_ =	shalt  }
0x49: {  	_ =	shalt  }
0x4a: {  	_ =	shalt  }
0x4b: {  	_ =	shalt  }
0x4c: {  	_ =	shalt  }
0x4d: {  	_ =	shalt  }
0x4e: {  	_ =	shalt  }
0x4f: {  	_ =	shalt  }
0x50: {  	_ =	shalt  }
0x51: {  	_ =	shalt  }
0x52: {  	_ =	shalt  }
0x53: {  	_ =	shalt  }
0x54: {  	_ =	shalt  }
0x55: {  	_ =	shalt  }
0x56: {  	_ =	shalt  }
0x57: {  	_ =	shalt  }
0x58: {  	_ =	shalt  }
0x59: {  	_ =	shalt  }
0x5a: {  	_ =	shalt  }
0x5b: {  	_ =	shalt  }
0x5c: {  	_ =	shalt  }
0x5d: {  	_ =	shalt  }
0x5e: {  	_ =	shalt  }
0x5f: {  	_ =	shalt  }
0x60: {  	_ =	shalt  }
0x61: {  	_ =	shalt  }
0x62: {  	_ =	shalt  }
0x63: {  	_ =	shalt  }
0x64: {  	_ =	shalt  }
0x65: {  	_ =	shalt  }
0x66: {  	_ =	shalt  }
0x67: {  	_ =	shalt  }
0x68: {  	_ =	shalt  }
0x69: {  	_ =	shalt  }
0x6a: {  	_ =	shalt  }
0x6b: {  	_ =	shalt  }
0x6c: {  	_ =	shalt  }
0x6d: {  	_ =	shalt  }
0x6e: {  	_ =	shalt  }
0x6f: {  	_ =	shalt  }
0x70: {  	_ =	shalt  }
0x71: {  	_ =	shalt  }
0x72: {  	_ =	shalt  }
0x73: {  	_ =	shalt  }
0x74: {  	_ =	shalt  }
0x75: {  	_ =	shalt  }
0x76: {  	_ =	shalt  }
0x77: {  	_ =	shalt  }
0x78: {  	_ =	shalt  }
0x79: {  	_ =	shalt  }
0x7a: {  	_ =	shalt  }
0x7b: {  	_ =	shalt  }
0x7c: {  	_ =	shalt  }
0x7d: {  	_ =	shalt  }
0x7e: {  	_ =	shalt  }
0x7f: {  	_ =	shalt  }
0x80: {  	_ =	shalt  }
0x81: {  	_ =	shalt  }
0x82: {  	_ =	shalt  }
0x83: {  	_ =	shalt  }
0x84: {  	_ =	shalt  }
0x85: {  	_ =	shalt  }
0x86: {  	_ =	shalt  }
0x87: {  	_ =	shalt  }
.Lfunc_end0:
.L_simem_size_0:
called_computation_lowered:
.L_overlay_start_0:
0x88: {  	s2 =	sld [smem:$0x3FD9]  }
0x89: {  	s3 =	sld [smem:$0x3FFE];
	_ =	sdelay $0x1  }
0x8a: {  	s1 =	srdreg.scid  }
0x8b: {  	s0 =	sand.u32 $0x1, s1  }
0x8c: {  	s17 =	sshll.u32 s0, $0xA;
	s2 =	sadd.s32 s3, s2  }
0x8d: {  	s2 =	sadd.s32 s2, s17  }
0x8e: {  	[smem:$0x3FBF] =	sst s2  }
0x8f: {  	_ = 	snop  }
0x90: {  	s2 =	sld [smem:$0x3FD0];
	(tm) =	ssettm $0x1  }
0x91: {  	s18 =	sld [smem:$0x3FFB];
	_ =	sdelay $0x3  }
0x92: {  	_ =	strace s18  }
0x93: {  	s3 =	sld [smem:$0x3FFC];
	_ =	sdelay $0x3  }
0x94: {  	_ =	strace s3  }
0x95: {  	s3 =	sld [smem:$0x3FFD];
	_ =	sdelay $0x3  }
0x96: {  	_ =	strace s3  }
0x97: {  	_ =	strace $0x8FFFFFFF  }
0x98: {  	s19 =	sld [smem:$0x3FDB];
	_ =	sdelay $0x1  }
0x99: {  	s4 =	simm.s32 $_scs_section_size  }
0x9a: {  	s5 =	simm.s32 $_size__tile_overlayer_lowered;
	s6 =	simm.s32 $_tile_overlayer_lowered  }
0x9b: {  	s22 =	simm.s32 $0x1BFF;
	s21 =	sshll.u32 s6, $0x1;
	s3 =	sadd.s32 s4, s19  }
0x9c: {  	s7 =	simm.s32 $0x0;
	s20 =	sshll.u32 s5, $0x1;
	s5 =	sadd.s32 s21, s3  }
0x9d: {  	[timem:s7], [sflag:s22] =	dma.local [hbm:s5], s20  }
0x9e: {  	_ =	swait.ge [sflag:s22], s20  }
0x9f: {  	s4 =	ssub.s32 $0x0, s20;
	[sflag:s22] =	ssyncset.done $0x0  }
0xa0: {  	[sflag:s22] =	ssyncadd.s32 s4;
	_ =	sdelay $0x1  }
0xa1: {  	s23 =	simm.s32 $0x1B8B  }
0xa2: {  	_ =	swait.ge [sflag:s23], $0x1  }
0xa3: {  	[sflag:s23] =	ssyncset.done $0x0  }
0xa4: {  	s25 =	simm.s32 $0x1B8E;
	s24 =	sld [smem:$0x3FFE];
	[sflag:s23] =	ssyncadd.s32 $0xFFFFFFFF  }
0xa5: {  	s26 =	simm.s32 $execute0_lowered;
	[smem:$0x3FD2] =	sst s25  }
0xa6: {  	s5 =	sshll.u32 s26, $0x1;
	_ =	strace $0x80000046;
	[dreg:$0x1] =	wrdreg $0xFFFFFFFF  }
0xa7: {  	s28 =	simm.s32 $_size_execute0_lowered;
	s3 =	sadd.s32 s3, s5;
	[dreg:$0x0] =	wrdreg $0x0  }
0xa8: {  	s5 =	sshll.u32 s28, $0x1;
	[dreg:$0x2] =	wrdreg s3  }
0xa9: {  	[dreg:$0x3] =	wrdreg s5  }
0xaa: {  	[dreg:$0x4] =	wrdreg $0xC0  }
0xab: {  	_ =	task [dreg:s7], $0x5FFFF  }
0xac: {  	[dreg:$0x1] =	wrdreg $0xFFFFFFFF  }
0xad: {  	[dreg:$0x0] =	wrdreg $0x60  }
0xae: {  	[dreg:$0x2] =	wrdreg s24  }
0xaf: {  	[dreg:$0x3] =	wrdreg s2  }
0xb0: {  	[dreg:$0x4] =	wrdreg $0x0  }
0xb1: {  	[dreg:$0x5] =	wrdreg $0xA  }
0xb2: {  	_ =	task.clear_ibuf [dreg:s7], $0x6FFFF;
	_ =	strace $0x90000046  }
0xb3: {  	s29 =	simm.s32 $0xA;
	_ =	strace $0x80000048  }
0xb4: {  	_ =	swait.ge [sflag:s29], $0x1  }
0xb5: {  	[sflag:s29] =	ssyncadd.s32 $0xFFFFFFFF  }
0xb6: {  	_ =	strace $0x90000048  }
0xb7: {  	_ =	sfence  }
0xb8: {  	s30 =	sld [smem:$0x0];
	_ =	sdelay $0x2  }
0xb9: {  	s31 =	sshll.u32 s1, $0xD;
	s1 =	sshrl.u32 s1, $0x2  }
0xba: {  	s3 =	sand.u32 $0x4000, s31;
	s1 =	sadd.s32 s1, s30  }
0xbb: {  	s0 =	sor.u32 s3, s0;
	s1 =	sshll.u32 s1, $0x11  }
0xbc: {  	s0 =	sor.u32 s1, s0  }
0xbd: {  	s0 =	sadd.s32 $0x8F2B, s0  }
0xbe: {  	[sflag:s0] =	ssyncadd.remote.s32 $0x1  }
0xbf: {  	_ =	sfence.sel $0xFFFF  }
0xc0: {  	[dreg:$0x0] =	wrdreg $0xFFFFFFFF;
	(pc) =	sbr.abs _section_cstart, $3  }
0xc1: {  	[dreg:$0x1] =	wrdreg $0xFFFFFFFF  }
0xc2: {  	_ =	task.clear_ibuf [dreg:s7], $0x2FFFF;
	_ =	strace $0x9FFFFFFF  }
0xc3: {  	(tm) =	ssettm $0x7FFFFFFF  }
tec
execute0_lowered:
.L_overlay_start_1:
0x0: {  	(tag) =	ssettag $0x1  }
0x1: {  	s6 =	rddreg [dreg:$0x0]  }
0x2: {  	s8 =	rddreg [dreg:$0x1]  }
0x3: {  	s2 =	rddreg [dreg:$0x2];
	s3 =	simm.s32 $0x0;
	s0 =	stileid.u32  }
0x4: {  	s5 =	srdreg.scid;
	s14 =	simm.s32 $0x16800;
	s15 =	simm.s32 $0x1D280  }
0x5: {  	s16 =	simm.s32 $0x40;
	s17 =	simm.s32 $0x19200;
	s18 =	simm.s32 $0x19000  }
0x6: {  	s19 =	simm.s32 $0x19280;
	s20 =	simm.s32 $0x19080;
	s21 =	simm.s32 $0x1B280  }
0x7: {  	s22 =	simm.s32 $0x1;
	s23 =	simm.s32 $0x19100;
	s25 =	simm.s32 $0x19180  }
0x8: {  	s26 =	simm.s32 $0x0;
	[smem:$0x7FF] =	sst s3;
	s9 =	smul.u32 $0x500, s0  }
0x9: {  	s24 =	sand.u32 $0x1, s5;
	s5 =	sadd.s32 $0x18E200, s6;
	s13 =	smul.u32 $0x2800, s0  }
0xa: {  	s4 =	sadd.s32 $0x7800, s6;
	_ =	strace $0x80000047;
	s10 =	smul.u32 $0x28000, s24  }
0xb: {  	s11 =	ssub.s32 $0x2, s24;
	v0 =	vmov s24;
	s24 =	simm.s32 $0x2;
	s7 =	sadd.s32 s9, s6  }
0xc: {  	s12 =	sshrl.u32 s11, $0x1;
	s8 =	sadd.s32 s8, s9;
	s10 =	sadd.s32 s10, s6  }
0xd: {  	s11 =	ssub.s32 s11, s12;
	s6 =	smul.u32 $0x280, s0;
	s7 =	sadd.s32 $0x2800, s7  }
0xe: {  	s12 =	simm.s32 $0x14000;
	s10 =	sadd.s32 s13, s10;
	s9 =	smax.u32 s11, $0x1  }
0xf: {  	v1 =	vlaneseq.u32;
	s13 =	simm.s32 $0x3;
	s10 =	sadd.s32 $0x18E600, s10;
	s11 =	sor.u32 $0x30, s6  }
.LBB2_1:
0x10: {  	[tilespmem:s12], [sflag:$0x3] =	stream.linear.gather [hbm4b:s7+s3], $0x2800, $0x38;
	[tilespmem:$0x1F280] =	vst v63  }
0x11: {  	_ =	swait.ge [sflag:s13], $0x2800  }
0x12: {  	[sflag:s13] =	ssyncset.done $0x0  }
0x13: {  	[sflag:s13] =	ssyncadd.s32 $0xFFFFD800  }
0x14: {  	[tilespmem:s14], [sflag:$0x3] =	stream.linear.gather [hbm4b:s8+s3], $0x2800, $0x38;
	[tilespmem:$0x1F280] =	vst v63  }
0x15: {  	_ =	swait.ge [sflag:s13], $0x2800  }
0x16: {  	[sflag:s13] =	ssyncset.done $0x0  }
0x17: {  	[sflag:s13] =	ssyncadd.s32 $0xFFFFD800  }
0x18: {  	[tilespmem:s15], [sflag:$0x3] =	stream.linear.gather [hbm4b:s5+s3], $0x2000, $0x38;
	[tilespmem:$0x1F280] =	vst v63  }
0x19: {  	_ =	swait.ge [sflag:s13], $0x2000  }
0x1a: {  	s28 =	sadd.s32 $0x0, s6;
	[sflag:s13] =	ssyncset.done $0x0  }
0x1b: {  	v2 =	vor.u32 s28, v1;
	s29 =	sadd.s32 $0x30, s28;
	[sflag:s13] =	ssyncadd.s32 $0xFFFFE000  }
0x1c: {  	s30 =	sadd.s32 $0x20, s28;
	v3 =	vor.u32 s29, v1;
	[tilespmem:$0x19200] =	vst v2  }
0x1d: {  	s29 =	sadd.s32 $0x10, s28;
	s28 =	simm.s32 $0x40;
	v2 =	vor.u32 s30, v1;
	[tilespmem:$0x19230] =	vst v3  }
.LBB2_2:
0x1e: {  	p0 =	sne.s32 s28, $0x240;
	v3 =	vor.u32 s29, v1;
	[tilespmem:$0x19220] =	vst v2  }
0x1f: {  	[tilespmem:$0x19210] =	vst v3;
	[spmem:s2] =	stream.indirect.scatter [tilespmem:s15], [sflag:$0x3], $0x80, s17, s16, $0xb8  }
.Ltmp0:
0x20: {  	_ =	swait.ge [sflag:s13], $0x2000;
	(pc) =	sbr.rel @p0 .LBB2_2-.Ltmp0, $4  }
0x21: {  	s29 =	sadd.s32 s28, s6;
	[sflag:s13] =	ssyncset.done $0x0  }
0x22: {  	v2 =	vor.u32 s29, v1;
	s30 =	sadd.s32 $0x30, s29;
	[sflag:s13] =	ssyncadd.s32 $0xFFFFE000  }
0x23: {  	s31 =	sadd.s32 $0x20, s29;
	v3 =	vor.u32 s30, v1;
	[tilespmem:$0x19200] =	vst v2  }
0x24: {  	s28 =	sadd.s32 $0x40, s28;
	s29 =	sadd.s32 $0x10, s29;
	v2 =	vor.u32 s31, v1;
	[tilespmem:$0x19230] =	vst v3  }
0x25: {  	v3 =	vor.u32 s29, v1;
	[tilespmem:$0x19220] =	vst v2  }
0x26: {  	[tilespmem:$0x19210] =	vst v3  }
0x27: {  	[spmem:s2] =	stream.indirect.scatter [tilespmem:s15], [sflag:$0x3], $0x80, s17, s16, $0xb8;
	[tilespmem:$0x1F280] =	vst v63  }
0x28: {  	_ =	swait.ge [sflag:s13], $0x2000  }
0x29: {  	[sflag:s13] =	ssyncset.done $0x0  }
0x2a: {  	[sflag:s13] =	ssyncadd.s32 $0xFFFFE000  }
0x2b: {  	[bflag:$0x0] =	sbarrier.arrive $0xFFFF  }
0x2c: {  	v2 =	vld [tilespmem:$0x14000]  }
0x2d: {  	v4 =	vld [tilespmem:$0x16800]  }
0x2e: {  	v3 =	vld [tilespmem:$0x14010]  }
0x2f: {  	v6 =	vld [tilespmem:$0x16810]  }
0x30: {  	v5 =	vld [tilespmem:$0x14020]  }
0x31: {  	v63 =	vld [tilespmem:$0x16830];
	v2 =	vshll.u32 v2, $0x1  }
0x32: {  	v7 =	vld [tilespmem:$0x14030];
	[tilespmem:$0x19100] =	vst v4;
	v2 =	vor.u32 v0, v2  }
0x33: {  	[tilespmem:$0x19000] =	vst v2;
	v2 =	vshll.u32 v3, $0x1;
	v3 =	vld [tilespmem:$0x16820]  }
0x34: {  	[tilespmem:$0x19110] =	vst v6;
	v2 =	vor.u32 v0, v2  }
0x35: {  	[tilespmem:$0x19010] =	vst v2;
	v2 =	vshll.u32 v5, $0x1  }
0x36: {  	[tilespmem:$0x19130] =	vst v63;
	v2 =	vor.u32 v0, v2  }
0x37: {  	[tilespmem:$0x19020] =	vst v2;
	v2 =	vshll.u32 v7, $0x1  }
0x38: {  	[tilespmem:$0x19120] =	vst v3;
	v2 =	vor.u32 v0, v2  }
0x39: {  	s28 =	simm.s32 $0x0;
	[tilespmem:$0x19030] =	vst v2  }
0x3a: {  	[tilespmem:s19], [sflag:$0x1] =	stream.indirect.gather [hbm4b:s4+s16], $0x80, s18, s16, $0xb8;
	[tilespmem:$0x1F280] =	vst v63  }
0x3b: {  	v2 =	vld [tilespmem:s28+$0x14040];
	_ =	sdelay $0x4  }
0x3c: {  	v2 =	vshll.u32 v2, $0x1  }
0x3d: {  	v2 =	vor.u32 v0, v2  }
0x3e: {  	[tilespmem:$0x19080] =	vst v2  }
0x3f: {  	v2 =	vld [tilespmem:s28+$0x16840];
	_ =	sdelay $0x4  }
0x40: {  	[tilespmem:$0x19180] =	vst v2  }
0x41: {  	v2 =	vld [tilespmem:s28+$0x14050];
	_ =	sdelay $0x4  }
0x42: {  	v2 =	vshll.u32 v2, $0x1  }
0x43: {  	v2 =	vor.u32 v0, v2  }
0x44: {  	[tilespmem:$0x19090] =	vst v2  }
0x45: {  	v2 =	vld [tilespmem:s28+$0x16850];
	_ =	sdelay $0x4  }
0x46: {  	[tilespmem:$0x19190] =	vst v2  }
0x47: {  	v2 =	vld [tilespmem:s28+$0x14060];
	_ =	sdelay $0x4  }
0x48: {  	v2 =	vshll.u32 v2, $0x1  }
0x49: {  	v2 =	vor.u32 v0, v2  }
0x4a: {  	[tilespmem:$0x190A0] =	vst v2  }
0x4b: {  	v2 =	vld [tilespmem:s28+$0x16860];
	_ =	sdelay $0x4  }
0x4c: {  	[tilespmem:$0x191A0] =	vst v2  }
0x4d: {  	v2 =	vld [tilespmem:s28+$0x14070];
	_ =	sdelay $0x4  }
0x4e: {  	v2 =	vshll.u32 v2, $0x1  }
0x4f: {  	v2 =	vor.u32 v0, v2  }
0x50: {  	[tilespmem:$0x190B0] =	vst v2  }
0x51: {  	v2 =	vld [tilespmem:s28+$0x16870];
	_ =	sdelay $0x4  }
0x52: {  	[tilespmem:$0x191B0] =	vst v2  }
0x53: {  	[tilespmem:s21], [sflag:$0x2] =	stream.indirect.gather [hbm4b:s4+s16], $0x80, s20, s16, $0xb8;
	[tilespmem:$0x1F280] =	vst v63  }
0x54: {  	_ =	swait.ge [sflag:s22], $0x2000  }
0x55: {  	[sflag:s22] =	ssyncset.done $0x0  }
0x56: {  	[sflag:s22] =	ssyncadd.s32 $0xFFFFE000  }
0x57: {  	[spmem:s2] =	stream.indirect.scatter.add.f32 [tilespmem:s19], [sflag:$0x3], $0x80, s23, s16, $0xb8;
	[tilespmem:$0x1F280] =	vst v63  }
0x58: {  	_ =	swait.ge [sflag:s13], $0x2000  }
0x59: {  	[sflag:s13] =	ssyncset.done $0x0  }
0x5a: {  	[sflag:s13] =	ssyncadd.s32 $0xFFFFE000  }
0x5b: {  	v2 =	vld [tilespmem:s28+$0x14080];
	_ =	sdelay $0x4  }
0x5c: {  	v2 =	vshll.u32 v2, $0x1  }
0x5d: {  	v2 =	vor.u32 v0, v2  }
0x5e: {  	[tilespmem:$0x19000] =	vst v2  }
0x5f: {  	v2 =	vld [tilespmem:s28+$0x16880];
	_ =	sdelay $0x4  }
0x60: {  	[tilespmem:$0x19100] =	vst v2  }
0x61: {  	v2 =	vld [tilespmem:s28+$0x14090];
	_ =	sdelay $0x4  }
0x62: {  	v2 =	vshll.u32 v2, $0x1  }
0x63: {  	v2 =	vor.u32 v0, v2  }
0x64: {  	[tilespmem:$0x19010] =	vst v2  }
0x65: {  	v2 =	vld [tilespmem:s28+$0x16890];
	_ =	sdelay $0x4  }
0x66: {  	[tilespmem:$0x19110] =	vst v2  }
0x67: {  	v2 =	vld [tilespmem:s28+$0x140A0];
	_ =	sdelay $0x4  }
0x68: {  	v2 =	vshll.u32 v2, $0x1  }
0x69: {  	v2 =	vor.u32 v0, v2  }
0x6a: {  	[tilespmem:$0x19020] =	vst v2  }
0x6b: {  	v2 =	vld [tilespmem:s28+$0x168A0];
	_ =	sdelay $0x4  }
0x6c: {  	[tilespmem:$0x19120] =	vst v2  }
0x6d: {  	v2 =	vld [tilespmem:s28+$0x140B0];
	_ =	sdelay $0x4  }
0x6e: {  	v2 =	vshll.u32 v2, $0x1  }
0x6f: {  	v2 =	vor.u32 v0, v2  }
0x70: {  	[tilespmem:$0x19030] =	vst v2  }
0x71: {  	v2 =	vld [tilespmem:s28+$0x168B0];
	_ =	sdelay $0x4  }
0x72: {  	[tilespmem:$0x19130] =	vst v2  }
0x73: {  	[tilespmem:s19], [sflag:$0x1] =	stream.indirect.gather [hbm4b:s4+s16], $0x80, s18, s16, $0xb8;
	[tilespmem:$0x1F280] =	vst v63  }
0x74: {  	_ =	swait.ge [sflag:s24], $0x2000  }
0x75: {  	[sflag:s24] =	ssyncset.done $0x0  }
0x76: {  	[sflag:s24] =	ssyncadd.s32 $0xFFFFE000  }
0x77: {  	[spmem:s2] =	stream.indirect.scatter.add.f32 [tilespmem:s21], [sflag:$0x3], $0x80, s25, s16, $0xb8;
	[tilespmem:$0x1F280] =	vst v63  }
0x78: {  	_ =	swait.ge [sflag:s13], $0x2000  }
0x79: {  	s31 =	simm.s32 $0x400;
	s28 =	simm.s32 $0x200;
	[sflag:s13] =	ssyncset.done $0x0  }
.LBB2_4:
0x7a: {  	s30 =	sshra.s32 s28, $0x2  }
0x7b: {  	[sflag:s13] =	ssyncadd.s32 $0xFFFFE000;
	s28 =	smov.u32 s31;
	s29 =	sadd.s32 $0x200, s31  }
0x7c: {  	p0 =	sne.s32 s31, $0x9C00;
	v2 =	vld [tilespmem:s30+$0x14040];
	_ =	sdelay $0x4  }
0x7d: {  	v2 =	vshll.u32 v2, $0x1  }
0x7e: {  	v2 =	vor.u32 v0, v2  }
0x7f: {  	[tilespmem:$0x19080] =	vst v2  }
0x80: {  	v2 =	vld [tilespmem:s30+$0x16840];
	_ =	sdelay $0x4  }
0x81: {  	[tilespmem:$0x19180] =	vst v2  }
0x82: {  	v2 =	vld [tilespmem:s30+$0x14050];
	_ =	sdelay $0x4  }
0x83: {  	v2 =	vshll.u32 v2, $0x1  }
0x84: {  	v2 =	vor.u32 v0, v2  }
0x85: {  	[tilespmem:$0x19090] =	vst v2  }
0x86: {  	v2 =	vld [tilespmem:s30+$0x16850];
	_ =	sdelay $0x4  }
0x87: {  	[tilespmem:$0x19190] =	vst v2  }
0x88: {  	v2 =	vld [tilespmem:s30+$0x14060];
	_ =	sdelay $0x4  }
0x89: {  	v2 =	vshll.u32 v2, $0x1  }
0x8a: {  	v2 =	vor.u32 v0, v2  }
0x8b: {  	[tilespmem:$0x190A0] =	vst v2  }
0x8c: {  	v2 =	vld [tilespmem:s30+$0x16860];
	_ =	sdelay $0x4  }
0x8d: {  	[tilespmem:$0x191A0] =	vst v2  }
0x8e: {  	v2 =	vld [tilespmem:s30+$0x14070];
	_ =	sdelay $0x4  }
0x8f: {  	v2 =	vshll.u32 v2, $0x1  }
0x90: {  	v2 =	vor.u32 v0, v2  }
0x91: {  	[tilespmem:$0x190B0] =	vst v2  }
0x92: {  	v2 =	vld [tilespmem:s30+$0x16870];
	_ =	sdelay $0x4  }
0x93: {  	[tilespmem:$0x191B0] =	vst v2  }
0x94: {  	[tilespmem:s21], [sflag:$0x2] =	stream.indirect.gather [hbm4b:s4+s16], $0x80, s20, s16, $0xb8;
	[tilespmem:$0x1F280] =	vst v63  }
0x95: {  	_ =	swait.ge [sflag:s22], $0x2000  }
0x96: {  	[sflag:s22] =	ssyncset.done $0x0  }
0x97: {  	[sflag:s22] =	ssyncadd.s32 $0xFFFFE000  }
0x98: {  	[spmem:s2] =	stream.indirect.scatter.add.f32 [tilespmem:s19], [sflag:$0x3], $0x80, s23, s16, $0xb8;
	[tilespmem:$0x1F280] =	vst v63  }
0x99: {  	_ =	swait.ge [sflag:s13], $0x2000  }
0x9a: {  	[sflag:s13] =	ssyncset.done $0x0  }
0x9b: {  	[sflag:s13] =	ssyncadd.s32 $0xFFFFE000  }
0x9c: {  	v2 =	vld [tilespmem:s30+$0x14080];
	_ =	sdelay $0x4  }
0x9d: {  	v2 =	vshll.u32 v2, $0x1  }
0x9e: {  	v2 =	vor.u32 v0, v2  }
0x9f: {  	[tilespmem:$0x19000] =	vst v2  }
0xa0: {  	v2 =	vld [tilespmem:s30+$0x16880];
	_ =	sdelay $0x4  }
0xa1: {  	[tilespmem:$0x19100] =	vst v2  }
0xa2: {  	v2 =	vld [tilespmem:s30+$0x14090];
	_ =	sdelay $0x4  }
0xa3: {  	v2 =	vshll.u32 v2, $0x1  }
0xa4: {  	v2 =	vor.u32 v0, v2  }
0xa5: {  	[tilespmem:$0x19010] =	vst v2  }
0xa6: {  	v2 =	vld [tilespmem:s30+$0x16890];
	_ =	sdelay $0x4  }
0xa7: {  	[tilespmem:$0x19110] =	vst v2  }
0xa8: {  	v2 =	vld [tilespmem:s30+$0x140A0];
	_ =	sdelay $0x4  }
0xa9: {  	v2 =	vshll.u32 v2, $0x1  }
0xaa: {  	v2 =	vor.u32 v0, v2  }
0xab: {  	[tilespmem:$0x19020] =	vst v2  }
0xac: {  	v2 =	vld [tilespmem:s30+$0x168A0];
	_ =	sdelay $0x4  }
0xad: {  	[tilespmem:$0x19120] =	vst v2  }
0xae: {  	v2 =	vld [tilespmem:s30+$0x140B0];
	_ =	sdelay $0x4  }
0xaf: {  	v2 =	vshll.u32 v2, $0x1  }
0xb0: {  	v2 =	vor.u32 v0, v2  }
0xb1: {  	[tilespmem:$0x19030] =	vst v2  }
0xb2: {  	v2 =	vld [tilespmem:s30+$0x168B0];
	_ =	sdelay $0x4  }
0xb3: {  	[tilespmem:$0x19130] =	vst v2  }
0xb4: {  	[tilespmem:s19], [sflag:$0x1] =	stream.indirect.gather [hbm4b:s4+s16], $0x80, s18, s16, $0xb8;
	[tilespmem:$0x1F280] =	vst v63  }
0xb5: {  	_ =	swait.ge [sflag:s24], $0x2000  }
.Ltmp1:
0xb6: {  	[sflag:s24] =	ssyncset.done $0x0;
	(pc) =	sbr.rel @p0 .LBB2_4-.Ltmp1, $4  }
0xb7: {  	[sflag:s24] =	ssyncadd.s32 $0xFFFFE000  }
0xb8: {  	[spmem:s2] =	stream.indirect.scatter.add.f32 [tilespmem:s21], [sflag:$0x3], $0x80, s25, s16, $0xb8;
	[tilespmem:$0x1F280] =	vst v63  }
0xb9: {  	_ =	swait.ge [sflag:s13], $0x2000  }
0xba: {  	s31 =	smov.u32 s29;
	[sflag:s13] =	ssyncset.done $0x0  }
0xbb: {  	s28 =	sshra.s32 s28, $0x2;
	[sflag:s13] =	ssyncadd.s32 $0xFFFFE000  }
0xbc: {  	v2 =	vld [tilespmem:s28+$0x14040];
	_ =	sdelay $0x4  }
0xbd: {  	v2 =	vshll.u32 v2, $0x1  }
0xbe: {  	v2 =	vor.u32 v0, v2  }
0xbf: {  	[tilespmem:$0x19080] =	vst v2  }
0xc0: {  	v2 =	vld [tilespmem:s28+$0x16840];
	_ =	sdelay $0x4  }
0xc1: {  	[tilespmem:$0x19180] =	vst v2  }
0xc2: {  	v2 =	vld [tilespmem:s28+$0x14050];
	_ =	sdelay $0x4  }
0xc3: {  	v2 =	vshll.u32 v2, $0x1  }
0xc4: {  	v2 =	vor.u32 v0, v2  }
0xc5: {  	[tilespmem:$0x19090] =	vst v2  }
0xc6: {  	v2 =	vld [tilespmem:s28+$0x16850];
	_ =	sdelay $0x4  }
0xc7: {  	[tilespmem:$0x19190] =	vst v2  }
0xc8: {  	v2 =	vld [tilespmem:s28+$0x14060];
	_ =	sdelay $0x4  }
0xc9: {  	v2 =	vshll.u32 v2, $0x1  }
0xca: {  	v2 =	vor.u32 v0, v2  }
0xcb: {  	[tilespmem:$0x190A0] =	vst v2  }
0xcc: {  	v2 =	vld [tilespmem:s28+$0x16860];
	_ =	sdelay $0x4  }
0xcd: {  	[tilespmem:$0x191A0] =	vst v2  }
0xce: {  	v2 =	vld [tilespmem:s28+$0x14070];
	_ =	sdelay $0x4  }
0xcf: {  	v2 =	vshll.u32 v2, $0x1  }
0xd0: {  	v2 =	vor.u32 v0, v2  }
0xd1: {  	[tilespmem:$0x190B0] =	vst v2  }
0xd2: {  	v2 =	vld [tilespmem:s28+$0x16870];
	_ =	sdelay $0x4  }
0xd3: {  	[tilespmem:$0x191B0] =	vst v2  }
0xd4: {  	[tilespmem:s21], [sflag:$0x2] =	stream.indirect.gather [hbm4b:s4+s16], $0x80, s20, s16, $0xb8;
	[tilespmem:$0x1F280] =	vst v63  }
0xd5: {  	_ =	swait.ge [sflag:s22], $0x2000  }
0xd6: {  	[sflag:s22] =	ssyncset.done $0x0  }
0xd7: {  	[sflag:s22] =	ssyncadd.s32 $0xFFFFE000  }
0xd8: {  	[spmem:s2] =	stream.indirect.scatter.add.f32 [tilespmem:s19], [sflag:$0x3], $0x80, s23, s16, $0xb8;
	[tilespmem:$0x1F280] =	vst v63  }
0xd9: {  	_ =	swait.ge [sflag:s13], $0x2000  }
0xda: {  	[sflag:s13] =	ssyncset.done $0x0  }
0xdb: {  	[sflag:s13] =	ssyncadd.s32 $0xFFFFE000  }
0xdc: {  	v2 =	vld [tilespmem:s28+$0x14080];
	_ =	sdelay $0x4  }
0xdd: {  	v2 =	vshll.u32 v2, $0x1  }
0xde: {  	v2 =	vor.u32 v0, v2  }
0xdf: {  	[tilespmem:$0x19000] =	vst v2  }
0xe0: {  	v2 =	vld [tilespmem:s28+$0x16880];
	_ =	sdelay $0x4  }
0xe1: {  	[tilespmem:$0x19100] =	vst v2  }
0xe2: {  	v2 =	vld [tilespmem:s28+$0x14090];
	_ =	sdelay $0x4  }
0xe3: {  	v2 =	vshll.u32 v2, $0x1  }
0xe4: {  	v2 =	vor.u32 v0, v2  }
0xe5: {  	[tilespmem:$0x19010] =	vst v2  }
0xe6: {  	v2 =	vld [tilespmem:s28+$0x16890];
	_ =	sdelay $0x4  }
0xe7: {  	[tilespmem:$0x19110] =	vst v2  }
0xe8: {  	v2 =	vld [tilespmem:s28+$0x140A0];
	_ =	sdelay $0x4  }
0xe9: {  	v2 =	vshll.u32 v2, $0x1  }
0xea: {  	v2 =	vor.u32 v0, v2  }
0xeb: {  	[tilespmem:$0x19020] =	vst v2  }
0xec: {  	v2 =	vld [tilespmem:s28+$0x168A0];
	_ =	sdelay $0x4  }
0xed: {  	[tilespmem:$0x19120] =	vst v2  }
0xee: {  	v2 =	vld [tilespmem:s28+$0x140B0];
	_ =	sdelay $0x4  }
0xef: {  	v2 =	vshll.u32 v2, $0x1  }
0xf0: {  	v2 =	vor.u32 v0, v2  }
0xf1: {  	[tilespmem:$0x19030] =	vst v2  }
0xf2: {  	v2 =	vld [tilespmem:s28+$0x168B0];
	_ =	sdelay $0x4  }
0xf3: {  	[tilespmem:$0x19130] =	vst v2  }
0xf4: {  	[tilespmem:s19], [sflag:$0x1] =	stream.indirect.gather [hbm4b:s4+s16], $0x80, s18, s16, $0xb8;
	[tilespmem:$0x1F280] =	vst v63  }
0xf5: {  	_ =	swait.ge [sflag:s24], $0x2000  }
0xf6: {  	[sflag:s24] =	ssyncset.done $0x0  }
0xf7: {  	[sflag:s24] =	ssyncadd.s32 $0xFFFFE000  }
0xf8: {  	[spmem:s2] =	stream.indirect.scatter.add.f32 [tilespmem:s21], [sflag:$0x3], $0x80, s25, s16, $0xb8;
	[tilespmem:$0x1F280] =	vst v63  }
0xf9: {  	_ =	swait.ge [sflag:s13], $0x2000  }
0xfa: {  	[sflag:s13] =	ssyncset.done $0x0  }
0xfb: {  	[sflag:s13] =	ssyncadd.s32 $0xFFFFE000  }
0xfc: {  	v2 =	vld [tilespmem:$0x167C0]  }
0xfd: {  	v4 =	vld [tilespmem:$0x18FC0]  }
0xfe: {  	v3 =	vld [tilespmem:$0x167D0]  }
0xff: {  	v6 =	vld [tilespmem:$0x18FD0]  }
0x100: {  	v5 =	vld [tilespmem:$0x167E0]  }
0x101: {  	v63 =	vld [tilespmem:$0x18FF0];
	v2 =	vshll.u32 v2, $0x1  }
0x102: {  	v7 =	vld [tilespmem:$0x167F0];
	[tilespmem:$0x19180] =	vst v4;
	v2 =	vor.u32 v0, v2  }
0x103: {  	[tilespmem:$0x19080] =	vst v2;
	v2 =	vshll.u32 v3, $0x1;
	v3 =	vld [tilespmem:$0x18FE0]  }
0x104: {  	[tilespmem:$0x19190] =	vst v6;
	v2 =	vor.u32 v0, v2  }
0x105: {  	[tilespmem:$0x19090] =	vst v2;
	v2 =	vshll.u32 v5, $0x1  }
0x106: {  	[tilespmem:$0x191B0] =	vst v63;
	v2 =	vor.u32 v0, v2  }
0x107: {  	[tilespmem:$0x190A0] =	vst v2;
	v2 =	vshll.u32 v7, $0x1  }
0x108: {  	[tilespmem:$0x191A0] =	vst v3;
	v2 =	vor.u32 v0, v2  }
0x109: {  	[tilespmem:$0x190B0] =	vst v2  }
0x10a: {  	[tilespmem:s21], [sflag:$0x2] =	stream.indirect.gather [hbm4b:s4+s16], $0x80, s20, s16, $0xb8;
	[tilespmem:$0x1F280] =	vst v63  }
0x10b: {  	_ =	swait.ge [sflag:s22], $0x2000  }
0x10c: {  	[sflag:s22] =	ssyncset.done $0x0  }
0x10d: {  	[sflag:s22] =	ssyncadd.s32 $0xFFFFE000  }
0x10e: {  	[spmem:s2] =	stream.indirect.scatter.add.f32 [tilespmem:s19], [sflag:$0x3], $0x80, s23, s16, $0xb8;
	[tilespmem:$0x1F280] =	vst v63  }
0x10f: {  	_ =	swait.ge [sflag:s13], $0x2000  }
0x110: {  	[sflag:s13] =	ssyncset.done $0x0  }
0x111: {  	[sflag:s13] =	ssyncadd.s32 $0xFFFFE000  }
0x112: {  	_ =	swait.ge [sflag:s24], $0x2000  }
0x113: {  	[sflag:s24] =	ssyncset.done $0x0  }
0x114: {  	[sflag:s24] =	ssyncadd.s32 $0xFFFFE000  }
0x115: {  	[spmem:s2] =	stream.indirect.scatter.add.f32 [tilespmem:s21], [sflag:$0x3], $0x80, s25, s16, $0xb8;
	[tilespmem:$0x1F280] =	vst v63  }
0x116: {  	_ =	swait.ge [sflag:s13], $0x2000  }
0x117: {  	[sflag:s13] =	ssyncset.done $0x0  }
0x118: {  	[sflag:s13] =	ssyncadd.s32 $0xFFFFE000  }
0x119: {  	s28 =	sadd.s32 $0xFFFFFFF0, s11;
	v2 =	vor.u32 s11, v1;
	[bflag:$0x0] =	sbarrier.arrive $0xFFFF  }
0x11a: {  	s29 =	sadd.s32 $0xFFFFFFE0, s11;
	v3 =	vor.u32 s28, v1;
	[tilespmem:$0x19230] =	vst v2  }
0x11b: {  	s28 =	sadd.s32 $0xFFFFFFD0, s11;
	v2 =	vor.u32 s29, v1;
	[tilespmem:$0x19220] =	vst v3  }
0x11c: {  	v3 =	vor.u32 s28, v1;
	[tilespmem:$0x19210] =	vst v2  }
0x11d: {  	[tilespmem:$0x19200] =	vst v3  }
0x11e: {  	[tilespmem:s15], [sflag:$0x1] =	stream.indirect.gather [spmem:s2], $0x80, s17, s16, $0xb8;
	[tilespmem:$0x1F280] =	vst v63  }
0x11f: {  	_ =	swait.ge [sflag:s22], $0x2000  }
0x120: {  	[sflag:s22] =	ssyncset.done $0x0  }
0x121: {  	s28 =	sadd.s32 $0x0, s10;
	[sflag:s22] =	ssyncadd.s32 $0xFFFFE000  }
0x122: {  	[hbm4b:s28+s3] =	stream.linear.scatter [tilespmem:s15], [sflag:$0x3], $0x2000, $0x38;
	[tilespmem:$0x1F280] =	vst v63  }
0x123: {  	s29 =	smov.u32 s11;
	s28 =	simm.s32 $0x400  }
.LBB2_6:
0x124: {  	p0 =	sne.s32 s28, $0x2400  }
0x125: {  	_ =	swait.ge [sflag:s13], $0x2000;
	s29 =	sadd.s32 $0x40, s29;
	s30 =	smov.u32 s28  }
0x126: {  	s28 =	sadd.s32 $0x400, s28;
	s31 =	sadd.s32 $0xFFFFFFD0, s29;
	[sflag:s13] =	ssyncset.done $0x0  }
0x127: {  	s0 =	sadd.s32 $0xFFFFFFE0, s29;
	s1 =	sadd.s32 $0xFFFFFFF0, s29;
	v2 =	vor.u32 s29, v1;
	[sflag:s13] =	ssyncadd.s32 $0xFFFFE000  }
0x128: {  	v3 =	vor.u32 s31, v1;
	v4 =	vor.u32 s0, v1;
	v5 =	vor.u32 s1, v1;
	[tilespmem:$0x19230] =	vst v2  }
0x129: {  	[tilespmem:$0x19220] =	vst v5  }
0x12a: {  	[tilespmem:$0x19210] =	vst v4  }
0x12b: {  	[tilespmem:$0x19200] =	vst v3  }
0x12c: {  	[tilespmem:s15], [sflag:$0x1] =	stream.indirect.gather [spmem:s2], $0x80, s17, s16, $0xb8;
	[tilespmem:$0x1F280] =	vst v63  }
.Ltmp2:
0x12d: {  	_ = 	snop;
	(pc) =	sbr.rel @p0 .LBB2_6-.Ltmp2, $4  }
0x12e: {  	_ =	swait.ge [sflag:s22], $0x2000  }
0x12f: {  	s0 =	sadd.s32 s30, s10;
	[sflag:s22] =	ssyncset.done $0x0  }
0x130: {  	[sflag:s22] =	ssyncadd.s32 $0xFFFFE000  }
0x131: {  	[hbm4b:s0+s3] =	stream.linear.scatter [tilespmem:s15], [sflag:$0x3], $0x2000, $0x38;
	[tilespmem:$0x1F280] =	vst v63  }
0x132: {  	s26 =	sadd.s32 $0x1, s26  }
0x133: {  	p0 =	sne.s32 s26, s9  }
.Ltmp3:
0x134: {  	_ = 	snop;
	(pc) =	sbr.rel @p0 .LBB2_1-.Ltmp3, $4  }
0x135: {  	_ = 	snop  }
0x136: {  	_ =	swait.ge [sflag:s13], $0x2000  }
0x137: {  	[sflag:s13] =	ssyncset.done $0x0  }
0x138: {  	[sflag:s13] =	ssyncadd.s32 $0xFFFFE000  }
0x139: {  	_ =	sfence.sel $0x180000  }
0x13a: {  	[bflag:$0x0] =	sbarrier.arrive $0xFFFF  }
0x13b: {  	_ =	strace $0x90000047  }
0x13c: {  	s0 =	stileid.u32;
	[bflag:$0x2] =	sbarrier.arrive $0xFFFF  }
0x13d: {  	p0 =	sne.s32 s0, $0x0;
	s0 =	rddreg [dreg:$0x3]  }
0x13e: {  	s0 =	sadd.s32 @!p0 $0x100000, s0  }
0x13f: {  	[sflag:s0] =	ssyncadd.tile.s32 @!p0 $0x1;
	_ =	shalt  }
.Lfunc_end2:
_tile_overlayer_lowered:
.L_overlay_start_2:
0x140: {  	(tag) =	ssettag $0x2  }
0x141: {  	s0 =	rddreg [dreg:$0x0];
	s2 =	stileid.u32  }
0x142: {  	s1 =	rddreg [dreg:$0x1];
	p0 =	sne.s32 s2, $0x0  }
0x143: {  	s3 =	rddreg [dreg:$0x2];
	[bflag:$0x3] =	sbarrier.arrive $0xFFFF;
	s2 =	simm.s32 @!p0 $0x1C03  }
0x144: {  	[timem:s3], [sflag:s2] =	dma.local @!p0 [hbm:s0], s1  }
0x145: {  	s0 =	simm.s32 @!p0 $0x3  }
0x146: {  	_ =	swait.ge @!p0 [sflag:s0], s1  }
0x147: {  	s1 =	ssub.s32 @!p0 $0x0, s1;
	[sflag:s0] =	ssyncset.done @!p0 $0x0  }
0x148: {  	[sflag:s0] =	ssyncadd.s32 @!p0 s1  }
0x149: {  	[bflag:$0x3] =	sbarrier.arrive $0xFFFF  }
0x14a: {  	_ =	shalt  }

// kernel: sc_seg_sum_16384_1024.3.cloned.1.call-start
scs
__scs_entry_jumppad:
0x0: {  	(pc) =	sbr.rel $0x88, $3  }
0x1: {  	(tag) =	ssettag $0x0;
	lr =	simm.s32 $0x1  }
0x2: {  	[smem:$0x3F98] =	sst lr;
	_ =	strace $0xD0000000  }
0x3: {  	_ = 	snop  }
0x4: {  	_ = 	snop  }
0x5: {  	_ = 	snop  }
0x6: {  	_ = 	snop  }
0x7: {  	_ = 	snop  }
__scs_overlays_trampoline_lowered:
0x8: {  	[smem:$0x3FA7] =	sst s0  }
0x9: {  	[smem:$0x3FA8] =	sst s1  }
0xa: {  	[smem:$0x3FA9] =	sst s2  }
0xb: {  	[smem:$0x3FAA] =	sst s3  }
0xc: {  	[smem:$0x3FAB] =	sst s4  }
0xd: {  	[smem:$0x3FAC] =	sst s5  }
0xe: {  	[smem:$0x3FAD] =	sst s6  }
0xf: {  	[smem:$0x3FAE] =	sst s7  }
0x10: {  	[smem:$0x3FAF] =	sst s8  }
0x11: {  	[smem:$0x3FB0] =	sst s9;
	s0 =	simm.s32 @!p0 $0x0  }
0x12: {  	s1 =	sld [smem:$0x3F96];
	s0 =	simm.s32 @p0 $0x1  }
0x13: {  	[smem:$0x3FB1] =	sst s0;
	s0 =	simm.s32 @!p1 $0x0  }
0x14: {  	s2 =	sld [smem:$0x3F95];
	s0 =	simm.s32 @p1 $0x1  }
0x15: {  	[smem:$0x3FB2] =	sst s0;
	s0 =	simm.s32 @!p2 $0x0  }
0x16: {  	s3 =	sld [smem:$0x3FDB];
	s0 =	simm.s32 @p2 $0x1  }
0x17: {  	s4 =	simm.s32 $0x1BF5;
	[smem:$0x3FB4] =	sst s0  }
0x18: {  	s0 =	sld [smem:$0x3F97];
	_ =	swait.ge [sflag:s4], $0x0  }
0x19: {  	s7 =	sld [smem:$0x3F98]  }
0x1a: {  	s8 =	sadd.s32 $0xFFFFE003, lr  }
0x1b: {  	s9 =	sadd.s32 $0xFFFFFEF7, lr;
	s5 =	simm.s32 $0xFFFFFFFF;
	p2 =	slt.u32 s8, $0xFFFFF086  }
0x1c: {  	p1 =	slt.u32 s9, $0xF7A;
	s5 =	simm.s32 @!p2 $0x0  }
0x1d: {  	s5 =	simm.s32 @p1 $0x1;
	p0 =	seq.s32 s7, s2  }
0x1e: {  	s7 =	smul.u32 @!p0 $0xF7A, s2;
	p2 =	seq.s32 @!p0 s5, $0x0  }
0x1f: {  	s9 =	smul.u32 $0xF7A, s1;
	s8 =	simm.s32 @!p0 $0x1BF5;
	p2 =	por !p2, p0  }
0x20: {  	[sflag:s8] =	ssyncset.s32 @!p0 $0xFFFFF086;
	s6 =	sadd.s32 @!p0 s3, s7;
	s7 =	simm.s32 @!p0 $0x108  }
0x21: {  	s3 =	sadd.s32 s3, s9;
	s6 =	sadd.s32 @!p0 $0x88, s6;
	s7 =	simm.s32 @p2 $0x1082  }
0x22: {  	[simem:s7], [sflag:s8] =	dma.local @!p0 [hbm:s6], $0xF7A  }
0x23: {  	s9 =	sor.u32 $0xD0000000, s2;
	s6 =	simm.s32 $0x108;
	_ =	swait.ge @!p0 [sflag:s8], $0x0  }
0x24: {  	s3 =	sadd.s32 $0x88, s3;
	s6 =	simm.s32 @!p1 $0x1082;
	[sflag:s4] =	ssyncset.s32 $0xFFFFF086  }
0x25: {  	[simem:s6], [sflag:s4] =	dma.local [hbm:s3], $0xF7A  }
0x26: {  	[smem:$0x3F98] =	sst s1;
	(tag) =	ssettag s2;
	_ =	strace s9  }
0x27: {  	s1 =	sld [smem:$0x3FA8]  }
0x28: {  	s2 =	sld [smem:$0x3FA9]  }
0x29: {  	s4 =	sld [smem:$0x3FAB]  }
0x2a: {  	p0 =	seq.s32 s5, $0x0;
	s5 =	sld [smem:$0x3FAC]  }
0x2b: {  	s6 =	sld [smem:$0x3FAD]  }
0x2c: {  	s7 =	sld [smem:$0x3FAE]  }
0x2d: {  	s3 =	simm.s32 $0x108;
	s8 =	sld [smem:$0x3FAF]  }
0x2e: {  	s3 =	simm.s32 @!p0 $0x1082;
	s9 =	sld [smem:$0x3FB0]  }
0x2f: {  	lr =	sadd.s32 s0, s3;
	s0 =	sld [smem:$0x3FA7]  }
0x30: {  	s3 =	sld [smem:$0x3FAA]  }
0x31: {  	[smem:$0x3FB3] =	sst s10  }
0x32: {  	s10 =	sld [smem:$0x3FB1];
	_ =	sdelay $0x3  }
0x33: {  	p0 =	seq.s32 s10, $0x1;
	s10 =	sld [smem:$0x3FB3];
	_ =	sdelay $0x3  }
0x34: {  	[smem:$0x3FB3] =	sst s10  }
0x35: {  	s10 =	sld [smem:$0x3FB2];
	_ =	sdelay $0x3  }
0x36: {  	p1 =	seq.s32 s10, $0x1;
	s10 =	sld [smem:$0x3FB3];
	_ =	sdelay $0x3  }
0x37: {  	[smem:$0x3FB3] =	sst s10  }
0x38: {  	s10 =	sld [smem:$0x3FB4]  }
0x39: {  	_ = 	snop;
	(pc) =	sbr.ind lr, $3  }
0x3a: {  	_ = 	snop  }
0x3b: {  	_ = 	snop  }
0x3c: {  	p2 =	seq.s32 s10, $0x1;
	s10 =	sld [smem:$0x3FB3]  }
0x3d: {  	_ =	shalt  }
0x3e: {  	_ =	shalt  }
0x3f: {  	_ =	shalt  }
0x40: {  	_ =	shalt  }
0x41: {  	_ =	shalt  }
0x42: {  	_ =	shalt  }
0x43: {  	_ =	shalt  }
0x44: {  	_ =	shalt  }
0x45: {  	_ =	shalt  }
0x46: {  	_ =	shalt  }
0x47: {  	_ =	shalt  }
0x48: {  	_ =	shalt  }
0x49: {  	_ =	shalt  }
0x4a: {  	_ =	shalt  }
0x4b: {  	_ =	shalt  }
0x4c: {  	_ =	shalt  }
0x4d: {  	_ =	shalt  }
0x4e: {  	_ =	shalt  }
0x4f: {  	_ =	shalt  }
0x50: {  	_ =	shalt  }
0x51: {  	_ =	shalt  }
0x52: {  	_ =	shalt  }
0x53: {  	_ =	shalt  }
0x54: {  	_ =	shalt  }
0x55: {  	_ =	shalt  }
0x56: {  	_ =	shalt  }
0x57: {  	_ =	shalt  }
0x58: {  	_ =	shalt  }
0x59: {  	_ =	shalt  }
0x5a: {  	_ =	shalt  }
0x5b: {  	_ =	shalt  }
0x5c: {  	_ =	shalt  }
0x5d: {  	_ =	shalt  }
0x5e: {  	_ =	shalt  }
0x5f: {  	_ =	shalt  }
0x60: {  	_ =	shalt  }
0x61: {  	_ =	shalt  }
0x62: {  	_ =	shalt  }
0x63: {  	_ =	shalt  }
0x64: {  	_ =	shalt  }
0x65: {  	_ =	shalt  }
0x66: {  	_ =	shalt  }
0x67: {  	_ =	shalt  }
0x68: {  	_ =	shalt  }
0x69: {  	_ =	shalt  }
0x6a: {  	_ =	shalt  }
0x6b: {  	_ =	shalt  }
0x6c: {  	_ =	shalt  }
0x6d: {  	_ =	shalt  }
0x6e: {  	_ =	shalt  }
0x6f: {  	_ =	shalt  }
0x70: {  	_ =	shalt  }
0x71: {  	_ =	shalt  }
0x72: {  	_ =	shalt  }
0x73: {  	_ =	shalt  }
0x74: {  	_ =	shalt  }
0x75: {  	_ =	shalt  }
0x76: {  	_ =	shalt  }
0x77: {  	_ =	shalt  }
0x78: {  	_ =	shalt  }
0x79: {  	_ =	shalt  }
0x7a: {  	_ =	shalt  }
0x7b: {  	_ =	shalt  }
0x7c: {  	_ =	shalt  }
0x7d: {  	_ =	shalt  }
0x7e: {  	_ =	shalt  }
0x7f: {  	_ =	shalt  }
0x80: {  	_ =	shalt  }
0x81: {  	_ =	shalt  }
0x82: {  	_ =	shalt  }
0x83: {  	_ =	shalt  }
0x84: {  	_ =	shalt  }
0x85: {  	_ =	shalt  }
0x86: {  	_ =	shalt  }
0x87: {  	_ =	shalt  }
.Lfunc_end0:
.L_simem_size_0:
called_computation.2_lowered:
.L_overlay_start_0:
0x88: {  	s2 =	sld [smem:$0x3FD9]  }
0x89: {  	s3 =	sld [smem:$0x3FFE];
	_ =	sdelay $0x1  }
0x8a: {  	s1 =	srdreg.scid  }
0x8b: {  	s0 =	sand.u32 $0x1, s1  }
0x8c: {  	s17 =	sshll.u32 s0, $0xA;
	s2 =	sadd.s32 s3, s2  }
0x8d: {  	s2 =	sadd.s32 s2, s17  }
0x8e: {  	[smem:$0x3FBF] =	sst s2  }
0x8f: {  	_ = 	snop  }
0x90: {  	s18 =	sld [smem:$0x3FD0];
	(tm) =	ssettm $0x1  }
0x91: {  	s19 =	sld [smem:$0x3FFB];
	_ =	sdelay $0x3  }
0x92: {  	_ =	strace s19  }
0x93: {  	s2 =	sld [smem:$0x3FFC];
	_ =	sdelay $0x3  }
0x94: {  	_ =	strace s2  }
0x95: {  	s2 =	sld [smem:$0x3FFD];
	_ =	sdelay $0x3  }
0x96: {  	_ =	strace s2  }
0x97: {  	_ =	strace $0x8FFFFFFF  }
0x98: {  	s20 =	sld [smem:$0x3FDB];
	_ =	sdelay $0x1  }
0x99: {  	s4 =	simm.s32 $_scs_section_size  }
0x9a: {  	s5 =	simm.s32 $_size__tile_overlayer_lowered;
	s6 =	simm.s32 $_tile_overlayer_lowered  }
0x9b: {  	s7 =	simm.s32 $0x1BFF;
	s21 =	sshll.u32 s6, $0x1;
	s4 =	sadd.s32 s4, s20  }
0x9c: {  	s22 =	simm.s32 $0x0;
	s5 =	sshll.u32 s5, $0x1;
	s6 =	sadd.s32 s21, s4  }
0x9d: {  	[timem:s22], [sflag:s7] =	dma.local [hbm:s6], s5  }
0x9e: {  	_ =	swait.ge [sflag:s7], s5  }
0x9f: {  	s5 =	ssub.s32 $0x0, s5;
	[sflag:s7] =	ssyncset.done $0x0  }
0xa0: {  	[sflag:s7] =	ssyncadd.s32 s5;
	_ =	sdelay $0x1  }
0xa1: {  	s23 =	simm.s32 $0x1B8B  }
0xa2: {  	_ =	swait.ge [sflag:s23], $0x1  }
0xa3: {  	[sflag:s23] =	ssyncset.done $0x0  }
0xa4: {  	[sflag:s23] =	ssyncadd.s32 $0xFFFFFFFF  }
0xa5: {  	s5 =	sld [smem:$0x0]  }
0xa6: {  	s6 =	sand.u32 $0xFFFFFFFE, s1  }
0xa7: {  	p0 =	sne.s32 s1, s6  }
0xa8: {  	s6 =	sshll.u32 @p0 s6, $0xE  }
0xa9: {  	s6 =	sadd.s32 @p0 $0x11B8D, s6;
	s7 =	sshll.u32 @p0 s5, $0x11  }
0xaa: {  	s6 =	sor.u32 @p0 s7, s6  }
0xab: {  	[sflag:s6] =	ssyncadd.remote.s32 @p0 $0x1;
	_ =	sdelay $0x1  }
0xac: {  	s6 =	simm.s32 @p0 $0x1B8D  }
0xad: {  	_ =	swait.eq @p0 [sflag:s6], $0x1  }
0xae: {  	[sflag:s6] =	ssyncadd.s32 @p0 $0xFFFFFFFF  }
0xaf: {  	s7 =	sshll.u32 @!p0 s1, $0xE  }
0xb0: {  	s7 =	sor.u32 @!p0 $0x4000, s7;
	s6 =	simm.s32 @!p0 $0x1B8D  }
0xb1: {  	s5 =	sshll.u32 @!p0 s5, $0x11;
	s7 =	sadd.s32 @!p0 $0x11B8D, s7;
	_ =	swait.eq @!p0 [sflag:s6], $0x1  }
0xb2: {  	s5 =	sor.u32 @!p0 s5, s7;
	[sflag:s6] =	ssyncadd.s32 @!p0 $0xFFFFFFFF  }
0xb3: {  	s25 =	simm.s32 $0x1B8E;
	s24 =	sld [smem:$0x3FFE];
	[sflag:s5] =	ssyncadd.remote.s32 @!p0 $0x1  }
0xb4: {  	s26 =	simm.s32 $execute0_lowered;
	[smem:$0x3FD2] =	sst s25  }
0xb5: {  	s6 =	sshll.u32 s26, $0x1;
	_ =	strace $0x8000004F;
	[dreg:$0x1] =	wrdreg $0xFFFFFFFF  }
0xb6: {  	s28 =	simm.s32 $_size_execute0_lowered;
	s4 =	sadd.s32 s4, s6;
	[dreg:$0x0] =	wrdreg $0x0  }
0xb7: {  	s6 =	sshll.u32 s28, $0x1;
	[dreg:$0x2] =	wrdreg s4  }
0xb8: {  	[dreg:$0x3] =	wrdreg s6  }
0xb9: {  	[dreg:$0x4] =	wrdreg $0xC0  }
0xba: {  	_ =	task [dreg:s22], $0x5FFFF  }
0xbb: {  	[dreg:$0x1] =	wrdreg $0xFFFFFFFF  }
0xbc: {  	[dreg:$0x0] =	wrdreg $0x60  }
0xbd: {  	[dreg:$0x2] =	wrdreg s24  }
0xbe: {  	[dreg:$0x3] =	wrdreg s18  }
0xbf: {  	[dreg:$0x4] =	wrdreg $0x0  }
0xc0: {  	[dreg:$0x5] =	wrdreg $0xA  }
0xc1: {  	_ =	task.clear_ibuf [dreg:s22], $0x6FFFF;
	_ =	strace $0x9000004F  }
0xc2: {  	s29 =	simm.s32 $0xA;
	_ =	strace $0x80000051  }
0xc3: {  	_ =	swait.ge [sflag:s29], $0x1  }
0xc4: {  	[sflag:s29] =	ssyncadd.s32 $0xFFFFFFFF  }
0xc5: {  	_ =	strace $0x90000051  }
0xc6: {  	_ =	sfence  }
0xc7: {  	s30 =	sld [smem:$0x0];
	_ =	sdelay $0x2  }
0xc8: {  	s31 =	sshll.u32 s1, $0xD;
	s1 =	sshrl.u32 s1, $0x2  }
0xc9: {  	s4 =	sand.u32 $0x4000, s31;
	s1 =	sadd.s32 s1, s30  }
0xca: {  	s0 =	sor.u32 s4, s0;
	s1 =	sshll.u32 s1, $0x11  }
0xcb: {  	s0 =	sor.u32 s1, s0  }
0xcc: {  	s0 =	sadd.s32 $0x8F2B, s0  }
0xcd: {  	[sflag:s0] =	ssyncadd.remote.s32 $0x1  }
0xce: {  	_ =	sfence.sel $0xFFFF  }
0xcf: {  	[dreg:$0x0] =	wrdreg $0xFFFFFFFF;
	(pc) =	sbr.abs _section_cstart, $3  }
0xd0: {  	[dreg:$0x1] =	wrdreg $0xFFFFFFFF  }
0xd1: {  	_ =	task.clear_ibuf [dreg:s22], $0x2FFFF;
	_ =	strace $0x9FFFFFFF  }
0xd2: {  	(tm) =	ssettm $0x7FFFFFFF  }
0xd3: {  	_ =	shalt  }
tec
execute0_lowered:
.L_overlay_start_1:
0x0: {  	(tag) =	ssettag $0x1  }
0x1: {  	s5 =	rddreg [dreg:$0x0]  }
0x2: {  	s8 =	rddreg [dreg:$0x1]  }
0x3: {  	s1 =	rddreg [dreg:$0x2]  }
0x4: {  	s0 =	rddreg [dreg:$0x3]  }
0x5: {  	s3 =	simm.s32 $0x0;
	s4 =	srdreg.scid;
	s2 =	stileid.u32  }
0x6: {  	s12 =	simm.s32 $0x2400;
	s13 =	simm.s32 $0x6A80;
	s14 =	simm.s32 $0x40  }
0x7: {  	s15 =	simm.s32 $0x2A00;
	s16 =	simm.s32 $0x2800;
	s17 =	simm.s32 $0x2A80  }
0x8: {  	s18 =	simm.s32 $0x2880;
	s21 =	simm.s32 $0x2900;
	[smem:$0x7FF] =	sst s3  }
0x9: {  	s22 =	sand.u32 $0x1, s4;
	s4 =	sadd.s32 $0x18E600, s5;
	s6 =	sshll.u32 s2, $0x7  }
0xa: {  	s19 =	sshll.u32 s2, $0x6;
	s31 =	sshll.u32 s2, $0xA;
	_ =	strace $0x80000050  }
0xb: {  	s7 =	ssub.s32 $0x2, s22;
	s9 =	sadd.s32 s6, s5;
	s5 =	sadd.s32 $0x18E200, s5  }
0xc: {  	v3 =	vlaneseq.u32;
	s20 =	sor.u32 $0x10, s19;
	s23 =	sor.u32 $0x20, s19;
	s11 =	sshll.u32 s22, $0xE  }
0xd: {  	s8 =	sadd.s32 s8, s31;
	s24 =	sor.u32 $0x30, s19;
	v0 =	vor.u32 s19, v3;
	s19 =	simm.s32 $0x4A80  }
0xe: {  	v4 =	vmov s22;
	s22 =	simm.s32 $0x2;
	s30 =	sshrl.u32 s7, $0x1;
	s6 =	sadd.s32 $0x22F200, s9  }
0xf: {  	s8 =	sadd.s32 s11, s8;
	s11 =	simm.s32 $0x3;
	v1 =	vor.u32 s20, v3;
	s20 =	simm.s32 $0x1  }
0x10: {  	v2 =	vor.u32 s23, v3;
	v3 =	vor.u32 s24, v3;
	s23 =	simm.s32 $0x2980;
	s24 =	simm.s32 $0x0;
	s10 =	ssub.s32 s7, s30  }
0x11: {  	s7 =	sadd.s32 $0x22EA00, s9;
	s9 =	smax.u32 s10, $0x1;
	s10 =	simm.s32 $0x2000  }
.LBB2_1:
0x12: {  	[tilespmem:s10], [sflag:$0x3] =	stream.linear.gather [hbm4b:s6+s3], $0x400, $0x38;
	[tilespmem:$0x8A80] =	vst v63  }
0x13: {  	_ =	swait.ge [sflag:s11], $0x400  }
0x14: {  	[sflag:s11] =	ssyncset.done $0x0  }
0x15: {  	[sflag:s11] =	ssyncadd.s32 $0xFFFFFC00  }
0x16: {  	[tilespmem:s12], [sflag:$0x3] =	stream.linear.gather [hbm4b:s7+s3], $0x400, $0x38;
	[tilespmem:$0x8A80] =	vst v63  }
0x17: {  	_ =	swait.ge [sflag:s11], $0x400  }
0x18: {  	[sflag:s11] =	ssyncset.done $0x0  }
0x19: {  	[sflag:s11] =	ssyncadd.s32 $0xFFFFFC00  }
0x1a: {  	[tilespmem:s13], [sflag:$0x3] =	stream.linear.gather [hbm4b:s5+s3], $0x2000, $0x38;
	[tilespmem:$0x8A80] =	vst v63  }
0x1b: {  	_ =	swait.ge [sflag:s11], $0x2000  }
0x1c: {  	[sflag:s11] =	ssyncset.done $0x0  }
0x1d: {  	[sflag:s11] =	ssyncadd.s32 $0xFFFFE000  }
0x1e: {  	[tilespmem:$0x2A00] =	vst v0  }
0x1f: {  	[tilespmem:$0x2A10] =	vst v1  }
0x20: {  	[tilespmem:$0x2A20] =	vst v2  }
0x21: {  	[tilespmem:$0x2A30] =	vst v3  }
0x22: {  	[spmem:s1] =	stream.indirect.scatter [tilespmem:s13], [sflag:$0x3], $0x80, s15, s14, $0xb8;
	[tilespmem:$0x8A80] =	vst v63  }
0x23: {  	_ =	swait.ge [sflag:s11], $0x2000  }
0x24: {  	[sflag:s11] =	ssyncset.done $0x0  }
0x25: {  	[sflag:s11] =	ssyncadd.s32 $0xFFFFE000  }
0x26: {  	[bflag:$0x0] =	sbarrier.arrive $0xFFFF  }
0x27: {  	v5 =	vld [tilespmem:$0x2000]  }
0x28: {  	v7 =	vld [tilespmem:$0x2400];
	_ =	sdelay $0x1  }
0x29: {  	v6 =	vld [tilespmem:$0x2010]  }
0x2a: {  	v9 =	vld [tilespmem:$0x2410]  }
0x2b: {  	v8 =	vld [tilespmem:$0x2020]  }
0x2c: {  	v5 =	vshll.u32 v5, $0x1;
	[tilespmem:$0x2900] =	vst v7;
	v7 =	vld [tilespmem:$0x2430]  }
0x2d: {  	v10 =	vld [tilespmem:$0x2030];
	v5 =	vor.u32 v4, v5  }
0x2e: {  	[tilespmem:$0x2800] =	vst v5;
	v5 =	vshll.u32 v6, $0x1;
	v6 =	vld [tilespmem:$0x2420]  }
0x2f: {  	[tilespmem:$0x2910] =	vst v9;
	v5 =	vor.u32 v4, v5  }
0x30: {  	[tilespmem:$0x2810] =	vst v5;
	v5 =	vshll.u32 v8, $0x1  }
0x31: {  	v5 =	vor.u32 v4, v5;
	[tilespmem:$0x2930] =	vst v7  }
0x32: {  	[tilespmem:$0x2820] =	vst v5;
	v5 =	vshll.u32 v10, $0x1  }
0x33: {  	[tilespmem:$0x2920] =	vst v6;
	v5 =	vor.u32 v4, v5  }
0x34: {  	s25 =	simm.s32 $0x0;
	[tilespmem:$0x2830] =	vst v5  }
0x35: {  	[tilespmem:s17], [sflag:$0x1] =	stream.indirect.gather [hbm4b:s4+s14], $0x80, s16, s14, $0xb8;
	[tilespmem:$0x8A80] =	vst v63  }
0x36: {  	v5 =	vld [tilespmem:s25+$0x2040];
	_ =	sdelay $0x4  }
0x37: {  	v5 =	vshll.u32 v5, $0x1  }
0x38: {  	v5 =	vor.u32 v4, v5  }
0x39: {  	[tilespmem:$0x2880] =	vst v5  }
0x3a: {  	v5 =	vld [tilespmem:s25+$0x2440];
	_ =	sdelay $0x4  }
0x3b: {  	[tilespmem:$0x2980] =	vst v5  }
0x3c: {  	v5 =	vld [tilespmem:s25+$0x2050];
	_ =	sdelay $0x4  }
0x3d: {  	v5 =	vshll.u32 v5, $0x1  }
0x3e: {  	v5 =	vor.u32 v4, v5  }
0x3f: {  	[tilespmem:$0x2890] =	vst v5  }
0x40: {  	v5 =	vld [tilespmem:s25+$0x2450];
	_ =	sdelay $0x4  }
0x41: {  	[tilespmem:$0x2990] =	vst v5  }
0x42: {  	v5 =	vld [tilespmem:s25+$0x2060];
	_ =	sdelay $0x4  }
0x43: {  	v5 =	vshll.u32 v5, $0x1  }
0x44: {  	v5 =	vor.u32 v4, v5  }
0x45: {  	[tilespmem:$0x28A0] =	vst v5  }
0x46: {  	v5 =	vld [tilespmem:s25+$0x2460];
	_ =	sdelay $0x4  }
0x47: {  	[tilespmem:$0x29A0] =	vst v5  }
0x48: {  	v5 =	vld [tilespmem:s25+$0x2070];
	_ =	sdelay $0x4  }
0x49: {  	v5 =	vshll.u32 v5, $0x1  }
0x4a: {  	v5 =	vor.u32 v4, v5  }
0x4b: {  	[tilespmem:$0x28B0] =	vst v5  }
0x4c: {  	v5 =	vld [tilespmem:s25+$0x2470];
	_ =	sdelay $0x4  }
0x4d: {  	[tilespmem:$0x29B0] =	vst v5  }
0x4e: {  	[tilespmem:s19], [sflag:$0x2] =	stream.indirect.gather [hbm4b:s4+s14], $0x80, s18, s14, $0xb8;
	[tilespmem:$0x8A80] =	vst v63  }
0x4f: {  	_ =	swait.ge [sflag:s20], $0x2000  }
0x50: {  	[sflag:s20] =	ssyncset.done $0x0  }
0x51: {  	[sflag:s20] =	ssyncadd.s32 $0xFFFFE000  }
0x52: {  	[spmem:s1] =	stream.indirect.scatter.add.f32 [tilespmem:s17], [sflag:$0x3], $0x80, s21, s14, $0xb8;
	[tilespmem:$0x8A80] =	vst v63  }
0x53: {  	_ =	swait.ge [sflag:s11], $0x2000  }
0x54: {  	[sflag:s11] =	ssyncset.done $0x0  }
0x55: {  	[sflag:s11] =	ssyncadd.s32 $0xFFFFE000  }
0x56: {  	v5 =	vld [tilespmem:s25+$0x2080];
	_ =	sdelay $0x4  }
0x57: {  	v5 =	vshll.u32 v5, $0x1  }
0x58: {  	v5 =	vor.u32 v4, v5  }
0x59: {  	[tilespmem:$0x2800] =	vst v5  }
0x5a: {  	v5 =	vld [tilespmem:s25+$0x2480];
	_ =	sdelay $0x4  }
0x5b: {  	[tilespmem:$0x2900] =	vst v5  }
0x5c: {  	v5 =	vld [tilespmem:s25+$0x2090];
	_ =	sdelay $0x4  }
0x5d: {  	v5 =	vshll.u32 v5, $0x1  }
0x5e: {  	v5 =	vor.u32 v4, v5  }
0x5f: {  	[tilespmem:$0x2810] =	vst v5  }
0x60: {  	v5 =	vld [tilespmem:s25+$0x2490];
	_ =	sdelay $0x4  }
0x61: {  	[tilespmem:$0x2910] =	vst v5  }
0x62: {  	v5 =	vld [tilespmem:s25+$0x20A0];
	_ =	sdelay $0x4  }
0x63: {  	v5 =	vshll.u32 v5, $0x1  }
0x64: {  	v5 =	vor.u32 v4, v5  }
0x65: {  	[tilespmem:$0x2820] =	vst v5  }
0x66: {  	v5 =	vld [tilespmem:s25+$0x24A0];
	_ =	sdelay $0x4  }
0x67: {  	[tilespmem:$0x2920] =	vst v5  }
0x68: {  	v5 =	vld [tilespmem:s25+$0x20B0];
	_ =	sdelay $0x4  }
0x69: {  	v5 =	vshll.u32 v5, $0x1  }
0x6a: {  	v5 =	vor.u32 v4, v5  }
0x6b: {  	[tilespmem:$0x2830] =	vst v5  }
0x6c: {  	v5 =	vld [tilespmem:s25+$0x24B0];
	_ =	sdelay $0x4  }
0x6d: {  	[tilespmem:$0x2930] =	vst v5  }
0x6e: {  	[tilespmem:s17], [sflag:$0x1] =	stream.indirect.gather [hbm4b:s4+s14], $0x80, s16, s14, $0xb8;
	[tilespmem:$0x8A80] =	vst v63  }
0x6f: {  	_ =	swait.ge [sflag:s22], $0x2000  }
0x70: {  	[sflag:s22] =	ssyncset.done $0x0  }
0x71: {  	[sflag:s22] =	ssyncadd.s32 $0xFFFFE000  }
0x72: {  	[spmem:s1] =	stream.indirect.scatter.add.f32 [tilespmem:s19], [sflag:$0x3], $0x80, s23, s14, $0xb8;
	[tilespmem:$0x8A80] =	vst v63  }
0x73: {  	_ =	swait.ge [sflag:s11], $0x2000  }
0x74: {  	s29 =	simm.s32 $0x400;
	s25 =	simm.s32 $0x200;
	[sflag:s11] =	ssyncset.done $0x0  }
.LBB2_2:
0x75: {  	s28 =	sshra.s32 s25, $0x2  }
0x76: {  	[sflag:s11] =	ssyncadd.s32 $0xFFFFE000;
	s25 =	smov.u32 s29;
	s26 =	sadd.s32 $0x200, s29  }
0x77: {  	p0 =	sne.s32 s29, $0xC00;
	v5 =	vld [tilespmem:s28+$0x2040];
	_ =	sdelay $0x4  }
0x78: {  	v5 =	vshll.u32 v5, $0x1  }
0x79: {  	v5 =	vor.u32 v4, v5  }
0x7a: {  	[tilespmem:$0x2880] =	vst v5  }
0x7b: {  	v5 =	vld [tilespmem:s28+$0x2440];
	_ =	sdelay $0x4  }
0x7c: {  	[tilespmem:$0x2980] =	vst v5  }
0x7d: {  	v5 =	vld [tilespmem:s28+$0x2050];
	_ =	sdelay $0x4  }
0x7e: {  	v5 =	vshll.u32 v5, $0x1  }
0x7f: {  	v5 =	vor.u32 v4, v5  }
0x80: {  	[tilespmem:$0x2890] =	vst v5  }
0x81: {  	v5 =	vld [tilespmem:s28+$0x2450];
	_ =	sdelay $0x4  }
0x82: {  	[tilespmem:$0x2990] =	vst v5  }
0x83: {  	v5 =	vld [tilespmem:s28+$0x2060];
	_ =	sdelay $0x4  }
0x84: {  	v5 =	vshll.u32 v5, $0x1  }
0x85: {  	v5 =	vor.u32 v4, v5  }
0x86: {  	[tilespmem:$0x28A0] =	vst v5  }
0x87: {  	v5 =	vld [tilespmem:s28+$0x2460];
	_ =	sdelay $0x4  }
0x88: {  	[tilespmem:$0x29A0] =	vst v5  }
0x89: {  	v5 =	vld [tilespmem:s28+$0x2070];
	_ =	sdelay $0x4  }
0x8a: {  	v5 =	vshll.u32 v5, $0x1  }
0x8b: {  	v5 =	vor.u32 v4, v5  }
0x8c: {  	[tilespmem:$0x28B0] =	vst v5  }
0x8d: {  	v5 =	vld [tilespmem:s28+$0x2470];
	_ =	sdelay $0x4  }
0x8e: {  	[tilespmem:$0x29B0] =	vst v5  }
0x8f: {  	[tilespmem:s19], [sflag:$0x2] =	stream.indirect.gather [hbm4b:s4+s14], $0x80, s18, s14, $0xb8;
	[tilespmem:$0x8A80] =	vst v63  }
0x90: {  	_ =	swait.ge [sflag:s20], $0x2000  }
0x91: {  	[sflag:s20] =	ssyncset.done $0x0  }
0x92: {  	[sflag:s20] =	ssyncadd.s32 $0xFFFFE000  }
0x93: {  	[spmem:s1] =	stream.indirect.scatter.add.f32 [tilespmem:s17], [sflag:$0x3], $0x80, s21, s14, $0xb8;
	[tilespmem:$0x8A80] =	vst v63  }
0x94: {  	_ =	swait.ge [sflag:s11], $0x2000  }
0x95: {  	[sflag:s11] =	ssyncset.done $0x0  }
0x96: {  	[sflag:s11] =	ssyncadd.s32 $0xFFFFE000  }
0x97: {  	v5 =	vld [tilespmem:s28+$0x2080];
	_ =	sdelay $0x4  }
0x98: {  	v5 =	vshll.u32 v5, $0x1  }
0x99: {  	v5 =	vor.u32 v4, v5  }
0x9a: {  	[tilespmem:$0x2800] =	vst v5  }
0x9b: {  	v5 =	vld [tilespmem:s28+$0x2480];
	_ =	sdelay $0x4  }
0x9c: {  	[tilespmem:$0x2900] =	vst v5  }
0x9d: {  	v5 =	vld [tilespmem:s28+$0x2090];
	_ =	sdelay $0x4  }
0x9e: {  	v5 =	vshll.u32 v5, $0x1  }
0x9f: {  	v5 =	vor.u32 v4, v5  }
0xa0: {  	[tilespmem:$0x2810] =	vst v5  }
0xa1: {  	v5 =	vld [tilespmem:s28+$0x2490];
	_ =	sdelay $0x4  }
0xa2: {  	[tilespmem:$0x2910] =	vst v5  }
0xa3: {  	v5 =	vld [tilespmem:s28+$0x20A0];
	_ =	sdelay $0x4  }
0xa4: {  	v5 =	vshll.u32 v5, $0x1  }
0xa5: {  	v5 =	vor.u32 v4, v5  }
0xa6: {  	[tilespmem:$0x2820] =	vst v5  }
0xa7: {  	v5 =	vld [tilespmem:s28+$0x24A0];
	_ =	sdelay $0x4  }
0xa8: {  	[tilespmem:$0x2920] =	vst v5  }
0xa9: {  	v5 =	vld [tilespmem:s28+$0x20B0];
	_ =	sdelay $0x4  }
0xaa: {  	v5 =	vshll.u32 v5, $0x1  }
0xab: {  	v5 =	vor.u32 v4, v5  }
0xac: {  	[tilespmem:$0x2830] =	vst v5  }
0xad: {  	v5 =	vld [tilespmem:s28+$0x24B0];
	_ =	sdelay $0x4  }
0xae: {  	[tilespmem:$0x2930] =	vst v5  }
0xaf: {  	[tilespmem:s17], [sflag:$0x1] =	stream.indirect.gather [hbm4b:s4+s14], $0x80, s16, s14, $0xb8;
	[tilespmem:$0x8A80] =	vst v63  }
0xb0: {  	_ =	swait.ge [sflag:s22], $0x2000  }
.Ltmp0:
0xb1: {  	[sflag:s22] =	ssyncset.done $0x0;
	(pc) =	sbr.rel @p0 .LBB2_2-.Ltmp0, $4  }
0xb2: {  	[sflag:s22] =	ssyncadd.s32 $0xFFFFE000  }
0xb3: {  	[spmem:s1] =	stream.indirect.scatter.add.f32 [tilespmem:s19], [sflag:$0x3], $0x80, s23, s14, $0xb8;
	[tilespmem:$0x8A80] =	vst v63  }
0xb4: {  	_ =	swait.ge [sflag:s11], $0x2000  }
0xb5: {  	s29 =	smov.u32 s26;
	[sflag:s11] =	ssyncset.done $0x0  }
0xb6: {  	s25 =	sshra.s32 s25, $0x2;
	[sflag:s11] =	ssyncadd.s32 $0xFFFFE000  }
0xb7: {  	v5 =	vld [tilespmem:s25+$0x2040];
	_ =	sdelay $0x4  }
0xb8: {  	v5 =	vshll.u32 v5, $0x1  }
0xb9: {  	v5 =	vor.u32 v4, v5  }
0xba: {  	[tilespmem:$0x2880] =	vst v5  }
0xbb: {  	v5 =	vld [tilespmem:s25+$0x2440];
	_ =	sdelay $0x4  }
0xbc: {  	[tilespmem:$0x2980] =	vst v5  }
0xbd: {  	v5 =	vld [tilespmem:s25+$0x2050];
	_ =	sdelay $0x4  }
0xbe: {  	v5 =	vshll.u32 v5, $0x1  }
0xbf: {  	v5 =	vor.u32 v4, v5  }
0xc0: {  	[tilespmem:$0x2890] =	vst v5  }
0xc1: {  	v5 =	vld [tilespmem:s25+$0x2450];
	_ =	sdelay $0x4  }
0xc2: {  	[tilespmem:$0x2990] =	vst v5  }
0xc3: {  	v5 =	vld [tilespmem:s25+$0x2060];
	_ =	sdelay $0x4  }
0xc4: {  	v5 =	vshll.u32 v5, $0x1  }
0xc5: {  	v5 =	vor.u32 v4, v5  }
0xc6: {  	[tilespmem:$0x28A0] =	vst v5  }
0xc7: {  	v5 =	vld [tilespmem:s25+$0x2460];
	_ =	sdelay $0x4  }
0xc8: {  	[tilespmem:$0x29A0] =	vst v5  }
0xc9: {  	v5 =	vld [tilespmem:s25+$0x2070];
	_ =	sdelay $0x4  }
0xca: {  	v5 =	vshll.u32 v5, $0x1  }
0xcb: {  	v5 =	vor.u32 v4, v5  }
0xcc: {  	[tilespmem:$0x28B0] =	vst v5  }
0xcd: {  	v5 =	vld [tilespmem:s25+$0x2470];
	_ =	sdelay $0x4  }
0xce: {  	[tilespmem:$0x29B0] =	vst v5  }
0xcf: {  	[tilespmem:s19], [sflag:$0x2] =	stream.indirect.gather [hbm4b:s4+s14], $0x80, s18, s14, $0xb8;
	[tilespmem:$0x8A80] =	vst v63  }
0xd0: {  	_ =	swait.ge [sflag:s20], $0x2000  }
0xd1: {  	[sflag:s20] =	ssyncset.done $0x0  }
0xd2: {  	[sflag:s20] =	ssyncadd.s32 $0xFFFFE000  }
0xd3: {  	[spmem:s1] =	stream.indirect.scatter.add.f32 [tilespmem:s17], [sflag:$0x3], $0x80, s21, s14, $0xb8;
	[tilespmem:$0x8A80] =	vst v63  }
0xd4: {  	_ =	swait.ge [sflag:s11], $0x2000  }
0xd5: {  	[sflag:s11] =	ssyncset.done $0x0  }
0xd6: {  	[sflag:s11] =	ssyncadd.s32 $0xFFFFE000  }
0xd7: {  	v5 =	vld [tilespmem:s25+$0x2080];
	_ =	sdelay $0x4  }
0xd8: {  	v5 =	vshll.u32 v5, $0x1  }
0xd9: {  	v5 =	vor.u32 v4, v5  }
0xda: {  	[tilespmem:$0x2800] =	vst v5  }
0xdb: {  	v5 =	vld [tilespmem:s25+$0x2480];
	_ =	sdelay $0x4  }
0xdc: {  	[tilespmem:$0x2900] =	vst v5  }
0xdd: {  	v5 =	vld [tilespmem:s25+$0x2090];
	_ =	sdelay $0x4  }
0xde: {  	v5 =	vshll.u32 v5, $0x1  }
0xdf: {  	v5 =	vor.u32 v4, v5  }
0xe0: {  	[tilespmem:$0x2810] =	vst v5  }
0xe1: {  	v5 =	vld [tilespmem:s25+$0x2490];
	_ =	sdelay $0x4  }
0xe2: {  	[tilespmem:$0x2910] =	vst v5  }
0xe3: {  	v5 =	vld [tilespmem:s25+$0x20A0];
	_ =	sdelay $0x4  }
0xe4: {  	v5 =	vshll.u32 v5, $0x1  }
0xe5: {  	v5 =	vor.u32 v4, v5  }
0xe6: {  	[tilespmem:$0x2820] =	vst v5  }
0xe7: {  	v5 =	vld [tilespmem:s25+$0x24A0];
	_ =	sdelay $0x4  }
0xe8: {  	[tilespmem:$0x2920] =	vst v5  }
0xe9: {  	v5 =	vld [tilespmem:s25+$0x20B0];
	_ =	sdelay $0x4  }
0xea: {  	v5 =	vshll.u32 v5, $0x1  }
0xeb: {  	v5 =	vor.u32 v4, v5  }
0xec: {  	[tilespmem:$0x2830] =	vst v5  }
0xed: {  	v5 =	vld [tilespmem:s25+$0x24B0];
	_ =	sdelay $0x4  }
0xee: {  	[tilespmem:$0x2930] =	vst v5  }
0xef: {  	[tilespmem:s17], [sflag:$0x1] =	stream.indirect.gather [hbm4b:s4+s14], $0x80, s16, s14, $0xb8;
	[tilespmem:$0x8A80] =	vst v63  }
0xf0: {  	_ =	swait.ge [sflag:s22], $0x2000  }
0xf1: {  	[sflag:s22] =	ssyncset.done $0x0  }
0xf2: {  	[sflag:s22] =	ssyncadd.s32 $0xFFFFE000  }
0xf3: {  	[spmem:s1] =	stream.indirect.scatter.add.f32 [tilespmem:s19], [sflag:$0x3], $0x80, s23, s14, $0xb8;
	[tilespmem:$0x8A80] =	vst v63  }
0xf4: {  	_ =	swait.ge [sflag:s11], $0x2000  }
0xf5: {  	[sflag:s11] =	ssyncset.done $0x0  }
0xf6: {  	[sflag:s11] =	ssyncadd.s32 $0xFFFFE000  }
0xf7: {  	v5 =	vld [tilespmem:$0x23C0]  }
0xf8: {  	v7 =	vld [tilespmem:$0x27C0];
	_ =	sdelay $0x1  }
0xf9: {  	v6 =	vld [tilespmem:$0x23D0]  }
0xfa: {  	v9 =	vld [tilespmem:$0x27D0]  }
0xfb: {  	v8 =	vld [tilespmem:$0x23E0]  }
0xfc: {  	v5 =	vshll.u32 v5, $0x1;
	[tilespmem:$0x2980] =	vst v7;
	v7 =	vld [tilespmem:$0x27F0]  }
0xfd: {  	v10 =	vld [tilespmem:$0x23F0];
	v5 =	vor.u32 v4, v5  }
0xfe: {  	[tilespmem:$0x2880] =	vst v5;
	v5 =	vshll.u32 v6, $0x1;
	v6 =	vld [tilespmem:$0x27E0]  }
0xff: {  	[tilespmem:$0x2990] =	vst v9;
	v5 =	vor.u32 v4, v5  }
0x100: {  	[tilespmem:$0x2890] =	vst v5;
	v5 =	vshll.u32 v8, $0x1  }
0x101: {  	v5 =	vor.u32 v4, v5;
	[tilespmem:$0x29B0] =	vst v7  }
0x102: {  	[tilespmem:$0x28A0] =	vst v5;
	v5 =	vshll.u32 v10, $0x1  }
0x103: {  	[tilespmem:$0x29A0] =	vst v6;
	v5 =	vor.u32 v4, v5  }
0x104: {  	[tilespmem:$0x28B0] =	vst v5  }
0x105: {  	[tilespmem:s19], [sflag:$0x2] =	stream.indirect.gather [hbm4b:s4+s14], $0x80, s18, s14, $0xb8;
	[tilespmem:$0x8A80] =	vst v63  }
0x106: {  	_ =	swait.ge [sflag:s20], $0x2000  }
0x107: {  	[sflag:s20] =	ssyncset.done $0x0  }
0x108: {  	[sflag:s20] =	ssyncadd.s32 $0xFFFFE000  }
0x109: {  	[spmem:s1] =	stream.indirect.scatter.add.f32 [tilespmem:s17], [sflag:$0x3], $0x80, s21, s14, $0xb8;
	[tilespmem:$0x8A80] =	vst v63  }
0x10a: {  	_ =	swait.ge [sflag:s11], $0x2000  }
0x10b: {  	[sflag:s11] =	ssyncset.done $0x0  }
0x10c: {  	[sflag:s11] =	ssyncadd.s32 $0xFFFFE000  }
0x10d: {  	_ =	swait.ge [sflag:s22], $0x2000  }
0x10e: {  	[sflag:s22] =	ssyncset.done $0x0  }
0x10f: {  	[sflag:s22] =	ssyncadd.s32 $0xFFFFE000  }
0x110: {  	[spmem:s1] =	stream.indirect.scatter.add.f32 [tilespmem:s19], [sflag:$0x3], $0x80, s23, s14, $0xb8;
	[tilespmem:$0x8A80] =	vst v63  }
0x111: {  	_ =	swait.ge [sflag:s11], $0x2000  }
0x112: {  	[sflag:s11] =	ssyncset.done $0x0  }
0x113: {  	[sflag:s11] =	ssyncadd.s32 $0xFFFFE000  }
0x114: {  	[bflag:$0x0] =	sbarrier.arrive $0xFFFF  }
0x115: {  	[tilespmem:$0x2A00] =	vst v0  }
0x116: {  	[tilespmem:$0x2A10] =	vst v1  }
0x117: {  	[tilespmem:$0x2A20] =	vst v2  }
0x118: {  	[tilespmem:$0x2A30] =	vst v3  }
0x119: {  	[tilespmem:s13], [sflag:$0x1] =	stream.indirect.gather [spmem:s1], $0x80, s15, s14, $0xb8;
	[tilespmem:$0x8A80] =	vst v63  }
0x11a: {  	s24 =	sadd.s32 $0x1, s24;
	_ =	swait.ge [sflag:s20], $0x2000  }
0x11b: {  	p0 =	sne.s32 s24, s9;
	[sflag:s20] =	ssyncset.done $0x0  }
.Ltmp1:
0x11c: {  	[sflag:s20] =	ssyncadd.s32 $0xFFFFE000;
	(pc) =	sbr.rel @p0 .LBB2_1-.Ltmp1, $4  }
0x11d: {  	[hbm4b:s8+s3] =	stream.linear.scatter [tilespmem:s13], [sflag:$0x3], $0x2000, $0x38;
	[tilespmem:$0x8A80] =	vst v63  }
0x11e: {  	_ =	swait.ge [sflag:s11], $0x2000  }
0x11f: {  	[sflag:s11] =	ssyncset.done $0x0  }
0x120: {  	[sflag:s11] =	ssyncadd.s32 $0xFFFFE000  }
0x121: {  	_ =	sfence.sel $0x180000  }
0x122: {  	[bflag:$0x0] =	sbarrier.arrive $0xFFFF  }
0x123: {  	p0 =	sne.s32 s2, $0x0;
	_ =	strace $0x90000050  }
0x124: {  	s0 =	sadd.s32 @!p0 $0x100000, s0;
	[bflag:$0x2] =	sbarrier.arrive $0xFFFF  }
0x125: {  	[sflag:s0] =	ssyncadd.tile.s32 @!p0 $0x1;
	_ =	shalt  }
.Lfunc_end2:
_tile_overlayer_lowered:
.L_overlay_start_2:
0x126: {  	(tag) =	ssettag $0x2  }
0x127: {  	s0 =	rddreg [dreg:$0x0];
	s2 =	stileid.u32  }
0x128: {  	s1 =	rddreg [dreg:$0x1];
	p0 =	sne.s32 s2, $0x0  }
0x129: {  	s3 =	rddreg [dreg:$0x2];
	[bflag:$0x3] =	sbarrier.arrive $0xFFFF;
	s2 =	simm.s32 @!p0 $0x1C03  }
0x12a: {  	[timem:s3], [sflag:s2] =	dma.local @!p0 [hbm:s0], s1  }
0x12b: {  	s0 =	simm.s32 @!p0 $0x3  }
0x12c: {  	_ =	swait.ge @!p0 [sflag:s0], s1  }
0x12d: {  	s1 =	ssub.s32 @!p0 $0x0, s1;
	[sflag:s0] =	ssyncset.done @!p0 $0x0  }
0x12e: {  	[sflag:s0] =	ssyncadd.s32 @!p0 s1  }
0x12f: {  	[bflag:$0x3] =	sbarrier.arrive $0xFFFF  }
0x130: {  	_ =	shalt  }

</sc_bundles>
